<compile_context>
chip_gen: v7x
topology: tpu7x:2x2x1
jax: 0.10.2.dev20260603
libtpu: 0.0.44.dev20260713+nightly
codegen_flags: <defaults>
</compile_context>

<pallas_src>
import functools

import jax
import jax.numpy as jnp
from jax import lax
from jax.experimental import pallas as pl
from jax.experimental.pallas import tpu as pltpu
from jax.experimental.pallas import tpu_sc as plsc

B = 16384
NC = 2
NS = 16
NW = NC * NS
BPW = B // NW
CH = 16
NP = BPW // (2 * CH)

D_MLP = 32
D_MF = 16
BLK = 2048


def _sc_gather(user_idx, item_idx, up, ip, uf, itf):
    mesh = plsc.VectorSubcoreMesh(core_axis_name="c", subcore_axis_name="s")

    @functools.partial(
        pl.kernel,
        mesh=mesh,
        compiler_params=pltpu.CompilerParams(use_tc_tiling_on_sc=True),
        out_type=jax.ShapeDtypeStruct((B, 128), jnp.float32),
        scratch_types=[
            pltpu.VMEM((BPW,), jnp.int32),
            pltpu.VMEM((BPW,), jnp.int32),
            pltpu.VMEM((CH, 128), jnp.float32),
            pltpu.VMEM((CH, 128), jnp.float32),
            pltpu.VMEM((CH, 128), jnp.float32),
            pltpu.VMEM((CH, 128), jnp.float32),
            pltpu.VMEM((CH, 128), jnp.float32),
            pltpu.VMEM((CH, 128), jnp.float32),
            pltpu.VMEM((CH, 128), jnp.float32),
            pltpu.VMEM((CH, 128), jnp.float32),
            pltpu.VMEM((CH, 128), jnp.float32),
            pltpu.VMEM((CH, 128), jnp.float32),
            pltpu.SemaphoreType.DMA,
            pltpu.SemaphoreType.DMA,
            pltpu.SemaphoreType.DMA,
            pltpu.SemaphoreType.DMA,
        ],
    )
    def k(u_h, i_h, up_h, ip_h, uf_h, if_h, out_h,
          uv, iv,
          bu0, bi0, bf0, bg0, slab0,
          bu1, bi1, bf1, bg1, slab1,
          sem_g0, sem_g1, sem_s0, sem_s1):
        wid = lax.axis_index("s") * NC + lax.axis_index("c")
        base = wid * BPW
        pltpu.sync_copy(u_h.at[pl.ds(base, BPW)], uv)
        pltpu.sync_copy(i_h.at[pl.ds(base, BPW)], iv)

        sets = ((bu0, bi0, bf0, bg0, slab0, sem_g0, sem_s0),
                (bu1, bi1, bf1, bg1, slab1, sem_g1, sem_s1))

        def fire(p, c):
            bu, bi, bf, bg, _, sem_g, _ = sets[p]
            uvec = uv[pl.ds(c * CH, CH)]
            ivec = iv[pl.ds(c * CH, CH)]

            def prow(v, qw_log):
                hi = lax.shift_left(lax.shift_right_logical(v, 15), qw_log)
                return lax.bitwise_or(hi, lax.bitwise_and(v, (1 << qw_log) - 1))

            pltpu.async_copy(up_h.at[prow(uvec, 13)], bu, sem_g)
            pltpu.async_copy(ip_h.at[prow(ivec, 13)], bi, sem_g)
            pltpu.async_copy(uf_h.at[prow(uvec, 12)], bf, sem_g)
            pltpu.async_copy(if_h.at[prow(ivec, 12)], bg, sem_g)

        def drain_extract(p, c, first):
            bu, bi, bf, bg, slab, sem_g, sem_s = sets[p]
            uvec = uv[pl.ds(c * CH, CH)]
            ivec = iv[pl.ds(c * CH, CH)]
            ou = lax.shift_left(
                lax.bitwise_and(lax.shift_right_logical(uvec, 13), 3), 5)
            oi = lax.shift_left(
                lax.bitwise_and(lax.shift_right_logical(ivec, 13), 3), 5)
            of = lax.shift_left(
                lax.bitwise_and(lax.shift_right_logical(uvec, 12), 7), 4)
            og = lax.shift_left(
                lax.bitwise_and(lax.shift_right_logical(ivec, 12), 7), 4)
            pltpu.make_async_copy(up_h.at[pl.ds(0, CH)], bu, sem_g).wait()
            pltpu.make_async_copy(ip_h.at[pl.ds(0, CH)], bi, sem_g).wait()
            pltpu.make_async_copy(uf_h.at[pl.ds(0, CH)], bf, sem_g).wait()
            pltpu.make_async_copy(if_h.at[pl.ds(0, CH)], bg, sem_g).wait()

            @pl.when(jnp.logical_not(first))
            def _():
                pltpu.make_async_copy(
                    slab, out_h.at[pl.ds(pl.multiple_of(base, 8), CH)], sem_s
                ).wait()

            for l in range(CH):
                a = ou[l]
                bq = oi[l]
                f = of[l]
                g = og[l]
                slab[l, pl.ds(0, 16)] = bu[l, pl.ds(a, 16)]
                slab[l, pl.ds(16, 16)] = bu[l, pl.ds(a + 16, 16)]
                slab[l, pl.ds(32, 16)] = bi[l, pl.ds(bq, 16)]
                slab[l, pl.ds(48, 16)] = bi[l, pl.ds(bq + 16, 16)]
                slab[l, pl.ds(64, 16)] = bf[l, pl.ds(f, 16)]
                slab[l, pl.ds(80, 16)] = bg[l, pl.ds(g, 16)]
            row0 = pl.multiple_of(base + c * CH, 8)
            pltpu.async_copy(slab, out_h.at[pl.ds(row0, CH)], sem_s)

        def body(c2, _):
            first = c2 == 0
            fire(0, c2 * 2)
            fire(1, c2 * 2 + 1)
            drain_extract(0, c2 * 2, first)
            drain_extract(1, c2 * 2 + 1, first)
            return 0

        lax.fori_loop(0, NP, body, 0)
        pltpu.make_async_copy(
            slab0, out_h.at[pl.ds(pl.multiple_of(base, 8), CH)], sem_s0
        ).wait()
        pltpu.make_async_copy(
            slab1, out_h.at[pl.ds(pl.multiple_of(base, 8), CH)], sem_s1
        ).wait()

    return k(user_idx, item_idx, up, ip, uf, itf)


def _mlp_body(x, w1, b1, w2, b2, w3, b3, wo3, womf, bo, out):
    xb = x[...]
    h = jnp.dot(xb[:, 0:64], w1[...], preferred_element_type=jnp.float32)
    h = jnp.maximum(h + b1[...], 0.0)
    h = jnp.maximum(jnp.dot(h, w2[...], preferred_element_type=jnp.float32) + b2[...], 0.0)
    h = jnp.maximum(jnp.dot(h, w3[...], preferred_element_type=jnp.float32) + b3[...], 0.0)
    z = jnp.dot(h, wo3[...], preferred_element_type=jnp.float32)
    mf = xb[:, 64:80] * xb[:, 80:96]
    z = z + jnp.dot(mf, womf[...], preferred_element_type=jnp.float32)
    out[...] = jax.nn.sigmoid(z + bo[...])


def _tc_mlp(x, W1, b1, W2, b2, W3, b3, Wo, bo):
    wo3 = Wo[:8]
    womf = Wo[8:]
    b1r = b1.reshape(1, -1)
    b2r = b2.reshape(1, -1)
    b3r = b3.reshape(1, -1)
    bor = bo.reshape(1, -1)

    def full(a):
        return pl.BlockSpec(a.shape, lambda i: (0, 0))

    return pl.pallas_call(
        _mlp_body,
        grid=(B // BLK,),
        in_specs=[
            pl.BlockSpec((BLK, 128), lambda i: (i, 0)),
            full(W1), full(b1r), full(W2), full(b2r),
            full(W3), full(b3r), full(wo3), full(womf), full(bor),
        ],
        out_specs=pl.BlockSpec((BLK, 1), lambda i: (i, 0)),
        out_shape=jax.ShapeDtypeStruct((B, 1), jnp.float32),
    )(x, W1, b1r, W2, b2r, W3, b3r, wo3, womf, bor)


PW = 32768


def _pack_one(xb, out_ref):
    d = xb.shape[0]
    q = 128 // d
    qw = PW // q
    z = jnp.concatenate(
        [xb[:, i * qw:(i + 1) * qw] for i in range(q)], axis=0)
    out_ref[...] = jnp.swapaxes(z, 0, 1)


def _pack_body(xa, xb, outa, outb):
    _pack_one(xa[...], outa)
    _pack_one(xb[...], outb)


def _pack_pair(ta, tb):
    n = ta.shape[0]
    nw = -(-n // PW)
    return pl.pallas_call(
        _pack_body,
        grid=(nw,),
        in_specs=[
            pl.BlockSpec((32, PW), lambda i: (0, i)),
            pl.BlockSpec((16, PW), lambda i: (0, i)),
        ],
        out_specs=[
            pl.BlockSpec((PW * 32 // 128, 128), lambda i: (i, 0)),
            pl.BlockSpec((PW * 16 // 128, 128), lambda i: (i, 0)),
        ],
        out_shape=[
            jax.ShapeDtypeStruct((nw * PW * 32 // 128, 128), jnp.float32),
            jax.ShapeDtypeStruct((nw * PW * 16 // 128, 128), jnp.float32),
        ],
    )(ta.T, tb.T)


def kernel(user_indices, item_indices, U_mlp, I_mlp, U_mf, I_mf,
           W1, b1, W2, b2, W3, b3, Wo, bo):
    up, uf = _pack_pair(U_mlp, U_mf)
    ip, itf = _pack_pair(I_mlp, I_mf)
    x = _sc_gather(user_indices, item_indices, up, ip, uf, itf)
    return _tc_mlp(x, W1, b1, W2, b2, W3, b3, Wo, bo)

# --- scband reference (transcript-rebuilt; emitter-appended) ---
"""Pipeline reference for scband-neu-mf-66288525247042 (READ-ONLY COPY).

The authoritative reference and input builder live on the scoring server;
editing this copy changes nothing except your own understanding.
"""

import jax, jax.numpy as jnp
import numpy as np

NUM_USERS = 100000
NUM_ITEMS = 1000000
D_MLP = 32
D_MF = 16
B = 16384
STD = 0.01


def setup_inputs(seed: int = 0) -> dict:
    key = jax.random.key(seed)
    ks = jax.random.split(key, 14)
    inp = {}
    inp['user_indices'] = jax.random.randint(ks[0], (B,), 0, NUM_USERS, dtype=jnp.int32)
    inp['item_indices'] = jax.random.randint(ks[1], (B,), 0, NUM_ITEMS, dtype=jnp.int32)
    inp['U_mlp'] = STD * jax.random.normal(ks[2], (NUM_USERS, D_MLP), dtype=jnp.float32)
    inp['I_mlp'] = STD * jax.random.normal(ks[3], (NUM_ITEMS, D_MLP), dtype=jnp.float32)
    inp['U_mf'] = STD * jax.random.normal(ks[4], (NUM_USERS, D_MF), dtype=jnp.float32)
    inp['I_mf'] = STD * jax.random.normal(ks[5], (NUM_ITEMS, D_MF), dtype=jnp.float32)
    # MLP layers: 64 -> 32 -> 16 -> 8 (weights stored as [in, out])
    inp['W1'] = STD * jax.random.normal(ks[6], (64, 32), dtype=jnp.float32)
    inp['b1'] = jnp.zeros((32,), dtype=jnp.float32)
    inp['W2'] = STD * jax.random.normal(ks[7], (32, 16), dtype=jnp.float32)
    inp['b2'] = jnp.zeros((16,), dtype=jnp.float32)
    inp['W3'] = STD * jax.random.normal(ks[8], (16, 8), dtype=jnp.float32)
    inp['b3'] = jnp.zeros((8,), dtype=jnp.float32)
    # affine output: (8 + 16) -> 1
    inp['Wo'] = STD * jax.random.normal(ks[9], (24, 1), dtype=jnp.float32)
    inp['bo'] = jnp.zeros((1,), dtype=jnp.float32)
    return inp


def reference(user_indices, item_indices, U_mlp, I_mlp, U_mf, I_mf, W1, b1, W2, b2, W3, b3, Wo, bo):
    u_mlp = jnp.take(U_mlp, user_indices, axis=0)
    i_mlp = jnp.take(I_mlp, item_indices, axis=0)
    u_mf = jnp.take(U_mf, user_indices, axis=0)
    i_mf = jnp.take(I_mf, item_indices, axis=0)
    x_mlp = jnp.concatenate([u_mlp, i_mlp], axis=-1)
    x_mlp = jax.nn.relu(x_mlp @ W1 + b1)
    x_mlp = jax.nn.relu(x_mlp @ W2 + b2)
    x_mlp = jax.nn.relu(x_mlp @ W3 + b3)
    x_mf = u_mf * i_mf
    x = jnp.concatenate([x_mlp, x_mf], axis=-1)
    x = x @ Wo + bo
    return jax.nn.sigmoid(x)

if __name__ == "__main__":
    import jax
    _d = setup_inputs()
    print(jax.jit(kernel)(*tuple(_d.values())))

</pallas_src>

<mosaic_0001>
#map = affine_map<(d0, d1) -> (0)>
#map1 = affine_map<(d0, d1) -> (0, 0)>
module attributes {stable_mosaic.version = 14 : i64} {
  func.func @k(%arg0: i32, %arg1: i32, %arg2: memref<16384xi32, #tpu.memory_space<hbm>>, %arg3: memref<16384xi32, #tpu.memory_space<hbm>>, %arg4: memref<32768x128xf32, #tpu.memory_space<hbm>>, %arg5: memref<253952x128xf32, #tpu.memory_space<hbm>>, %arg6: memref<16384x128xf32, #tpu.memory_space<hbm>>, %arg7: memref<126976x128xf32, #tpu.memory_space<hbm>>, %arg8: memref<16384x128xf32, #tpu.memory_space<hbm>>, %arg9: memref<512xi32, #tpu.memory_space<vmem>>, %arg10: memref<512xi32, #tpu.memory_space<vmem>>, %arg11: memref<16x128xf32, #tpu.memory_space<vmem>>, %arg12: memref<16x128xf32, #tpu.memory_space<vmem>>, %arg13: memref<16x128xf32, #tpu.memory_space<vmem>>, %arg14: memref<16x128xf32, #tpu.memory_space<vmem>>, %arg15: memref<16x128xf32, #tpu.memory_space<vmem>>, %arg16: memref<16x128xf32, #tpu.memory_space<vmem>>, %arg17: memref<16x128xf32, #tpu.memory_space<vmem>>, %arg18: memref<16x128xf32, #tpu.memory_space<vmem>>, %arg19: memref<16x128xf32, #tpu.memory_space<vmem>>, %arg20: memref<16x128xf32, #tpu.memory_space<vmem>>, %arg21: memref<!tpu.dma_semaphore, #tpu.memory_space<semaphore_mem>>, %arg22: memref<!tpu.dma_semaphore, #tpu.memory_space<semaphore_mem>>, %arg23: memref<!tpu.dma_semaphore, #tpu.memory_space<semaphore_mem>>, %arg24: memref<!tpu.dma_semaphore, #tpu.memory_space<semaphore_mem>>) attributes {dimension_semantics = [#tpu.dimension_semantics<core_parallel>, #tpu.dimension_semantics<subcore_parallel>], iteration_bounds = array<i64: 2, 16>, scalar_prefetch = 0 : i64, scratch_operands = 16 : i64, tpu.core_type = #tpu.core_type<sc_vector_subcore>, window_params = [{transform_indices = #map}, {transform_indices = #map}, {transform_indices = #map1}, {transform_indices = #map1}, {transform_indices = #map1}, {transform_indices = #map1}, {transform_indices = #map1}]} {
    %mul3A = arith.constant 2 : i32
    %mul3A_0 = arith.muli %arg1, %mul3A : i32
    %add3A = arith.addi %mul3A_0, %arg0 : i32
    %mul3A_1 = arith.constant 512 : i32
    %mul3A_2 = arith.muli %add3A, %mul3A_1 : i32
    "tpu.region"() ({
      %run_scoped3A = tpu.sem_alloc : memref<!tpu.dma_semaphore, #tpu.memory_space<semaphore_mem>>
      %dma_start3A = tpu.memref_slice %arg2[%mul3A_2] : memref<16384xi32, #tpu.memory_space<hbm>> -> memref<512xi32, #tpu.memory_space<hbm>>
      %dma_start3A_17 = tpu.memref_slice %arg2[%mul3A_2] : memref<16384xi32, #tpu.memory_space<hbm>> -> memref<512xi32, #tpu.memory_space<hbm>>
      tpu.enqueue_dma source(%dma_start3A_17 : memref<512xi32, #tpu.memory_space<hbm>>) target(%arg9 : memref<512xi32, #tpu.memory_space<vmem>>) target_semaphore(%run_scoped3A : memref<!tpu.dma_semaphore, #tpu.memory_space<semaphore_mem>>)
      %dma_wait3A_18 = tpu.memref_slice %arg2[%mul3A_2] : memref<16384xi32, #tpu.memory_space<hbm>> -> memref<512xi32, #tpu.memory_space<hbm>>
      %dma_wait3A_19 = tpu.memref_slice %arg2[%mul3A_2] : memref<16384xi32, #tpu.memory_space<hbm>> -> memref<512xi32, #tpu.memory_space<hbm>>
      tpu.wait_dma2 semaphore(%run_scoped3A : memref<!tpu.dma_semaphore, #tpu.memory_space<semaphore_mem>>) src(%dma_wait3A_19 : memref<512xi32, #tpu.memory_space<hbm>>) dst(%arg9 : memref<512xi32, #tpu.memory_space<vmem>>)
      tpu.yield
    }) : () -> ()
    "tpu.region"() ({
      %run_scoped3A = tpu.sem_alloc : memref<!tpu.dma_semaphore, #tpu.memory_space<semaphore_mem>>
      %dma_start3A = tpu.memref_slice %arg3[%mul3A_2] : memref<16384xi32, #tpu.memory_space<hbm>> -> memref<512xi32, #tpu.memory_space<hbm>>
      %dma_start3A_17 = tpu.memref_slice %arg3[%mul3A_2] : memref<16384xi32, #tpu.memory_space<hbm>> -> memref<512xi32, #tpu.memory_space<hbm>>
      tpu.enqueue_dma source(%dma_start3A_17 : memref<512xi32, #tpu.memory_space<hbm>>) target(%arg10 : memref<512xi32, #tpu.memory_space<vmem>>) target_semaphore(%run_scoped3A : memref<!tpu.dma_semaphore, #tpu.memory_space<semaphore_mem>>)
      %dma_wait3A_18 = tpu.memref_slice %arg3[%mul3A_2] : memref<16384xi32, #tpu.memory_space<hbm>> -> memref<512xi32, #tpu.memory_space<hbm>>
      %dma_wait3A_19 = tpu.memref_slice %arg3[%mul3A_2] : memref<16384xi32, #tpu.memory_space<hbm>> -> memref<512xi32, #tpu.memory_space<hbm>>
      tpu.wait_dma2 semaphore(%run_scoped3A : memref<!tpu.dma_semaphore, #tpu.memory_space<semaphore_mem>>) src(%dma_wait3A_19 : memref<512xi32, #tpu.memory_space<hbm>>) dst(%arg10 : memref<512xi32, #tpu.memory_space<vmem>>)
      tpu.yield
    }) : () -> ()
    %scan3A = arith.constant 0 : i32
    %scan3A_3 = arith.constant 0 : i32
    %scan3A_4 = arith.constant 16 : i32
    %scan3A_5 = arith.addi %scan3A_3, %scan3A_4 : i32
    %scan3A_6 = arith.constant 1 : i32
    %scan3A_7 = scf.for %scan3A_17 = %scan3A_3 to %scan3A_5 step %scan3A_6 iter_args(%scan3A_18 = %scan3A) -> (i32)  : i32 {
      %eq3A = arith.constant 0 : i32
      %eq3A_19 = arith.cmpi eq, %scan3A_17, %eq3A : i32
      %mul3A_20 = arith.constant 2 : i32
      %mul3A_21 = arith.muli %scan3A_17, %mul3A_20 : i32
      %mul3A_22 = arith.constant 16 : i32
      %mul3A_23 = arith.muli %mul3A_21, %mul3A_22 : i32
      %get3A = arith.index_cast %mul3A_23 : i32 to index
      %get3A_24 = tpu.vector_load %arg9[%get3A] {strides = array<i32>} : memref<512xi32, #tpu.memory_space<vmem>>, vector<16xi32>,
      %get3A_25 = vector.shape_cast %get3A_24 : vector<16xi32> to vector<16xi32>
      %mul3A_26 = arith.constant 16 : i32
      %mul3A_27 = arith.muli %mul3A_21, %mul3A_26 : i32
      %get3A_28 = arith.index_cast %mul3A_27 : i32 to index
      %get3A_29 = tpu.vector_load %arg10[%get3A_28] {strides = array<i32>} : memref<512xi32, #tpu.memory_space<vmem>>, vector<16xi32>,
      %get3A_30 = vector.shape_cast %get3A_29 : vector<16xi32> to vector<16xi32>
      %shift_right_logical3A = arith.constant 15 : i32
      %shift_right_logical3A_31 = vector.broadcast %shift_right_logical3A : i32 to vector<16xi32>
      %shift_right_logical3A_32 = arith.shrui %get3A_25, %shift_right_logical3A_31 : vector<16xi32>
      %shift_left3A = arith.constant 13 : i32
      %shift_left3A_33 = vector.broadcast %shift_left3A : i32 to vector<16xi32>
      %shift_left3A_34 = arith.shli %shift_right_logical3A_32, %shift_left3A_33 : vector<16xi32>
      %and3A = arith.constant 8191 : i32
      %and3A_35 = vector.broadcast %and3A : i32 to vector<16xi32>
      %and3A_36 = arith.andi %get3A_25, %and3A_35 : vector<16xi32>
      %or3A = arith.ori %shift_left3A_34, %and3A_36 : vector<16xi32>
      %dma_start3A = arith.constant 0 : i32
      %dma_start3A_37 = arith.constant 0 : i32
      %dma_start3A_38 = tpu.memref_slice %arg4[%dma_start3A, %dma_start3A_37] : memref<32768x128xf32, #tpu.memory_space<hbm>> -> memref<32768x128xf32, #tpu.memory_space<hbm>>
      tpu.enqueue_indirect_dma source(%dma_start3A_38 : memref<32768x128xf32, #tpu.memory_space<hbm>>) target(%arg11 : memref<16x128xf32, #tpu.memory_space<vmem>>) offsets(%or3A : vector<16xi32>) semaphore(%arg21 : memref<!tpu.dma_semaphore, #tpu.memory_space<semaphore_mem>>)
      %shift_right_logical3A_39 = arith.constant 15 : i32
      %shift_right_logical3A_40 = vector.broadcast %shift_right_logical3A_39 : i32 to vector<16xi32>
      %shift_right_logical3A_41 = arith.shrui %get3A_30, %shift_right_logical3A_40 : vector<16xi32>
      %shift_left3A_42 = arith.constant 13 : i32
      %shift_left3A_43 = vector.broadcast %shift_left3A_42 : i32 to vector<16xi32>
      %shift_left3A_44 = arith.shli %shift_right_logical3A_41, %shift_left3A_43 : vector<16xi32>
      %and3A_45 = arith.constant 8191 : i32
      %and3A_46 = vector.broadcast %and3A_45 : i32 to vector<16xi32>
      %and3A_47 = arith.andi %get3A_30, %and3A_46 : vector<16xi32>
      %or3A_48 = arith.ori %shift_left3A_44, %and3A_47 : vector<16xi32>
      %dma_start3A_49 = arith.constant 0 : i32
      %dma_start3A_50 = arith.constant 0 : i32
      %dma_start3A_51 = tpu.memref_slice %arg5[%dma_start3A_49, %dma_start3A_50] : memref<253952x128xf32, #tpu.memory_space<hbm>> -> memref<253952x128xf32, #tpu.memory_space<hbm>>
      tpu.enqueue_indirect_dma source(%dma_start3A_51 : memref<253952x128xf32, #tpu.memory_space<hbm>>) target(%arg12 : memref<16x128xf32, #tpu.memory_space<vmem>>) offsets(%or3A_48 : vector<16xi32>) semaphore(%arg21 : memref<!tpu.dma_semaphore, #tpu.memory_space<semaphore_mem>>)
      %shift_right_logical3A_52 = arith.constant 15 : i32
      %shift_right_logical3A_53 = vector.broadcast %shift_right_logical3A_52 : i32 to vector<16xi32>
      %shift_right_logical3A_54 = arith.shrui %get3A_25, %shift_right_logical3A_53 : vector<16xi32>
      %shift_left3A_55 = arith.constant 12 : i32
      %shift_left3A_56 = vector.broadcast %shift_left3A_55 : i32 to vector<16xi32>
      %shift_left3A_57 = arith.shli %shift_right_logical3A_54, %shift_left3A_56 : vector<16xi32>
      %and3A_58 = arith.constant 4095 : i32
      %and3A_59 = vector.broadcast %and3A_58 : i32 to vector<16xi32>
      %and3A_60 = arith.andi %get3A_25, %and3A_59 : vector<16xi32>
      %or3A_61 = arith.ori %shift_left3A_57, %and3A_60 : vector<16xi32>
      %dma_start3A_62 = arith.constant 0 : i32
      %dma_start3A_63 = arith.constant 0 : i32
      %dma_start3A_64 = tpu.memref_slice %arg6[%dma_start3A_62, %dma_start3A_63] : memref<16384x128xf32, #tpu.memory_space<hbm>> -> memref<16384x128xf32, #tpu.memory_space<hbm>>
      tpu.enqueue_indirect_dma source(%dma_start3A_64 : memref<16384x128xf32, #tpu.memory_space<hbm>>) target(%arg13 : memref<16x128xf32, #tpu.memory_space<vmem>>) offsets(%or3A_61 : vector<16xi32>) semaphore(%arg21 : memref<!tpu.dma_semaphore, #tpu.memory_space<semaphore_mem>>)
      %shift_right_logical3A_65 = arith.constant 15 : i32
      %shift_right_logical3A_66 = vector.broadcast %shift_right_logical3A_65 : i32 to vector<16xi32>
      %shift_right_logical3A_67 = arith.shrui %get3A_30, %shift_right_logical3A_66 : vector<16xi32>
      %shift_left3A_68 = arith.constant 12 : i32
      %shift_left3A_69 = vector.broadcast %shift_left3A_68 : i32 to vector<16xi32>
      %shift_left3A_70 = arith.shli %shift_right_logical3A_67, %shift_left3A_69 : vector<16xi32>
      %and3A_71 = arith.constant 4095 : i32
      %and3A_72 = vector.broadcast %and3A_71 : i32 to vector<16xi32>
      %and3A_73 = arith.andi %get3A_30, %and3A_72 : vector<16xi32>
      %or3A_74 = arith.ori %shift_left3A_70, %and3A_73 : vector<16xi32>
      %dma_start3A_75 = arith.constant 0 : i32
      %dma_start3A_76 = arith.constant 0 : i32
      %dma_start3A_77 = tpu.memref_slice %arg7[%dma_start3A_75, %dma_start3A_76] : memref<126976x128xf32, #tpu.memory_space<hbm>> -> memref<126976x128xf32, #tpu.memory_space<hbm>>
      tpu.enqueue_indirect_dma source(%dma_start3A_77 : memref<126976x128xf32, #tpu.memory_space<hbm>>) target(%arg14 : memref<16x128xf32, #tpu.memory_space<vmem>>) offsets(%or3A_74 : vector<16xi32>) semaphore(%arg21 : memref<!tpu.dma_semaphore, #tpu.memory_space<semaphore_mem>>)
      %mul3A_78 = arith.constant 2 : i32
      %mul3A_79 = arith.muli %scan3A_17, %mul3A_78 : i32
      %add3A_80 = arith.constant 1 : i32
      %add3A_81 = arith.addi %mul3A_79, %add3A_80 : i32
      %mul3A_82 = arith.constant 16 : i32
      %mul3A_83 = arith.muli %add3A_81, %mul3A_82 : i32
      %get3A_84 = arith.index_cast %mul3A_83 : i32 to index
      %get3A_85 = tpu.vector_load %arg9[%get3A_84] {strides = array<i32>} : memref<512xi32, #tpu.memory_space<vmem>>, vector<16xi32>,
      %get3A_86 = vector.shape_cast %get3A_85 : vector<16xi32> to vector<16xi32>
      %mul3A_87 = arith.constant 16 : i32
      %mul3A_88 = arith.muli %add3A_81, %mul3A_87 : i32
      %get3A_89 = arith.index_cast %mul3A_88 : i32 to index
      %get3A_90 = tpu.vector_load %arg10[%get3A_89] {strides = array<i32>} : memref<512xi32, #tpu.memory_space<vmem>>, vector<16xi32>,
      %get3A_91 = vector.shape_cast %get3A_90 : vector<16xi32> to vector<16xi32>
      %shift_right_logical3A_92 = arith.constant 15 : i32
      %shift_right_logical3A_93 = vector.broadcast %shift_right_logical3A_92 : i32 to vector<16xi32>
      %shift_right_logical3A_94 = arith.shrui %get3A_86, %shift_right_logical3A_93 : vector<16xi32>
      %shift_left3A_95 = arith.constant 13 : i32
      %shift_left3A_96 = vector.broadcast %shift_left3A_95 : i32 to vector<16xi32>
      %shift_left3A_97 = arith.shli %shift_right_logical3A_94, %shift_left3A_96 : vector<16xi32>
      %and3A_98 = arith.constant 8191 : i32
      %and3A_99 = vector.broadcast %and3A_98 : i32 to vector<16xi32>
      %and3A_100 = arith.andi %get3A_86, %and3A_99 : vector<16xi32>
      %or3A_101 = arith.ori %shift_left3A_97, %and3A_100 : vector<16xi32>
      %dma_start3A_102 = arith.constant 0 : i32
      %dma_start3A_103 = arith.constant 0 : i32
      %dma_start3A_104 = tpu.memref_slice %arg4[%dma_start3A_102, %dma_start3A_103] : memref<32768x128xf32, #tpu.memory_space<hbm>> -> memref<32768x128xf32, #tpu.memory_space<hbm>>
      tpu.enqueue_indirect_dma source(%dma_start3A_104 : memref<32768x128xf32, #tpu.memory_space<hbm>>) target(%arg16 : memref<16x128xf32, #tpu.memory_space<vmem>>) offsets(%or3A_101 : vector<16xi32>) semaphore(%arg22 : memref<!tpu.dma_semaphore, #tpu.memory_space<semaphore_mem>>)
      %shift_right_logical3A_105 = arith.constant 15 : i32
      %shift_right_logical3A_106 = vector.broadcast %shift_right_logical3A_105 : i32 to vector<16xi32>
      %shift_right_logical3A_107 = arith.shrui %get3A_91, %shift_right_logical3A_106 : vector<16xi32>
      %shift_left3A_108 = arith.constant 13 : i32
      %shift_left3A_109 = vector.broadcast %shift_left3A_108 : i32 to vector<16xi32>
      %shift_left3A_110 = arith.shli %shift_right_logical3A_107, %shift_left3A_109 : vector<16xi32>
      %and3A_111 = arith.constant 8191 : i32
      %and3A_112 = vector.broadcast %and3A_111 : i32 to vector<16xi32>
      %and3A_113 = arith.andi %get3A_91, %and3A_112 : vector<16xi32>
      %or3A_114 = arith.ori %shift_left3A_110, %and3A_113 : vector<16xi32>
      %dma_start3A_115 = arith.constant 0 : i32
      %dma_start3A_116 = arith.constant 0 : i32
      %dma_start3A_117 = tpu.memref_slice %arg5[%dma_start3A_115, %dma_start3A_116] : memref<253952x128xf32, #tpu.memory_space<hbm>> -> memref<253952x128xf32, #tpu.memory_space<hbm>>
      tpu.enqueue_indirect_dma source(%dma_start3A_117 : memref<253952x128xf32, #tpu.memory_space<hbm>>) target(%arg17 : memref<16x128xf32, #tpu.memory_space<vmem>>) offsets(%or3A_114 : vector<16xi32>) semaphore(%arg22 : memref<!tpu.dma_semaphore, #tpu.memory_space<semaphore_mem>>)
      %shift_right_logical3A_118 = arith.constant 15 : i32
      %shift_right_logical3A_119 = vector.broadcast %shift_right_logical3A_118 : i32 to vector<16xi32>
      %shift_right_logical3A_120 = arith.shrui %get3A_86, %shift_right_logical3A_119 : vector<16xi32>
      %shift_left3A_121 = arith.constant 12 : i32
      %shift_left3A_122 = vector.broadcast %shift_left3A_121 : i32 to vector<16xi32>
      %shift_left3A_123 = arith.shli %shift_right_logical3A_120, %shift_left3A_122 : vector<16xi32>
      %and3A_124 = arith.constant 4095 : i32
      %and3A_125 = vector.broadcast %and3A_124 : i32 to vector<16xi32>
      %and3A_126 = arith.andi %get3A_86, %and3A_125 : vector<16xi32>
      %or3A_127 = arith.ori %shift_left3A_123, %and3A_126 : vector<16xi32>
      %dma_start3A_128 = arith.constant 0 : i32
      %dma_start3A_129 = arith.constant 0 : i32
      %dma_start3A_130 = tpu.memref_slice %arg6[%dma_start3A_128, %dma_start3A_129] : memref<16384x128xf32, #tpu.memory_space<hbm>> -> memref<16384x128xf32, #tpu.memory_space<hbm>>
      tpu.enqueue_indirect_dma source(%dma_start3A_130 : memref<16384x128xf32, #tpu.memory_space<hbm>>) target(%arg18 : memref<16x128xf32, #tpu.memory_space<vmem>>) offsets(%or3A_127 : vector<16xi32>) semaphore(%arg22 : memref<!tpu.dma_semaphore, #tpu.memory_space<semaphore_mem>>)
      %shift_right_logical3A_131 = arith.constant 15 : i32
      %shift_right_logical3A_132 = vector.broadcast %shift_right_logical3A_131 : i32 to vector<16xi32>
      %shift_right_logical3A_133 = arith.shrui %get3A_91, %shift_right_logical3A_132 : vector<16xi32>
      %shift_left3A_134 = arith.constant 12 : i32
      %shift_left3A_135 = vector.broadcast %shift_left3A_134 : i32 to vector<16xi32>
      %shift_left3A_136 = arith.shli %shift_right_logical3A_133, %shift_left3A_135 : vector<16xi32>
      %and3A_137 = arith.constant 4095 : i32
      %and3A_138 = vector.broadcast %and3A_137 : i32 to vector<16xi32>
      %and3A_139 = arith.andi %get3A_91, %and3A_138 : vector<16xi32>
      %or3A_140 = arith.ori %shift_left3A_136, %and3A_139 : vector<16xi32>
      %dma_start3A_141 = arith.constant 0 : i32
      %dma_start3A_142 = arith.constant 0 : i32
      %dma_start3A_143 = tpu.memref_slice %arg7[%dma_start3A_141, %dma_start3A_142] : memref<126976x128xf32, #tpu.memory_space<hbm>> -> memref<126976x128xf32, #tpu.memory_space<hbm>>
      tpu.enqueue_indirect_dma source(%dma_start3A_143 : memref<126976x128xf32, #tpu.memory_space<hbm>>) target(%arg19 : memref<16x128xf32, #tpu.memory_space<vmem>>) offsets(%or3A_140 : vector<16xi32>) semaphore(%arg22 : memref<!tpu.dma_semaphore, #tpu.memory_space<semaphore_mem>>)
      %mul3A_144 = arith.constant 2 : i32
      %mul3A_145 = arith.muli %scan3A_17, %mul3A_144 : i32
      %mul3A_146 = arith.constant 16 : i32
      %mul3A_147 = arith.muli %mul3A_145, %mul3A_146 : i32
      %get3A_148 = arith.index_cast %mul3A_147 : i32 to index
      %get3A_149 = tpu.vector_load %arg9[%get3A_148] {strides = array<i32>} : memref<512xi32, #tpu.memory_space<vmem>>, vector<16xi32>,
      %get3A_150 = vector.shape_cast %get3A_149 : vector<16xi32> to vector<16xi32>
      %mul3A_151 = arith.constant 16 : i32
      %mul3A_152 = arith.muli %mul3A_145, %mul3A_151 : i32
      %get3A_153 = arith.index_cast %mul3A_152 : i32 to index
      %get3A_154 = tpu.vector_load %arg10[%get3A_153] {strides = array<i32>} : memref<512xi32, #tpu.memory_space<vmem>>, vector<16xi32>,
      %get3A_155 = vector.shape_cast %get3A_154 : vector<16xi32> to vector<16xi32>
      %shift_right_logical3A_156 = arith.constant 13 : i32
      %shift_right_logical3A_157 = vector.broadcast %shift_right_logical3A_156 : i32 to vector<16xi32>
      %shift_right_logical3A_158 = arith.shrui %get3A_150, %shift_right_logical3A_157 : vector<16xi32>
      %and3A_159 = arith.constant 3 : i32
      %and3A_160 = vector.broadcast %and3A_159 : i32 to vector<16xi32>
      %and3A_161 = arith.andi %shift_right_logical3A_158, %and3A_160 : vector<16xi32>
      %shift_left3A_162 = arith.constant 5 : i32
      %shift_left3A_163 = vector.broadcast %shift_left3A_162 : i32 to vector<16xi32>
      %shift_left3A_164 = arith.shli %and3A_161, %shift_left3A_163 : vector<16xi32>
      %shift_right_logical3A_165 = arith.constant 13 : i32
      %shift_right_logical3A_166 = vector.broadcast %shift_right_logical3A_165 : i32 to vector<16xi32>
      %shift_right_logical3A_167 = arith.shrui %get3A_155, %shift_right_logical3A_166 : vector<16xi32>
      %and3A_168 = arith.constant 3 : i32
      %and3A_169 = vector.broadcast %and3A_168 : i32 to vector<16xi32>
      %and3A_170 = arith.andi %shift_right_logical3A_167, %and3A_169 : vector<16xi32>
      %shift_left3A_171 = arith.constant 5 : i32
      %shift_left3A_172 = vector.broadcast %shift_left3A_171 : i32 to vector<16xi32>
      %shift_left3A_173 = arith.shli %and3A_170, %shift_left3A_172 : vector<16xi32>
      %shift_right_logical3A_174 = arith.constant 12 : i32
      %shift_right_logical3A_175 = vector.broadcast %shift_right_logical3A_174 : i32 to vector<16xi32>
      %shift_right_logical3A_176 = arith.shrui %get3A_150, %shift_right_logical3A_175 : vector<16xi32>
      %and3A_177 = arith.constant 7 : i32
      %and3A_178 = vector.broadcast %and3A_177 : i32 to vector<16xi32>
      %and3A_179 = arith.andi %shift_right_logical3A_176, %and3A_178 : vector<16xi32>
      %shift_left3A_180 = arith.constant 4 : i32
      %shift_left3A_181 = vector.broadcast %shift_left3A_180 : i32 to vector<16xi32>
      %shift_left3A_182 = arith.shli %and3A_179, %shift_left3A_181 : vector<16xi32>
      %shift_right_logical3A_183 = arith.constant 12 : i32
      %shift_right_logical3A_184 = vector.broadcast %shift_right_logical3A_183 : i32 to vector<16xi32>
      %shift_right_logical3A_185 = arith.shrui %get3A_155, %shift_right_logical3A_184 : vector<16xi32>
      %and3A_186 = arith.constant 7 : i32
      %and3A_187 = vector.broadcast %and3A_186 : i32 to vector<16xi32>
      %and3A_188 = arith.andi %shift_right_logical3A_185, %and3A_187 : vector<16xi32>
      %shift_left3A_189 = arith.constant 4 : i32
      %shift_left3A_190 = vector.broadcast %shift_left3A_189 : i32 to vector<16xi32>
      %shift_left3A_191 = arith.shli %and3A_188, %shift_left3A_190 : vector<16xi32>
      %dma_wait3A_192 = arith.constant 0 : i32
      %dma_wait3A_193 = arith.constant 0 : i32
      %dma_wait3A_194 = tpu.memref_slice %arg4[%dma_wait3A_192, %dma_wait3A_193] : memref<32768x128xf32, #tpu.memory_space<hbm>> -> memref<16x128xf32, #tpu.memory_space<hbm>>
      %dma_wait3A_195 = arith.constant 0 : i32
      %dma_wait3A_196 = arith.constant 0 : i32
      %dma_wait3A_197 = tpu.memref_slice %arg4[%dma_wait3A_195, %dma_wait3A_196] : memref<32768x128xf32, #tpu.memory_space<hbm>> -> memref<16x128xf32, #tpu.memory_space<hbm>>
      tpu.wait_dma2 semaphore(%arg21 : memref<!tpu.dma_semaphore, #tpu.memory_space<semaphore_mem>>) src(%dma_wait3A_197 : memref<16x128xf32, #tpu.memory_space<hbm>>) dst(%arg11 : memref<16x128xf32, #tpu.memory_space<vmem>>)
      %dma_wait3A_198 = arith.constant 0 : i32
      %dma_wait3A_199 = arith.constant 0 : i32
      %dma_wait3A_200 = tpu.memref_slice %arg5[%dma_wait3A_198, %dma_wait3A_199] : memref<253952x128xf32, #tpu.memory_space<hbm>> -> memref<16x128xf32, #tpu.memory_space<hbm>>
      %dma_wait3A_201 = arith.constant 0 : i32
      %dma_wait3A_202 = arith.constant 0 : i32
      %dma_wait3A_203 = tpu.memref_slice %arg5[%dma_wait3A_201, %dma_wait3A_202] : memref<253952x128xf32, #tpu.memory_space<hbm>> -> memref<16x128xf32, #tpu.memory_space<hbm>>
      tpu.wait_dma2 semaphore(%arg21 : memref<!tpu.dma_semaphore, #tpu.memory_space<semaphore_mem>>) src(%dma_wait3A_203 : memref<16x128xf32, #tpu.memory_space<hbm>>) dst(%arg12 : memref<16x128xf32, #tpu.memory_space<vmem>>)
      %dma_wait3A_204 = arith.constant 0 : i32
      %dma_wait3A_205 = arith.constant 0 : i32
      %dma_wait3A_206 = tpu.memref_slice %arg6[%dma_wait3A_204, %dma_wait3A_205] : memref<16384x128xf32, #tpu.memory_space<hbm>> -> memref<16x128xf32, #tpu.memory_space<hbm>>
      %dma_wait3A_207 = arith.constant 0 : i32
      %dma_wait3A_208 = arith.constant 0 : i32
      %dma_wait3A_209 = tpu.memref_slice %arg6[%dma_wait3A_207, %dma_wait3A_208] : memref<16384x128xf32, #tpu.memory_space<hbm>> -> memref<16x128xf32, #tpu.memory_space<hbm>>
      tpu.wait_dma2 semaphore(%arg21 : memref<!tpu.dma_semaphore, #tpu.memory_space<semaphore_mem>>) src(%dma_wait3A_209 : memref<16x128xf32, #tpu.memory_space<hbm>>) dst(%arg13 : memref<16x128xf32, #tpu.memory_space<vmem>>)
      %dma_wait3A_210 = arith.constant 0 : i32
      %dma_wait3A_211 = arith.constant 0 : i32
      %dma_wait3A_212 = tpu.memref_slice %arg7[%dma_wait3A_210, %dma_wait3A_211] : memref<126976x128xf32, #tpu.memory_space<hbm>> -> memref<16x128xf32, #tpu.memory_space<hbm>>
      %dma_wait3A_213 = arith.constant 0 : i32
      %dma_wait3A_214 = arith.constant 0 : i32
      %dma_wait3A_215 = tpu.memref_slice %arg7[%dma_wait3A_213, %dma_wait3A_214] : memref<126976x128xf32, #tpu.memory_space<hbm>> -> memref<16x128xf32, #tpu.memory_space<hbm>>
      tpu.wait_dma2 semaphore(%arg21 : memref<!tpu.dma_semaphore, #tpu.memory_space<semaphore_mem>>) src(%dma_wait3A_215 : memref<16x128xf32, #tpu.memory_space<hbm>>) dst(%arg14 : memref<16x128xf32, #tpu.memory_space<vmem>>)
      %not3A = arith.constant true
      %not3A_216 = arith.xori %eq3A_19, %not3A : i1
      %convert_element_type3A = arith.extui %not3A_216 : i1 to i32
      %cond3A = arith.constant 0 : i32
      %cond3A_217 = arith.cmpi ne, %convert_element_type3A, %cond3A : i32
      scf.if %cond3A_217 {
        %multiple_of3A_2807 = tpu.assume_multiple %mul3A_2, 8 : i32
        %dma_wait3A_2808 = arith.constant 0 : i32
        %dma_wait3A_2809 = tpu.memref_slice %arg8[%multiple_of3A_2807, %dma_wait3A_2808] : memref<16384x128xf32, #tpu.memory_space<hbm>> -> memref<16x128xf32, #tpu.memory_space<hbm>>
        %dma_wait3A_2810 = arith.constant 0 : i32
        %dma_wait3A_2811 = tpu.memref_slice %arg8[%multiple_of3A_2807, %dma_wait3A_2810] : memref<16384x128xf32, #tpu.memory_space<hbm>> -> memref<16x128xf32, #tpu.memory_space<hbm>>
        tpu.wait_dma2 semaphore(%arg23 : memref<!tpu.dma_semaphore, #tpu.memory_space<semaphore_mem>>) src(%arg15 : memref<16x128xf32, #tpu.memory_space<vmem>>) dst(%dma_wait3A_2811 : memref<16x128xf32, #tpu.memory_space<hbm>>)
      } else {
      }
      %slice3A = vector.extract_strided_slice %shift_left3A_164 {offsets = [0], sizes = [1], strides = [1]} : vector<16xi32> to vector<1xi32>
      %squeeze3A = vector.extract %slice3A[0] : i32 from vector<1xi32>
      %slice3A_218 = vector.extract_strided_slice %shift_left3A_173 {offsets = [0], sizes = [1], strides = [1]} : vector<16xi32> to vector<1xi32>
      %squeeze3A_219 = vector.extract %slice3A_218[0] : i32 from vector<1xi32>
      %slice3A_220 = vector.extract_strided_slice %shift_left3A_182 {offsets = [0], sizes = [1], strides = [1]} : vector<16xi32> to vector<1xi32>
      %squeeze3A_221 = vector.extract %slice3A_220[0] : i32 from vector<1xi32>
      %slice3A_222 = vector.extract_strided_slice %shift_left3A_191 {offsets = [0], sizes = [1], strides = [1]} : vector<16xi32> to vector<1xi32>
      %squeeze3A_223 = vector.extract %slice3A_222[0] : i32 from vector<1xi32>
      %get3A_224 = arith.constant 0 : i32
      %get3A_225 = arith.index_cast %get3A_224 : i32 to index
      %get3A_226 = arith.index_cast %squeeze3A : i32 to index
      %get3A_227 = tpu.vector_load %arg11[%get3A_225, %get3A_226] {strides = array<i32>} : memref<16x128xf32, #tpu.memory_space<vmem>>, vector<1x16xf32>,
      %get3A_228 = vector.shape_cast %get3A_227 : vector<1x16xf32> to vector<16xf32>
      %swap3A = arith.constant 0 : i32
      %swap3A_229 = arith.index_cast %swap3A : i32 to index
      %swap3A_230 = arith.constant 0 : index
      %swap3A_231 = tpu.vector_load %arg15[%swap3A_229, %swap3A_230] {strides = array<i32>} : memref<16x128xf32, #tpu.memory_space<vmem>>, vector<1x16xf32>,
      %swap3A_232 = vector.shape_cast %swap3A_231 : vector<1x16xf32> to vector<16xf32>
      %swap3A_233 = vector.shape_cast %get3A_228 : vector<16xf32> to vector<1x16xf32>
      tpu.vector_store %arg15[%swap3A_229, %swap3A_230], %swap3A_233 {strides = array<i32>} : memref<16x128xf32, #tpu.memory_space<vmem>>, vector<1x16xf32>,
      %add3A_234 = arith.constant 16 : i32
      %add3A_235 = arith.addi %squeeze3A, %add3A_234 : i32
      %get3A_236 = arith.constant 0 : i32
      %get3A_237 = arith.index_cast %get3A_236 : i32 to index
      %get3A_238 = arith.index_cast %add3A_235 : i32 to index
      %get3A_239 = tpu.vector_load %arg11[%get3A_237, %get3A_238] {strides = array<i32>} : memref<16x128xf32, #tpu.memory_space<vmem>>, vector<1x16xf32>,
      %get3A_240 = vector.shape_cast %get3A_239 : vector<1x16xf32> to vector<16xf32>
      %swap3A_241 = arith.constant 0 : i32
      %swap3A_242 = arith.index_cast %swap3A_241 : i32 to index
      %swap3A_243 = arith.constant 16 : index
      %swap3A_244 = tpu.vector_load %arg15[%swap3A_242, %swap3A_243] {strides = array<i32>} : memref<16x128xf32, #tpu.memory_space<vmem>>, vector<1x16xf32>,
      %swap3A_245 = vector.shape_cast %swap3A_244 : vector<1x16xf32> to vector<16xf32>
      %swap3A_246 = vector.shape_cast %get3A_240 : vector<16xf32> to vector<1x16xf32>
      tpu.vector_store %arg15[%swap3A_242, %swap3A_243], %swap3A_246 {strides = array<i32>} : memref<16x128xf32, #tpu.memory_space<vmem>>, vector<1x16xf32>,
      %get3A_247 = arith.constant 0 : i32
      %get3A_248 = arith.index_cast %get3A_247 : i32 to index
      %get3A_249 = arith.index_cast %squeeze3A_219 : i32 to index
      %get3A_250 = tpu.vector_load %arg12[%get3A_248, %get3A_249] {strides = array<i32>} : memref<16x128xf32, #tpu.memory_space<vmem>>, vector<1x16xf32>,
      %get3A_251 = vector.shape_cast %get3A_250 : vector<1x16xf32> to vector<16xf32>
      %swap3A_252 = arith.constant 0 : i32
      %swap3A_253 = arith.index_cast %swap3A_252 : i32 to index
      %swap3A_254 = arith.constant 32 : index
      %swap3A_255 = tpu.vector_load %arg15[%swap3A_253, %swap3A_254] {strides = array<i32>} : memref<16x128xf32, #tpu.memory_space<vmem>>, vector<1x16xf32>,
      %swap3A_256 = vector.shape_cast %swap3A_255 : vector<1x16xf32> to vector<16xf32>
      %swap3A_257 = vector.shape_cast %get3A_251 : vector<16xf32> to vector<1x16xf32>
      tpu.vector_store %arg15[%swap3A_253, %swap3A_254], %swap3A_257 {strides = array<i32>} : memref<16x128xf32, #tpu.memory_space<vmem>>, vector<1x16xf32>,
      %add3A_258 = arith.constant 16 : i32
      %add3A_259 = arith.addi %squeeze3A_219, %add3A_258 : i32
      %get3A_260 = arith.constant 0 : i32
      %get3A_261 = arith.index_cast %get3A_260 : i32 to index
      %get3A_262 = arith.index_cast %add3A_259 : i32 to index
      %get3A_263 = tpu.vector_load %arg12[%get3A_261, %get3A_262] {strides = array<i32>} : memref<16x128xf32, #tpu.memory_space<vmem>>, vector<1x16xf32>,
      %get3A_264 = vector.shape_cast %get3A_263 : vector<1x16xf32> to vector<16xf32>
      %swap3A_265 = arith.constant 0 : i32
      %swap3A_266 = arith.index_cast %swap3A_265 : i32 to index
      %swap3A_267 = arith.constant 48 : index
      %swap3A_268 = tpu.vector_load %arg15[%swap3A_266, %swap3A_267] {strides = array<i32>} : memref<16x128xf32, #tpu.memory_space<vmem>>, vector<1x16xf32>,
      %swap3A_269 = vector.shape_cast %swap3A_268 : vector<1x16xf32> to vector<16xf32>
      %swap3A_270 = vector.shape_cast %get3A_264 : vector<16xf32> to vector<1x16xf32>
      tpu.vector_store %arg15[%swap3A_266, %swap3A_267], %swap3A_270 {strides = array<i32>} : memref<16x128xf32, #tpu.memory_space<vmem>>, vector<1x16xf32>,
      %get3A_271 = arith.constant 0 : i32
      %get3A_272 = arith.index_cast %get3A_271 : i32 to index
      %get3A_273 = arith.index_cast %squeeze3A_221 : i32 to index
      %get3A_274 = tpu.vector_load %arg13[%get3A_272, %get3A_273] {strides = array<i32>} : memref<16x128xf32, #tpu.memory_space<vmem>>, vector<1x16xf32>,
      %get3A_275 = vector.shape_cast %get3A_274 : vector<1x16xf32> to vector<16xf32>
      %swap3A_276 = arith.constant 0 : i32
      %swap3A_277 = arith.index_cast %swap3A_276 : i32 to index
      %swap3A_278 = arith.constant 64 : index
      %swap3A_279 = tpu.vector_load %arg15[%swap3A_277, %swap3A_278] {strides = array<i32>} : memref<16x128xf32, #tpu.memory_space<vmem>>, vector<1x16xf32>,
      %swap3A_280 = vector.shape_cast %swap3A_279 : vector<1x16xf32> to vector<16xf32>
      %swap3A_281 = vector.shape_cast %get3A_275 : vector<16xf32> to vector<1x16xf32>
      tpu.vector_store %arg15[%swap3A_277, %swap3A_278], %swap3A_281 {strides = array<i32>} : memref<16x128xf32, #tpu.memory_space<vmem>>, vector<1x16xf32>,
      %get3A_282 = arith.constant 0 : i32
      %get3A_283 = arith.index_cast %get3A_282 : i32 to index
      %get3A_284 = arith.index_cast %squeeze3A_223 : i32 to index
      %get3A_285 = tpu.vector_load %arg14[%get3A_283, %get3A_284] {strides = array<i32>} : memref<16x128xf32, #tpu.memory_space<vmem>>, vector<1x16xf32>,
      %get3A_286 = vector.shape_cast %get3A_285 : vector<1x16xf32> to vector<16xf32>
      %swap3A_287 = arith.constant 0 : i32
      %swap3A_288 = arith.index_cast %swap3A_287 : i32 to index
      %swap3A_289 = arith.constant 80 : index
      %swap3A_290 = tpu.vector_load %arg15[%swap3A_288, %swap3A_289] {strides = array<i32>} : memref<16x128xf32, #tpu.memory_space<vmem>>, vector<1x16xf32>,
      %swap3A_291 = vector.shape_cast %swap3A_290 : vector<1x16xf32> to vector<16xf32>
      %swap3A_292 = vector.shape_cast %get3A_286 : vector<16xf32> to vector<1x16xf32>
      tpu.vector_store %arg15[%swap3A_288, %swap3A_289], %swap3A_292 {strides = array<i32>} : memref<16x128xf32, #tpu.memory_space<vmem>>, vector<1x16xf32>,
      %slice3A_293 = vector.extract_strided_slice %shift_left3A_164 {offsets = [1], sizes = [1], strides = [1]} : vector<16xi32> to vector<1xi32>
      %squeeze3A_294 = vector.extract %slice3A_293[0] : i32 from vector<1xi32>
      %slice3A_295 = vector.extract_strided_slice %shift_left3A_173 {offsets = [1], sizes = [1], strides = [1]} : vector<16xi32> to vector<1xi32>
      %squeeze3A_296 = vector.extract %slice3A_295[0] : i32 from vector<1xi32>
      %slice3A_297 = vector.extract_strided_slice %shift_left3A_182 {offsets = [1], sizes = [1], strides = [1]} : vector<16xi32> to vector<1xi32>
      %squeeze3A_298 = vector.extract %slice3A_297[0] : i32 from vector<1xi32>
      %slice3A_299 = vector.extract_strided_slice %shift_left3A_191 {offsets = [1], sizes = [1], strides = [1]} : vector<16xi32> to vector<1xi32>
      %squeeze3A_300 = vector.extract %slice3A_299[0] : i32 from vector<1xi32>
      %get3A_301 = arith.constant 1 : i32
      %get3A_302 = arith.index_cast %get3A_301 : i32 to index
      %get3A_303 = arith.index_cast %squeeze3A_294 : i32 to index
      %get3A_304 = tpu.vector_load %arg11[%get3A_302, %get3A_303] {strides = array<i32>} : memref<16x128xf32, #tpu.memory_space<vmem>>, vector<1x16xf32>,
      %get3A_305 = vector.shape_cast %get3A_304 : vector<1x16xf32> to vector<16xf32>
      %swap3A_306 = arith.constant 1 : i32
      %swap3A_307 = arith.index_cast %swap3A_306 : i32 to index
      %swap3A_308 = arith.constant 0 : index
      %swap3A_309 = tpu.vector_load %arg15[%swap3A_307, %swap3A_308] {strides = array<i32>} : memref<16x128xf32, #tpu.memory_space<vmem>>, vector<1x16xf32>,
      %swap3A_310 = vector.shape_cast %swap3A_309 : vector<1x16xf32> to vector<16xf32>
      %swap3A_311 = vector.shape_cast %get3A_305 : vector<16xf32> to vector<1x16xf32>
      tpu.vector_store %arg15[%swap3A_307, %swap3A_308], %swap3A_311 {strides = array<i32>} : memref<16x128xf32, #tpu.memory_space<vmem>>, vector<1x16xf32>,
      %add3A_312 = arith.constant 16 : i32
      %add3A_313 = arith.addi %squeeze3A_294, %add3A_312 : i32
      %get3A_314 = arith.constant 1 : i32
      %get3A_315 = arith.index_cast %get3A_314 : i32 to index
      %get3A_316 = arith.index_cast %add3A_313 : i32 to index
      %get3A_317 = tpu.vector_load %arg11[%get3A_315, %get3A_316] {strides = array<i32>} : memref<16x128xf32, #tpu.memory_space<vmem>>, vector<1x16xf32>,
      %get3A_318 = vector.shape_cast %get3A_317 : vector<1x16xf32> to vector<16xf32>
      %swap3A_319 = arith.constant 1 : i32
      %swap3A_320 = arith.index_cast %swap3A_319 : i32 to index
      %swap3A_321 = arith.constant 16 : index
      %swap3A_322 = tpu.vector_load %arg15[%swap3A_320, %swap3A_321] {strides = array<i32>} : memref<16x128xf32, #tpu.memory_space<vmem>>, vector<1x16xf32>,
      %swap3A_323 = vector.shape_cast %swap3A_322 : vector<1x16xf32> to vector<16xf32>
      %swap3A_324 = vector.shape_cast %get3A_318 : vector<16xf32> to vector<1x16xf32>
      tpu.vector_store %arg15[%swap3A_320, %swap3A_321], %swap3A_324 {strides = array<i32>} : memref<16x128xf32, #tpu.memory_space<vmem>>, vector<1x16xf32>,
      %get3A_325 = arith.constant 1 : i32
      %get3A_326 = arith.index_cast %get3A_325 : i32 to index
      %get3A_327 = arith.index_cast %squeeze3A_296 : i32 to index
      %get3A_328 = tpu.vector_load %arg12[%get3A_326, %get3A_327] {strides = array<i32>} : memref<16x128xf32, #tpu.memory_space<vmem>>, vector<1x16xf32>,
      %get3A_329 = vector.shape_cast %get3A_328 : vector<1x16xf32> to vector<16xf32>
      %swap3A_330 = arith.constant 1 : i32
      %swap3A_331 = arith.index_cast %swap3A_330 : i32 to index
      %swap3A_332 = arith.constant 32 : index
      %swap3A_333 = tpu.vector_load %arg15[%swap3A_331, %swap3A_332] {strides = array<i32>} : memref<16x128xf32, #tpu.memory_space<vmem>>, vector<1x16xf32>,
      %swap3A_334 = vector.shape_cast %swap3A_333 : vector<1x16xf32> to vector<16xf32>
      %swap3A_335 = vector.shape_cast %get3A_329 : vector<16xf32> to vector<1x16xf32>
      tpu.vector_store %arg15[%swap3A_331, %swap3A_332], %swap3A_335 {strides = array<i32>} : memref<16x128xf32, #tpu.memory_space<vmem>>, vector<1x16xf32>,
      %add3A_336 = arith.constant 16 : i32
      %add3A_337 = arith.addi %squeeze3A_296, %add3A_336 : i32
      %get3A_338 = arith.constant 1 : i32
      %get3A_339 = arith.index_cast %get3A_338 : i32 to index
      %get3A_340 = arith.index_cast %add3A_337 : i32 to index
      %get3A_341 = tpu.vector_load %arg12[%get3A_339, %get3A_340] {strides = array<i32>} : memref<16x128xf32, #tpu.memory_space<vmem>>, vector<1x16xf32>,
      %get3A_342 = vector.shape_cast %get3A_341 : vector<1x16xf32> to vector<16xf32>
      %swap3A_343 = arith.constant 1 : i32
      %swap3A_344 = arith.index_cast %swap3A_343 : i32 to index
      %swap3A_345 = arith.constant 48 : index
      %swap3A_346 = tpu.vector_load %arg15[%swap3A_344, %swap3A_345] {strides = array<i32>} : memref<16x128xf32, #tpu.memory_space<vmem>>, vector<1x16xf32>,
      %swap3A_347 = vector.shape_cast %swap3A_346 : vector<1x16xf32> to vector<16xf32>
      %swap3A_348 = vector.shape_cast %get3A_342 : vector<16xf32> to vector<1x16xf32>
      tpu.vector_store %arg15[%swap3A_344, %swap3A_345], %swap3A_348 {strides = array<i32>} : memref<16x128xf32, #tpu.memory_space<vmem>>, vector<1x16xf32>,
      %get3A_349 = arith.constant 1 : i32
      %get3A_350 = arith.index_cast %get3A_349 : i32 to index
      %get3A_351 = arith.index_cast %squeeze3A_298 : i32 to index
      %get3A_352 = tpu.vector_load %arg13[%get3A_350, %get3A_351] {strides = array<i32>} : memref<16x128xf32, #tpu.memory_space<vmem>>, vector<1x16xf32>,
      %get3A_353 = vector.shape_cast %get3A_352 : vector<1x16xf32> to vector<16xf32>
      %swap3A_354 = arith.constant 1 : i32
      %swap3A_355 = arith.index_cast %swap3A_354 : i32 to index
      %swap3A_356 = arith.constant 64 : index
      %swap3A_357 = tpu.vector_load %arg15[%swap3A_355, %swap3A_356] {strides = array<i32>} : memref<16x128xf32, #tpu.memory_space<vmem>>, vector<1x16xf32>,
      %swap3A_358 = vector.shape_cast %swap3A_357 : vector<1x16xf32> to vector<16xf32>
      %swap3A_359 = vector.shape_cast %get3A_353 : vector<16xf32> to vector<1x16xf32>
      tpu.vector_store %arg15[%swap3A_355, %swap3A_356], %swap3A_359 {strides = array<i32>} : memref<16x128xf32, #tpu.memory_space<vmem>>, vector<1x16xf32>,
      %get3A_360 = arith.constant 1 : i32
      %get3A_361 = arith.index_cast %get3A_360 : i32 to index
      %get3A_362 = arith.index_cast %squeeze3A_300 : i32 to index
      %get3A_363 = tpu.vector_load %arg14[%get3A_361, %get3A_362] {strides = array<i32>} : memref<16x128xf32, #tpu.memory_space<vmem>>, vector<1x16xf32>,
      %get3A_364 = vector.shape_cast %get3A_363 : vector<1x16xf32> to vector<16xf32>
      %swap3A_365 = arith.constant 1 : i32
      %swap3A_366 = arith.index_cast %swap3A_365 : i32 to index
      %swap3A_367 = arith.constant 80 : index
      %swap3A_368 = tpu.vector_load %arg15[%swap3A_366, %swap3A_367] {strides = array<i32>} : memref<16x128xf32, #tpu.memory_space<vmem>>, vector<1x16xf32>,
      %swap3A_369 = vector.shape_cast %swap3A_368 : vector<1x16xf32> to vector<16xf32>
      %swap3A_370 = vector.shape_cast %get3A_364 : vector<16xf32> to vector<1x16xf32>
      tpu.vector_store %arg15[%swap3A_366, %swap3A_367], %swap3A_370 {strides = array<i32>} : memref<16x128xf32, #tpu.memory_space<vmem>>, vector<1x16xf32>,
      %slice3A_371 = vector.extract_strided_slice %shift_left3A_164 {offsets = [2], sizes = [1], strides = [1]} : vector<16xi32> to vector<1xi32>
      %squeeze3A_372 = vector.extract %slice3A_371[0] : i32 from vector<1xi32>
      %slice3A_373 = vector.extract_strided_slice %shift_left3A_173 {offsets = [2], sizes = [1], strides = [1]} : vector<16xi32> to vector<1xi32>
      %squeeze3A_374 = vector.extract %slice3A_373[0] : i32 from vector<1xi32>
      %slice3A_375 = vector.extract_strided_slice %shift_left3A_182 {offsets = [2], sizes = [1], strides = [1]} : vector<16xi32> to vector<1xi32>
      %squeeze3A_376 = vector.extract %slice3A_375[0] : i32 from vector<1xi32>
      %slice3A_377 = vector.extract_strided_slice %shift_left3A_191 {offsets = [2], sizes = [1], strides = [1]} : vector<16xi32> to vector<1xi32>
      %squeeze3A_378 = vector.extract %slice3A_377[0] : i32 from vector<1xi32>
      %get3A_379 = arith.constant 2 : i32
      %get3A_380 = arith.index_cast %get3A_379 : i32 to index
      %get3A_381 = arith.index_cast %squeeze3A_372 : i32 to index
      %get3A_382 = tpu.vector_load %arg11[%get3A_380, %get3A_381] {strides = array<i32>} : memref<16x128xf32, #tpu.memory_space<vmem>>, vector<1x16xf32>,
      %get3A_383 = vector.shape_cast %get3A_382 : vector<1x16xf32> to vector<16xf32>
      %swap3A_384 = arith.constant 2 : i32
      %swap3A_385 = arith.index_cast %swap3A_384 : i32 to index
      %swap3A_386 = arith.constant 0 : index
      %swap3A_387 = tpu.vector_load %arg15[%swap3A_385, %swap3A_386] {strides = array<i32>} : memref<16x128xf32, #tpu.memory_space<vmem>>, vector<1x16xf32>,
      %swap3A_388 = vector.shape_cast %swap3A_387 : vector<1x16xf32> to vector<16xf32>
      %swap3A_389 = vector.shape_cast %get3A_383 : vector<16xf32> to vector<1x16xf32>
      tpu.vector_store %arg15[%swap3A_385, %swap3A_386], %swap3A_389 {strides = array<i32>} : memref<16x128xf32, #tpu.memory_space<vmem>>, vector<1x16xf32>,
      %add3A_390 = arith.constant 16 : i32
      %add3A_391 = arith.addi %squeeze3A_372, %add3A_390 : i32
      %get3A_392 = arith.constant 2 : i32
      %get3A_393 = arith.index_cast %get3A_392 : i32 to index
      %get3A_394 = arith.index_cast %add3A_391 : i32 to index
      %get3A_395 = tpu.vector_load %arg11[%get3A_393, %get3A_394] {strides = array<i32>} : memref<16x128xf32, #tpu.memory_space<vmem>>, vector<1x16xf32>,
      %get3A_396 = vector.shape_cast %get3A_395 : vector<1x16xf32> to vector<16xf32>
      %swap3A_397 = arith.constant 2 : i32
      %swap3A_398 = arith.index_cast %swap3A_397 : i32 to index
      %swap3A_399 = arith.constant 16 : index
      %swap3A_400 = tpu.vector_load %arg15[%swap3A_398, %swap3A_399] {strides = array<i32>} : memref<16x128xf32, #tpu.memory_space<vmem>>, vector<1x16xf32>,
      %swap3A_401 = vector.shape_cast %swap3A_400 : vector<1x16xf32> to vector<16xf32>
      %swap3A_402 = vector.shape_cast %get3A_396 : vector<16xf32> to vector<1x16xf32>
      tpu.vector_store %arg15[%swap3A_398, %swap3A_399], %swap3A_402 {strides = array<i32>} : memref<16x128xf32, #tpu.memory_space<vmem>>, vector<1x16xf32>,
      %get3A_403 = arith.constant 2 : i32
      %get3A_404 = arith.index_cast %get3A_403 : i32 to index
      %get3A_405 = arith.index_cast %squeeze3A_374 : i32 to index
      %get3A_406 = tpu.vector_load %arg12[%get3A_404, %get3A_405] {strides = array<i32>} : memref<16x128xf32, #tpu.memory_space<vmem>>, vector<1x16xf32>,
      %get3A_407 = vector.shape_cast %get3A_406 : vector<1x16xf32> to vector<16xf32>
      %swap3A_408 = arith.constant 2 : i32
      %swap3A_409 = arith.index_cast %swap3A_408 : i32 to index
      %swap3A_410 = arith.constant 32 : index
      %swap3A_411 = tpu.vector_load %arg15[%swap3A_409, %swap3A_410] {strides = array<i32>} : memref<16x128xf32, #tpu.memory_space<vmem>>, vector<1x16xf32>,
      %swap3A_412 = vector.shape_cast %swap3A_411 : vector<1x16xf32> to vector<16xf32>
      %swap3A_413 = vector.shape_cast %get3A_407 : vector<16xf32> to vector<1x16xf32>
      tpu.vector_store %arg15[%swap3A_409, %swap3A_410], %swap3A_413 {strides = array<i32>} : memref<16x128xf32, #tpu.memory_space<vmem>>, vector<1x16xf32>,
      %add3A_414 = arith.constant 16 : i32
      %add3A_415 = arith.addi %squeeze3A_374, %add3A_414 : i32
      %get3A_416 = arith.constant 2 : i32
      %get3A_417 = arith.index_cast %get3A_416 : i32 to index
      %get3A_418 = arith.index_cast %add3A_415 : i32 to index
      %get3A_419 = tpu.vector_load %arg12[%get3A_417, %get3A_418] {strides = array<i32>} : memref<16x128xf32, #tpu.memory_space<vmem>>, vector<1x16xf32>,
      %get3A_420 = vector.shape_cast %get3A_419 : vector<1x16xf32> to vector<16xf32>
      %swap3A_421 = arith.constant 2 : i32
      %swap3A_422 = arith.index_cast %swap3A_421 : i32 to index
      %swap3A_423 = arith.constant 48 : index
      %swap3A_424 = tpu.vector_load %arg15[%swap3A_422, %swap3A_423] {strides = array<i32>} : memref<16x128xf32, #tpu.memory_space<vmem>>, vector<1x16xf32>,
      %swap3A_425 = vector.shape_cast %swap3A_424 : vector<1x16xf32> to vector<16xf32>
      %swap3A_426 = vector.shape_cast %get3A_420 : vector<16xf32> to vector<1x16xf32>
      tpu.vector_store %arg15[%swap3A_422, %swap3A_423], %swap3A_426 {strides = array<i32>} : memref<16x128xf32, #tpu.memory_space<vmem>>, vector<1x16xf32>,
      %get3A_427 = arith.constant 2 : i32
      %get3A_428 = arith.index_cast %get3A_427 : i32 to index
      %get3A_429 = arith.index_cast %squeeze3A_376 : i32 to index
      %get3A_430 = tpu.vector_load %arg13[%get3A_428, %get3A_429] {strides = array<i32>} : memref<16x128xf32, #tpu.memory_space<vmem>>, vector<1x16xf32>,
      %get3A_431 = vector.shape_cast %get3A_430 : vector<1x16xf32> to vector<16xf32>
      %swap3A_432 = arith.constant 2 : i32
      %swap3A_433 = arith.index_cast %swap3A_432 : i32 to index
      %swap3A_434 = arith.constant 64 : index
      %swap3A_435 = tpu.vector_load %arg15[%swap3A_433, %swap3A_434] {strides = array<i32>} : memref<16x128xf32, #tpu.memory_space<vmem>>, vector<1x16xf32>,
      %swap3A_436 = vector.shape_cast %swap3A_435 : vector<1x16xf32> to vector<16xf32>
      %swap3A_437 = vector.shape_cast %get3A_431 : vector<16xf32> to vector<1x16xf32>
      tpu.vector_store %arg15[%swap3A_433, %swap3A_434], %swap3A_437 {strides = array<i32>} : memref<16x128xf32, #tpu.memory_space<vmem>>, vector<1x16xf32>,
      %get3A_438 = arith.constant 2 : i32
      %get3A_439 = arith.index_cast %get3A_438 : i32 to index
      %get3A_440 = arith.index_cast %squeeze3A_378 : i32 to index
      %get3A_441 = tpu.vector_load %arg14[%get3A_439, %get3A_440] {strides = array<i32>} : memref<16x128xf32, #tpu.memory_space<vmem>>, vector<1x16xf32>,
      %get3A_442 = vector.shape_cast %get3A_441 : vector<1x16xf32> to vector<16xf32>
      %swap3A_443 = arith.constant 2 : i32
      %swap3A_444 = arith.index_cast %swap3A_443 : i32 to index
      %swap3A_445 = arith.constant 80 : index
      %swap3A_446 = tpu.vector_load %arg15[%swap3A_444, %swap3A_445] {strides = array<i32>} : memref<16x128xf32, #tpu.memory_space<vmem>>, vector<1x16xf32>,
      %swap3A_447 = vector.shape_cast %swap3A_446 : vector<1x16xf32> to vector<16xf32>
      %swap3A_448 = vector.shape_cast %get3A_442 : vector<16xf32> to vector<1x16xf32>
      tpu.vector_store %arg15[%swap3A_444, %swap3A_445], %swap3A_448 {strides = array<i32>} : memref<16x128xf32, #tpu.memory_space<vmem>>, vector<1x16xf32>,
      %slice3A_449 = vector.extract_strided_slice %shift_left3A_164 {offsets = [3], sizes = [1], strides = [1]} : vector<16xi32> to vector<1xi32>
      %squeeze3A_450 = vector.extract %slice3A_449[0] : i32 from vector<1xi32>
      %slice3A_451 = vector.extract_strided_slice %shift_left3A_173 {offsets = [3], sizes = [1], strides = [1]} : vector<16xi32> to vector<1xi32>
      %squeeze3A_452 = vector.extract %slice3A_451[0] : i32 from vector<1xi32>
      %slice3A_453 = vector.extract_strided_slice %shift_left3A_182 {offsets = [3], sizes = [1], strides = [1]} : vector<16xi32> to vector<1xi32>
      %squeeze3A_454 = vector.extract %slice3A_453[0] : i32 from vector<1xi32>
      %slice3A_455 = vector.extract_strided_slice %shift_left3A_191 {offsets = [3], sizes = [1], strides = [1]} : vector<16xi32> to vector<1xi32>
      %squeeze3A_456 = vector.extract %slice3A_455[0] : i32 from vector<1xi32>
      %get3A_457 = arith.constant 3 : i32
      %get3A_458 = arith.index_cast %get3A_457 : i32 to index
      %get3A_459 = arith.index_cast %squeeze3A_450 : i32 to index
      %get3A_460 = tpu.vector_load %arg11[%get3A_458, %get3A_459] {strides = array<i32>} : memref<16x128xf32, #tpu.memory_space<vmem>>, vector<1x16xf32>,
      %get3A_461 = vector.shape_cast %get3A_460 : vector<1x16xf32> to vector<16xf32>
      %swap3A_462 = arith.constant 3 : i32
      %swap3A_463 = arith.index_cast %swap3A_462 : i32 to index
      %swap3A_464 = arith.constant 0 : index
      %swap3A_465 = tpu.vector_load %arg15[%swap3A_463, %swap3A_464] {strides = array<i32>} : memref<16x128xf32, #tpu.memory_space<vmem>>, vector<1x16xf32>,
      %swap3A_466 = vector.shape_cast %swap3A_465 : vector<1x16xf32> to vector<16xf32>
      %swap3A_467 = vector.shape_cast %get3A_461 : vector<16xf32> to vector<1x16xf32>
      tpu.vector_store %arg15[%swap3A_463, %swap3A_464], %swap3A_467 {strides = array<i32>} : memref<16x128xf32, #tpu.memory_space<vmem>>, vector<1x16xf32>,
      %add3A_468 = arith.constant 16 : i32
      %add3A_469 = arith.addi %squeeze3A_450, %add3A_468 : i32
      %get3A_470 = arith.constant 3 : i32
      %get3A_471 = arith.index_cast %get3A_470 : i32 to index
      %get3A_472 = arith.index_cast %add3A_469 : i32 to index
      %get3A_473 = tpu.vector_load %arg11[%get3A_471, %get3A_472] {strides = array<i32>} : memref<16x128xf32, #tpu.memory_space<vmem>>, vector<1x16xf32>,
      %get3A_474 = vector.shape_cast %get3A_473 : vector<1x16xf32> to vector<16xf32>
      %swap3A_475 = arith.constant 3 : i32
      %swap3A_476 = arith.index_cast %swap3A_475 : i32 to index
      %swap3A_477 = arith.constant 16 : index
      %swap3A_478 = tpu.vector_load %arg15[%swap3A_476, %swap3A_477] {strides = array<i32>} : memref<16x128xf32, #tpu.memory_space<vmem>>, vector<1x16xf32>,
      %swap3A_479 = vector.shape_cast %swap3A_478 : vector<1x16xf32> to vector<16xf32>
      %swap3A_480 = vector.shape_cast %get3A_474 : vector<16xf32> to vector<1x16xf32>
      tpu.vector_store %arg15[%swap3A_476, %swap3A_477], %swap3A_480 {strides = array<i32>} : memref<16x128xf32, #tpu.memory_space<vmem>>, vector<1x16xf32>,
      %get3A_481 = arith.constant 3 : i32
      %get3A_482 = arith.index_cast %get3A_481 : i32 to index
      %get3A_483 = arith.index_cast %squeeze3A_452 : i32 to index
      %get3A_484 = tpu.vector_load %arg12[%get3A_482, %get3A_483] {strides = array<i32>} : memref<16x128xf32, #tpu.memory_space<vmem>>, vector<1x16xf32>,
      %get3A_485 = vector.shape_cast %get3A_484 : vector<1x16xf32> to vector<16xf32>
      %swap3A_486 = arith.constant 3 : i32
      %swap3A_487 = arith.index_cast %swap3A_486 : i32 to index
      %swap3A_488 = arith.constant 32 : index
      %swap3A_489 = tpu.vector_load %arg15[%swap3A_487, %swap3A_488] {strides = array<i32>} : memref<16x128xf32, #tpu.memory_space<vmem>>, vector<1x16xf32>,
      %swap3A_490 = vector.shape_cast %swap3A_489 : vector<1x16xf32> to vector<16xf32>
      %swap3A_491 = vector.shape_cast %get3A_485 : vector<16xf32> to vector<1x16xf32>
      tpu.vector_store %arg15[%swap3A_487, %swap3A_488], %swap3A_491 {strides = array<i32>} : memref<16x128xf32, #tpu.memory_space<vmem>>, vector<1x16xf32>,
      %add3A_492 = arith.constant 16 : i32
      %add3A_493 = arith.addi %squeeze3A_452, %add3A_492 : i32
      %get3A_494 = arith.constant 3 : i32
      %get3A_495 = arith.index_cast %get3A_494 : i32 to index
      %get3A_496 = arith.index_cast %add3A_493 : i32 to index
      %get3A_497 = tpu.vector_load %arg12[%get3A_495, %get3A_496] {strides = array<i32>} : memref<16x128xf32, #tpu.memory_space<vmem>>, vector<1x16xf32>,
      %get3A_498 = vector.shape_cast %get3A_497 : vector<1x16xf32> to vector<16xf32>
      %swap3A_499 = arith.constant 3 : i32
      %swap3A_500 = arith.index_cast %swap3A_499 : i32 to index
      %swap3A_501 = arith.constant 48 : index
      %swap3A_502 = tpu.vector_load %arg15[%swap3A_500, %swap3A_501] {strides = array<i32>} : memref<16x128xf32, #tpu.memory_space<vmem>>, vector<1x16xf32>,
      %swap3A_503 = vector.shape_cast %swap3A_502 : vector<1x16xf32> to vector<16xf32>
      %swap3A_504 = vector.shape_cast %get3A_498 : vector<16xf32> to vector<1x16xf32>
      tpu.vector_store %arg15[%swap3A_500, %swap3A_501], %swap3A_504 {strides = array<i32>} : memref<16x128xf32, #tpu.memory_space<vmem>>, vector<1x16xf32>,
      %get3A_505 = arith.constant 3 : i32
      %get3A_506 = arith.index_cast %get3A_505 : i32 to index
      %get3A_507 = arith.index_cast %squeeze3A_454 : i32 to index
      %get3A_508 = tpu.vector_load %arg13[%get3A_506, %get3A_507] {strides = array<i32>} : memref<16x128xf32, #tpu.memory_space<vmem>>, vector<1x16xf32>,
      %get3A_509 = vector.shape_cast %get3A_508 : vector<1x16xf32> to vector<16xf32>
      %swap3A_510 = arith.constant 3 : i32
      %swap3A_511 = arith.index_cast %swap3A_510 : i32 to index
      %swap3A_512 = arith.constant 64 : index
      %swap3A_513 = tpu.vector_load %arg15[%swap3A_511, %swap3A_512] {strides = array<i32>} : memref<16x128xf32, #tpu.memory_space<vmem>>, vector<1x16xf32>,
      %swap3A_514 = vector.shape_cast %swap3A_513 : vector<1x16xf32> to vector<16xf32>
      %swap3A_515 = vector.shape_cast %get3A_509 : vector<16xf32> to vector<1x16xf32>
      tpu.vector_store %arg15[%swap3A_511, %swap3A_512], %swap3A_515 {strides = array<i32>} : memref<16x128xf32, #tpu.memory_space<vmem>>, vector<1x16xf32>,
      %get3A_516 = arith.constant 3 : i32
      %get3A_517 = arith.index_cast %get3A_516 : i32 to index
      %get3A_518 = arith.index_cast %squeeze3A_456 : i32 to index
      %get3A_519 = tpu.vector_load %arg14[%get3A_517, %get3A_518] {strides = array<i32>} : memref<16x128xf32, #tpu.memory_space<vmem>>, vector<1x16xf32>,
      %get3A_520 = vector.shape_cast %get3A_519 : vector<1x16xf32> to vector<16xf32>
      %swap3A_521 = arith.constant 3 : i32
      %swap3A_522 = arith.index_cast %swap3A_521 : i32 to index
      %swap3A_523 = arith.constant 80 : index
      %swap3A_524 = tpu.vector_load %arg15[%swap3A_522, %swap3A_523] {strides = array<i32>} : memref<16x128xf32, #tpu.memory_space<vmem>>, vector<1x16xf32>,
      %swap3A_525 = vector.shape_cast %swap3A_524 : vector<1x16xf32> to vector<16xf32>
      %swap3A_526 = vector.shape_cast %get3A_520 : vector<16xf32> to vector<1x16xf32>
      tpu.vector_store %arg15[%swap3A_522, %swap3A_523], %swap3A_526 {strides = array<i32>} : memref<16x128xf32, #tpu.memory_space<vmem>>, vector<1x16xf32>,
      %slice3A_527 = vector.extract_strided_slice %shift_left3A_164 {offsets = [4], sizes = [1], strides = [1]} : vector<16xi32> to vector<1xi32>
      %squeeze3A_528 = vector.extract %slice3A_527[0] : i32 from vector<1xi32>
      %slice3A_529 = vector.extract_strided_slice %shift_left3A_173 {offsets = [4], sizes = [1], strides = [1]} : vector<16xi32> to vector<1xi32>
      %squeeze3A_530 = vector.extract %slice3A_529[0] : i32 from vector<1xi32>
      %slice3A_531 = vector.extract_strided_slice %shift_left3A_182 {offsets = [4], sizes = [1], strides = [1]} : vector<16xi32> to vector<1xi32>
      %squeeze3A_532 = vector.extract %slice3A_531[0] : i32 from vector<1xi32>
      %slice3A_533 = vector.extract_strided_slice %shift_left3A_191 {offsets = [4], sizes = [1], strides = [1]} : vector<16xi32> to vector<1xi32>
      %squeeze3A_534 = vector.extract %slice3A_533[0] : i32 from vector<1xi32>
      %get3A_535 = arith.constant 4 : i32
      %get3A_536 = arith.index_cast %get3A_535 : i32 to index
      %get3A_537 = arith.index_cast %squeeze3A_528 : i32 to index
      %get3A_538 = tpu.vector_load %arg11[%get3A_536, %get3A_537] {strides = array<i32>} : memref<16x128xf32, #tpu.memory_space<vmem>>, vector<1x16xf32>,
      %get3A_539 = vector.shape_cast %get3A_538 : vector<1x16xf32> to vector<16xf32>
      %swap3A_540 = arith.constant 4 : i32
      %swap3A_541 = arith.index_cast %swap3A_540 : i32 to index
      %swap3A_542 = arith.constant 0 : index
      %swap3A_543 = tpu.vector_load %arg15[%swap3A_541, %swap3A_542] {strides = array<i32>} : memref<16x128xf32, #tpu.memory_space<vmem>>, vector<1x16xf32>,
      %swap3A_544 = vector.shape_cast %swap3A_543 : vector<1x16xf32> to vector<16xf32>
      %swap3A_545 = vector.shape_cast %get3A_539 : vector<16xf32> to vector<1x16xf32>
      tpu.vector_store %arg15[%swap3A_541, %swap3A_542], %swap3A_545 {strides = array<i32>} : memref<16x128xf32, #tpu.memory_space<vmem>>, vector<1x16xf32>,
      %add3A_546 = arith.constant 16 : i32
      %add3A_547 = arith.addi %squeeze3A_528, %add3A_546 : i32
      %get3A_548 = arith.constant 4 : i32
      %get3A_549 = arith.index_cast %get3A_548 : i32 to index
      %get3A_550 = arith.index_cast %add3A_547 : i32 to index
      %get3A_551 = tpu.vector_load %arg11[%get3A_549, %get3A_550] {strides = array<i32>} : memref<16x128xf32, #tpu.memory_space<vmem>>, vector<1x16xf32>,
      %get3A_552 = vector.shape_cast %get3A_551 : vector<1x16xf32> to vector<16xf32>
      %swap3A_553 = arith.constant 4 : i32
      %swap3A_554 = arith.index_cast %swap3A_553 : i32 to index
      %swap3A_555 = arith.constant 16 : index
      %swap3A_556 = tpu.vector_load %arg15[%swap3A_554, %swap3A_555] {strides = array<i32>} : memref<16x128xf32, #tpu.memory_space<vmem>>, vector<1x16xf32>,
      %swap3A_557 = vector.shape_cast %swap3A_556 : vector<1x16xf32> to vector<16xf32>
      %swap3A_558 = vector.shape_cast %get3A_552 : vector<16xf32> to vector<1x16xf32>
      tpu.vector_store %arg15[%swap3A_554, %swap3A_555], %swap3A_558 {strides = array<i32>} : memref<16x128xf32, #tpu.memory_space<vmem>>, vector<1x16xf32>,
      %get3A_559 = arith.constant 4 : i32
      %get3A_560 = arith.index_cast %get3A_559 : i32 to index
      %get3A_561 = arith.index_cast %squeeze3A_530 : i32 to index
      %get3A_562 = tpu.vector_load %arg12[%get3A_560, %get3A_561] {strides = array<i32>} : memref<16x128xf32, #tpu.memory_space<vmem>>, vector<1x16xf32>,
      %get3A_563 = vector.shape_cast %get3A_562 : vector<1x16xf32> to vector<16xf32>
      %swap3A_564 = arith.constant 4 : i32
      %swap3A_565 = arith.index_cast %swap3A_564 : i32 to index
      %swap3A_566 = arith.constant 32 : index
      %swap3A_567 = tpu.vector_load %arg15[%swap3A_565, %swap3A_566] {strides = array<i32>} : memref<16x128xf32, #tpu.memory_space<vmem>>, vector<1x16xf32>,
      %swap3A_568 = vector.shape_cast %swap3A_567 : vector<1x16xf32> to vector<16xf32>
      %swap3A_569 = vector.shape_cast %get3A_563 : vector<16xf32> to vector<1x16xf32>
      tpu.vector_store %arg15[%swap3A_565, %swap3A_566], %swap3A_569 {strides = array<i32>} : memref<16x128xf32, #tpu.memory_space<vmem>>, vector<1x16xf32>,
      %add3A_570 = arith.constant 16 : i32
      %add3A_571 = arith.addi %squeeze3A_530, %add3A_570 : i32
      %get3A_572 = arith.constant 4 : i32
      %get3A_573 = arith.index_cast %get3A_572 : i32 to index
      %get3A_574 = arith.index_cast %add3A_571 : i32 to index
      %get3A_575 = tpu.vector_load %arg12[%get3A_573, %get3A_574] {strides = array<i32>} : memref<16x128xf32, #tpu.memory_space<vmem>>, vector<1x16xf32>,
      %get3A_576 = vector.shape_cast %get3A_575 : vector<1x16xf32> to vector<16xf32>
      %swap3A_577 = arith.constant 4 : i32
      %swap3A_578 = arith.index_cast %swap3A_577 : i32 to index
      %swap3A_579 = arith.constant 48 : index
      %swap3A_580 = tpu.vector_load %arg15[%swap3A_578, %swap3A_579] {strides = array<i32>} : memref<16x128xf32, #tpu.memory_space<vmem>>, vector<1x16xf32>,
      %swap3A_581 = vector.shape_cast %swap3A_580 : vector<1x16xf32> to vector<16xf32>
      %swap3A_582 = vector.shape_cast %get3A_576 : vector<16xf32> to vector<1x16xf32>
      tpu.vector_store %arg15[%swap3A_578, %swap3A_579], %swap3A_582 {strides = array<i32>} : memref<16x128xf32, #tpu.memory_space<vmem>>, vector<1x16xf32>,
      %get3A_583 = arith.constant 4 : i32
      %get3A_584 = arith.index_cast %get3A_583 : i32 to index
      %get3A_585 = arith.index_cast %squeeze3A_532 : i32 to index
      %get3A_586 = tpu.vector_load %arg13[%get3A_584, %get3A_585] {strides = array<i32>} : memref<16x128xf32, #tpu.memory_space<vmem>>, vector<1x16xf32>,
      %get3A_587 = vector.shape_cast %get3A_586 : vector<1x16xf32> to vector<16xf32>
      %swap3A_588 = arith.constant 4 : i32
      %swap3A_589 = arith.index_cast %swap3A_588 : i32 to index
      %swap3A_590 = arith.constant 64 : index
      %swap3A_591 = tpu.vector_load %arg15[%swap3A_589, %swap3A_590] {strides = array<i32>} : memref<16x128xf32, #tpu.memory_space<vmem>>, vector<1x16xf32>,
      %swap3A_592 = vector.shape_cast %swap3A_591 : vector<1x16xf32> to vector<16xf32>
      %swap3A_593 = vector.shape_cast %get3A_587 : vector<16xf32> to vector<1x16xf32>
      tpu.vector_store %arg15[%swap3A_589, %swap3A_590], %swap3A_593 {strides = array<i32>} : memref<16x128xf32, #tpu.memory_space<vmem>>, vector<1x16xf32>,
      %get3A_594 = arith.constant 4 : i32
      %get3A_595 = arith.index_cast %get3A_594 : i32 to index
      %get3A_596 = arith.index_cast %squeeze3A_534 : i32 to index
      %get3A_597 = tpu.vector_load %arg14[%get3A_595, %get3A_596] {strides = array<i32>} : memref<16x128xf32, #tpu.memory_space<vmem>>, vector<1x16xf32>,
      %get3A_598 = vector.shape_cast %get3A_597 : vector<1x16xf32> to vector<16xf32>
      %swap3A_599 = arith.constant 4 : i32
      %swap3A_600 = arith.index_cast %swap3A_599 : i32 to index
      %swap3A_601 = arith.constant 80 : index
      %swap3A_602 = tpu.vector_load %arg15[%swap3A_600, %swap3A_601] {strides = array<i32>} : memref<16x128xf32, #tpu.memory_space<vmem>>, vector<1x16xf32>,
      %swap3A_603 = vector.shape_cast %swap3A_602 : vector<1x16xf32> to vector<16xf32>
      %swap3A_604 = vector.shape_cast %get3A_598 : vector<16xf32> to vector<1x16xf32>
      tpu.vector_store %arg15[%swap3A_600, %swap3A_601], %swap3A_604 {strides = array<i32>} : memref<16x128xf32, #tpu.memory_space<vmem>>, vector<1x16xf32>,
      %slice3A_605 = vector.extract_strided_slice %shift_left3A_164 {offsets = [5], sizes = [1], strides = [1]} : vector<16xi32> to vector<1xi32>
      %squeeze3A_606 = vector.extract %slice3A_605[0] : i32 from vector<1xi32>
      %slice3A_607 = vector.extract_strided_slice %shift_left3A_173 {offsets = [5], sizes = [1], strides = [1]} : vector<16xi32> to vector<1xi32>
      %squeeze3A_608 = vector.extract %slice3A_607[0] : i32 from vector<1xi32>
      %slice3A_609 = vector.extract_strided_slice %shift_left3A_182 {offsets = [5], sizes = [1], strides = [1]} : vector<16xi32> to vector<1xi32>
      %squeeze3A_610 = vector.extract %slice3A_609[0] : i32 from vector<1xi32>
      %slice3A_611 = vector.extract_strided_slice %shift_left3A_191 {offsets = [5], sizes = [1], strides = [1]} : vector<16xi32> to vector<1xi32>
      %squeeze3A_612 = vector.extract %slice3A_611[0] : i32 from vector<1xi32>
      %get3A_613 = arith.constant 5 : i32
      %get3A_614 = arith.index_cast %get3A_613 : i32 to index
      %get3A_615 = arith.index_cast %squeeze3A_606 : i32 to index
      %get3A_616 = tpu.vector_load %arg11[%get3A_614, %get3A_615] {strides = array<i32>} : memref<16x128xf32, #tpu.memory_space<vmem>>, vector<1x16xf32>,
      %get3A_617 = vector.shape_cast %get3A_616 : vector<1x16xf32> to vector<16xf32>
      %swap3A_618 = arith.constant 5 : i32
      %swap3A_619 = arith.index_cast %swap3A_618 : i32 to index
      %swap3A_620 = arith.constant 0 : index
      %swap3A_621 = tpu.vector_load %arg15[%swap3A_619, %swap3A_620] {strides = array<i32>} : memref<16x128xf32, #tpu.memory_space<vmem>>, vector<1x16xf32>,
      %swap3A_622 = vector.shape_cast %swap3A_621 : vector<1x16xf32> to vector<16xf32>
      %swap3A_623 = vector.shape_cast %get3A_617 : vector<16xf32> to vector<1x16xf32>
      tpu.vector_store %arg15[%swap3A_619, %swap3A_620], %swap3A_623 {strides = array<i32>} : memref<16x128xf32, #tpu.memory_space<vmem>>, vector<1x16xf32>,
      %add3A_624 = arith.constant 16 : i32
      %add3A_625 = arith.addi %squeeze3A_606, %add3A_624 : i32
      %get3A_626 = arith.constant 5 : i32
      %get3A_627 = arith.index_cast %get3A_626 : i32 to index
      %get3A_628 = arith.index_cast %add3A_625 : i32 to index
      %get3A_629 = tpu.vector_load %arg11[%get3A_627, %get3A_628] {strides = array<i32>} : memref<16x128xf32, #tpu.memory_space<vmem>>, vector<1x16xf32>,
      %get3A_630 = vector.shape_cast %get3A_629 : vector<1x16xf32> to vector<16xf32>
      %swap3A_631 = arith.constant 5 : i32
      %swap3A_632 = arith.index_cast %swap3A_631 : i32 to index
      %swap3A_633 = arith.constant 16 : index
      %swap3A_634 = tpu.vector_load %arg15[%swap3A_632, %swap3A_633] {strides = array<i32>} : memref<16x128xf32, #tpu.memory_space<vmem>>, vector<1x16xf32>,
      %swap3A_635 = vector.shape_cast %swap3A_634 : vector<1x16xf32> to vector<16xf32>
      %swap3A_636 = vector.shape_cast %get3A_630 : vector<16xf32> to vector<1x16xf32>
      tpu.vector_store %arg15[%swap3A_632, %swap3A_633], %swap3A_636 {strides = array<i32>} : memref<16x128xf32, #tpu.memory_space<vmem>>, vector<1x16xf32>,
      %get3A_637 = arith.constant 5 : i32
      %get3A_638 = arith.index_cast %get3A_637 : i32 to index
      %get3A_639 = arith.index_cast %squeeze3A_608 : i32 to index
      %get3A_640 = tpu.vector_load %arg12[%get3A_638, %get3A_639] {strides = array<i32>} : memref<16x128xf32, #tpu.memory_space<vmem>>, vector<1x16xf32>,
      %get3A_641 = vector.shape_cast %get3A_640 : vector<1x16xf32> to vector<16xf32>
      %swap3A_642 = arith.constant 5 : i32
      %swap3A_643 = arith.index_cast %swap3A_642 : i32 to index
      %swap3A_644 = arith.constant 32 : index
      %swap3A_645 = tpu.vector_load %arg15[%swap3A_643, %swap3A_644] {strides = array<i32>} : memref<16x128xf32, #tpu.memory_space<vmem>>, vector<1x16xf32>,
      %swap3A_646 = vector.shape_cast %swap3A_645 : vector<1x16xf32> to vector<16xf32>
      %swap3A_647 = vector.shape_cast %get3A_641 : vector<16xf32> to vector<1x16xf32>
      tpu.vector_store %arg15[%swap3A_643, %swap3A_644], %swap3A_647 {strides = array<i32>} : memref<16x128xf32, #tpu.memory_space<vmem>>, vector<1x16xf32>,
      %add3A_648 = arith.constant 16 : i32
      %add3A_649 = arith.addi %squeeze3A_608, %add3A_648 : i32
      %get3A_650 = arith.constant 5 : i32
      %get3A_651 = arith.index_cast %get3A_650 : i32 to index
      %get3A_652 = arith.index_cast %add3A_649 : i32 to index
      %get3A_653 = tpu.vector_load %arg12[%get3A_651, %get3A_652] {strides = array<i32>} : memref<16x128xf32, #tpu.memory_space<vmem>>, vector<1x16xf32>,
      %get3A_654 = vector.shape_cast %get3A_653 : vector<1x16xf32> to vector<16xf32>
      %swap3A_655 = arith.constant 5 : i32
      %swap3A_656 = arith.index_cast %swap3A_655 : i32 to index
      %swap3A_657 = arith.constant 48 : index
      %swap3A_658 = tpu.vector_load %arg15[%swap3A_656, %swap3A_657] {strides = array<i32>} : memref<16x128xf32, #tpu.memory_space<vmem>>, vector<1x16xf32>,
      %swap3A_659 = vector.shape_cast %swap3A_658 : vector<1x16xf32> to vector<16xf32>
      %swap3A_660 = vector.shape_cast %get3A_654 : vector<16xf32> to vector<1x16xf32>
      tpu.vector_store %arg15[%swap3A_656, %swap3A_657], %swap3A_660 {strides = array<i32>} : memref<16x128xf32, #tpu.memory_space<vmem>>, vector<1x16xf32>,
      %get3A_661 = arith.constant 5 : i32
      %get3A_662 = arith.index_cast %get3A_661 : i32 to index
      %get3A_663 = arith.index_cast %squeeze3A_610 : i32 to index
      %get3A_664 = tpu.vector_load %arg13[%get3A_662, %get3A_663] {strides = array<i32>} : memref<16x128xf32, #tpu.memory_space<vmem>>, vector<1x16xf32>,
      %get3A_665 = vector.shape_cast %get3A_664 : vector<1x16xf32> to vector<16xf32>
      %swap3A_666 = arith.constant 5 : i32
      %swap3A_667 = arith.index_cast %swap3A_666 : i32 to index
      %swap3A_668 = arith.constant 64 : index
      %swap3A_669 = tpu.vector_load %arg15[%swap3A_667, %swap3A_668] {strides = array<i32>} : memref<16x128xf32, #tpu.memory_space<vmem>>, vector<1x16xf32>,
      %swap3A_670 = vector.shape_cast %swap3A_669 : vector<1x16xf32> to vector<16xf32>
      %swap3A_671 = vector.shape_cast %get3A_665 : vector<16xf32> to vector<1x16xf32>
      tpu.vector_store %arg15[%swap3A_667, %swap3A_668], %swap3A_671 {strides = array<i32>} : memref<16x128xf32, #tpu.memory_space<vmem>>, vector<1x16xf32>,
      %get3A_672 = arith.constant 5 : i32
      %get3A_673 = arith.index_cast %get3A_672 : i32 to index
      %get3A_674 = arith.index_cast %squeeze3A_612 : i32 to index
      %get3A_675 = tpu.vector_load %arg14[%get3A_673, %get3A_674] {strides = array<i32>} : memref<16x128xf32, #tpu.memory_space<vmem>>, vector<1x16xf32>,
      %get3A_676 = vector.shape_cast %get3A_675 : vector<1x16xf32> to vector<16xf32>
      %swap3A_677 = arith.constant 5 : i32
      %swap3A_678 = arith.index_cast %swap3A_677 : i32 to index
      %swap3A_679 = arith.constant 80 : index
      %swap3A_680 = tpu.vector_load %arg15[%swap3A_678, %swap3A_679] {strides = array<i32>} : memref<16x128xf32, #tpu.memory_space<vmem>>, vector<1x16xf32>,
      %swap3A_681 = vector.shape_cast %swap3A_680 : vector<1x16xf32> to vector<16xf32>
      %swap3A_682 = vector.shape_cast %get3A_676 : vector<16xf32> to vector<1x16xf32>
      tpu.vector_store %arg15[%swap3A_678, %swap3A_679], %swap3A_682 {strides = array<i32>} : memref<16x128xf32, #tpu.memory_space<vmem>>, vector<1x16xf32>,
      %slice3A_683 = vector.extract_strided_slice %shift_left3A_164 {offsets = [6], sizes = [1], strides = [1]} : vector<16xi32> to vector<1xi32>
      %squeeze3A_684 = vector.extract %slice3A_683[0] : i32 from vector<1xi32>
      %slice3A_685 = vector.extract_strided_slice %shift_left3A_173 {offsets = [6], sizes = [1], strides = [1]} : vector<16xi32> to vector<1xi32>
      %squeeze3A_686 = vector.extract %slice3A_685[0] : i32 from vector<1xi32>
      %slice3A_687 = vector.extract_strided_slice %shift_left3A_182 {offsets = [6], sizes = [1], strides = [1]} : vector<16xi32> to vector<1xi32>
      %squeeze3A_688 = vector.extract %slice3A_687[0] : i32 from vector<1xi32>
      %slice3A_689 = vector.extract_strided_slice %shift_left3A_191 {offsets = [6], sizes = [1], strides = [1]} : vector<16xi32> to vector<1xi32>
      %squeeze3A_690 = vector.extract %slice3A_689[0] : i32 from vector<1xi32>
      %get3A_691 = arith.constant 6 : i32
      %get3A_692 = arith.index_cast %get3A_691 : i32 to index
      %get3A_693 = arith.index_cast %squeeze3A_684 : i32 to index
      %get3A_694 = tpu.vector_load %arg11[%get3A_692, %get3A_693] {strides = array<i32>} : memref<16x128xf32, #tpu.memory_space<vmem>>, vector<1x16xf32>,
      %get3A_695 = vector.shape_cast %get3A_694 : vector<1x16xf32> to vector<16xf32>
      %swap3A_696 = arith.constant 6 : i32
      %swap3A_697 = arith.index_cast %swap3A_696 : i32 to index
      %swap3A_698 = arith.constant 0 : index
      %swap3A_699 = tpu.vector_load %arg15[%swap3A_697, %swap3A_698] {strides = array<i32>} : memref<16x128xf32, #tpu.memory_space<vmem>>, vector<1x16xf32>,
      %swap3A_700 = vector.shape_cast %swap3A_699 : vector<1x16xf32> to vector<16xf32>
      %swap3A_701 = vector.shape_cast %get3A_695 : vector<16xf32> to vector<1x16xf32>
      tpu.vector_store %arg15[%swap3A_697, %swap3A_698], %swap3A_701 {strides = array<i32>} : memref<16x128xf32, #tpu.memory_space<vmem>>, vector<1x16xf32>,
      %add3A_702 = arith.constant 16 : i32
      %add3A_703 = arith.addi %squeeze3A_684, %add3A_702 : i32
      %get3A_704 = arith.constant 6 : i32
      %get3A_705 = arith.index_cast %get3A_704 : i32 to index
      %get3A_706 = arith.index_cast %add3A_703 : i32 to index
      %get3A_707 = tpu.vector_load %arg11[%get3A_705, %get3A_706] {strides = array<i32>} : memref<16x128xf32, #tpu.memory_space<vmem>>, vector<1x16xf32>,
      %get3A_708 = vector.shape_cast %get3A_707 : vector<1x16xf32> to vector<16xf32>
      %swap3A_709 = arith.constant 6 : i32
      %swap3A_710 = arith.index_cast %swap3A_709 : i32 to index
      %swap3A_711 = arith.constant 16 : index
      %swap3A_712 = tpu.vector_load %arg15[%swap3A_710, %swap3A_711] {strides = array<i32>} : memref<16x128xf32, #tpu.memory_space<vmem>>, vector<1x16xf32>,
      %swap3A_713 = vector.shape_cast %swap3A_712 : vector<1x16xf32> to vector<16xf32>
      %swap3A_714 = vector.shape_cast %get3A_708 : vector<16xf32> to vector<1x16xf32>
      tpu.vector_store %arg15[%swap3A_710, %swap3A_711], %swap3A_714 {strides = array<i32>} : memref<16x128xf32, #tpu.memory_space<vmem>>, vector<1x16xf32>,
      %get3A_715 = arith.constant 6 : i32
      %get3A_716 = arith.index_cast %get3A_715 : i32 to index
      %get3A_717 = arith.index_cast %squeeze3A_686 : i32 to index
      %get3A_718 = tpu.vector_load %arg12[%get3A_716, %get3A_717] {strides = array<i32>} : memref<16x128xf32, #tpu.memory_space<vmem>>, vector<1x16xf32>,
      %get3A_719 = vector.shape_cast %get3A_718 : vector<1x16xf32> to vector<16xf32>
      %swap3A_720 = arith.constant 6 : i32
      %swap3A_721 = arith.index_cast %swap3A_720 : i32 to index
      %swap3A_722 = arith.constant 32 : index
      %swap3A_723 = tpu.vector_load %arg15[%swap3A_721, %swap3A_722] {strides = array<i32>} : memref<16x128xf32, #tpu.memory_space<vmem>>, vector<1x16xf32>,
      %swap3A_724 = vector.shape_cast %swap3A_723 : vector<1x16xf32> to vector<16xf32>
      %swap3A_725 = vector.shape_cast %get3A_719 : vector<16xf32> to vector<1x16xf32>
      tpu.vector_store %arg15[%swap3A_721, %swap3A_722], %swap3A_725 {strides = array<i32>} : memref<16x128xf32, #tpu.memory_space<vmem>>, vector<1x16xf32>,
      %add3A_726 = arith.constant 16 : i32
      %add3A_727 = arith.addi %squeeze3A_686, %add3A_726 : i32
      %get3A_728 = arith.constant 6 : i32
      %get3A_729 = arith.index_cast %get3A_728 : i32 to index
      %get3A_730 = arith.index_cast %add3A_727 : i32 to index
      %get3A_731 = tpu.vector_load %arg12[%get3A_729, %get3A_730] {strides = array<i32>} : memref<16x128xf32, #tpu.memory_space<vmem>>, vector<1x16xf32>,
      %get3A_732 = vector.shape_cast %get3A_731 : vector<1x16xf32> to vector<16xf32>
      %swap3A_733 = arith.constant 6 : i32
      %swap3A_734 = arith.index_cast %swap3A_733 : i32 to index
      %swap3A_735 = arith.constant 48 : index
      %swap3A_736 = tpu.vector_load %arg15[%swap3A_734, %swap3A_735] {strides = array<i32>} : memref<16x128xf32, #tpu.memory_space<vmem>>, vector<1x16xf32>,
      %swap3A_737 = vector.shape_cast %swap3A_736 : vector<1x16xf32> to vector<16xf32>
      %swap3A_738 = vector.shape_cast %get3A_732 : vector<16xf32> to vector<1x16xf32>
      tpu.vector_store %arg15[%swap3A_734, %swap3A_735], %swap3A_738 {strides = array<i32>} : memref<16x128xf32, #tpu.memory_space<vmem>>, vector<1x16xf32>,
      %get3A_739 = arith.constant 6 : i32
      %get3A_740 = arith.index_cast %get3A_739 : i32 to index
      %get3A_741 = arith.index_cast %squeeze3A_688 : i32 to index
      %get3A_742 = tpu.vector_load %arg13[%get3A_740, %get3A_741] {strides = array<i32>} : memref<16x128xf32, #tpu.memory_space<vmem>>, vector<1x16xf32>,
      %get3A_743 = vector.shape_cast %get3A_742 : vector<1x16xf32> to vector<16xf32>
      %swap3A_744 = arith.constant 6 : i32
      %swap3A_745 = arith.index_cast %swap3A_744 : i32 to index
      %swap3A_746 = arith.constant 64 : index
      %swap3A_747 = tpu.vector_load %arg15[%swap3A_745, %swap3A_746] {strides = array<i32>} : memref<16x128xf32, #tpu.memory_space<vmem>>, vector<1x16xf32>,
      %swap3A_748 = vector.shape_cast %swap3A_747 : vector<1x16xf32> to vector<16xf32>
      %swap3A_749 = vector.shape_cast %get3A_743 : vector<16xf32> to vector<1x16xf32>
      tpu.vector_store %arg15[%swap3A_745, %swap3A_746], %swap3A_749 {strides = array<i32>} : memref<16x128xf32, #tpu.memory_space<vmem>>, vector<1x16xf32>,
      %get3A_750 = arith.constant 6 : i32
      %get3A_751 = arith.index_cast %get3A_750 : i32 to index
      %get3A_752 = arith.index_cast %squeeze3A_690 : i32 to index
      %get3A_753 = tpu.vector_load %arg14[%get3A_751, %get3A_752] {strides = array<i32>} : memref<16x128xf32, #tpu.memory_space<vmem>>, vector<1x16xf32>,
      %get3A_754 = vector.shape_cast %get3A_753 : vector<1x16xf32> to vector<16xf32>
      %swap3A_755 = arith.constant 6 : i32
      %swap3A_756 = arith.index_cast %swap3A_755 : i32 to index
      %swap3A_757 = arith.constant 80 : index
      %swap3A_758 = tpu.vector_load %arg15[%swap3A_756, %swap3A_757] {strides = array<i32>} : memref<16x128xf32, #tpu.memory_space<vmem>>, vector<1x16xf32>,
      %swap3A_759 = vector.shape_cast %swap3A_758 : vector<1x16xf32> to vector<16xf32>
      %swap3A_760 = vector.shape_cast %get3A_754 : vector<16xf32> to vector<1x16xf32>
      tpu.vector_store %arg15[%swap3A_756, %swap3A_757], %swap3A_760 {strides = array<i32>} : memref<16x128xf32, #tpu.memory_space<vmem>>, vector<1x16xf32>,
      %slice3A_761 = vector.extract_strided_slice %shift_left3A_164 {offsets = [7], sizes = [1], strides = [1]} : vector<16xi32> to vector<1xi32>
      %squeeze3A_762 = vector.extract %slice3A_761[0] : i32 from vector<1xi32>
      %slice3A_763 = vector.extract_strided_slice %shift_left3A_173 {offsets = [7], sizes = [1], strides = [1]} : vector<16xi32> to vector<1xi32>
      %squeeze3A_764 = vector.extract %slice3A_763[0] : i32 from vector<1xi32>
      %slice3A_765 = vector.extract_strided_slice %shift_left3A_182 {offsets = [7], sizes = [1], strides = [1]} : vector<16xi32> to vector<1xi32>
      %squeeze3A_766 = vector.extract %slice3A_765[0] : i32 from vector<1xi32>
      %slice3A_767 = vector.extract_strided_slice %shift_left3A_191 {offsets = [7], sizes = [1], strides = [1]} : vector<16xi32> to vector<1xi32>
      %squeeze3A_768 = vector.extract %slice3A_767[0] : i32 from vector<1xi32>
      %get3A_769 = arith.constant 7 : i32
      %get3A_770 = arith.index_cast %get3A_769 : i32 to index
      %get3A_771 = arith.index_cast %squeeze3A_762 : i32 to index
      %get3A_772 = tpu.vector_load %arg11[%get3A_770, %get3A_771] {strides = array<i32>} : memref<16x128xf32, #tpu.memory_space<vmem>>, vector<1x16xf32>,
      %get3A_773 = vector.shape_cast %get3A_772 : vector<1x16xf32> to vector<16xf32>
      %swap3A_774 = arith.constant 7 : i32
      %swap3A_775 = arith.index_cast %swap3A_774 : i32 to index
      %swap3A_776 = arith.constant 0 : index
      %swap3A_777 = tpu.vector_load %arg15[%swap3A_775, %swap3A_776] {strides = array<i32>} : memref<16x128xf32, #tpu.memory_space<vmem>>, vector<1x16xf32>,
      %swap3A_778 = vector.shape_cast %swap3A_777 : vector<1x16xf32> to vector<16xf32>
      %swap3A_779 = vector.shape_cast %get3A_773 : vector<16xf32> to vector<1x16xf32>
      tpu.vector_store %arg15[%swap3A_775, %swap3A_776], %swap3A_779 {strides = array<i32>} : memref<16x128xf32, #tpu.memory_space<vmem>>, vector<1x16xf32>,
      %add3A_780 = arith.constant 16 : i32
      %add3A_781 = arith.addi %squeeze3A_762, %add3A_780 : i32
      %get3A_782 = arith.constant 7 : i32
      %get3A_783 = arith.index_cast %get3A_782 : i32 to index
      %get3A_784 = arith.index_cast %add3A_781 : i32 to index
      %get3A_785 = tpu.vector_load %arg11[%get3A_783, %get3A_784] {strides = array<i32>} : memref<16x128xf32, #tpu.memory_space<vmem>>, vector<1x16xf32>,
      %get3A_786 = vector.shape_cast %get3A_785 : vector<1x16xf32> to vector<16xf32>
      %swap3A_787 = arith.constant 7 : i32
      %swap3A_788 = arith.index_cast %swap3A_787 : i32 to index
      %swap3A_789 = arith.constant 16 : index
      %swap3A_790 = tpu.vector_load %arg15[%swap3A_788, %swap3A_789] {strides = array<i32>} : memref<16x128xf32, #tpu.memory_space<vmem>>, vector<1x16xf32>,
      %swap3A_791 = vector.shape_cast %swap3A_790 : vector<1x16xf32> to vector<16xf32>
      %swap3A_792 = vector.shape_cast %get3A_786 : vector<16xf32> to vector<1x16xf32>
      tpu.vector_store %arg15[%swap3A_788, %swap3A_789], %swap3A_792 {strides = array<i32>} : memref<16x128xf32, #tpu.memory_space<vmem>>, vector<1x16xf32>,
      %get3A_793 = arith.constant 7 : i32
      %get3A_794 = arith.index_cast %get3A_793 : i32 to index
      %get3A_795 = arith.index_cast %squeeze3A_764 : i32 to index
      %get3A_796 = tpu.vector_load %arg12[%get3A_794, %get3A_795] {strides = array<i32>} : memref<16x128xf32, #tpu.memory_space<vmem>>, vector<1x16xf32>,
      %get3A_797 = vector.shape_cast %get3A_796 : vector<1x16xf32> to vector<16xf32>
      %swap3A_798 = arith.constant 7 : i32
      %swap3A_799 = arith.index_cast %swap3A_798 : i32 to index
      %swap3A_800 = arith.constant 32 : index
      %swap3A_801 = tpu.vector_load %arg15[%swap3A_799, %swap3A_800] {strides = array<i32>} : memref<16x128xf32, #tpu.memory_space<vmem>>, vector<1x16xf32>,
      %swap3A_802 = vector.shape_cast %swap3A_801 : vector<1x16xf32> to vector<16xf32>
      %swap3A_803 = vector.shape_cast %get3A_797 : vector<16xf32> to vector<1x16xf32>
      tpu.vector_store %arg15[%swap3A_799, %swap3A_800], %swap3A_803 {strides = array<i32>} : memref<16x128xf32, #tpu.memory_space<vmem>>, vector<1x16xf32>,
      %add3A_804 = arith.constant 16 : i32
      %add3A_805 = arith.addi %squeeze3A_764, %add3A_804 : i32
      %get3A_806 = arith.constant 7 : i32
      %get3A_807 = arith.index_cast %get3A_806 : i32 to index
      %get3A_808 = arith.index_cast %add3A_805 : i32 to index
      %get3A_809 = tpu.vector_load %arg12[%get3A_807, %get3A_808] {strides = array<i32>} : memref<16x128xf32, #tpu.memory_space<vmem>>, vector<1x16xf32>,
      %get3A_810 = vector.shape_cast %get3A_809 : vector<1x16xf32> to vector<16xf32>
      %swap3A_811 = arith.constant 7 : i32
      %swap3A_812 = arith.index_cast %swap3A_811 : i32 to index
      %swap3A_813 = arith.constant 48 : index
      %swap3A_814 = tpu.vector_load %arg15[%swap3A_812, %swap3A_813] {strides = array<i32>} : memref<16x128xf32, #tpu.memory_space<vmem>>, vector<1x16xf32>,
      %swap3A_815 = vector.shape_cast %swap3A_814 : vector<1x16xf32> to vector<16xf32>
      %swap3A_816 = vector.shape_cast %get3A_810 : vector<16xf32> to vector<1x16xf32>
      tpu.vector_store %arg15[%swap3A_812, %swap3A_813], %swap3A_816 {strides = array<i32>} : memref<16x128xf32, #tpu.memory_space<vmem>>, vector<1x16xf32>,
      %get3A_817 = arith.constant 7 : i32
      %get3A_818 = arith.index_cast %get3A_817 : i32 to index
      %get3A_819 = arith.index_cast %squeeze3A_766 : i32 to index
      %get3A_820 = tpu.vector_load %arg13[%get3A_818, %get3A_819] {strides = array<i32>} : memref<16x128xf32, #tpu.memory_space<vmem>>, vector<1x16xf32>,
      %get3A_821 = vector.shape_cast %get3A_820 : vector<1x16xf32> to vector<16xf32>
      %swap3A_822 = arith.constant 7 : i32
      %swap3A_823 = arith.index_cast %swap3A_822 : i32 to index
      %swap3A_824 = arith.constant 64 : index
      %swap3A_825 = tpu.vector_load %arg15[%swap3A_823, %swap3A_824] {strides = array<i32>} : memref<16x128xf32, #tpu.memory_space<vmem>>, vector<1x16xf32>,
      %swap3A_826 = vector.shape_cast %swap3A_825 : vector<1x16xf32> to vector<16xf32>
      %swap3A_827 = vector.shape_cast %get3A_821 : vector<16xf32> to vector<1x16xf32>
      tpu.vector_store %arg15[%swap3A_823, %swap3A_824], %swap3A_827 {strides = array<i32>} : memref<16x128xf32, #tpu.memory_space<vmem>>, vector<1x16xf32>,
      %get3A_828 = arith.constant 7 : i32
      %get3A_829 = arith.index_cast %get3A_828 : i32 to index
      %get3A_830 = arith.index_cast %squeeze3A_768 : i32 to index
      %get3A_831 = tpu.vector_load %arg14[%get3A_829, %get3A_830] {strides = array<i32>} : memref<16x128xf32, #tpu.memory_space<vmem>>, vector<1x16xf32>,
      %get3A_832 = vector.shape_cast %get3A_831 : vector<1x16xf32> to vector<16xf32>
      %swap3A_833 = arith.constant 7 : i32
      %swap3A_834 = arith.index_cast %swap3A_833 : i32 to index
      %swap3A_835 = arith.constant 80 : index
      %swap3A_836 = tpu.vector_load %arg15[%swap3A_834, %swap3A_835] {strides = array<i32>} : memref<16x128xf32, #tpu.memory_space<vmem>>, vector<1x16xf32>,
      %swap3A_837 = vector.shape_cast %swap3A_836 : vector<1x16xf32> to vector<16xf32>
      %swap3A_838 = vector.shape_cast %get3A_832 : vector<16xf32> to vector<1x16xf32>
      tpu.vector_store %arg15[%swap3A_834, %swap3A_835], %swap3A_838 {strides = array<i32>} : memref<16x128xf32, #tpu.memory_space<vmem>>, vector<1x16xf32>,
      %slice3A_839 = vector.extract_strided_slice %shift_left3A_164 {offsets = [8], sizes = [1], strides = [1]} : vector<16xi32> to vector<1xi32>
      %squeeze3A_840 = vector.extract %slice3A_839[0] : i32 from vector<1xi32>
      %slice3A_841 = vector.extract_strided_slice %shift_left3A_173 {offsets = [8], sizes = [1], strides = [1]} : vector<16xi32> to vector<1xi32>
      %squeeze3A_842 = vector.extract %slice3A_841[0] : i32 from vector<1xi32>
      %slice3A_843 = vector.extract_strided_slice %shift_left3A_182 {offsets = [8], sizes = [1], strides = [1]} : vector<16xi32> to vector<1xi32>
      %squeeze3A_844 = vector.extract %slice3A_843[0] : i32 from vector<1xi32>
      %slice3A_845 = vector.extract_strided_slice %shift_left3A_191 {offsets = [8], sizes = [1], strides = [1]} : vector<16xi32> to vector<1xi32>
      %squeeze3A_846 = vector.extract %slice3A_845[0] : i32 from vector<1xi32>
      %get3A_847 = arith.constant 8 : i32
      %get3A_848 = arith.index_cast %get3A_847 : i32 to index
      %get3A_849 = arith.index_cast %squeeze3A_840 : i32 to index
      %get3A_850 = tpu.vector_load %arg11[%get3A_848, %get3A_849] {strides = array<i32>} : memref<16x128xf32, #tpu.memory_space<vmem>>, vector<1x16xf32>,
      %get3A_851 = vector.shape_cast %get3A_850 : vector<1x16xf32> to vector<16xf32>
      %swap3A_852 = arith.constant 8 : i32
      %swap3A_853 = arith.index_cast %swap3A_852 : i32 to index
      %swap3A_854 = arith.constant 0 : index
      %swap3A_855 = tpu.vector_load %arg15[%swap3A_853, %swap3A_854] {strides = array<i32>} : memref<16x128xf32, #tpu.memory_space<vmem>>, vector<1x16xf32>,
      %swap3A_856 = vector.shape_cast %swap3A_855 : vector<1x16xf32> to vector<16xf32>
      %swap3A_857 = vector.shape_cast %get3A_851 : vector<16xf32> to vector<1x16xf32>
      tpu.vector_store %arg15[%swap3A_853, %swap3A_854], %swap3A_857 {strides = array<i32>} : memref<16x128xf32, #tpu.memory_space<vmem>>, vector<1x16xf32>,
      %add3A_858 = arith.constant 16 : i32
      %add3A_859 = arith.addi %squeeze3A_840, %add3A_858 : i32
      %get3A_860 = arith.constant 8 : i32
      %get3A_861 = arith.index_cast %get3A_860 : i32 to index
      %get3A_862 = arith.index_cast %add3A_859 : i32 to index
      %get3A_863 = tpu.vector_load %arg11[%get3A_861, %get3A_862] {strides = array<i32>} : memref<16x128xf32, #tpu.memory_space<vmem>>, vector<1x16xf32>,
      %get3A_864 = vector.shape_cast %get3A_863 : vector<1x16xf32> to vector<16xf32>
      %swap3A_865 = arith.constant 8 : i32
      %swap3A_866 = arith.index_cast %swap3A_865 : i32 to index
      %swap3A_867 = arith.constant 16 : index
      %swap3A_868 = tpu.vector_load %arg15[%swap3A_866, %swap3A_867] {strides = array<i32>} : memref<16x128xf32, #tpu.memory_space<vmem>>, vector<1x16xf32>,
      %swap3A_869 = vector.shape_cast %swap3A_868 : vector<1x16xf32> to vector<16xf32>
      %swap3A_870 = vector.shape_cast %get3A_864 : vector<16xf32> to vector<1x16xf32>
      tpu.vector_store %arg15[%swap3A_866, %swap3A_867], %swap3A_870 {strides = array<i32>} : memref<16x128xf32, #tpu.memory_space<vmem>>, vector<1x16xf32>,
      %get3A_871 = arith.constant 8 : i32
      %get3A_872 = arith.index_cast %get3A_871 : i32 to index
      %get3A_873 = arith.index_cast %squeeze3A_842 : i32 to index
      %get3A_874 = tpu.vector_load %arg12[%get3A_872, %get3A_873] {strides = array<i32>} : memref<16x128xf32, #tpu.memory_space<vmem>>, vector<1x16xf32>,
      %get3A_875 = vector.shape_cast %get3A_874 : vector<1x16xf32> to vector<16xf32>
      %swap3A_876 = arith.constant 8 : i32
      %swap3A_877 = arith.index_cast %swap3A_876 : i32 to index
      %swap3A_878 = arith.constant 32 : index
      %swap3A_879 = tpu.vector_load %arg15[%swap3A_877, %swap3A_878] {strides = array<i32>} : memref<16x128xf32, #tpu.memory_space<vmem>>, vector<1x16xf32>,
      %swap3A_880 = vector.shape_cast %swap3A_879 : vector<1x16xf32> to vector<16xf32>
      %swap3A_881 = vector.shape_cast %get3A_875 : vector<16xf32> to vector<1x16xf32>
      tpu.vector_store %arg15[%swap3A_877, %swap3A_878], %swap3A_881 {strides = array<i32>} : memref<16x128xf32, #tpu.memory_space<vmem>>, vector<1x16xf32>,
      %add3A_882 = arith.constant 16 : i32
      %add3A_883 = arith.addi %squeeze3A_842, %add3A_882 : i32
      %get3A_884 = arith.constant 8 : i32
      %get3A_885 = arith.index_cast %get3A_884 : i32 to index
      %get3A_886 = arith.index_cast %add3A_883 : i32 to index
      %get3A_887 = tpu.vector_load %arg12[%get3A_885, %get3A_886] {strides = array<i32>} : memref<16x128xf32, #tpu.memory_space<vmem>>, vector<1x16xf32>,
      %get3A_888 = vector.shape_cast %get3A_887 : vector<1x16xf32> to vector<16xf32>
      %swap3A_889 = arith.constant 8 : i32
      %swap3A_890 = arith.index_cast %swap3A_889 : i32 to index
      %swap3A_891 = arith.constant 48 : index
      %swap3A_892 = tpu.vector_load %arg15[%swap3A_890, %swap3A_891] {strides = array<i32>} : memref<16x128xf32, #tpu.memory_space<vmem>>, vector<1x16xf32>,
      %swap3A_893 = vector.shape_cast %swap3A_892 : vector<1x16xf32> to vector<16xf32>
      %swap3A_894 = vector.shape_cast %get3A_888 : vector<16xf32> to vector<1x16xf32>
      tpu.vector_store %arg15[%swap3A_890, %swap3A_891], %swap3A_894 {strides = array<i32>} : memref<16x128xf32, #tpu.memory_space<vmem>>, vector<1x16xf32>,
      %get3A_895 = arith.constant 8 : i32
      %get3A_896 = arith.index_cast %get3A_895 : i32 to index
      %get3A_897 = arith.index_cast %squeeze3A_844 : i32 to index
      %get3A_898 = tpu.vector_load %arg13[%get3A_896, %get3A_897] {strides = array<i32>} : memref<16x128xf32, #tpu.memory_space<vmem>>, vector<1x16xf32>,
      %get3A_899 = vector.shape_cast %get3A_898 : vector<1x16xf32> to vector<16xf32>
      %swap3A_900 = arith.constant 8 : i32
      %swap3A_901 = arith.index_cast %swap3A_900 : i32 to index
      %swap3A_902 = arith.constant 64 : index
      %swap3A_903 = tpu.vector_load %arg15[%swap3A_901, %swap3A_902] {strides = array<i32>} : memref<16x128xf32, #tpu.memory_space<vmem>>, vector<1x16xf32>,
      %swap3A_904 = vector.shape_cast %swap3A_903 : vector<1x16xf32> to vector<16xf32>
      %swap3A_905 = vector.shape_cast %get3A_899 : vector<16xf32> to vector<1x16xf32>
      tpu.vector_store %arg15[%swap3A_901, %swap3A_902], %swap3A_905 {strides = array<i32>} : memref<16x128xf32, #tpu.memory_space<vmem>>, vector<1x16xf32>,
      %get3A_906 = arith.constant 8 : i32
      %get3A_907 = arith.index_cast %get3A_906 : i32 to index
      %get3A_908 = arith.index_cast %squeeze3A_846 : i32 to index
      %get3A_909 = tpu.vector_load %arg14[%get3A_907, %get3A_908] {strides = array<i32>} : memref<16x128xf32, #tpu.memory_space<vmem>>, vector<1x16xf32>,
      %get3A_910 = vector.shape_cast %get3A_909 : vector<1x16xf32> to vector<16xf32>
      %swap3A_911 = arith.constant 8 : i32
      %swap3A_912 = arith.index_cast %swap3A_911 : i32 to index
      %swap3A_913 = arith.constant 80 : index
      %swap3A_914 = tpu.vector_load %arg15[%swap3A_912, %swap3A_913] {strides = array<i32>} : memref<16x128xf32, #tpu.memory_space<vmem>>, vector<1x16xf32>,
      %swap3A_915 = vector.shape_cast %swap3A_914 : vector<1x16xf32> to vector<16xf32>
      %swap3A_916 = vector.shape_cast %get3A_910 : vector<16xf32> to vector<1x16xf32>
      tpu.vector_store %arg15[%swap3A_912, %swap3A_913], %swap3A_916 {strides = array<i32>} : memref<16x128xf32, #tpu.memory_space<vmem>>, vector<1x16xf32>,
      %slice3A_917 = vector.extract_strided_slice %shift_left3A_164 {offsets = [9], sizes = [1], strides = [1]} : vector<16xi32> to vector<1xi32>
      %squeeze3A_918 = vector.extract %slice3A_917[0] : i32 from vector<1xi32>
      %slice3A_919 = vector.extract_strided_slice %shift_left3A_173 {offsets = [9], sizes = [1], strides = [1]} : vector<16xi32> to vector<1xi32>
      %squeeze3A_920 = vector.extract %slice3A_919[0] : i32 from vector<1xi32>
      %slice3A_921 = vector.extract_strided_slice %shift_left3A_182 {offsets = [9], sizes = [1], strides = [1]} : vector<16xi32> to vector<1xi32>
      %squeeze3A_922 = vector.extract %slice3A_921[0] : i32 from vector<1xi32>
      %slice3A_923 = vector.extract_strided_slice %shift_left3A_191 {offsets = [9], sizes = [1], strides = [1]} : vector<16xi32> to vector<1xi32>
      %squeeze3A_924 = vector.extract %slice3A_923[0] : i32 from vector<1xi32>
      %get3A_925 = arith.constant 9 : i32
      %get3A_926 = arith.index_cast %get3A_925 : i32 to index
      %get3A_927 = arith.index_cast %squeeze3A_918 : i32 to index
      %get3A_928 = tpu.vector_load %arg11[%get3A_926, %get3A_927] {strides = array<i32>} : memref<16x128xf32, #tpu.memory_space<vmem>>, vector<1x16xf32>,
      %get3A_929 = vector.shape_cast %get3A_928 : vector<1x16xf32> to vector<16xf32>
      %swap3A_930 = arith.constant 9 : i32
      %swap3A_931 = arith.index_cast %swap3A_930 : i32 to index
      %swap3A_932 = arith.constant 0 : index
      %swap3A_933 = tpu.vector_load %arg15[%swap3A_931, %swap3A_932] {strides = array<i32>} : memref<16x128xf32, #tpu.memory_space<vmem>>, vector<1x16xf32>,
      %swap3A_934 = vector.shape_cast %swap3A_933 : vector<1x16xf32> to vector<16xf32>
      %swap3A_935 = vector.shape_cast %get3A_929 : vector<16xf32> to vector<1x16xf32>
      tpu.vector_store %arg15[%swap3A_931, %swap3A_932], %swap3A_935 {strides = array<i32>} : memref<16x128xf32, #tpu.memory_space<vmem>>, vector<1x16xf32>,
      %add3A_936 = arith.constant 16 : i32
      %add3A_937 = arith.addi %squeeze3A_918, %add3A_936 : i32
      %get3A_938 = arith.constant 9 : i32
      %get3A_939 = arith.index_cast %get3A_938 : i32 to index
      %get3A_940 = arith.index_cast %add3A_937 : i32 to index
      %get3A_941 = tpu.vector_load %arg11[%get3A_939, %get3A_940] {strides = array<i32>} : memref<16x128xf32, #tpu.memory_space<vmem>>, vector<1x16xf32>,
      %get3A_942 = vector.shape_cast %get3A_941 : vector<1x16xf32> to vector<16xf32>
      %swap3A_943 = arith.constant 9 : i32
      %swap3A_944 = arith.index_cast %swap3A_943 : i32 to index
      %swap3A_945 = arith.constant 16 : index
      %swap3A_946 = tpu.vector_load %arg15[%swap3A_944, %swap3A_945] {strides = array<i32>} : memref<16x128xf32, #tpu.memory_space<vmem>>, vector<1x16xf32>,
      %swap3A_947 = vector.shape_cast %swap3A_946 : vector<1x16xf32> to vector<16xf32>
      %swap3A_948 = vector.shape_cast %get3A_942 : vector<16xf32> to vector<1x16xf32>
      tpu.vector_store %arg15[%swap3A_944, %swap3A_945], %swap3A_948 {strides = array<i32>} : memref<16x128xf32, #tpu.memory_space<vmem>>, vector<1x16xf32>,
      %get3A_949 = arith.constant 9 : i32
      %get3A_950 = arith.index_cast %get3A_949 : i32 to index
      %get3A_951 = arith.index_cast %squeeze3A_920 : i32 to index
      %get3A_952 = tpu.vector_load %arg12[%get3A_950, %get3A_951] {strides = array<i32>} : memref<16x128xf32, #tpu.memory_space<vmem>>, vector<1x16xf32>,
      %get3A_953 = vector.shape_cast %get3A_952 : vector<1x16xf32> to vector<16xf32>
      %swap3A_954 = arith.constant 9 : i32
      %swap3A_955 = arith.index_cast %swap3A_954 : i32 to index
      %swap3A_956 = arith.constant 32 : index
      %swap3A_957 = tpu.vector_load %arg15[%swap3A_955, %swap3A_956] {strides = array<i32>} : memref<16x128xf32, #tpu.memory_space<vmem>>, vector<1x16xf32>,
      %swap3A_958 = vector.shape_cast %swap3A_957 : vector<1x16xf32> to vector<16xf32>
      %swap3A_959 = vector.shape_cast %get3A_953 : vector<16xf32> to vector<1x16xf32>
      tpu.vector_store %arg15[%swap3A_955, %swap3A_956], %swap3A_959 {strides = array<i32>} : memref<16x128xf32, #tpu.memory_space<vmem>>, vector<1x16xf32>,
      %add3A_960 = arith.constant 16 : i32
      %add3A_961 = arith.addi %squeeze3A_920, %add3A_960 : i32
      %get3A_962 = arith.constant 9 : i32
      %get3A_963 = arith.index_cast %get3A_962 : i32 to index
      %get3A_964 = arith.index_cast %add3A_961 : i32 to index
      %get3A_965 = tpu.vector_load %arg12[%get3A_963, %get3A_964] {strides = array<i32>} : memref<16x128xf32, #tpu.memory_space<vmem>>, vector<1x16xf32>,
      %get3A_966 = vector.shape_cast %get3A_965 : vector<1x16xf32> to vector<16xf32>
      %swap3A_967 = arith.constant 9 : i32
      %swap3A_968 = arith.index_cast %swap3A_967 : i32 to index
      %swap3A_969 = arith.constant 48 : index
      %swap3A_970 = tpu.vector_load %arg15[%swap3A_968, %swap3A_969] {strides = array<i32>} : memref<16x128xf32, #tpu.memory_space<vmem>>, vector<1x16xf32>,
      %swap3A_971 = vector.shape_cast %swap3A_970 : vector<1x16xf32> to vector<16xf32>
      %swap3A_972 = vector.shape_cast %get3A_966 : vector<16xf32> to vector<1x16xf32>
      tpu.vector_store %arg15[%swap3A_968, %swap3A_969], %swap3A_972 {strides = array<i32>} : memref<16x128xf32, #tpu.memory_space<vmem>>, vector<1x16xf32>,
      %get3A_973 = arith.constant 9 : i32
      %get3A_974 = arith.index_cast %get3A_973 : i32 to index
      %get3A_975 = arith.index_cast %squeeze3A_922 : i32 to index
      %get3A_976 = tpu.vector_load %arg13[%get3A_974, %get3A_975] {strides = array<i32>} : memref<16x128xf32, #tpu.memory_space<vmem>>, vector<1x16xf32>,
      %get3A_977 = vector.shape_cast %get3A_976 : vector<1x16xf32> to vector<16xf32>
      %swap3A_978 = arith.constant 9 : i32
      %swap3A_979 = arith.index_cast %swap3A_978 : i32 to index
      %swap3A_980 = arith.constant 64 : index
      %swap3A_981 = tpu.vector_load %arg15[%swap3A_979, %swap3A_980] {strides = array<i32>} : memref<16x128xf32, #tpu.memory_space<vmem>>, vector<1x16xf32>,
      %swap3A_982 = vector.shape_cast %swap3A_981 : vector<1x16xf32> to vector<16xf32>
      %swap3A_983 = vector.shape_cast %get3A_977 : vector<16xf32> to vector<1x16xf32>
      tpu.vector_store %arg15[%swap3A_979, %swap3A_980], %swap3A_983 {strides = array<i32>} : memref<16x128xf32, #tpu.memory_space<vmem>>, vector<1x16xf32>,
      %get3A_984 = arith.constant 9 : i32
      %get3A_985 = arith.index_cast %get3A_984 : i32 to index
      %get3A_986 = arith.index_cast %squeeze3A_924 : i32 to index
      %get3A_987 = tpu.vector_load %arg14[%get3A_985, %get3A_986] {strides = array<i32>} : memref<16x128xf32, #tpu.memory_space<vmem>>, vector<1x16xf32>,
      %get3A_988 = vector.shape_cast %get3A_987 : vector<1x16xf32> to vector<16xf32>
      %swap3A_989 = arith.constant 9 : i32
      %swap3A_990 = arith.index_cast %swap3A_989 : i32 to index
      %swap3A_991 = arith.constant 80 : index
      %swap3A_992 = tpu.vector_load %arg15[%swap3A_990, %swap3A_991] {strides = array<i32>} : memref<16x128xf32, #tpu.memory_space<vmem>>, vector<1x16xf32>,
      %swap3A_993 = vector.shape_cast %swap3A_992 : vector<1x16xf32> to vector<16xf32>
      %swap3A_994 = vector.shape_cast %get3A_988 : vector<16xf32> to vector<1x16xf32>
      tpu.vector_store %arg15[%swap3A_990, %swap3A_991], %swap3A_994 {strides = array<i32>} : memref<16x128xf32, #tpu.memory_space<vmem>>, vector<1x16xf32>,
      %slice3A_995 = vector.extract_strided_slice %shift_left3A_164 {offsets = [10], sizes = [1], strides = [1]} : vector<16xi32> to vector<1xi32>
      %squeeze3A_996 = vector.extract %slice3A_995[0] : i32 from vector<1xi32>
      %slice3A_997 = vector.extract_strided_slice %shift_left3A_173 {offsets = [10], sizes = [1], strides = [1]} : vector<16xi32> to vector<1xi32>
      %squeeze3A_998 = vector.extract %slice3A_997[0] : i32 from vector<1xi32>
      %slice3A_999 = vector.extract_strided_slice %shift_left3A_182 {offsets = [10], sizes = [1], strides = [1]} : vector<16xi32> to vector<1xi32>
      %squeeze3A_1000 = vector.extract %slice3A_999[0] : i32 from vector<1xi32>
      %slice3A_1001 = vector.extract_strided_slice %shift_left3A_191 {offsets = [10], sizes = [1], strides = [1]} : vector<16xi32> to vector<1xi32>
      %squeeze3A_1002 = vector.extract %slice3A_1001[0] : i32 from vector<1xi32>
      %get3A_1003 = arith.constant 10 : i32
      %get3A_1004 = arith.index_cast %get3A_1003 : i32 to index
      %get3A_1005 = arith.index_cast %squeeze3A_996 : i32 to index
      %get3A_1006 = tpu.vector_load %arg11[%get3A_1004, %get3A_1005] {strides = array<i32>} : memref<16x128xf32, #tpu.memory_space<vmem>>, vector<1x16xf32>,
      %get3A_1007 = vector.shape_cast %get3A_1006 : vector<1x16xf32> to vector<16xf32>
      %swap3A_1008 = arith.constant 10 : i32
      %swap3A_1009 = arith.index_cast %swap3A_1008 : i32 to index
      %swap3A_1010 = arith.constant 0 : index
      %swap3A_1011 = tpu.vector_load %arg15[%swap3A_1009, %swap3A_1010] {strides = array<i32>} : memref<16x128xf32, #tpu.memory_space<vmem>>, vector<1x16xf32>,
      %swap3A_1012 = vector.shape_cast %swap3A_1011 : vector<1x16xf32> to vector<16xf32>
      %swap3A_1013 = vector.shape_cast %get3A_1007 : vector<16xf32> to vector<1x16xf32>
      tpu.vector_store %arg15[%swap3A_1009, %swap3A_1010], %swap3A_1013 {strides = array<i32>} : memref<16x128xf32, #tpu.memory_space<vmem>>, vector<1x16xf32>,
      %add3A_1014 = arith.constant 16 : i32
      %add3A_1015 = arith.addi %squeeze3A_996, %add3A_1014 : i32
      %get3A_1016 = arith.constant 10 : i32
      %get3A_1017 = arith.index_cast %get3A_1016 : i32 to index
      %get3A_1018 = arith.index_cast %add3A_1015 : i32 to index
      %get3A_1019 = tpu.vector_load %arg11[%get3A_1017, %get3A_1018] {strides = array<i32>} : memref<16x128xf32, #tpu.memory_space<vmem>>, vector<1x16xf32>,
      %get3A_1020 = vector.shape_cast %get3A_1019 : vector<1x16xf32> to vector<16xf32>
      %swap3A_1021 = arith.constant 10 : i32
      %swap3A_1022 = arith.index_cast %swap3A_1021 : i32 to index
      %swap3A_1023 = arith.constant 16 : index
      %swap3A_1024 = tpu.vector_load %arg15[%swap3A_1022, %swap3A_1023] {strides = array<i32>} : memref<16x128xf32, #tpu.memory_space<vmem>>, vector<1x16xf32>,
      %swap3A_1025 = vector.shape_cast %swap3A_1024 : vector<1x16xf32> to vector<16xf32>
      %swap3A_1026 = vector.shape_cast %get3A_1020 : vector<16xf32> to vector<1x16xf32>
      tpu.vector_store %arg15[%swap3A_1022, %swap3A_1023], %swap3A_1026 {strides = array<i32>} : memref<16x128xf32, #tpu.memory_space<vmem>>, vector<1x16xf32>,
      %get3A_1027 = arith.constant 10 : i32
      %get3A_1028 = arith.index_cast %get3A_1027 : i32 to index
      %get3A_1029 = arith.index_cast %squeeze3A_998 : i32 to index
      %get3A_1030 = tpu.vector_load %arg12[%get3A_1028, %get3A_1029] {strides = array<i32>} : memref<16x128xf32, #tpu.memory_space<vmem>>, vector<1x16xf32>,
      %get3A_1031 = vector.shape_cast %get3A_1030 : vector<1x16xf32> to vector<16xf32>
      %swap3A_1032 = arith.constant 10 : i32
      %swap3A_1033 = arith.index_cast %swap3A_1032 : i32 to index
      %swap3A_1034 = arith.constant 32 : index
      %swap3A_1035 = tpu.vector_load %arg15[%swap3A_1033, %swap3A_1034] {strides = array<i32>} : memref<16x128xf32, #tpu.memory_space<vmem>>, vector<1x16xf32>,
      %swap3A_1036 = vector.shape_cast %swap3A_1035 : vector<1x16xf32> to vector<16xf32>
      %swap3A_1037 = vector.shape_cast %get3A_1031 : vector<16xf32> to vector<1x16xf32>
      tpu.vector_store %arg15[%swap3A_1033, %swap3A_1034], %swap3A_1037 {strides = array<i32>} : memref<16x128xf32, #tpu.memory_space<vmem>>, vector<1x16xf32>,
      %add3A_1038 = arith.constant 16 : i32
      %add3A_1039 = arith.addi %squeeze3A_998, %add3A_1038 : i32
      %get3A_1040 = arith.constant 10 : i32
      %get3A_1041 = arith.index_cast %get3A_1040 : i32 to index
      %get3A_1042 = arith.index_cast %add3A_1039 : i32 to index
      %get3A_1043 = tpu.vector_load %arg12[%get3A_1041, %get3A_1042] {strides = array<i32>} : memref<16x128xf32, #tpu.memory_space<vmem>>, vector<1x16xf32>,
      %get3A_1044 = vector.shape_cast %get3A_1043 : vector<1x16xf32> to vector<16xf32>
      %swap3A_1045 = arith.constant 10 : i32
      %swap3A_1046 = arith.index_cast %swap3A_1045 : i32 to index
      %swap3A_1047 = arith.constant 48 : index
      %swap3A_1048 = tpu.vector_load %arg15[%swap3A_1046, %swap3A_1047] {strides = array<i32>} : memref<16x128xf32, #tpu.memory_space<vmem>>, vector<1x16xf32>,
      %swap3A_1049 = vector.shape_cast %swap3A_1048 : vector<1x16xf32> to vector<16xf32>
      %swap3A_1050 = vector.shape_cast %get3A_1044 : vector<16xf32> to vector<1x16xf32>
      tpu.vector_store %arg15[%swap3A_1046, %swap3A_1047], %swap3A_1050 {strides = array<i32>} : memref<16x128xf32, #tpu.memory_space<vmem>>, vector<1x16xf32>,
      %get3A_1051 = arith.constant 10 : i32
      %get3A_1052 = arith.index_cast %get3A_1051 : i32 to index
      %get3A_1053 = arith.index_cast %squeeze3A_1000 : i32 to index
      %get3A_1054 = tpu.vector_load %arg13[%get3A_1052, %get3A_1053] {strides = array<i32>} : memref<16x128xf32, #tpu.memory_space<vmem>>, vector<1x16xf32>,
      %get3A_1055 = vector.shape_cast %get3A_1054 : vector<1x16xf32> to vector<16xf32>
      %swap3A_1056 = arith.constant 10 : i32
      %swap3A_1057 = arith.index_cast %swap3A_1056 : i32 to index
      %swap3A_1058 = arith.constant 64 : index
      %swap3A_1059 = tpu.vector_load %arg15[%swap3A_1057, %swap3A_1058] {strides = array<i32>} : memref<16x128xf32, #tpu.memory_space<vmem>>, vector<1x16xf32>,
      %swap3A_1060 = vector.shape_cast %swap3A_1059 : vector<1x16xf32> to vector<16xf32>
      %swap3A_1061 = vector.shape_cast %get3A_1055 : vector<16xf32> to vector<1x16xf32>
      tpu.vector_store %arg15[%swap3A_1057, %swap3A_1058], %swap3A_1061 {strides = array<i32>} : memref<16x128xf32, #tpu.memory_space<vmem>>, vector<1x16xf32>,
      %get3A_1062 = arith.constant 10 : i32
      %get3A_1063 = arith.index_cast %get3A_1062 : i32 to index
      %get3A_1064 = arith.index_cast %squeeze3A_1002 : i32 to index
      %get3A_1065 = tpu.vector_load %arg14[%get3A_1063, %get3A_1064] {strides = array<i32>} : memref<16x128xf32, #tpu.memory_space<vmem>>, vector<1x16xf32>,
      %get3A_1066 = vector.shape_cast %get3A_1065 : vector<1x16xf32> to vector<16xf32>
      %swap3A_1067 = arith.constant 10 : i32
      %swap3A_1068 = arith.index_cast %swap3A_1067 : i32 to index
      %swap3A_1069 = arith.constant 80 : index
      %swap3A_1070 = tpu.vector_load %arg15[%swap3A_1068, %swap3A_1069] {strides = array<i32>} : memref<16x128xf32, #tpu.memory_space<vmem>>, vector<1x16xf32>,
      %swap3A_1071 = vector.shape_cast %swap3A_1070 : vector<1x16xf32> to vector<16xf32>
      %swap3A_1072 = vector.shape_cast %get3A_1066 : vector<16xf32> to vector<1x16xf32>
      tpu.vector_store %arg15[%swap3A_1068, %swap3A_1069], %swap3A_1072 {strides = array<i32>} : memref<16x128xf32, #tpu.memory_space<vmem>>, vector<1x16xf32>,
      %slice3A_1073 = vector.extract_strided_slice %shift_left3A_164 {offsets = [11], sizes = [1], strides = [1]} : vector<16xi32> to vector<1xi32>
      %squeeze3A_1074 = vector.extract %slice3A_1073[0] : i32 from vector<1xi32>
      %slice3A_1075 = vector.extract_strided_slice %shift_left3A_173 {offsets = [11], sizes = [1], strides = [1]} : vector<16xi32> to vector<1xi32>
      %squeeze3A_1076 = vector.extract %slice3A_1075[0] : i32 from vector<1xi32>
      %slice3A_1077 = vector.extract_strided_slice %shift_left3A_182 {offsets = [11], sizes = [1], strides = [1]} : vector<16xi32> to vector<1xi32>
      %squeeze3A_1078 = vector.extract %slice3A_1077[0] : i32 from vector<1xi32>
      %slice3A_1079 = vector.extract_strided_slice %shift_left3A_191 {offsets = [11], sizes = [1], strides = [1]} : vector<16xi32> to vector<1xi32>
      %squeeze3A_1080 = vector.extract %slice3A_1079[0] : i32 from vector<1xi32>
      %get3A_1081 = arith.constant 11 : i32
      %get3A_1082 = arith.index_cast %get3A_1081 : i32 to index
      %get3A_1083 = arith.index_cast %squeeze3A_1074 : i32 to index
      %get3A_1084 = tpu.vector_load %arg11[%get3A_1082, %get3A_1083] {strides = array<i32>} : memref<16x128xf32, #tpu.memory_space<vmem>>, vector<1x16xf32>,
      %get3A_1085 = vector.shape_cast %get3A_1084 : vector<1x16xf32> to vector<16xf32>
      %swap3A_1086 = arith.constant 11 : i32
      %swap3A_1087 = arith.index_cast %swap3A_1086 : i32 to index
      %swap3A_1088 = arith.constant 0 : index
      %swap3A_1089 = tpu.vector_load %arg15[%swap3A_1087, %swap3A_1088] {strides = array<i32>} : memref<16x128xf32, #tpu.memory_space<vmem>>, vector<1x16xf32>,
      %swap3A_1090 = vector.shape_cast %swap3A_1089 : vector<1x16xf32> to vector<16xf32>
      %swap3A_1091 = vector.shape_cast %get3A_1085 : vector<16xf32> to vector<1x16xf32>
      tpu.vector_store %arg15[%swap3A_1087, %swap3A_1088], %swap3A_1091 {strides = array<i32>} : memref<16x128xf32, #tpu.memory_space<vmem>>, vector<1x16xf32>,
      %add3A_1092 = arith.constant 16 : i32
      %add3A_1093 = arith.addi %squeeze3A_1074, %add3A_1092 : i32
      %get3A_1094 = arith.constant 11 : i32
      %get3A_1095 = arith.index_cast %get3A_1094 : i32 to index
      %get3A_1096 = arith.index_cast %add3A_1093 : i32 to index
      %get3A_1097 = tpu.vector_load %arg11[%get3A_1095, %get3A_1096] {strides = array<i32>} : memref<16x128xf32, #tpu.memory_space<vmem>>, vector<1x16xf32>,
      %get3A_1098 = vector.shape_cast %get3A_1097 : vector<1x16xf32> to vector<16xf32>
      %swap3A_1099 = arith.constant 11 : i32
      %swap3A_1100 = arith.index_cast %swap3A_1099 : i32 to index
      %swap3A_1101 = arith.constant 16 : index
      %swap3A_1102 = tpu.vector_load %arg15[%swap3A_1100, %swap3A_1101] {strides = array<i32>} : memref<16x128xf32, #tpu.memory_space<vmem>>, vector<1x16xf32>,
      %swap3A_1103 = vector.shape_cast %swap3A_1102 : vector<1x16xf32> to vector<16xf32>
      %swap3A_1104 = vector.shape_cast %get3A_1098 : vector<16xf32> to vector<1x16xf32>
      tpu.vector_store %arg15[%swap3A_1100, %swap3A_1101], %swap3A_1104 {strides = array<i32>} : memref<16x128xf32, #tpu.memory_space<vmem>>, vector<1x16xf32>,
      %get3A_1105 = arith.constant 11 : i32
      %get3A_1106 = arith.index_cast %get3A_1105 : i32 to index
      %get3A_1107 = arith.index_cast %squeeze3A_1076 : i32 to index
      %get3A_1108 = tpu.vector_load %arg12[%get3A_1106, %get3A_1107] {strides = array<i32>} : memref<16x128xf32, #tpu.memory_space<vmem>>, vector<1x16xf32>,
      %get3A_1109 = vector.shape_cast %get3A_1108 : vector<1x16xf32> to vector<16xf32>
      %swap3A_1110 = arith.constant 11 : i32
      %swap3A_1111 = arith.index_cast %swap3A_1110 : i32 to index
      %swap3A_1112 = arith.constant 32 : index
      %swap3A_1113 = tpu.vector_load %arg15[%swap3A_1111, %swap3A_1112] {strides = array<i32>} : memref<16x128xf32, #tpu.memory_space<vmem>>, vector<1x16xf32>,
      %swap3A_1114 = vector.shape_cast %swap3A_1113 : vector<1x16xf32> to vector<16xf32>
      %swap3A_1115 = vector.shape_cast %get3A_1109 : vector<16xf32> to vector<1x16xf32>
      tpu.vector_store %arg15[%swap3A_1111, %swap3A_1112], %swap3A_1115 {strides = array<i32>} : memref<16x128xf32, #tpu.memory_space<vmem>>, vector<1x16xf32>,
      %add3A_1116 = arith.constant 16 : i32
      %add3A_1117 = arith.addi %squeeze3A_1076, %add3A_1116 : i32
      %get3A_1118 = arith.constant 11 : i32
      %get3A_1119 = arith.index_cast %get3A_1118 : i32 to index
      %get3A_1120 = arith.index_cast %add3A_1117 : i32 to index
      %get3A_1121 = tpu.vector_load %arg12[%get3A_1119, %get3A_1120] {strides = array<i32>} : memref<16x128xf32, #tpu.memory_space<vmem>>, vector<1x16xf32>,
      %get3A_1122 = vector.shape_cast %get3A_1121 : vector<1x16xf32> to vector<16xf32>
      %swap3A_1123 = arith.constant 11 : i32
      %swap3A_1124 = arith.index_cast %swap3A_1123 : i32 to index
      %swap3A_1125 = arith.constant 48 : index
      %swap3A_1126 = tpu.vector_load %arg15[%swap3A_1124, %swap3A_1125] {strides = array<i32>} : memref<16x128xf32, #tpu.memory_space<vmem>>, vector<1x16xf32>,
      %swap3A_1127 = vector.shape_cast %swap3A_1126 : vector<1x16xf32> to vector<16xf32>
      %swap3A_1128 = vector.shape_cast %get3A_1122 : vector<16xf32> to vector<1x16xf32>
      tpu.vector_store %arg15[%swap3A_1124, %swap3A_1125], %swap3A_1128 {strides = array<i32>} : memref<16x128xf32, #tpu.memory_space<vmem>>, vector<1x16xf32>,
      %get3A_1129 = arith.constant 11 : i32
      %get3A_1130 = arith.index_cast %get3A_1129 : i32 to index
      %get3A_1131 = arith.index_cast %squeeze3A_1078 : i32 to index
      %get3A_1132 = tpu.vector_load %arg13[%get3A_1130, %get3A_1131] {strides = array<i32>} : memref<16x128xf32, #tpu.memory_space<vmem>>, vector<1x16xf32>,
      %get3A_1133 = vector.shape_cast %get3A_1132 : vector<1x16xf32> to vector<16xf32>
      %swap3A_1134 = arith.constant 11 : i32
      %swap3A_1135 = arith.index_cast %swap3A_1134 : i32 to index
      %swap3A_1136 = arith.constant 64 : index
      %swap3A_1137 = tpu.vector_load %arg15[%swap3A_1135, %swap3A_1136] {strides = array<i32>} : memref<16x128xf32, #tpu.memory_space<vmem>>, vector<1x16xf32>,
      %swap3A_1138 = vector.shape_cast %swap3A_1137 : vector<1x16xf32> to vector<16xf32>
      %swap3A_1139 = vector.shape_cast %get3A_1133 : vector<16xf32> to vector<1x16xf32>
      tpu.vector_store %arg15[%swap3A_1135, %swap3A_1136], %swap3A_1139 {strides = array<i32>} : memref<16x128xf32, #tpu.memory_space<vmem>>, vector<1x16xf32>,
      %get3A_1140 = arith.constant 11 : i32
      %get3A_1141 = arith.index_cast %get3A_1140 : i32 to index
      %get3A_1142 = arith.index_cast %squeeze3A_1080 : i32 to index
      %get3A_1143 = tpu.vector_load %arg14[%get3A_1141, %get3A_1142] {strides = array<i32>} : memref<16x128xf32, #tpu.memory_space<vmem>>, vector<1x16xf32>,
      %get3A_1144 = vector.shape_cast %get3A_1143 : vector<1x16xf32> to vector<16xf32>
      %swap3A_1145 = arith.constant 11 : i32
      %swap3A_1146 = arith.index_cast %swap3A_1145 : i32 to index
      %swap3A_1147 = arith.constant 80 : index
      %swap3A_1148 = tpu.vector_load %arg15[%swap3A_1146, %swap3A_1147] {strides = array<i32>} : memref<16x128xf32, #tpu.memory_space<vmem>>, vector<1x16xf32>,
      %swap3A_1149 = vector.shape_cast %swap3A_1148 : vector<1x16xf32> to vector<16xf32>
      %swap3A_1150 = vector.shape_cast %get3A_1144 : vector<16xf32> to vector<1x16xf32>
      tpu.vector_store %arg15[%swap3A_1146, %swap3A_1147], %swap3A_1150 {strides = array<i32>} : memref<16x128xf32, #tpu.memory_space<vmem>>, vector<1x16xf32>,
      %slice3A_1151 = vector.extract_strided_slice %shift_left3A_164 {offsets = [12], sizes = [1], strides = [1]} : vector<16xi32> to vector<1xi32>
      %squeeze3A_1152 = vector.extract %slice3A_1151[0] : i32 from vector<1xi32>
      %slice3A_1153 = vector.extract_strided_slice %shift_left3A_173 {offsets = [12], sizes = [1], strides = [1]} : vector<16xi32> to vector<1xi32>
      %squeeze3A_1154 = vector.extract %slice3A_1153[0] : i32 from vector<1xi32>
      %slice3A_1155 = vector.extract_strided_slice %shift_left3A_182 {offsets = [12], sizes = [1], strides = [1]} : vector<16xi32> to vector<1xi32>
      %squeeze3A_1156 = vector.extract %slice3A_1155[0] : i32 from vector<1xi32>
      %slice3A_1157 = vector.extract_strided_slice %shift_left3A_191 {offsets = [12], sizes = [1], strides = [1]} : vector<16xi32> to vector<1xi32>
      %squeeze3A_1158 = vector.extract %slice3A_1157[0] : i32 from vector<1xi32>
      %get3A_1159 = arith.constant 12 : i32
      %get3A_1160 = arith.index_cast %get3A_1159 : i32 to index
      %get3A_1161 = arith.index_cast %squeeze3A_1152 : i32 to index
      %get3A_1162 = tpu.vector_load %arg11[%get3A_1160, %get3A_1161] {strides = array<i32>} : memref<16x128xf32, #tpu.memory_space<vmem>>, vector<1x16xf32>,
      %get3A_1163 = vector.shape_cast %get3A_1162 : vector<1x16xf32> to vector<16xf32>
      %swap3A_1164 = arith.constant 12 : i32
      %swap3A_1165 = arith.index_cast %swap3A_1164 : i32 to index
      %swap3A_1166 = arith.constant 0 : index
      %swap3A_1167 = tpu.vector_load %arg15[%swap3A_1165, %swap3A_1166] {strides = array<i32>} : memref<16x128xf32, #tpu.memory_space<vmem>>, vector<1x16xf32>,
      %swap3A_1168 = vector.shape_cast %swap3A_1167 : vector<1x16xf32> to vector<16xf32>
      %swap3A_1169 = vector.shape_cast %get3A_1163 : vector<16xf32> to vector<1x16xf32>
      tpu.vector_store %arg15[%swap3A_1165, %swap3A_1166], %swap3A_1169 {strides = array<i32>} : memref<16x128xf32, #tpu.memory_space<vmem>>, vector<1x16xf32>,
      %add3A_1170 = arith.constant 16 : i32
      %add3A_1171 = arith.addi %squeeze3A_1152, %add3A_1170 : i32
      %get3A_1172 = arith.constant 12 : i32
      %get3A_1173 = arith.index_cast %get3A_1172 : i32 to index
      %get3A_1174 = arith.index_cast %add3A_1171 : i32 to index
      %get3A_1175 = tpu.vector_load %arg11[%get3A_1173, %get3A_1174] {strides = array<i32>} : memref<16x128xf32, #tpu.memory_space<vmem>>, vector<1x16xf32>,
      %get3A_1176 = vector.shape_cast %get3A_1175 : vector<1x16xf32> to vector<16xf32>
      %swap3A_1177 = arith.constant 12 : i32
      %swap3A_1178 = arith.index_cast %swap3A_1177 : i32 to index
      %swap3A_1179 = arith.constant 16 : index
      %swap3A_1180 = tpu.vector_load %arg15[%swap3A_1178, %swap3A_1179] {strides = array<i32>} : memref<16x128xf32, #tpu.memory_space<vmem>>, vector<1x16xf32>,
      %swap3A_1181 = vector.shape_cast %swap3A_1180 : vector<1x16xf32> to vector<16xf32>
      %swap3A_1182 = vector.shape_cast %get3A_1176 : vector<16xf32> to vector<1x16xf32>
      tpu.vector_store %arg15[%swap3A_1178, %swap3A_1179], %swap3A_1182 {strides = array<i32>} : memref<16x128xf32, #tpu.memory_space<vmem>>, vector<1x16xf32>,
      %get3A_1183 = arith.constant 12 : i32
      %get3A_1184 = arith.index_cast %get3A_1183 : i32 to index
      %get3A_1185 = arith.index_cast %squeeze3A_1154 : i32 to index
      %get3A_1186 = tpu.vector_load %arg12[%get3A_1184, %get3A_1185] {strides = array<i32>} : memref<16x128xf32, #tpu.memory_space<vmem>>, vector<1x16xf32>,
      %get3A_1187 = vector.shape_cast %get3A_1186 : vector<1x16xf32> to vector<16xf32>
      %swap3A_1188 = arith.constant 12 : i32
      %swap3A_1189 = arith.index_cast %swap3A_1188 : i32 to index
      %swap3A_1190 = arith.constant 32 : index
      %swap3A_1191 = tpu.vector_load %arg15[%swap3A_1189, %swap3A_1190] {strides = array<i32>} : memref<16x128xf32, #tpu.memory_space<vmem>>, vector<1x16xf32>,
      %swap3A_1192 = vector.shape_cast %swap3A_1191 : vector<1x16xf32> to vector<16xf32>
      %swap3A_1193 = vector.shape_cast %get3A_1187 : vector<16xf32> to vector<1x16xf32>
      tpu.vector_store %arg15[%swap3A_1189, %swap3A_1190], %swap3A_1193 {strides = array<i32>} : memref<16x128xf32, #tpu.memory_space<vmem>>, vector<1x16xf32>,
      %add3A_1194 = arith.constant 16 : i32
      %add3A_1195 = arith.addi %squeeze3A_1154, %add3A_1194 : i32
      %get3A_1196 = arith.constant 12 : i32
      %get3A_1197 = arith.index_cast %get3A_1196 : i32 to index
      %get3A_1198 = arith.index_cast %add3A_1195 : i32 to index
      %get3A_1199 = tpu.vector_load %arg12[%get3A_1197, %get3A_1198] {strides = array<i32>} : memref<16x128xf32, #tpu.memory_space<vmem>>, vector<1x16xf32>,
      %get3A_1200 = vector.shape_cast %get3A_1199 : vector<1x16xf32> to vector<16xf32>
      %swap3A_1201 = arith.constant 12 : i32
      %swap3A_1202 = arith.index_cast %swap3A_1201 : i32 to index
      %swap3A_1203 = arith.constant 48 : index
      %swap3A_1204 = tpu.vector_load %arg15[%swap3A_1202, %swap3A_1203] {strides = array<i32>} : memref<16x128xf32, #tpu.memory_space<vmem>>, vector<1x16xf32>,
      %swap3A_1205 = vector.shape_cast %swap3A_1204 : vector<1x16xf32> to vector<16xf32>
      %swap3A_1206 = vector.shape_cast %get3A_1200 : vector<16xf32> to vector<1x16xf32>
      tpu.vector_store %arg15[%swap3A_1202, %swap3A_1203], %swap3A_1206 {strides = array<i32>} : memref<16x128xf32, #tpu.memory_space<vmem>>, vector<1x16xf32>,
      %get3A_1207 = arith.constant 12 : i32
      %get3A_1208 = arith.index_cast %get3A_1207 : i32 to index
      %get3A_1209 = arith.index_cast %squeeze3A_1156 : i32 to index
      %get3A_1210 = tpu.vector_load %arg13[%get3A_1208, %get3A_1209] {strides = array<i32>} : memref<16x128xf32, #tpu.memory_space<vmem>>, vector<1x16xf32>,
      %get3A_1211 = vector.shape_cast %get3A_1210 : vector<1x16xf32> to vector<16xf32>
      %swap3A_1212 = arith.constant 12 : i32
      %swap3A_1213 = arith.index_cast %swap3A_1212 : i32 to index
      %swap3A_1214 = arith.constant 64 : index
      %swap3A_1215 = tpu.vector_load %arg15[%swap3A_1213, %swap3A_1214] {strides = array<i32>} : memref<16x128xf32, #tpu.memory_space<vmem>>, vector<1x16xf32>,
      %swap3A_1216 = vector.shape_cast %swap3A_1215 : vector<1x16xf32> to vector<16xf32>
      %swap3A_1217 = vector.shape_cast %get3A_1211 : vector<16xf32> to vector<1x16xf32>
      tpu.vector_store %arg15[%swap3A_1213, %swap3A_1214], %swap3A_1217 {strides = array<i32>} : memref<16x128xf32, #tpu.memory_space<vmem>>, vector<1x16xf32>,
      %get3A_1218 = arith.constant 12 : i32
      %get3A_1219 = arith.index_cast %get3A_1218 : i32 to index
      %get3A_1220 = arith.index_cast %squeeze3A_1158 : i32 to index
      %get3A_1221 = tpu.vector_load %arg14[%get3A_1219, %get3A_1220] {strides = array<i32>} : memref<16x128xf32, #tpu.memory_space<vmem>>, vector<1x16xf32>,
      %get3A_1222 = vector.shape_cast %get3A_1221 : vector<1x16xf32> to vector<16xf32>
      %swap3A_1223 = arith.constant 12 : i32
      %swap3A_1224 = arith.index_cast %swap3A_1223 : i32 to index
      %swap3A_1225 = arith.constant 80 : index
      %swap3A_1226 = tpu.vector_load %arg15[%swap3A_1224, %swap3A_1225] {strides = array<i32>} : memref<16x128xf32, #tpu.memory_space<vmem>>, vector<1x16xf32>,
      %swap3A_1227 = vector.shape_cast %swap3A_1226 : vector<1x16xf32> to vector<16xf32>
      %swap3A_1228 = vector.shape_cast %get3A_1222 : vector<16xf32> to vector<1x16xf32>
      tpu.vector_store %arg15[%swap3A_1224, %swap3A_1225], %swap3A_1228 {strides = array<i32>} : memref<16x128xf32, #tpu.memory_space<vmem>>, vector<1x16xf32>,
      %slice3A_1229 = vector.extract_strided_slice %shift_left3A_164 {offsets = [13], sizes = [1], strides = [1]} : vector<16xi32> to vector<1xi32>
      %squeeze3A_1230 = vector.extract %slice3A_1229[0] : i32 from vector<1xi32>
      %slice3A_1231 = vector.extract_strided_slice %shift_left3A_173 {offsets = [13], sizes = [1], strides = [1]} : vector<16xi32> to vector<1xi32>
      %squeeze3A_1232 = vector.extract %slice3A_1231[0] : i32 from vector<1xi32>
      %slice3A_1233 = vector.extract_strided_slice %shift_left3A_182 {offsets = [13], sizes = [1], strides = [1]} : vector<16xi32> to vector<1xi32>
      %squeeze3A_1234 = vector.extract %slice3A_1233[0] : i32 from vector<1xi32>
      %slice3A_1235 = vector.extract_strided_slice %shift_left3A_191 {offsets = [13], sizes = [1], strides = [1]} : vector<16xi32> to vector<1xi32>
      %squeeze3A_1236 = vector.extract %slice3A_1235[0] : i32 from vector<1xi32>
      %get3A_1237 = arith.constant 13 : i32
      %get3A_1238 = arith.index_cast %get3A_1237 : i32 to index
      %get3A_1239 = arith.index_cast %squeeze3A_1230 : i32 to index
      %get3A_1240 = tpu.vector_load %arg11[%get3A_1238, %get3A_1239] {strides = array<i32>} : memref<16x128xf32, #tpu.memory_space<vmem>>, vector<1x16xf32>,
      %get3A_1241 = vector.shape_cast %get3A_1240 : vector<1x16xf32> to vector<16xf32>
      %swap3A_1242 = arith.constant 13 : i32
      %swap3A_1243 = arith.index_cast %swap3A_1242 : i32 to index
      %swap3A_1244 = arith.constant 0 : index
      %swap3A_1245 = tpu.vector_load %arg15[%swap3A_1243, %swap3A_1244] {strides = array<i32>} : memref<16x128xf32, #tpu.memory_space<vmem>>, vector<1x16xf32>,
      %swap3A_1246 = vector.shape_cast %swap3A_1245 : vector<1x16xf32> to vector<16xf32>
      %swap3A_1247 = vector.shape_cast %get3A_1241 : vector<16xf32> to vector<1x16xf32>
      tpu.vector_store %arg15[%swap3A_1243, %swap3A_1244], %swap3A_1247 {strides = array<i32>} : memref<16x128xf32, #tpu.memory_space<vmem>>, vector<1x16xf32>,
      %add3A_1248 = arith.constant 16 : i32
      %add3A_1249 = arith.addi %squeeze3A_1230, %add3A_1248 : i32
      %get3A_1250 = arith.constant 13 : i32
      %get3A_1251 = arith.index_cast %get3A_1250 : i32 to index
      %get3A_1252 = arith.index_cast %add3A_1249 : i32 to index
      %get3A_1253 = tpu.vector_load %arg11[%get3A_1251, %get3A_1252] {strides = array<i32>} : memref<16x128xf32, #tpu.memory_space<vmem>>, vector<1x16xf32>,
      %get3A_1254 = vector.shape_cast %get3A_1253 : vector<1x16xf32> to vector<16xf32>
      %swap3A_1255 = arith.constant 13 : i32
      %swap3A_1256 = arith.index_cast %swap3A_1255 : i32 to index
      %swap3A_1257 = arith.constant 16 : index
      %swap3A_1258 = tpu.vector_load %arg15[%swap3A_1256, %swap3A_1257] {strides = array<i32>} : memref<16x128xf32, #tpu.memory_space<vmem>>, vector<1x16xf32>,
      %swap3A_1259 = vector.shape_cast %swap3A_1258 : vector<1x16xf32> to vector<16xf32>
      %swap3A_1260 = vector.shape_cast %get3A_1254 : vector<16xf32> to vector<1x16xf32>
      tpu.vector_store %arg15[%swap3A_1256, %swap3A_1257], %swap3A_1260 {strides = array<i32>} : memref<16x128xf32, #tpu.memory_space<vmem>>, vector<1x16xf32>,
      %get3A_1261 = arith.constant 13 : i32
      %get3A_1262 = arith.index_cast %get3A_1261 : i32 to index
      %get3A_1263 = arith.index_cast %squeeze3A_1232 : i32 to index
      %get3A_1264 = tpu.vector_load %arg12[%get3A_1262, %get3A_1263] {strides = array<i32>} : memref<16x128xf32, #tpu.memory_space<vmem>>, vector<1x16xf32>,
      %get3A_1265 = vector.shape_cast %get3A_1264 : vector<1x16xf32> to vector<16xf32>
      %swap3A_1266 = arith.constant 13 : i32
      %swap3A_1267 = arith.index_cast %swap3A_1266 : i32 to index
      %swap3A_1268 = arith.constant 32 : index
      %swap3A_1269 = tpu.vector_load %arg15[%swap3A_1267, %swap3A_1268] {strides = array<i32>} : memref<16x128xf32, #tpu.memory_space<vmem>>, vector<1x16xf32>,
      %swap3A_1270 = vector.shape_cast %swap3A_1269 : vector<1x16xf32> to vector<16xf32>
      %swap3A_1271 = vector.shape_cast %get3A_1265 : vector<16xf32> to vector<1x16xf32>
      tpu.vector_store %arg15[%swap3A_1267, %swap3A_1268], %swap3A_1271 {strides = array<i32>} : memref<16x128xf32, #tpu.memory_space<vmem>>, vector<1x16xf32>,
      %add3A_1272 = arith.constant 16 : i32
      %add3A_1273 = arith.addi %squeeze3A_1232, %add3A_1272 : i32
      %get3A_1274 = arith.constant 13 : i32
      %get3A_1275 = arith.index_cast %get3A_1274 : i32 to index
      %get3A_1276 = arith.index_cast %add3A_1273 : i32 to index
      %get3A_1277 = tpu.vector_load %arg12[%get3A_1275, %get3A_1276] {strides = array<i32>} : memref<16x128xf32, #tpu.memory_space<vmem>>, vector<1x16xf32>,
      %get3A_1278 = vector.shape_cast %get3A_1277 : vector<1x16xf32> to vector<16xf32>
      %swap3A_1279 = arith.constant 13 : i32
      %swap3A_1280 = arith.index_cast %swap3A_1279 : i32 to index
      %swap3A_1281 = arith.constant 48 : index
      %swap3A_1282 = tpu.vector_load %arg15[%swap3A_1280, %swap3A_1281] {strides = array<i32>} : memref<16x128xf32, #tpu.memory_space<vmem>>, vector<1x16xf32>,
      %swap3A_1283 = vector.shape_cast %swap3A_1282 : vector<1x16xf32> to vector<16xf32>
      %swap3A_1284 = vector.shape_cast %get3A_1278 : vector<16xf32> to vector<1x16xf32>
      tpu.vector_store %arg15[%swap3A_1280, %swap3A_1281], %swap3A_1284 {strides = array<i32>} : memref<16x128xf32, #tpu.memory_space<vmem>>, vector<1x16xf32>,
      %get3A_1285 = arith.constant 13 : i32
      %get3A_1286 = arith.index_cast %get3A_1285 : i32 to index
      %get3A_1287 = arith.index_cast %squeeze3A_1234 : i32 to index
      %get3A_1288 = tpu.vector_load %arg13[%get3A_1286, %get3A_1287] {strides = array<i32>} : memref<16x128xf32, #tpu.memory_space<vmem>>, vector<1x16xf32>,
      %get3A_1289 = vector.shape_cast %get3A_1288 : vector<1x16xf32> to vector<16xf32>
      %swap3A_1290 = arith.constant 13 : i32
      %swap3A_1291 = arith.index_cast %swap3A_1290 : i32 to index
      %swap3A_1292 = arith.constant 64 : index
      %swap3A_1293 = tpu.vector_load %arg15[%swap3A_1291, %swap3A_1292] {strides = array<i32>} : memref<16x128xf32, #tpu.memory_space<vmem>>, vector<1x16xf32>,
      %swap3A_1294 = vector.shape_cast %swap3A_1293 : vector<1x16xf32> to vector<16xf32>
      %swap3A_1295 = vector.shape_cast %get3A_1289 : vector<16xf32> to vector<1x16xf32>
      tpu.vector_store %arg15[%swap3A_1291, %swap3A_1292], %swap3A_1295 {strides = array<i32>} : memref<16x128xf32, #tpu.memory_space<vmem>>, vector<1x16xf32>,
      %get3A_1296 = arith.constant 13 : i32
      %get3A_1297 = arith.index_cast %get3A_1296 : i32 to index
      %get3A_1298 = arith.index_cast %squeeze3A_1236 : i32 to index
      %get3A_1299 = tpu.vector_load %arg14[%get3A_1297, %get3A_1298] {strides = array<i32>} : memref<16x128xf32, #tpu.memory_space<vmem>>, vector<1x16xf32>,
      %get3A_1300 = vector.shape_cast %get3A_1299 : vector<1x16xf32> to vector<16xf32>
      %swap3A_1301 = arith.constant 13 : i32
      %swap3A_1302 = arith.index_cast %swap3A_1301 : i32 to index
      %swap3A_1303 = arith.constant 80 : index
      %swap3A_1304 = tpu.vector_load %arg15[%swap3A_1302, %swap3A_1303] {strides = array<i32>} : memref<16x128xf32, #tpu.memory_space<vmem>>, vector<1x16xf32>,
      %swap3A_1305 = vector.shape_cast %swap3A_1304 : vector<1x16xf32> to vector<16xf32>
      %swap3A_1306 = vector.shape_cast %get3A_1300 : vector<16xf32> to vector<1x16xf32>
      tpu.vector_store %arg15[%swap3A_1302, %swap3A_1303], %swap3A_1306 {strides = array<i32>} : memref<16x128xf32, #tpu.memory_space<vmem>>, vector<1x16xf32>,
      %slice3A_1307 = vector.extract_strided_slice %shift_left3A_164 {offsets = [14], sizes = [1], strides = [1]} : vector<16xi32> to vector<1xi32>
      %squeeze3A_1308 = vector.extract %slice3A_1307[0] : i32 from vector<1xi32>
      %slice3A_1309 = vector.extract_strided_slice %shift_left3A_173 {offsets = [14], sizes = [1], strides = [1]} : vector<16xi32> to vector<1xi32>
      %squeeze3A_1310 = vector.extract %slice3A_1309[0] : i32 from vector<1xi32>
      %slice3A_1311 = vector.extract_strided_slice %shift_left3A_182 {offsets = [14], sizes = [1], strides = [1]} : vector<16xi32> to vector<1xi32>
      %squeeze3A_1312 = vector.extract %slice3A_1311[0] : i32 from vector<1xi32>
      %slice3A_1313 = vector.extract_strided_slice %shift_left3A_191 {offsets = [14], sizes = [1], strides = [1]} : vector<16xi32> to vector<1xi32>
      %squeeze3A_1314 = vector.extract %slice3A_1313[0] : i32 from vector<1xi32>
      %get3A_1315 = arith.constant 14 : i32
      %get3A_1316 = arith.index_cast %get3A_1315 : i32 to index
      %get3A_1317 = arith.index_cast %squeeze3A_1308 : i32 to index
      %get3A_1318 = tpu.vector_load %arg11[%get3A_1316, %get3A_1317] {strides = array<i32>} : memref<16x128xf32, #tpu.memory_space<vmem>>, vector<1x16xf32>,
      %get3A_1319 = vector.shape_cast %get3A_1318 : vector<1x16xf32> to vector<16xf32>
      %swap3A_1320 = arith.constant 14 : i32
      %swap3A_1321 = arith.index_cast %swap3A_1320 : i32 to index
      %swap3A_1322 = arith.constant 0 : index
      %swap3A_1323 = tpu.vector_load %arg15[%swap3A_1321, %swap3A_1322] {strides = array<i32>} : memref<16x128xf32, #tpu.memory_space<vmem>>, vector<1x16xf32>,
      %swap3A_1324 = vector.shape_cast %swap3A_1323 : vector<1x16xf32> to vector<16xf32>
      %swap3A_1325 = vector.shape_cast %get3A_1319 : vector<16xf32> to vector<1x16xf32>
      tpu.vector_store %arg15[%swap3A_1321, %swap3A_1322], %swap3A_1325 {strides = array<i32>} : memref<16x128xf32, #tpu.memory_space<vmem>>, vector<1x16xf32>,
      %add3A_1326 = arith.constant 16 : i32
      %add3A_1327 = arith.addi %squeeze3A_1308, %add3A_1326 : i32
      %get3A_1328 = arith.constant 14 : i32
      %get3A_1329 = arith.index_cast %get3A_1328 : i32 to index
      %get3A_1330 = arith.index_cast %add3A_1327 : i32 to index
      %get3A_1331 = tpu.vector_load %arg11[%get3A_1329, %get3A_1330] {strides = array<i32>} : memref<16x128xf32, #tpu.memory_space<vmem>>, vector<1x16xf32>,
      %get3A_1332 = vector.shape_cast %get3A_1331 : vector<1x16xf32> to vector<16xf32>
      %swap3A_1333 = arith.constant 14 : i32
      %swap3A_1334 = arith.index_cast %swap3A_1333 : i32 to index
      %swap3A_1335 = arith.constant 16 : index
      %swap3A_1336 = tpu.vector_load %arg15[%swap3A_1334, %swap3A_1335] {strides = array<i32>} : memref<16x128xf32, #tpu.memory_space<vmem>>, vector<1x16xf32>,
      %swap3A_1337 = vector.shape_cast %swap3A_1336 : vector<1x16xf32> to vector<16xf32>
      %swap3A_1338 = vector.shape_cast %get3A_1332 : vector<16xf32> to vector<1x16xf32>
      tpu.vector_store %arg15[%swap3A_1334, %swap3A_1335], %swap3A_1338 {strides = array<i32>} : memref<16x128xf32, #tpu.memory_space<vmem>>, vector<1x16xf32>,
      %get3A_1339 = arith.constant 14 : i32
      %get3A_1340 = arith.index_cast %get3A_1339 : i32 to index
      %get3A_1341 = arith.index_cast %squeeze3A_1310 : i32 to index
      %get3A_1342 = tpu.vector_load %arg12[%get3A_1340, %get3A_1341] {strides = array<i32>} : memref<16x128xf32, #tpu.memory_space<vmem>>, vector<1x16xf32>,
      %get3A_1343 = vector.shape_cast %get3A_1342 : vector<1x16xf32> to vector<16xf32>
      %swap3A_1344 = arith.constant 14 : i32
      %swap3A_1345 = arith.index_cast %swap3A_1344 : i32 to index
      %swap3A_1346 = arith.constant 32 : index
      %swap3A_1347 = tpu.vector_load %arg15[%swap3A_1345, %swap3A_1346] {strides = array<i32>} : memref<16x128xf32, #tpu.memory_space<vmem>>, vector<1x16xf32>,
      %swap3A_1348 = vector.shape_cast %swap3A_1347 : vector<1x16xf32> to vector<16xf32>
      %swap3A_1349 = vector.shape_cast %get3A_1343 : vector<16xf32> to vector<1x16xf32>
      tpu.vector_store %arg15[%swap3A_1345, %swap3A_1346], %swap3A_1349 {strides = array<i32>} : memref<16x128xf32, #tpu.memory_space<vmem>>, vector<1x16xf32>,
      %add3A_1350 = arith.constant 16 : i32
      %add3A_1351 = arith.addi %squeeze3A_1310, %add3A_1350 : i32
      %get3A_1352 = arith.constant 14 : i32
      %get3A_1353 = arith.index_cast %get3A_1352 : i32 to index
      %get3A_1354 = arith.index_cast %add3A_1351 : i32 to index
      %get3A_1355 = tpu.vector_load %arg12[%get3A_1353, %get3A_1354] {strides = array<i32>} : memref<16x128xf32, #tpu.memory_space<vmem>>, vector<1x16xf32>,
      %get3A_1356 = vector.shape_cast %get3A_1355 : vector<1x16xf32> to vector<16xf32>
      %swap3A_1357 = arith.constant 14 : i32
      %swap3A_1358 = arith.index_cast %swap3A_1357 : i32 to index
      %swap3A_1359 = arith.constant 48 : index
      %swap3A_1360 = tpu.vector_load %arg15[%swap3A_1358, %swap3A_1359] {strides = array<i32>} : memref<16x128xf32, #tpu.memory_space<vmem>>, vector<1x16xf32>,
      %swap3A_1361 = vector.shape_cast %swap3A_1360 : vector<1x16xf32> to vector<16xf32>
      %swap3A_1362 = vector.shape_cast %get3A_1356 : vector<16xf32> to vector<1x16xf32>
      tpu.vector_store %arg15[%swap3A_1358, %swap3A_1359], %swap3A_1362 {strides = array<i32>} : memref<16x128xf32, #tpu.memory_space<vmem>>, vector<1x16xf32>,
      %get3A_1363 = arith.constant 14 : i32
      %get3A_1364 = arith.index_cast %get3A_1363 : i32 to index
      %get3A_1365 = arith.index_cast %squeeze3A_1312 : i32 to index
      %get3A_1366 = tpu.vector_load %arg13[%get3A_1364, %get3A_1365] {strides = array<i32>} : memref<16x128xf32, #tpu.memory_space<vmem>>, vector<1x16xf32>,
      %get3A_1367 = vector.shape_cast %get3A_1366 : vector<1x16xf32> to vector<16xf32>
      %swap3A_1368 = arith.constant 14 : i32
      %swap3A_1369 = arith.index_cast %swap3A_1368 : i32 to index
      %swap3A_1370 = arith.constant 64 : index
      %swap3A_1371 = tpu.vector_load %arg15[%swap3A_1369, %swap3A_1370] {strides = array<i32>} : memref<16x128xf32, #tpu.memory_space<vmem>>, vector<1x16xf32>,
      %swap3A_1372 = vector.shape_cast %swap3A_1371 : vector<1x16xf32> to vector<16xf32>
      %swap3A_1373 = vector.shape_cast %get3A_1367 : vector<16xf32> to vector<1x16xf32>
      tpu.vector_store %arg15[%swap3A_1369, %swap3A_1370], %swap3A_1373 {strides = array<i32>} : memref<16x128xf32, #tpu.memory_space<vmem>>, vector<1x16xf32>,
      %get3A_1374 = arith.constant 14 : i32
      %get3A_1375 = arith.index_cast %get3A_1374 : i32 to index
      %get3A_1376 = arith.index_cast %squeeze3A_1314 : i32 to index
      %get3A_1377 = tpu.vector_load %arg14[%get3A_1375, %get3A_1376] {strides = array<i32>} : memref<16x128xf32, #tpu.memory_space<vmem>>, vector<1x16xf32>,
      %get3A_1378 = vector.shape_cast %get3A_1377 : vector<1x16xf32> to vector<16xf32>
      %swap3A_1379 = arith.constant 14 : i32
      %swap3A_1380 = arith.index_cast %swap3A_1379 : i32 to index
      %swap3A_1381 = arith.constant 80 : index
      %swap3A_1382 = tpu.vector_load %arg15[%swap3A_1380, %swap3A_1381] {strides = array<i32>} : memref<16x128xf32, #tpu.memory_space<vmem>>, vector<1x16xf32>,
      %swap3A_1383 = vector.shape_cast %swap3A_1382 : vector<1x16xf32> to vector<16xf32>
      %swap3A_1384 = vector.shape_cast %get3A_1378 : vector<16xf32> to vector<1x16xf32>
      tpu.vector_store %arg15[%swap3A_1380, %swap3A_1381], %swap3A_1384 {strides = array<i32>} : memref<16x128xf32, #tpu.memory_space<vmem>>, vector<1x16xf32>,
      %slice3A_1385 = vector.extract_strided_slice %shift_left3A_164 {offsets = [15], sizes = [1], strides = [1]} : vector<16xi32> to vector<1xi32>
      %squeeze3A_1386 = vector.extract %slice3A_1385[0] : i32 from vector<1xi32>
      %slice3A_1387 = vector.extract_strided_slice %shift_left3A_173 {offsets = [15], sizes = [1], strides = [1]} : vector<16xi32> to vector<1xi32>
      %squeeze3A_1388 = vector.extract %slice3A_1387[0] : i32 from vector<1xi32>
      %slice3A_1389 = vector.extract_strided_slice %shift_left3A_182 {offsets = [15], sizes = [1], strides = [1]} : vector<16xi32> to vector<1xi32>
      %squeeze3A_1390 = vector.extract %slice3A_1389[0] : i32 from vector<1xi32>
      %slice3A_1391 = vector.extract_strided_slice %shift_left3A_191 {offsets = [15], sizes = [1], strides = [1]} : vector<16xi32> to vector<1xi32>
      %squeeze3A_1392 = vector.extract %slice3A_1391[0] : i32 from vector<1xi32>
      %get3A_1393 = arith.constant 15 : i32
      %get3A_1394 = arith.index_cast %get3A_1393 : i32 to index
      %get3A_1395 = arith.index_cast %squeeze3A_1386 : i32 to index
      %get3A_1396 = tpu.vector_load %arg11[%get3A_1394, %get3A_1395] {strides = array<i32>} : memref<16x128xf32, #tpu.memory_space<vmem>>, vector<1x16xf32>,
      %get3A_1397 = vector.shape_cast %get3A_1396 : vector<1x16xf32> to vector<16xf32>
      %swap3A_1398 = arith.constant 15 : i32
      %swap3A_1399 = arith.index_cast %swap3A_1398 : i32 to index
      %swap3A_1400 = arith.constant 0 : index
      %swap3A_1401 = tpu.vector_load %arg15[%swap3A_1399, %swap3A_1400] {strides = array<i32>} : memref<16x128xf32, #tpu.memory_space<vmem>>, vector<1x16xf32>,
      %swap3A_1402 = vector.shape_cast %swap3A_1401 : vector<1x16xf32> to vector<16xf32>
      %swap3A_1403 = vector.shape_cast %get3A_1397 : vector<16xf32> to vector<1x16xf32>
      tpu.vector_store %arg15[%swap3A_1399, %swap3A_1400], %swap3A_1403 {strides = array<i32>} : memref<16x128xf32, #tpu.memory_space<vmem>>, vector<1x16xf32>,
      %add3A_1404 = arith.constant 16 : i32
      %add3A_1405 = arith.addi %squeeze3A_1386, %add3A_1404 : i32
      %get3A_1406 = arith.constant 15 : i32
      %get3A_1407 = arith.index_cast %get3A_1406 : i32 to index
      %get3A_1408 = arith.index_cast %add3A_1405 : i32 to index
      %get3A_1409 = tpu.vector_load %arg11[%get3A_1407, %get3A_1408] {strides = array<i32>} : memref<16x128xf32, #tpu.memory_space<vmem>>, vector<1x16xf32>,
      %get3A_1410 = vector.shape_cast %get3A_1409 : vector<1x16xf32> to vector<16xf32>
      %swap3A_1411 = arith.constant 15 : i32
      %swap3A_1412 = arith.index_cast %swap3A_1411 : i32 to index
      %swap3A_1413 = arith.constant 16 : index
      %swap3A_1414 = tpu.vector_load %arg15[%swap3A_1412, %swap3A_1413] {strides = array<i32>} : memref<16x128xf32, #tpu.memory_space<vmem>>, vector<1x16xf32>,
      %swap3A_1415 = vector.shape_cast %swap3A_1414 : vector<1x16xf32> to vector<16xf32>
      %swap3A_1416 = vector.shape_cast %get3A_1410 : vector<16xf32> to vector<1x16xf32>
      tpu.vector_store %arg15[%swap3A_1412, %swap3A_1413], %swap3A_1416 {strides = array<i32>} : memref<16x128xf32, #tpu.memory_space<vmem>>, vector<1x16xf32>,
      %get3A_1417 = arith.constant 15 : i32
      %get3A_1418 = arith.index_cast %get3A_1417 : i32 to index
      %get3A_1419 = arith.index_cast %squeeze3A_1388 : i32 to index
      %get3A_1420 = tpu.vector_load %arg12[%get3A_1418, %get3A_1419] {strides = array<i32>} : memref<16x128xf32, #tpu.memory_space<vmem>>, vector<1x16xf32>,
      %get3A_1421 = vector.shape_cast %get3A_1420 : vector<1x16xf32> to vector<16xf32>
      %swap3A_1422 = arith.constant 15 : i32
      %swap3A_1423 = arith.index_cast %swap3A_1422 : i32 to index
      %swap3A_1424 = arith.constant 32 : index
      %swap3A_1425 = tpu.vector_load %arg15[%swap3A_1423, %swap3A_1424] {strides = array<i32>} : memref<16x128xf32, #tpu.memory_space<vmem>>, vector<1x16xf32>,
      %swap3A_1426 = vector.shape_cast %swap3A_1425 : vector<1x16xf32> to vector<16xf32>
      %swap3A_1427 = vector.shape_cast %get3A_1421 : vector<16xf32> to vector<1x16xf32>
      tpu.vector_store %arg15[%swap3A_1423, %swap3A_1424], %swap3A_1427 {strides = array<i32>} : memref<16x128xf32, #tpu.memory_space<vmem>>, vector<1x16xf32>,
      %add3A_1428 = arith.constant 16 : i32
      %add3A_1429 = arith.addi %squeeze3A_1388, %add3A_1428 : i32
      %get3A_1430 = arith.constant 15 : i32
      %get3A_1431 = arith.index_cast %get3A_1430 : i32 to index
      %get3A_1432 = arith.index_cast %add3A_1429 : i32 to index
      %get3A_1433 = tpu.vector_load %arg12[%get3A_1431, %get3A_1432] {strides = array<i32>} : memref<16x128xf32, #tpu.memory_space<vmem>>, vector<1x16xf32>,
      %get3A_1434 = vector.shape_cast %get3A_1433 : vector<1x16xf32> to vector<16xf32>
      %swap3A_1435 = arith.constant 15 : i32
      %swap3A_1436 = arith.index_cast %swap3A_1435 : i32 to index
      %swap3A_1437 = arith.constant 48 : index
      %swap3A_1438 = tpu.vector_load %arg15[%swap3A_1436, %swap3A_1437] {strides = array<i32>} : memref<16x128xf32, #tpu.memory_space<vmem>>, vector<1x16xf32>,
      %swap3A_1439 = vector.shape_cast %swap3A_1438 : vector<1x16xf32> to vector<16xf32>
      %swap3A_1440 = vector.shape_cast %get3A_1434 : vector<16xf32> to vector<1x16xf32>
      tpu.vector_store %arg15[%swap3A_1436, %swap3A_1437], %swap3A_1440 {strides = array<i32>} : memref<16x128xf32, #tpu.memory_space<vmem>>, vector<1x16xf32>,
      %get3A_1441 = arith.constant 15 : i32
      %get3A_1442 = arith.index_cast %get3A_1441 : i32 to index
      %get3A_1443 = arith.index_cast %squeeze3A_1390 : i32 to index
      %get3A_1444 = tpu.vector_load %arg13[%get3A_1442, %get3A_1443] {strides = array<i32>} : memref<16x128xf32, #tpu.memory_space<vmem>>, vector<1x16xf32>,
      %get3A_1445 = vector.shape_cast %get3A_1444 : vector<1x16xf32> to vector<16xf32>
      %swap3A_1446 = arith.constant 15 : i32
      %swap3A_1447 = arith.index_cast %swap3A_1446 : i32 to index
      %swap3A_1448 = arith.constant 64 : index
      %swap3A_1449 = tpu.vector_load %arg15[%swap3A_1447, %swap3A_1448] {strides = array<i32>} : memref<16x128xf32, #tpu.memory_space<vmem>>, vector<1x16xf32>,
      %swap3A_1450 = vector.shape_cast %swap3A_1449 : vector<1x16xf32> to vector<16xf32>
      %swap3A_1451 = vector.shape_cast %get3A_1445 : vector<16xf32> to vector<1x16xf32>
      tpu.vector_store %arg15[%swap3A_1447, %swap3A_1448], %swap3A_1451 {strides = array<i32>} : memref<16x128xf32, #tpu.memory_space<vmem>>, vector<1x16xf32>,
      %get3A_1452 = arith.constant 15 : i32
      %get3A_1453 = arith.index_cast %get3A_1452 : i32 to index
      %get3A_1454 = arith.index_cast %squeeze3A_1392 : i32 to index
      %get3A_1455 = tpu.vector_load %arg14[%get3A_1453, %get3A_1454] {strides = array<i32>} : memref<16x128xf32, #tpu.memory_space<vmem>>, vector<1x16xf32>,
      %get3A_1456 = vector.shape_cast %get3A_1455 : vector<1x16xf32> to vector<16xf32>
      %swap3A_1457 = arith.constant 15 : i32
      %swap3A_1458 = arith.index_cast %swap3A_1457 : i32 to index
      %swap3A_1459 = arith.constant 80 : index
      %swap3A_1460 = tpu.vector_load %arg15[%swap3A_1458, %swap3A_1459] {strides = array<i32>} : memref<16x128xf32, #tpu.memory_space<vmem>>, vector<1x16xf32>,
      %swap3A_1461 = vector.shape_cast %swap3A_1460 : vector<1x16xf32> to vector<16xf32>
      %swap3A_1462 = vector.shape_cast %get3A_1456 : vector<16xf32> to vector<1x16xf32>
      tpu.vector_store %arg15[%swap3A_1458, %swap3A_1459], %swap3A_1462 {strides = array<i32>} : memref<16x128xf32, #tpu.memory_space<vmem>>, vector<1x16xf32>,
      %mul3A_1463 = arith.constant 16 : i32
      %mul3A_1464 = arith.muli %mul3A_145, %mul3A_1463 : i32
      %add3A_1465 = arith.addi %mul3A_2, %mul3A_1464 : i32
      %multiple_of3A_1466 = tpu.assume_multiple %add3A_1465, 8 : i32
      %dma_start3A_1467 = arith.constant 0 : i32
      %dma_start3A_1468 = tpu.memref_slice %arg8[%multiple_of3A_1466, %dma_start3A_1467] : memref<16384x128xf32, #tpu.memory_space<hbm>> -> memref<16x128xf32, #tpu.memory_space<hbm>>
      %dma_start3A_1469 = arith.constant 0 : i32
      %dma_start3A_1470 = tpu.memref_slice %arg8[%multiple_of3A_1466, %dma_start3A_1469] : memref<16384x128xf32, #tpu.memory_space<hbm>> -> memref<16x128xf32, #tpu.memory_space<hbm>>
      tpu.enqueue_dma source(%arg15 : memref<16x128xf32, #tpu.memory_space<vmem>>) target(%dma_start3A_1470 : memref<16x128xf32, #tpu.memory_space<hbm>>) target_semaphore(%arg23 : memref<!tpu.dma_semaphore, #tpu.memory_space<semaphore_mem>>)
      %mul3A_1471 = arith.constant 2 : i32
      %mul3A_1472 = arith.muli %scan3A_17, %mul3A_1471 : i32
      %add3A_1473 = arith.constant 1 : i32
      %add3A_1474 = arith.addi %mul3A_1472, %add3A_1473 : i32
      %mul3A_1475 = arith.constant 16 : i32
      %mul3A_1476 = arith.muli %add3A_1474, %mul3A_1475 : i32
      %get3A_1477 = arith.index_cast %mul3A_1476 : i32 to index
      %get3A_1478 = tpu.vector_load %arg9[%get3A_1477] {strides = array<i32>} : memref<512xi32, #tpu.memory_space<vmem>>, vector<16xi32>,
      %get3A_1479 = vector.shape_cast %get3A_1478 : vector<16xi32> to vector<16xi32>
      %mul3A_1480 = arith.constant 16 : i32
      %mul3A_1481 = arith.muli %add3A_1474, %mul3A_1480 : i32
      %get3A_1482 = arith.index_cast %mul3A_1481 : i32 to index
      %get3A_1483 = tpu.vector_load %arg10[%get3A_1482] {strides = array<i32>} : memref<512xi32, #tpu.memory_space<vmem>>, vector<16xi32>,
      %get3A_1484 = vector.shape_cast %get3A_1483 : vector<16xi32> to vector<16xi32>
      %shift_right_logical3A_1485 = arith.constant 13 : i32
      %shift_right_logical3A_1486 = vector.broadcast %shift_right_logical3A_1485 : i32 to vector<16xi32>
      %shift_right_logical3A_1487 = arith.shrui %get3A_1479, %shift_right_logical3A_1486 : vector<16xi32>
      %and3A_1488 = arith.constant 3 : i32
      %and3A_1489 = vector.broadcast %and3A_1488 : i32 to vector<16xi32>
      %and3A_1490 = arith.andi %shift_right_logical3A_1487, %and3A_1489 : vector<16xi32>
      %shift_left3A_1491 = arith.constant 5 : i32
      %shift_left3A_1492 = vector.broadcast %shift_left3A_1491 : i32 to vector<16xi32>
      %shift_left3A_1493 = arith.shli %and3A_1490, %shift_left3A_1492 : vector<16xi32>
      %shift_right_logical3A_1494 = arith.constant 13 : i32
      %shift_right_logical3A_1495 = vector.broadcast %shift_right_logical3A_1494 : i32 to vector<16xi32>
      %shift_right_logical3A_1496 = arith.shrui %get3A_1484, %shift_right_logical3A_1495 : vector<16xi32>
      %and3A_1497 = arith.constant 3 : i32
      %and3A_1498 = vector.broadcast %and3A_1497 : i32 to vector<16xi32>
      %and3A_1499 = arith.andi %shift_right_logical3A_1496, %and3A_1498 : vector<16xi32>
      %shift_left3A_1500 = arith.constant 5 : i32
      %shift_left3A_1501 = vector.broadcast %shift_left3A_1500 : i32 to vector<16xi32>
      %shift_left3A_1502 = arith.shli %and3A_1499, %shift_left3A_1501 : vector<16xi32>
      %shift_right_logical3A_1503 = arith.constant 12 : i32
      %shift_right_logical3A_1504 = vector.broadcast %shift_right_logical3A_1503 : i32 to vector<16xi32>
      %shift_right_logical3A_1505 = arith.shrui %get3A_1479, %shift_right_logical3A_1504 : vector<16xi32>
      %and3A_1506 = arith.constant 7 : i32
      %and3A_1507 = vector.broadcast %and3A_1506 : i32 to vector<16xi32>
      %and3A_1508 = arith.andi %shift_right_logical3A_1505, %and3A_1507 : vector<16xi32>
      %shift_left3A_1509 = arith.constant 4 : i32
      %shift_left3A_1510 = vector.broadcast %shift_left3A_1509 : i32 to vector<16xi32>
      %shift_left3A_1511 = arith.shli %and3A_1508, %shift_left3A_1510 : vector<16xi32>
      %shift_right_logical3A_1512 = arith.constant 12 : i32
      %shift_right_logical3A_1513 = vector.broadcast %shift_right_logical3A_1512 : i32 to vector<16xi32>
      %shift_right_logical3A_1514 = arith.shrui %get3A_1484, %shift_right_logical3A_1513 : vector<16xi32>
      %and3A_1515 = arith.constant 7 : i32
      %and3A_1516 = vector.broadcast %and3A_1515 : i32 to vector<16xi32>
      %and3A_1517 = arith.andi %shift_right_logical3A_1514, %and3A_1516 : vector<16xi32>
      %shift_left3A_1518 = arith.constant 4 : i32
      %shift_left3A_1519 = vector.broadcast %shift_left3A_1518 : i32 to vector<16xi32>
      %shift_left3A_1520 = arith.shli %and3A_1517, %shift_left3A_1519 : vector<16xi32>
      %dma_wait3A_1521 = arith.constant 0 : i32
      %dma_wait3A_1522 = arith.constant 0 : i32
      %dma_wait3A_1523 = tpu.memref_slice %arg4[%dma_wait3A_1521, %dma_wait3A_1522] : memref<32768x128xf32, #tpu.memory_space<hbm>> -> memref<16x128xf32, #tpu.memory_space<hbm>>
      %dma_wait3A_1524 = arith.constant 0 : i32
      %dma_wait3A_1525 = arith.constant 0 : i32
      %dma_wait3A_1526 = tpu.memref_slice %arg4[%dma_wait3A_1524, %dma_wait3A_1525] : memref<32768x128xf32, #tpu.memory_space<hbm>> -> memref<16x128xf32, #tpu.memory_space<hbm>>
      tpu.wait_dma2 semaphore(%arg22 : memref<!tpu.dma_semaphore, #tpu.memory_space<semaphore_mem>>) src(%dma_wait3A_1526 : memref<16x128xf32, #tpu.memory_space<hbm>>) dst(%arg16 : memref<16x128xf32, #tpu.memory_space<vmem>>)
      %dma_wait3A_1527 = arith.constant 0 : i32
      %dma_wait3A_1528 = arith.constant 0 : i32
      %dma_wait3A_1529 = tpu.memref_slice %arg5[%dma_wait3A_1527, %dma_wait3A_1528] : memref<253952x128xf32, #tpu.memory_space<hbm>> -> memref<16x128xf32, #tpu.memory_space<hbm>>
      %dma_wait3A_1530 = arith.constant 0 : i32
      %dma_wait3A_1531 = arith.constant 0 : i32
      %dma_wait3A_1532 = tpu.memref_slice %arg5[%dma_wait3A_1530, %dma_wait3A_1531] : memref<253952x128xf32, #tpu.memory_space<hbm>> -> memref<16x128xf32, #tpu.memory_space<hbm>>
      tpu.wait_dma2 semaphore(%arg22 : memref<!tpu.dma_semaphore, #tpu.memory_space<semaphore_mem>>) src(%dma_wait3A_1532 : memref<16x128xf32, #tpu.memory_space<hbm>>) dst(%arg17 : memref<16x128xf32, #tpu.memory_space<vmem>>)
      %dma_wait3A_1533 = arith.constant 0 : i32
      %dma_wait3A_1534 = arith.constant 0 : i32
      %dma_wait3A_1535 = tpu.memref_slice %arg6[%dma_wait3A_1533, %dma_wait3A_1534] : memref<16384x128xf32, #tpu.memory_space<hbm>> -> memref<16x128xf32, #tpu.memory_space<hbm>>
      %dma_wait3A_1536 = arith.constant 0 : i32
      %dma_wait3A_1537 = arith.constant 0 : i32
      %dma_wait3A_1538 = tpu.memref_slice %arg6[%dma_wait3A_1536, %dma_wait3A_1537] : memref<16384x128xf32, #tpu.memory_space<hbm>> -> memref<16x128xf32, #tpu.memory_space<hbm>>
      tpu.wait_dma2 semaphore(%arg22 : memref<!tpu.dma_semaphore, #tpu.memory_space<semaphore_mem>>) src(%dma_wait3A_1538 : memref<16x128xf32, #tpu.memory_space<hbm>>) dst(%arg18 : memref<16x128xf32, #tpu.memory_space<vmem>>)
      %dma_wait3A_1539 = arith.constant 0 : i32
      %dma_wait3A_1540 = arith.constant 0 : i32
      %dma_wait3A_1541 = tpu.memref_slice %arg7[%dma_wait3A_1539, %dma_wait3A_1540] : memref<126976x128xf32, #tpu.memory_space<hbm>> -> memref<16x128xf32, #tpu.memory_space<hbm>>
      %dma_wait3A_1542 = arith.constant 0 : i32
      %dma_wait3A_1543 = arith.constant 0 : i32
      %dma_wait3A_1544 = tpu.memref_slice %arg7[%dma_wait3A_1542, %dma_wait3A_1543] : memref<126976x128xf32, #tpu.memory_space<hbm>> -> memref<16x128xf32, #tpu.memory_space<hbm>>
      tpu.wait_dma2 semaphore(%arg22 : memref<!tpu.dma_semaphore, #tpu.memory_space<semaphore_mem>>) src(%dma_wait3A_1544 : memref<16x128xf32, #tpu.memory_space<hbm>>) dst(%arg19 : memref<16x128xf32, #tpu.memory_space<vmem>>)
      %not3A_1545 = arith.constant true
      %not3A_1546 = arith.xori %eq3A_19, %not3A_1545 : i1
      %convert_element_type3A_1547 = arith.extui %not3A_1546 : i1 to i32
      %cond3A_1548 = arith.constant 0 : i32
      %cond3A_1549 = arith.cmpi ne, %convert_element_type3A_1547, %cond3A_1548 : i32
      scf.if %cond3A_1549 {
        %multiple_of3A_2807 = tpu.assume_multiple %mul3A_2, 8 : i32
        %dma_wait3A_2808 = arith.constant 0 : i32
        %dma_wait3A_2809 = tpu.memref_slice %arg8[%multiple_of3A_2807, %dma_wait3A_2808] : memref<16384x128xf32, #tpu.memory_space<hbm>> -> memref<16x128xf32, #tpu.memory_space<hbm>>
        %dma_wait3A_2810 = arith.constant 0 : i32
        %dma_wait3A_2811 = tpu.memref_slice %arg8[%multiple_of3A_2807, %dma_wait3A_2810] : memref<16384x128xf32, #tpu.memory_space<hbm>> -> memref<16x128xf32, #tpu.memory_space<hbm>>
        tpu.wait_dma2 semaphore(%arg24 : memref<!tpu.dma_semaphore, #tpu.memory_space<semaphore_mem>>) src(%arg20 : memref<16x128xf32, #tpu.memory_space<vmem>>) dst(%dma_wait3A_2811 : memref<16x128xf32, #tpu.memory_space<hbm>>)
      } else {
      }
      %slice3A_1550 = vector.extract_strided_slice %shift_left3A_1493 {offsets = [0], sizes = [1], strides = [1]} : vector<16xi32> to vector<1xi32>
      %squeeze3A_1551 = vector.extract %slice3A_1550[0] : i32 from vector<1xi32>
      %slice3A_1552 = vector.extract_strided_slice %shift_left3A_1502 {offsets = [0], sizes = [1], strides = [1]} : vector<16xi32> to vector<1xi32>
      %squeeze3A_1553 = vector.extract %slice3A_1552[0] : i32 from vector<1xi32>
      %slice3A_1554 = vector.extract_strided_slice %shift_left3A_1511 {offsets = [0], sizes = [1], strides = [1]} : vector<16xi32> to vector<1xi32>
      %squeeze3A_1555 = vector.extract %slice3A_1554[0] : i32 from vector<1xi32>
      %slice3A_1556 = vector.extract_strided_slice %shift_left3A_1520 {offsets = [0], sizes = [1], strides = [1]} : vector<16xi32> to vector<1xi32>
      %squeeze3A_1557 = vector.extract %slice3A_1556[0] : i32 from vector<1xi32>
      %get3A_1558 = arith.constant 0 : i32
      %get3A_1559 = arith.index_cast %get3A_1558 : i32 to index
      %get3A_1560 = arith.index_cast %squeeze3A_1551 : i32 to index
      %get3A_1561 = tpu.vector_load %arg16[%get3A_1559, %get3A_1560] {strides = array<i32>} : memref<16x128xf32, #tpu.memory_space<vmem>>, vector<1x16xf32>,
      %get3A_1562 = vector.shape_cast %get3A_1561 : vector<1x16xf32> to vector<16xf32>
      %swap3A_1563 = arith.constant 0 : i32
      %swap3A_1564 = arith.index_cast %swap3A_1563 : i32 to index
      %swap3A_1565 = arith.constant 0 : index
      %swap3A_1566 = tpu.vector_load %arg20[%swap3A_1564, %swap3A_1565] {strides = array<i32>} : memref<16x128xf32, #tpu.memory_space<vmem>>, vector<1x16xf32>,
      %swap3A_1567 = vector.shape_cast %swap3A_1566 : vector<1x16xf32> to vector<16xf32>
      %swap3A_1568 = vector.shape_cast %get3A_1562 : vector<16xf32> to vector<1x16xf32>
      tpu.vector_store %arg20[%swap3A_1564, %swap3A_1565], %swap3A_1568 {strides = array<i32>} : memref<16x128xf32, #tpu.memory_space<vmem>>, vector<1x16xf32>,
      %add3A_1569 = arith.constant 16 : i32
      %add3A_1570 = arith.addi %squeeze3A_1551, %add3A_1569 : i32
      %get3A_1571 = arith.constant 0 : i32
      %get3A_1572 = arith.index_cast %get3A_1571 : i32 to index
      %get3A_1573 = arith.index_cast %add3A_1570 : i32 to index
      %get3A_1574 = tpu.vector_load %arg16[%get3A_1572, %get3A_1573] {strides = array<i32>} : memref<16x128xf32, #tpu.memory_space<vmem>>, vector<1x16xf32>,
      %get3A_1575 = vector.shape_cast %get3A_1574 : vector<1x16xf32> to vector<16xf32>
      %swap3A_1576 = arith.constant 0 : i32
      %swap3A_1577 = arith.index_cast %swap3A_1576 : i32 to index
      %swap3A_1578 = arith.constant 16 : index
      %swap3A_1579 = tpu.vector_load %arg20[%swap3A_1577, %swap3A_1578] {strides = array<i32>} : memref<16x128xf32, #tpu.memory_space<vmem>>, vector<1x16xf32>,
      %swap3A_1580 = vector.shape_cast %swap3A_1579 : vector<1x16xf32> to vector<16xf32>
      %swap3A_1581 = vector.shape_cast %get3A_1575 : vector<16xf32> to vector<1x16xf32>
      tpu.vector_store %arg20[%swap3A_1577, %swap3A_1578], %swap3A_1581 {strides = array<i32>} : memref<16x128xf32, #tpu.memory_space<vmem>>, vector<1x16xf32>,
      %get3A_1582 = arith.constant 0 : i32
      %get3A_1583 = arith.index_cast %get3A_1582 : i32 to index
      %get3A_1584 = arith.index_cast %squeeze3A_1553 : i32 to index
      %get3A_1585 = tpu.vector_load %arg17[%get3A_1583, %get3A_1584] {strides = array<i32>} : memref<16x128xf32, #tpu.memory_space<vmem>>, vector<1x16xf32>,
      %get3A_1586 = vector.shape_cast %get3A_1585 : vector<1x16xf32> to vector<16xf32>
      %swap3A_1587 = arith.constant 0 : i32
      %swap3A_1588 = arith.index_cast %swap3A_1587 : i32 to index
      %swap3A_1589 = arith.constant 32 : index
      %swap3A_1590 = tpu.vector_load %arg20[%swap3A_1588, %swap3A_1589] {strides = array<i32>} : memref<16x128xf32, #tpu.memory_space<vmem>>, vector<1x16xf32>,
      %swap3A_1591 = vector.shape_cast %swap3A_1590 : vector<1x16xf32> to vector<16xf32>
      %swap3A_1592 = vector.shape_cast %get3A_1586 : vector<16xf32> to vector<1x16xf32>
      tpu.vector_store %arg20[%swap3A_1588, %swap3A_1589], %swap3A_1592 {strides = array<i32>} : memref<16x128xf32, #tpu.memory_space<vmem>>, vector<1x16xf32>,
      %add3A_1593 = arith.constant 16 : i32
      %add3A_1594 = arith.addi %squeeze3A_1553, %add3A_1593 : i32
      %get3A_1595 = arith.constant 0 : i32
      %get3A_1596 = arith.index_cast %get3A_1595 : i32 to index
      %get3A_1597 = arith.index_cast %add3A_1594 : i32 to index
      %get3A_1598 = tpu.vector_load %arg17[%get3A_1596, %get3A_1597] {strides = array<i32>} : memref<16x128xf32, #tpu.memory_space<vmem>>, vector<1x16xf32>,
      %get3A_1599 = vector.shape_cast %get3A_1598 : vector<1x16xf32> to vector<16xf32>
      %swap3A_1600 = arith.constant 0 : i32
      %swap3A_1601 = arith.index_cast %swap3A_1600 : i32 to index
      %swap3A_1602 = arith.constant 48 : index
      %swap3A_1603 = tpu.vector_load %arg20[%swap3A_1601, %swap3A_1602] {strides = array<i32>} : memref<16x128xf32, #tpu.memory_space<vmem>>, vector<1x16xf32>,
      %swap3A_1604 = vector.shape_cast %swap3A_1603 : vector<1x16xf32> to vector<16xf32>
      %swap3A_1605 = vector.shape_cast %get3A_1599 : vector<16xf32> to vector<1x16xf32>
      tpu.vector_store %arg20[%swap3A_1601, %swap3A_1602], %swap3A_1605 {strides = array<i32>} : memref<16x128xf32, #tpu.memory_space<vmem>>, vector<1x16xf32>,
      %get3A_1606 = arith.constant 0 : i32
      %get3A_1607 = arith.index_cast %get3A_1606 : i32 to index
      %get3A_1608 = arith.index_cast %squeeze3A_1555 : i32 to index
      %get3A_1609 = tpu.vector_load %arg18[%get3A_1607, %get3A_1608] {strides = array<i32>} : memref<16x128xf32, #tpu.memory_space<vmem>>, vector<1x16xf32>,
      %get3A_1610 = vector.shape_cast %get3A_1609 : vector<1x16xf32> to vector<16xf32>
      %swap3A_1611 = arith.constant 0 : i32
      %swap3A_1612 = arith.index_cast %swap3A_1611 : i32 to index
      %swap3A_1613 = arith.constant 64 : index
      %swap3A_1614 = tpu.vector_load %arg20[%swap3A_1612, %swap3A_1613] {strides = array<i32>} : memref<16x128xf32, #tpu.memory_space<vmem>>, vector<1x16xf32>,
      %swap3A_1615 = vector.shape_cast %swap3A_1614 : vector<1x16xf32> to vector<16xf32>
      %swap3A_1616 = vector.shape_cast %get3A_1610 : vector<16xf32> to vector<1x16xf32>
      tpu.vector_store %arg20[%swap3A_1612, %swap3A_1613], %swap3A_1616 {strides = array<i32>} : memref<16x128xf32, #tpu.memory_space<vmem>>, vector<1x16xf32>,
      %get3A_1617 = arith.constant 0 : i32
      %get3A_1618 = arith.index_cast %get3A_1617 : i32 to index
      %get3A_1619 = arith.index_cast %squeeze3A_1557 : i32 to index
      %get3A_1620 = tpu.vector_load %arg19[%get3A_1618, %get3A_1619] {strides = array<i32>} : memref<16x128xf32, #tpu.memory_space<vmem>>, vector<1x16xf32>,
      %get3A_1621 = vector.shape_cast %get3A_1620 : vector<1x16xf32> to vector<16xf32>
      %swap3A_1622 = arith.constant 0 : i32
      %swap3A_1623 = arith.index_cast %swap3A_1622 : i32 to index
      %swap3A_1624 = arith.constant 80 : index
      %swap3A_1625 = tpu.vector_load %arg20[%swap3A_1623, %swap3A_1624] {strides = array<i32>} : memref<16x128xf32, #tpu.memory_space<vmem>>, vector<1x16xf32>,
      %swap3A_1626 = vector.shape_cast %swap3A_1625 : vector<1x16xf32> to vector<16xf32>
      %swap3A_1627 = vector.shape_cast %get3A_1621 : vector<16xf32> to vector<1x16xf32>
      tpu.vector_store %arg20[%swap3A_1623, %swap3A_1624], %swap3A_1627 {strides = array<i32>} : memref<16x128xf32, #tpu.memory_space<vmem>>, vector<1x16xf32>,
      %slice3A_1628 = vector.extract_strided_slice %shift_left3A_1493 {offsets = [1], sizes = [1], strides = [1]} : vector<16xi32> to vector<1xi32>
      %squeeze3A_1629 = vector.extract %slice3A_1628[0] : i32 from vector<1xi32>
      %slice3A_1630 = vector.extract_strided_slice %shift_left3A_1502 {offsets = [1], sizes = [1], strides = [1]} : vector<16xi32> to vector<1xi32>
      %squeeze3A_1631 = vector.extract %slice3A_1630[0] : i32 from vector<1xi32>
      %slice3A_1632 = vector.extract_strided_slice %shift_left3A_1511 {offsets = [1], sizes = [1], strides = [1]} : vector<16xi32> to vector<1xi32>
      %squeeze3A_1633 = vector.extract %slice3A_1632[0] : i32 from vector<1xi32>
      %slice3A_1634 = vector.extract_strided_slice %shift_left3A_1520 {offsets = [1], sizes = [1], strides = [1]} : vector<16xi32> to vector<1xi32>
      %squeeze3A_1635 = vector.extract %slice3A_1634[0] : i32 from vector<1xi32>
      %get3A_1636 = arith.constant 1 : i32
      %get3A_1637 = arith.index_cast %get3A_1636 : i32 to index
      %get3A_1638 = arith.index_cast %squeeze3A_1629 : i32 to index
      %get3A_1639 = tpu.vector_load %arg16[%get3A_1637, %get3A_1638] {strides = array<i32>} : memref<16x128xf32, #tpu.memory_space<vmem>>, vector<1x16xf32>,
      %get3A_1640 = vector.shape_cast %get3A_1639 : vector<1x16xf32> to vector<16xf32>
      %swap3A_1641 = arith.constant 1 : i32
      %swap3A_1642 = arith.index_cast %swap3A_1641 : i32 to index
      %swap3A_1643 = arith.constant 0 : index
      %swap3A_1644 = tpu.vector_load %arg20[%swap3A_1642, %swap3A_1643] {strides = array<i32>} : memref<16x128xf32, #tpu.memory_space<vmem>>, vector<1x16xf32>,
      %swap3A_1645 = vector.shape_cast %swap3A_1644 : vector<1x16xf32> to vector<16xf32>
      %swap3A_1646 = vector.shape_cast %get3A_1640 : vector<16xf32> to vector<1x16xf32>
      tpu.vector_store %arg20[%swap3A_1642, %swap3A_1643], %swap3A_1646 {strides = array<i32>} : memref<16x128xf32, #tpu.memory_space<vmem>>, vector<1x16xf32>,
      %add3A_1647 = arith.constant 16 : i32
      %add3A_1648 = arith.addi %squeeze3A_1629, %add3A_1647 : i32
      %get3A_1649 = arith.constant 1 : i32
      %get3A_1650 = arith.index_cast %get3A_1649 : i32 to index
      %get3A_1651 = arith.index_cast %add3A_1648 : i32 to index
      %get3A_1652 = tpu.vector_load %arg16[%get3A_1650, %get3A_1651] {strides = array<i32>} : memref<16x128xf32, #tpu.memory_space<vmem>>, vector<1x16xf32>,
      %get3A_1653 = vector.shape_cast %get3A_1652 : vector<1x16xf32> to vector<16xf32>
      %swap3A_1654 = arith.constant 1 : i32
      %swap3A_1655 = arith.index_cast %swap3A_1654 : i32 to index
      %swap3A_1656 = arith.constant 16 : index
      %swap3A_1657 = tpu.vector_load %arg20[%swap3A_1655, %swap3A_1656] {strides = array<i32>} : memref<16x128xf32, #tpu.memory_space<vmem>>, vector<1x16xf32>,
      %swap3A_1658 = vector.shape_cast %swap3A_1657 : vector<1x16xf32> to vector<16xf32>
      %swap3A_1659 = vector.shape_cast %get3A_1653 : vector<16xf32> to vector<1x16xf32>
      tpu.vector_store %arg20[%swap3A_1655, %swap3A_1656], %swap3A_1659 {strides = array<i32>} : memref<16x128xf32, #tpu.memory_space<vmem>>, vector<1x16xf32>,
      %get3A_1660 = arith.constant 1 : i32
      %get3A_1661 = arith.index_cast %get3A_1660 : i32 to index
      %get3A_1662 = arith.index_cast %squeeze3A_1631 : i32 to index
      %get3A_1663 = tpu.vector_load %arg17[%get3A_1661, %get3A_1662] {strides = array<i32>} : memref<16x128xf32, #tpu.memory_space<vmem>>, vector<1x16xf32>,
      %get3A_1664 = vector.shape_cast %get3A_1663 : vector<1x16xf32> to vector<16xf32>
      %swap3A_1665 = arith.constant 1 : i32
      %swap3A_1666 = arith.index_cast %swap3A_1665 : i32 to index
      %swap3A_1667 = arith.constant 32 : index
      %swap3A_1668 = tpu.vector_load %arg20[%swap3A_1666, %swap3A_1667] {strides = array<i32>} : memref<16x128xf32, #tpu.memory_space<vmem>>, vector<1x16xf32>,
      %swap3A_1669 = vector.shape_cast %swap3A_1668 : vector<1x16xf32> to vector<16xf32>
      %swap3A_1670 = vector.shape_cast %get3A_1664 : vector<16xf32> to vector<1x16xf32>
      tpu.vector_store %arg20[%swap3A_1666, %swap3A_1667], %swap3A_1670 {strides = array<i32>} : memref<16x128xf32, #tpu.memory_space<vmem>>, vector<1x16xf32>,
      %add3A_1671 = arith.constant 16 : i32
      %add3A_1672 = arith.addi %squeeze3A_1631, %add3A_1671 : i32
      %get3A_1673 = arith.constant 1 : i32
      %get3A_1674 = arith.index_cast %get3A_1673 : i32 to index
      %get3A_1675 = arith.index_cast %add3A_1672 : i32 to index
      %get3A_1676 = tpu.vector_load %arg17[%get3A_1674, %get3A_1675] {strides = array<i32>} : memref<16x128xf32, #tpu.memory_space<vmem>>, vector<1x16xf32>,
      %get3A_1677 = vector.shape_cast %get3A_1676 : vector<1x16xf32> to vector<16xf32>
      %swap3A_1678 = arith.constant 1 : i32
      %swap3A_1679 = arith.index_cast %swap3A_1678 : i32 to index
      %swap3A_1680 = arith.constant 48 : index
      %swap3A_1681 = tpu.vector_load %arg20[%swap3A_1679, %swap3A_1680] {strides = array<i32>} : memref<16x128xf32, #tpu.memory_space<vmem>>, vector<1x16xf32>,
      %swap3A_1682 = vector.shape_cast %swap3A_1681 : vector<1x16xf32> to vector<16xf32>
      %swap3A_1683 = vector.shape_cast %get3A_1677 : vector<16xf32> to vector<1x16xf32>
      tpu.vector_store %arg20[%swap3A_1679, %swap3A_1680], %swap3A_1683 {strides = array<i32>} : memref<16x128xf32, #tpu.memory_space<vmem>>, vector<1x16xf32>,
      %get3A_1684 = arith.constant 1 : i32
      %get3A_1685 = arith.index_cast %get3A_1684 : i32 to index
      %get3A_1686 = arith.index_cast %squeeze3A_1633 : i32 to index
      %get3A_1687 = tpu.vector_load %arg18[%get3A_1685, %get3A_1686] {strides = array<i32>} : memref<16x128xf32, #tpu.memory_space<vmem>>, vector<1x16xf32>,
      %get3A_1688 = vector.shape_cast %get3A_1687 : vector<1x16xf32> to vector<16xf32>
      %swap3A_1689 = arith.constant 1 : i32
      %swap3A_1690 = arith.index_cast %swap3A_1689 : i32 to index
      %swap3A_1691 = arith.constant 64 : index
      %swap3A_1692 = tpu.vector_load %arg20[%swap3A_1690, %swap3A_1691] {strides = array<i32>} : memref<16x128xf32, #tpu.memory_space<vmem>>, vector<1x16xf32>,
      %swap3A_1693 = vector.shape_cast %swap3A_1692 : vector<1x16xf32> to vector<16xf32>
      %swap3A_1694 = vector.shape_cast %get3A_1688 : vector<16xf32> to vector<1x16xf32>
      tpu.vector_store %arg20[%swap3A_1690, %swap3A_1691], %swap3A_1694 {strides = array<i32>} : memref<16x128xf32, #tpu.memory_space<vmem>>, vector<1x16xf32>,
      %get3A_1695 = arith.constant 1 : i32
      %get3A_1696 = arith.index_cast %get3A_1695 : i32 to index
      %get3A_1697 = arith.index_cast %squeeze3A_1635 : i32 to index
      %get3A_1698 = tpu.vector_load %arg19[%get3A_1696, %get3A_1697] {strides = array<i32>} : memref<16x128xf32, #tpu.memory_space<vmem>>, vector<1x16xf32>,
      %get3A_1699 = vector.shape_cast %get3A_1698 : vector<1x16xf32> to vector<16xf32>
      %swap3A_1700 = arith.constant 1 : i32
      %swap3A_1701 = arith.index_cast %swap3A_1700 : i32 to index
      %swap3A_1702 = arith.constant 80 : index
      %swap3A_1703 = tpu.vector_load %arg20[%swap3A_1701, %swap3A_1702] {strides = array<i32>} : memref<16x128xf32, #tpu.memory_space<vmem>>, vector<1x16xf32>,
      %swap3A_1704 = vector.shape_cast %swap3A_1703 : vector<1x16xf32> to vector<16xf32>
      %swap3A_1705 = vector.shape_cast %get3A_1699 : vector<16xf32> to vector<1x16xf32>
      tpu.vector_store %arg20[%swap3A_1701, %swap3A_1702], %swap3A_1705 {strides = array<i32>} : memref<16x128xf32, #tpu.memory_space<vmem>>, vector<1x16xf32>,
      %slice3A_1706 = vector.extract_strided_slice %shift_left3A_1493 {offsets = [2], sizes = [1], strides = [1]} : vector<16xi32> to vector<1xi32>
      %squeeze3A_1707 = vector.extract %slice3A_1706[0] : i32 from vector<1xi32>
      %slice3A_1708 = vector.extract_strided_slice %shift_left3A_1502 {offsets = [2], sizes = [1], strides = [1]} : vector<16xi32> to vector<1xi32>
      %squeeze3A_1709 = vector.extract %slice3A_1708[0] : i32 from vector<1xi32>
      %slice3A_1710 = vector.extract_strided_slice %shift_left3A_1511 {offsets = [2], sizes = [1], strides = [1]} : vector<16xi32> to vector<1xi32>
      %squeeze3A_1711 = vector.extract %slice3A_1710[0] : i32 from vector<1xi32>
      %slice3A_1712 = vector.extract_strided_slice %shift_left3A_1520 {offsets = [2], sizes = [1], strides = [1]} : vector<16xi32> to vector<1xi32>
      %squeeze3A_1713 = vector.extract %slice3A_1712[0] : i32 from vector<1xi32>
      %get3A_1714 = arith.constant 2 : i32
      %get3A_1715 = arith.index_cast %get3A_1714 : i32 to index
      %get3A_1716 = arith.index_cast %squeeze3A_1707 : i32 to index
      %get3A_1717 = tpu.vector_load %arg16[%get3A_1715, %get3A_1716] {strides = array<i32>} : memref<16x128xf32, #tpu.memory_space<vmem>>, vector<1x16xf32>,
      %get3A_1718 = vector.shape_cast %get3A_1717 : vector<1x16xf32> to vector<16xf32>
      %swap3A_1719 = arith.constant 2 : i32
      %swap3A_1720 = arith.index_cast %swap3A_1719 : i32 to index
      %swap3A_1721 = arith.constant 0 : index
      %swap3A_1722 = tpu.vector_load %arg20[%swap3A_1720, %swap3A_1721] {strides = array<i32>} : memref<16x128xf32, #tpu.memory_space<vmem>>, vector<1x16xf32>,
      %swap3A_1723 = vector.shape_cast %swap3A_1722 : vector<1x16xf32> to vector<16xf32>
      %swap3A_1724 = vector.shape_cast %get3A_1718 : vector<16xf32> to vector<1x16xf32>
      tpu.vector_store %arg20[%swap3A_1720, %swap3A_1721], %swap3A_1724 {strides = array<i32>} : memref<16x128xf32, #tpu.memory_space<vmem>>, vector<1x16xf32>,
      %add3A_1725 = arith.constant 16 : i32
      %add3A_1726 = arith.addi %squeeze3A_1707, %add3A_1725 : i32
      %get3A_1727 = arith.constant 2 : i32
      %get3A_1728 = arith.index_cast %get3A_1727 : i32 to index
      %get3A_1729 = arith.index_cast %add3A_1726 : i32 to index
      %get3A_1730 = tpu.vector_load %arg16[%get3A_1728, %get3A_1729] {strides = array<i32>} : memref<16x128xf32, #tpu.memory_space<vmem>>, vector<1x16xf32>,
      %get3A_1731 = vector.shape_cast %get3A_1730 : vector<1x16xf32> to vector<16xf32>
      %swap3A_1732 = arith.constant 2 : i32
      %swap3A_1733 = arith.index_cast %swap3A_1732 : i32 to index
      %swap3A_1734 = arith.constant 16 : index
      %swap3A_1735 = tpu.vector_load %arg20[%swap3A_1733, %swap3A_1734] {strides = array<i32>} : memref<16x128xf32, #tpu.memory_space<vmem>>, vector<1x16xf32>,
      %swap3A_1736 = vector.shape_cast %swap3A_1735 : vector<1x16xf32> to vector<16xf32>
      %swap3A_1737 = vector.shape_cast %get3A_1731 : vector<16xf32> to vector<1x16xf32>
      tpu.vector_store %arg20[%swap3A_1733, %swap3A_1734], %swap3A_1737 {strides = array<i32>} : memref<16x128xf32, #tpu.memory_space<vmem>>, vector<1x16xf32>,
      %get3A_1738 = arith.constant 2 : i32
      %get3A_1739 = arith.index_cast %get3A_1738 : i32 to index
      %get3A_1740 = arith.index_cast %squeeze3A_1709 : i32 to index
      %get3A_1741 = tpu.vector_load %arg17[%get3A_1739, %get3A_1740] {strides = array<i32>} : memref<16x128xf32, #tpu.memory_space<vmem>>, vector<1x16xf32>,
      %get3A_1742 = vector.shape_cast %get3A_1741 : vector<1x16xf32> to vector<16xf32>
      %swap3A_1743 = arith.constant 2 : i32
      %swap3A_1744 = arith.index_cast %swap3A_1743 : i32 to index
      %swap3A_1745 = arith.constant 32 : index
      %swap3A_1746 = tpu.vector_load %arg20[%swap3A_1744, %swap3A_1745] {strides = array<i32>} : memref<16x128xf32, #tpu.memory_space<vmem>>, vector<1x16xf32>,
      %swap3A_1747 = vector.shape_cast %swap3A_1746 : vector<1x16xf32> to vector<16xf32>
      %swap3A_1748 = vector.shape_cast %get3A_1742 : vector<16xf32> to vector<1x16xf32>
      tpu.vector_store %arg20[%swap3A_1744, %swap3A_1745], %swap3A_1748 {strides = array<i32>} : memref<16x128xf32, #tpu.memory_space<vmem>>, vector<1x16xf32>,
      %add3A_1749 = arith.constant 16 : i32
      %add3A_1750 = arith.addi %squeeze3A_1709, %add3A_1749 : i32
      %get3A_1751 = arith.constant 2 : i32
      %get3A_1752 = arith.index_cast %get3A_1751 : i32 to index
      %get3A_1753 = arith.index_cast %add3A_1750 : i32 to index
      %get3A_1754 = tpu.vector_load %arg17[%get3A_1752, %get3A_1753] {strides = array<i32>} : memref<16x128xf32, #tpu.memory_space<vmem>>, vector<1x16xf32>,
      %get3A_1755 = vector.shape_cast %get3A_1754 : vector<1x16xf32> to vector<16xf32>
      %swap3A_1756 = arith.constant 2 : i32
      %swap3A_1757 = arith.index_cast %swap3A_1756 : i32 to index
      %swap3A_1758 = arith.constant 48 : index
      %swap3A_1759 = tpu.vector_load %arg20[%swap3A_1757, %swap3A_1758] {strides = array<i32>} : memref<16x128xf32, #tpu.memory_space<vmem>>, vector<1x16xf32>,
      %swap3A_1760 = vector.shape_cast %swap3A_1759 : vector<1x16xf32> to vector<16xf32>
      %swap3A_1761 = vector.shape_cast %get3A_1755 : vector<16xf32> to vector<1x16xf32>
      tpu.vector_store %arg20[%swap3A_1757, %swap3A_1758], %swap3A_1761 {strides = array<i32>} : memref<16x128xf32, #tpu.memory_space<vmem>>, vector<1x16xf32>,
      %get3A_1762 = arith.constant 2 : i32
      %get3A_1763 = arith.index_cast %get3A_1762 : i32 to index
      %get3A_1764 = arith.index_cast %squeeze3A_1711 : i32 to index
      %get3A_1765 = tpu.vector_load %arg18[%get3A_1763, %get3A_1764] {strides = array<i32>} : memref<16x128xf32, #tpu.memory_space<vmem>>, vector<1x16xf32>,
      %get3A_1766 = vector.shape_cast %get3A_1765 : vector<1x16xf32> to vector<16xf32>
      %swap3A_1767 = arith.constant 2 : i32
      %swap3A_1768 = arith.index_cast %swap3A_1767 : i32 to index
      %swap3A_1769 = arith.constant 64 : index
      %swap3A_1770 = tpu.vector_load %arg20[%swap3A_1768, %swap3A_1769] {strides = array<i32>} : memref<16x128xf32, #tpu.memory_space<vmem>>, vector<1x16xf32>,
      %swap3A_1771 = vector.shape_cast %swap3A_1770 : vector<1x16xf32> to vector<16xf32>
      %swap3A_1772 = vector.shape_cast %get3A_1766 : vector<16xf32> to vector<1x16xf32>
      tpu.vector_store %arg20[%swap3A_1768, %swap3A_1769], %swap3A_1772 {strides = array<i32>} : memref<16x128xf32, #tpu.memory_space<vmem>>, vector<1x16xf32>,
      %get3A_1773 = arith.constant 2 : i32
      %get3A_1774 = arith.index_cast %get3A_1773 : i32 to index
      %get3A_1775 = arith.index_cast %squeeze3A_1713 : i32 to index
      %get3A_1776 = tpu.vector_load %arg19[%get3A_1774, %get3A_1775] {strides = array<i32>} : memref<16x128xf32, #tpu.memory_space<vmem>>, vector<1x16xf32>,
      %get3A_1777 = vector.shape_cast %get3A_1776 : vector<1x16xf32> to vector<16xf32>
      %swap3A_1778 = arith.constant 2 : i32
      %swap3A_1779 = arith.index_cast %swap3A_1778 : i32 to index
      %swap3A_1780 = arith.constant 80 : index
      %swap3A_1781 = tpu.vector_load %arg20[%swap3A_1779, %swap3A_1780] {strides = array<i32>} : memref<16x128xf32, #tpu.memory_space<vmem>>, vector<1x16xf32>,
      %swap3A_1782 = vector.shape_cast %swap3A_1781 : vector<1x16xf32> to vector<16xf32>
      %swap3A_1783 = vector.shape_cast %get3A_1777 : vector<16xf32> to vector<1x16xf32>
      tpu.vector_store %arg20[%swap3A_1779, %swap3A_1780], %swap3A_1783 {strides = array<i32>} : memref<16x128xf32, #tpu.memory_space<vmem>>, vector<1x16xf32>,
      %slice3A_1784 = vector.extract_strided_slice %shift_left3A_1493 {offsets = [3], sizes = [1], strides = [1]} : vector<16xi32> to vector<1xi32>
      %squeeze3A_1785 = vector.extract %slice3A_1784[0] : i32 from vector<1xi32>
      %slice3A_1786 = vector.extract_strided_slice %shift_left3A_1502 {offsets = [3], sizes = [1], strides = [1]} : vector<16xi32> to vector<1xi32>
      %squeeze3A_1787 = vector.extract %slice3A_1786[0] : i32 from vector<1xi32>
      %slice3A_1788 = vector.extract_strided_slice %shift_left3A_1511 {offsets = [3], sizes = [1], strides = [1]} : vector<16xi32> to vector<1xi32>
      %squeeze3A_1789 = vector.extract %slice3A_1788[0] : i32 from vector<1xi32>
      %slice3A_1790 = vector.extract_strided_slice %shift_left3A_1520 {offsets = [3], sizes = [1], strides = [1]} : vector<16xi32> to vector<1xi32>
      %squeeze3A_1791 = vector.extract %slice3A_1790[0] : i32 from vector<1xi32>
      %get3A_1792 = arith.constant 3 : i32
      %get3A_1793 = arith.index_cast %get3A_1792 : i32 to index
      %get3A_1794 = arith.index_cast %squeeze3A_1785 : i32 to index
      %get3A_1795 = tpu.vector_load %arg16[%get3A_1793, %get3A_1794] {strides = array<i32>} : memref<16x128xf32, #tpu.memory_space<vmem>>, vector<1x16xf32>,
      %get3A_1796 = vector.shape_cast %get3A_1795 : vector<1x16xf32> to vector<16xf32>
      %swap3A_1797 = arith.constant 3 : i32
      %swap3A_1798 = arith.index_cast %swap3A_1797 : i32 to index
      %swap3A_1799 = arith.constant 0 : index
      %swap3A_1800 = tpu.vector_load %arg20[%swap3A_1798, %swap3A_1799] {strides = array<i32>} : memref<16x128xf32, #tpu.memory_space<vmem>>, vector<1x16xf32>,
      %swap3A_1801 = vector.shape_cast %swap3A_1800 : vector<1x16xf32> to vector<16xf32>
      %swap3A_1802 = vector.shape_cast %get3A_1796 : vector<16xf32> to vector<1x16xf32>
      tpu.vector_store %arg20[%swap3A_1798, %swap3A_1799], %swap3A_1802 {strides = array<i32>} : memref<16x128xf32, #tpu.memory_space<vmem>>, vector<1x16xf32>,
      %add3A_1803 = arith.constant 16 : i32
      %add3A_1804 = arith.addi %squeeze3A_1785, %add3A_1803 : i32
      %get3A_1805 = arith.constant 3 : i32
      %get3A_1806 = arith.index_cast %get3A_1805 : i32 to index
      %get3A_1807 = arith.index_cast %add3A_1804 : i32 to index
      %get3A_1808 = tpu.vector_load %arg16[%get3A_1806, %get3A_1807] {strides = array<i32>} : memref<16x128xf32, #tpu.memory_space<vmem>>, vector<1x16xf32>,
      %get3A_1809 = vector.shape_cast %get3A_1808 : vector<1x16xf32> to vector<16xf32>
      %swap3A_1810 = arith.constant 3 : i32
      %swap3A_1811 = arith.index_cast %swap3A_1810 : i32 to index
      %swap3A_1812 = arith.constant 16 : index
      %swap3A_1813 = tpu.vector_load %arg20[%swap3A_1811, %swap3A_1812] {strides = array<i32>} : memref<16x128xf32, #tpu.memory_space<vmem>>, vector<1x16xf32>,
      %swap3A_1814 = vector.shape_cast %swap3A_1813 : vector<1x16xf32> to vector<16xf32>
      %swap3A_1815 = vector.shape_cast %get3A_1809 : vector<16xf32> to vector<1x16xf32>
      tpu.vector_store %arg20[%swap3A_1811, %swap3A_1812], %swap3A_1815 {strides = array<i32>} : memref<16x128xf32, #tpu.memory_space<vmem>>, vector<1x16xf32>,
      %get3A_1816 = arith.constant 3 : i32
      %get3A_1817 = arith.index_cast %get3A_1816 : i32 to index
      %get3A_1818 = arith.index_cast %squeeze3A_1787 : i32 to index
      %get3A_1819 = tpu.vector_load %arg17[%get3A_1817, %get3A_1818] {strides = array<i32>} : memref<16x128xf32, #tpu.memory_space<vmem>>, vector<1x16xf32>,
      %get3A_1820 = vector.shape_cast %get3A_1819 : vector<1x16xf32> to vector<16xf32>
      %swap3A_1821 = arith.constant 3 : i32
      %swap3A_1822 = arith.index_cast %swap3A_1821 : i32 to index
      %swap3A_1823 = arith.constant 32 : index
      %swap3A_1824 = tpu.vector_load %arg20[%swap3A_1822, %swap3A_1823] {strides = array<i32>} : memref<16x128xf32, #tpu.memory_space<vmem>>, vector<1x16xf32>,
      %swap3A_1825 = vector.shape_cast %swap3A_1824 : vector<1x16xf32> to vector<16xf32>
      %swap3A_1826 = vector.shape_cast %get3A_1820 : vector<16xf32> to vector<1x16xf32>
      tpu.vector_store %arg20[%swap3A_1822, %swap3A_1823], %swap3A_1826 {strides = array<i32>} : memref<16x128xf32, #tpu.memory_space<vmem>>, vector<1x16xf32>,
      %add3A_1827 = arith.constant 16 : i32
      %add3A_1828 = arith.addi %squeeze3A_1787, %add3A_1827 : i32
      %get3A_1829 = arith.constant 3 : i32
      %get3A_1830 = arith.index_cast %get3A_1829 : i32 to index
      %get3A_1831 = arith.index_cast %add3A_1828 : i32 to index
      %get3A_1832 = tpu.vector_load %arg17[%get3A_1830, %get3A_1831] {strides = array<i32>} : memref<16x128xf32, #tpu.memory_space<vmem>>, vector<1x16xf32>,
      %get3A_1833 = vector.shape_cast %get3A_1832 : vector<1x16xf32> to vector<16xf32>
      %swap3A_1834 = arith.constant 3 : i32
      %swap3A_1835 = arith.index_cast %swap3A_1834 : i32 to index
      %swap3A_1836 = arith.constant 48 : index
      %swap3A_1837 = tpu.vector_load %arg20[%swap3A_1835, %swap3A_1836] {strides = array<i32>} : memref<16x128xf32, #tpu.memory_space<vmem>>, vector<1x16xf32>,
      %swap3A_1838 = vector.shape_cast %swap3A_1837 : vector<1x16xf32> to vector<16xf32>
      %swap3A_1839 = vector.shape_cast %get3A_1833 : vector<16xf32> to vector<1x16xf32>
      tpu.vector_store %arg20[%swap3A_1835, %swap3A_1836], %swap3A_1839 {strides = array<i32>} : memref<16x128xf32, #tpu.memory_space<vmem>>, vector<1x16xf32>,
      %get3A_1840 = arith.constant 3 : i32
      %get3A_1841 = arith.index_cast %get3A_1840 : i32 to index
      %get3A_1842 = arith.index_cast %squeeze3A_1789 : i32 to index
      %get3A_1843 = tpu.vector_load %arg18[%get3A_1841, %get3A_1842] {strides = array<i32>} : memref<16x128xf32, #tpu.memory_space<vmem>>, vector<1x16xf32>,
      %get3A_1844 = vector.shape_cast %get3A_1843 : vector<1x16xf32> to vector<16xf32>
      %swap3A_1845 = arith.constant 3 : i32
      %swap3A_1846 = arith.index_cast %swap3A_1845 : i32 to index
      %swap3A_1847 = arith.constant 64 : index
      %swap3A_1848 = tpu.vector_load %arg20[%swap3A_1846, %swap3A_1847] {strides = array<i32>} : memref<16x128xf32, #tpu.memory_space<vmem>>, vector<1x16xf32>,
      %swap3A_1849 = vector.shape_cast %swap3A_1848 : vector<1x16xf32> to vector<16xf32>
      %swap3A_1850 = vector.shape_cast %get3A_1844 : vector<16xf32> to vector<1x16xf32>
      tpu.vector_store %arg20[%swap3A_1846, %swap3A_1847], %swap3A_1850 {strides = array<i32>} : memref<16x128xf32, #tpu.memory_space<vmem>>, vector<1x16xf32>,
      %get3A_1851 = arith.constant 3 : i32
      %get3A_1852 = arith.index_cast %get3A_1851 : i32 to index
      %get3A_1853 = arith.index_cast %squeeze3A_1791 : i32 to index
      %get3A_1854 = tpu.vector_load %arg19[%get3A_1852, %get3A_1853] {strides = array<i32>} : memref<16x128xf32, #tpu.memory_space<vmem>>, vector<1x16xf32>,
      %get3A_1855 = vector.shape_cast %get3A_1854 : vector<1x16xf32> to vector<16xf32>
      %swap3A_1856 = arith.constant 3 : i32
      %swap3A_1857 = arith.index_cast %swap3A_1856 : i32 to index
      %swap3A_1858 = arith.constant 80 : index
      %swap3A_1859 = tpu.vector_load %arg20[%swap3A_1857, %swap3A_1858] {strides = array<i32>} : memref<16x128xf32, #tpu.memory_space<vmem>>, vector<1x16xf32>,
      %swap3A_1860 = vector.shape_cast %swap3A_1859 : vector<1x16xf32> to vector<16xf32>
      %swap3A_1861 = vector.shape_cast %get3A_1855 : vector<16xf32> to vector<1x16xf32>
      tpu.vector_store %arg20[%swap3A_1857, %swap3A_1858], %swap3A_1861 {strides = array<i32>} : memref<16x128xf32, #tpu.memory_space<vmem>>, vector<1x16xf32>,
      %slice3A_1862 = vector.extract_strided_slice %shift_left3A_1493 {offsets = [4], sizes = [1], strides = [1]} : vector<16xi32> to vector<1xi32>
      %squeeze3A_1863 = vector.extract %slice3A_1862[0] : i32 from vector<1xi32>
      %slice3A_1864 = vector.extract_strided_slice %shift_left3A_1502 {offsets = [4], sizes = [1], strides = [1]} : vector<16xi32> to vector<1xi32>
      %squeeze3A_1865 = vector.extract %slice3A_1864[0] : i32 from vector<1xi32>
      %slice3A_1866 = vector.extract_strided_slice %shift_left3A_1511 {offsets = [4], sizes = [1], strides = [1]} : vector<16xi32> to vector<1xi32>
      %squeeze3A_1867 = vector.extract %slice3A_1866[0] : i32 from vector<1xi32>
      %slice3A_1868 = vector.extract_strided_slice %shift_left3A_1520 {offsets = [4], sizes = [1], strides = [1]} : vector<16xi32> to vector<1xi32>
      %squeeze3A_1869 = vector.extract %slice3A_1868[0] : i32 from vector<1xi32>
      %get3A_1870 = arith.constant 4 : i32
      %get3A_1871 = arith.index_cast %get3A_1870 : i32 to index
      %get3A_1872 = arith.index_cast %squeeze3A_1863 : i32 to index
      %get3A_1873 = tpu.vector_load %arg16[%get3A_1871, %get3A_1872] {strides = array<i32>} : memref<16x128xf32, #tpu.memory_space<vmem>>, vector<1x16xf32>,
      %get3A_1874 = vector.shape_cast %get3A_1873 : vector<1x16xf32> to vector<16xf32>
      %swap3A_1875 = arith.constant 4 : i32
      %swap3A_1876 = arith.index_cast %swap3A_1875 : i32 to index
      %swap3A_1877 = arith.constant 0 : index
      %swap3A_1878 = tpu.vector_load %arg20[%swap3A_1876, %swap3A_1877] {strides = array<i32>} : memref<16x128xf32, #tpu.memory_space<vmem>>, vector<1x16xf32>,
      %swap3A_1879 = vector.shape_cast %swap3A_1878 : vector<1x16xf32> to vector<16xf32>
      %swap3A_1880 = vector.shape_cast %get3A_1874 : vector<16xf32> to vector<1x16xf32>
      tpu.vector_store %arg20[%swap3A_1876, %swap3A_1877], %swap3A_1880 {strides = array<i32>} : memref<16x128xf32, #tpu.memory_space<vmem>>, vector<1x16xf32>,
      %add3A_1881 = arith.constant 16 : i32
      %add3A_1882 = arith.addi %squeeze3A_1863, %add3A_1881 : i32
      %get3A_1883 = arith.constant 4 : i32
      %get3A_1884 = arith.index_cast %get3A_1883 : i32 to index
      %get3A_1885 = arith.index_cast %add3A_1882 : i32 to index
      %get3A_1886 = tpu.vector_load %arg16[%get3A_1884, %get3A_1885] {strides = array<i32>} : memref<16x128xf32, #tpu.memory_space<vmem>>, vector<1x16xf32>,
      %get3A_1887 = vector.shape_cast %get3A_1886 : vector<1x16xf32> to vector<16xf32>
      %swap3A_1888 = arith.constant 4 : i32
      %swap3A_1889 = arith.index_cast %swap3A_1888 : i32 to index
      %swap3A_1890 = arith.constant 16 : index
      %swap3A_1891 = tpu.vector_load %arg20[%swap3A_1889, %swap3A_1890] {strides = array<i32>} : memref<16x128xf32, #tpu.memory_space<vmem>>, vector<1x16xf32>,
      %swap3A_1892 = vector.shape_cast %swap3A_1891 : vector<1x16xf32> to vector<16xf32>
      %swap3A_1893 = vector.shape_cast %get3A_1887 : vector<16xf32> to vector<1x16xf32>
      tpu.vector_store %arg20[%swap3A_1889, %swap3A_1890], %swap3A_1893 {strides = array<i32>} : memref<16x128xf32, #tpu.memory_space<vmem>>, vector<1x16xf32>,
      %get3A_1894 = arith.constant 4 : i32
      %get3A_1895 = arith.index_cast %get3A_1894 : i32 to index
      %get3A_1896 = arith.index_cast %squeeze3A_1865 : i32 to index
      %get3A_1897 = tpu.vector_load %arg17[%get3A_1895, %get3A_1896] {strides = array<i32>} : memref<16x128xf32, #tpu.memory_space<vmem>>, vector<1x16xf32>,
      %get3A_1898 = vector.shape_cast %get3A_1897 : vector<1x16xf32> to vector<16xf32>
      %swap3A_1899 = arith.constant 4 : i32
      %swap3A_1900 = arith.index_cast %swap3A_1899 : i32 to index
      %swap3A_1901 = arith.constant 32 : index
      %swap3A_1902 = tpu.vector_load %arg20[%swap3A_1900, %swap3A_1901] {strides = array<i32>} : memref<16x128xf32, #tpu.memory_space<vmem>>, vector<1x16xf32>,
      %swap3A_1903 = vector.shape_cast %swap3A_1902 : vector<1x16xf32> to vector<16xf32>
      %swap3A_1904 = vector.shape_cast %get3A_1898 : vector<16xf32> to vector<1x16xf32>
      tpu.vector_store %arg20[%swap3A_1900, %swap3A_1901], %swap3A_1904 {strides = array<i32>} : memref<16x128xf32, #tpu.memory_space<vmem>>, vector<1x16xf32>,
      %add3A_1905 = arith.constant 16 : i32
      %add3A_1906 = arith.addi %squeeze3A_1865, %add3A_1905 : i32
      %get3A_1907 = arith.constant 4 : i32
      %get3A_1908 = arith.index_cast %get3A_1907 : i32 to index
      %get3A_1909 = arith.index_cast %add3A_1906 : i32 to index
      %get3A_1910 = tpu.vector_load %arg17[%get3A_1908, %get3A_1909] {strides = array<i32>} : memref<16x128xf32, #tpu.memory_space<vmem>>, vector<1x16xf32>,
      %get3A_1911 = vector.shape_cast %get3A_1910 : vector<1x16xf32> to vector<16xf32>
      %swap3A_1912 = arith.constant 4 : i32
      %swap3A_1913 = arith.index_cast %swap3A_1912 : i32 to index
      %swap3A_1914 = arith.constant 48 : index
      %swap3A_1915 = tpu.vector_load %arg20[%swap3A_1913, %swap3A_1914] {strides = array<i32>} : memref<16x128xf32, #tpu.memory_space<vmem>>, vector<1x16xf32>,
      %swap3A_1916 = vector.shape_cast %swap3A_1915 : vector<1x16xf32> to vector<16xf32>
      %swap3A_1917 = vector.shape_cast %get3A_1911 : vector<16xf32> to vector<1x16xf32>
      tpu.vector_store %arg20[%swap3A_1913, %swap3A_1914], %swap3A_1917 {strides = array<i32>} : memref<16x128xf32, #tpu.memory_space<vmem>>, vector<1x16xf32>,
      %get3A_1918 = arith.constant 4 : i32
      %get3A_1919 = arith.index_cast %get3A_1918 : i32 to index
      %get3A_1920 = arith.index_cast %squeeze3A_1867 : i32 to index
      %get3A_1921 = tpu.vector_load %arg18[%get3A_1919, %get3A_1920] {strides = array<i32>} : memref<16x128xf32, #tpu.memory_space<vmem>>, vector<1x16xf32>,
      %get3A_1922 = vector.shape_cast %get3A_1921 : vector<1x16xf32> to vector<16xf32>
      %swap3A_1923 = arith.constant 4 : i32
      %swap3A_1924 = arith.index_cast %swap3A_1923 : i32 to index
      %swap3A_1925 = arith.constant 64 : index
      %swap3A_1926 = tpu.vector_load %arg20[%swap3A_1924, %swap3A_1925] {strides = array<i32>} : memref<16x128xf32, #tpu.memory_space<vmem>>, vector<1x16xf32>,
      %swap3A_1927 = vector.shape_cast %swap3A_1926 : vector<1x16xf32> to vector<16xf32>
      %swap3A_1928 = vector.shape_cast %get3A_1922 : vector<16xf32> to vector<1x16xf32>
      tpu.vector_store %arg20[%swap3A_1924, %swap3A_1925], %swap3A_1928 {strides = array<i32>} : memref<16x128xf32, #tpu.memory_space<vmem>>, vector<1x16xf32>,
      %get3A_1929 = arith.constant 4 : i32
      %get3A_1930 = arith.index_cast %get3A_1929 : i32 to index
      %get3A_1931 = arith.index_cast %squeeze3A_1869 : i32 to index
      %get3A_1932 = tpu.vector_load %arg19[%get3A_1930, %get3A_1931] {strides = array<i32>} : memref<16x128xf32, #tpu.memory_space<vmem>>, vector<1x16xf32>,
      %get3A_1933 = vector.shape_cast %get3A_1932 : vector<1x16xf32> to vector<16xf32>
      %swap3A_1934 = arith.constant 4 : i32
      %swap3A_1935 = arith.index_cast %swap3A_1934 : i32 to index
      %swap3A_1936 = arith.constant 80 : index
      %swap3A_1937 = tpu.vector_load %arg20[%swap3A_1935, %swap3A_1936] {strides = array<i32>} : memref<16x128xf32, #tpu.memory_space<vmem>>, vector<1x16xf32>,
      %swap3A_1938 = vector.shape_cast %swap3A_1937 : vector<1x16xf32> to vector<16xf32>
      %swap3A_1939 = vector.shape_cast %get3A_1933 : vector<16xf32> to vector<1x16xf32>
      tpu.vector_store %arg20[%swap3A_1935, %swap3A_1936], %swap3A_1939 {strides = array<i32>} : memref<16x128xf32, #tpu.memory_space<vmem>>, vector<1x16xf32>,
      %slice3A_1940 = vector.extract_strided_slice %shift_left3A_1493 {offsets = [5], sizes = [1], strides = [1]} : vector<16xi32> to vector<1xi32>
      %squeeze3A_1941 = vector.extract %slice3A_1940[0] : i32 from vector<1xi32>
      %slice3A_1942 = vector.extract_strided_slice %shift_left3A_1502 {offsets = [5], sizes = [1], strides = [1]} : vector<16xi32> to vector<1xi32>
      %squeeze3A_1943 = vector.extract %slice3A_1942[0] : i32 from vector<1xi32>
      %slice3A_1944 = vector.extract_strided_slice %shift_left3A_1511 {offsets = [5], sizes = [1], strides = [1]} : vector<16xi32> to vector<1xi32>
      %squeeze3A_1945 = vector.extract %slice3A_1944[0] : i32 from vector<1xi32>
      %slice3A_1946 = vector.extract_strided_slice %shift_left3A_1520 {offsets = [5], sizes = [1], strides = [1]} : vector<16xi32> to vector<1xi32>
      %squeeze3A_1947 = vector.extract %slice3A_1946[0] : i32 from vector<1xi32>
      %get3A_1948 = arith.constant 5 : i32
      %get3A_1949 = arith.index_cast %get3A_1948 : i32 to index
      %get3A_1950 = arith.index_cast %squeeze3A_1941 : i32 to index
      %get3A_1951 = tpu.vector_load %arg16[%get3A_1949, %get3A_1950] {strides = array<i32>} : memref<16x128xf32, #tpu.memory_space<vmem>>, vector<1x16xf32>,
      %get3A_1952 = vector.shape_cast %get3A_1951 : vector<1x16xf32> to vector<16xf32>
      %swap3A_1953 = arith.constant 5 : i32
      %swap3A_1954 = arith.index_cast %swap3A_1953 : i32 to index
      %swap3A_1955 = arith.constant 0 : index
      %swap3A_1956 = tpu.vector_load %arg20[%swap3A_1954, %swap3A_1955] {strides = array<i32>} : memref<16x128xf32, #tpu.memory_space<vmem>>, vector<1x16xf32>,
      %swap3A_1957 = vector.shape_cast %swap3A_1956 : vector<1x16xf32> to vector<16xf32>
      %swap3A_1958 = vector.shape_cast %get3A_1952 : vector<16xf32> to vector<1x16xf32>
      tpu.vector_store %arg20[%swap3A_1954, %swap3A_1955], %swap3A_1958 {strides = array<i32>} : memref<16x128xf32, #tpu.memory_space<vmem>>, vector<1x16xf32>,
      %add3A_1959 = arith.constant 16 : i32
      %add3A_1960 = arith.addi %squeeze3A_1941, %add3A_1959 : i32
      %get3A_1961 = arith.constant 5 : i32
      %get3A_1962 = arith.index_cast %get3A_1961 : i32 to index
      %get3A_1963 = arith.index_cast %add3A_1960 : i32 to index
      %get3A_1964 = tpu.vector_load %arg16[%get3A_1962, %get3A_1963] {strides = array<i32>} : memref<16x128xf32, #tpu.memory_space<vmem>>, vector<1x16xf32>,
      %get3A_1965 = vector.shape_cast %get3A_1964 : vector<1x16xf32> to vector<16xf32>
      %swap3A_1966 = arith.constant 5 : i32
      %swap3A_1967 = arith.index_cast %swap3A_1966 : i32 to index
      %swap3A_1968 = arith.constant 16 : index
      %swap3A_1969 = tpu.vector_load %arg20[%swap3A_1967, %swap3A_1968] {strides = array<i32>} : memref<16x128xf32, #tpu.memory_space<vmem>>, vector<1x16xf32>,
      %swap3A_1970 = vector.shape_cast %swap3A_1969 : vector<1x16xf32> to vector<16xf32>
      %swap3A_1971 = vector.shape_cast %get3A_1965 : vector<16xf32> to vector<1x16xf32>
      tpu.vector_store %arg20[%swap3A_1967, %swap3A_1968], %swap3A_1971 {strides = array<i32>} : memref<16x128xf32, #tpu.memory_space<vmem>>, vector<1x16xf32>,
      %get3A_1972 = arith.constant 5 : i32
      %get3A_1973 = arith.index_cast %get3A_1972 : i32 to index
      %get3A_1974 = arith.index_cast %squeeze3A_1943 : i32 to index
      %get3A_1975 = tpu.vector_load %arg17[%get3A_1973, %get3A_1974] {strides = array<i32>} : memref<16x128xf32, #tpu.memory_space<vmem>>, vector<1x16xf32>,
      %get3A_1976 = vector.shape_cast %get3A_1975 : vector<1x16xf32> to vector<16xf32>
      %swap3A_1977 = arith.constant 5 : i32
      %swap3A_1978 = arith.index_cast %swap3A_1977 : i32 to index
      %swap3A_1979 = arith.constant 32 : index
      %swap3A_1980 = tpu.vector_load %arg20[%swap3A_1978, %swap3A_1979] {strides = array<i32>} : memref<16x128xf32, #tpu.memory_space<vmem>>, vector<1x16xf32>,
      %swap3A_1981 = vector.shape_cast %swap3A_1980 : vector<1x16xf32> to vector<16xf32>
      %swap3A_1982 = vector.shape_cast %get3A_1976 : vector<16xf32> to vector<1x16xf32>
      tpu.vector_store %arg20[%swap3A_1978, %swap3A_1979], %swap3A_1982 {strides = array<i32>} : memref<16x128xf32, #tpu.memory_space<vmem>>, vector<1x16xf32>,
      %add3A_1983 = arith.constant 16 : i32
      %add3A_1984 = arith.addi %squeeze3A_1943, %add3A_1983 : i32
      %get3A_1985 = arith.constant 5 : i32
      %get3A_1986 = arith.index_cast %get3A_1985 : i32 to index
      %get3A_1987 = arith.index_cast %add3A_1984 : i32 to index
      %get3A_1988 = tpu.vector_load %arg17[%get3A_1986, %get3A_1987] {strides = array<i32>} : memref<16x128xf32, #tpu.memory_space<vmem>>, vector<1x16xf32>,
      %get3A_1989 = vector.shape_cast %get3A_1988 : vector<1x16xf32> to vector<16xf32>
      %swap3A_1990 = arith.constant 5 : i32
      %swap3A_1991 = arith.index_cast %swap3A_1990 : i32 to index
      %swap3A_1992 = arith.constant 48 : index
      %swap3A_1993 = tpu.vector_load %arg20[%swap3A_1991, %swap3A_1992] {strides = array<i32>} : memref<16x128xf32, #tpu.memory_space<vmem>>, vector<1x16xf32>,
      %swap3A_1994 = vector.shape_cast %swap3A_1993 : vector<1x16xf32> to vector<16xf32>
      %swap3A_1995 = vector.shape_cast %get3A_1989 : vector<16xf32> to vector<1x16xf32>
      tpu.vector_store %arg20[%swap3A_1991, %swap3A_1992], %swap3A_1995 {strides = array<i32>} : memref<16x128xf32, #tpu.memory_space<vmem>>, vector<1x16xf32>,
      %get3A_1996 = arith.constant 5 : i32
      %get3A_1997 = arith.index_cast %get3A_1996 : i32 to index
      %get3A_1998 = arith.index_cast %squeeze3A_1945 : i32 to index
      %get3A_1999 = tpu.vector_load %arg18[%get3A_1997, %get3A_1998] {strides = array<i32>} : memref<16x128xf32, #tpu.memory_space<vmem>>, vector<1x16xf32>,
      %get3A_2000 = vector.shape_cast %get3A_1999 : vector<1x16xf32> to vector<16xf32>
      %swap3A_2001 = arith.constant 5 : i32
      %swap3A_2002 = arith.index_cast %swap3A_2001 : i32 to index
      %swap3A_2003 = arith.constant 64 : index
      %swap3A_2004 = tpu.vector_load %arg20[%swap3A_2002, %swap3A_2003] {strides = array<i32>} : memref<16x128xf32, #tpu.memory_space<vmem>>, vector<1x16xf32>,
      %swap3A_2005 = vector.shape_cast %swap3A_2004 : vector<1x16xf32> to vector<16xf32>
      %swap3A_2006 = vector.shape_cast %get3A_2000 : vector<16xf32> to vector<1x16xf32>
      tpu.vector_store %arg20[%swap3A_2002, %swap3A_2003], %swap3A_2006 {strides = array<i32>} : memref<16x128xf32, #tpu.memory_space<vmem>>, vector<1x16xf32>,
      %get3A_2007 = arith.constant 5 : i32
      %get3A_2008 = arith.index_cast %get3A_2007 : i32 to index
      %get3A_2009 = arith.index_cast %squeeze3A_1947 : i32 to index
      %get3A_2010 = tpu.vector_load %arg19[%get3A_2008, %get3A_2009] {strides = array<i32>} : memref<16x128xf32, #tpu.memory_space<vmem>>, vector<1x16xf32>,
      %get3A_2011 = vector.shape_cast %get3A_2010 : vector<1x16xf32> to vector<16xf32>
      %swap3A_2012 = arith.constant 5 : i32
      %swap3A_2013 = arith.index_cast %swap3A_2012 : i32 to index
      %swap3A_2014 = arith.constant 80 : index
      %swap3A_2015 = tpu.vector_load %arg20[%swap3A_2013, %swap3A_2014] {strides = array<i32>} : memref<16x128xf32, #tpu.memory_space<vmem>>, vector<1x16xf32>,
      %swap3A_2016 = vector.shape_cast %swap3A_2015 : vector<1x16xf32> to vector<16xf32>
      %swap3A_2017 = vector.shape_cast %get3A_2011 : vector<16xf32> to vector<1x16xf32>
      tpu.vector_store %arg20[%swap3A_2013, %swap3A_2014], %swap3A_2017 {strides = array<i32>} : memref<16x128xf32, #tpu.memory_space<vmem>>, vector<1x16xf32>,
      %slice3A_2018 = vector.extract_strided_slice %shift_left3A_1493 {offsets = [6], sizes = [1], strides = [1]} : vector<16xi32> to vector<1xi32>
      %squeeze3A_2019 = vector.extract %slice3A_2018[0] : i32 from vector<1xi32>
      %slice3A_2020 = vector.extract_strided_slice %shift_left3A_1502 {offsets = [6], sizes = [1], strides = [1]} : vector<16xi32> to vector<1xi32>
      %squeeze3A_2021 = vector.extract %slice3A_2020[0] : i32 from vector<1xi32>
      %slice3A_2022 = vector.extract_strided_slice %shift_left3A_1511 {offsets = [6], sizes = [1], strides = [1]} : vector<16xi32> to vector<1xi32>
      %squeeze3A_2023 = vector.extract %slice3A_2022[0] : i32 from vector<1xi32>
      %slice3A_2024 = vector.extract_strided_slice %shift_left3A_1520 {offsets = [6], sizes = [1], strides = [1]} : vector<16xi32> to vector<1xi32>
      %squeeze3A_2025 = vector.extract %slice3A_2024[0] : i32 from vector<1xi32>
      %get3A_2026 = arith.constant 6 : i32
      %get3A_2027 = arith.index_cast %get3A_2026 : i32 to index
      %get3A_2028 = arith.index_cast %squeeze3A_2019 : i32 to index
      %get3A_2029 = tpu.vector_load %arg16[%get3A_2027, %get3A_2028] {strides = array<i32>} : memref<16x128xf32, #tpu.memory_space<vmem>>, vector<1x16xf32>,
      %get3A_2030 = vector.shape_cast %get3A_2029 : vector<1x16xf32> to vector<16xf32>
      %swap3A_2031 = arith.constant 6 : i32
      %swap3A_2032 = arith.index_cast %swap3A_2031 : i32 to index
      %swap3A_2033 = arith.constant 0 : index
      %swap3A_2034 = tpu.vector_load %arg20[%swap3A_2032, %swap3A_2033] {strides = array<i32>} : memref<16x128xf32, #tpu.memory_space<vmem>>, vector<1x16xf32>,
      %swap3A_2035 = vector.shape_cast %swap3A_2034 : vector<1x16xf32> to vector<16xf32>
      %swap3A_2036 = vector.shape_cast %get3A_2030 : vector<16xf32> to vector<1x16xf32>
      tpu.vector_store %arg20[%swap3A_2032, %swap3A_2033], %swap3A_2036 {strides = array<i32>} : memref<16x128xf32, #tpu.memory_space<vmem>>, vector<1x16xf32>,
      %add3A_2037 = arith.constant 16 : i32
      %add3A_2038 = arith.addi %squeeze3A_2019, %add3A_2037 : i32
      %get3A_2039 = arith.constant 6 : i32
      %get3A_2040 = arith.index_cast %get3A_2039 : i32 to index
      %get3A_2041 = arith.index_cast %add3A_2038 : i32 to index
      %get3A_2042 = tpu.vector_load %arg16[%get3A_2040, %get3A_2041] {strides = array<i32>} : memref<16x128xf32, #tpu.memory_space<vmem>>, vector<1x16xf32>,
      %get3A_2043 = vector.shape_cast %get3A_2042 : vector<1x16xf32> to vector<16xf32>
      %swap3A_2044 = arith.constant 6 : i32
      %swap3A_2045 = arith.index_cast %swap3A_2044 : i32 to index
      %swap3A_2046 = arith.constant 16 : index
      %swap3A_2047 = tpu.vector_load %arg20[%swap3A_2045, %swap3A_2046] {strides = array<i32>} : memref<16x128xf32, #tpu.memory_space<vmem>>, vector<1x16xf32>,
      %swap3A_2048 = vector.shape_cast %swap3A_2047 : vector<1x16xf32> to vector<16xf32>
      %swap3A_2049 = vector.shape_cast %get3A_2043 : vector<16xf32> to vector<1x16xf32>
      tpu.vector_store %arg20[%swap3A_2045, %swap3A_2046], %swap3A_2049 {strides = array<i32>} : memref<16x128xf32, #tpu.memory_space<vmem>>, vector<1x16xf32>,
      %get3A_2050 = arith.constant 6 : i32
      %get3A_2051 = arith.index_cast %get3A_2050 : i32 to index
      %get3A_2052 = arith.index_cast %squeeze3A_2021 : i32 to index
      %get3A_2053 = tpu.vector_load %arg17[%get3A_2051, %get3A_2052] {strides = array<i32>} : memref<16x128xf32, #tpu.memory_space<vmem>>, vector<1x16xf32>,
      %get3A_2054 = vector.shape_cast %get3A_2053 : vector<1x16xf32> to vector<16xf32>
      %swap3A_2055 = arith.constant 6 : i32
      %swap3A_2056 = arith.index_cast %swap3A_2055 : i32 to index
      %swap3A_2057 = arith.constant 32 : index
      %swap3A_2058 = tpu.vector_load %arg20[%swap3A_2056, %swap3A_2057] {strides = array<i32>} : memref<16x128xf32, #tpu.memory_space<vmem>>, vector<1x16xf32>,
      %swap3A_2059 = vector.shape_cast %swap3A_2058 : vector<1x16xf32> to vector<16xf32>
      %swap3A_2060 = vector.shape_cast %get3A_2054 : vector<16xf32> to vector<1x16xf32>
      tpu.vector_store %arg20[%swap3A_2056, %swap3A_2057], %swap3A_2060 {strides = array<i32>} : memref<16x128xf32, #tpu.memory_space<vmem>>, vector<1x16xf32>,
      %add3A_2061 = arith.constant 16 : i32
      %add3A_2062 = arith.addi %squeeze3A_2021, %add3A_2061 : i32
      %get3A_2063 = arith.constant 6 : i32
      %get3A_2064 = arith.index_cast %get3A_2063 : i32 to index
      %get3A_2065 = arith.index_cast %add3A_2062 : i32 to index
      %get3A_2066 = tpu.vector_load %arg17[%get3A_2064, %get3A_2065] {strides = array<i32>} : memref<16x128xf32, #tpu.memory_space<vmem>>, vector<1x16xf32>,
      %get3A_2067 = vector.shape_cast %get3A_2066 : vector<1x16xf32> to vector<16xf32>
      %swap3A_2068 = arith.constant 6 : i32
      %swap3A_2069 = arith.index_cast %swap3A_2068 : i32 to index
      %swap3A_2070 = arith.constant 48 : index
      %swap3A_2071 = tpu.vector_load %arg20[%swap3A_2069, %swap3A_2070] {strides = array<i32>} : memref<16x128xf32, #tpu.memory_space<vmem>>, vector<1x16xf32>,
      %swap3A_2072 = vector.shape_cast %swap3A_2071 : vector<1x16xf32> to vector<16xf32>
      %swap3A_2073 = vector.shape_cast %get3A_2067 : vector<16xf32> to vector<1x16xf32>
      tpu.vector_store %arg20[%swap3A_2069, %swap3A_2070], %swap3A_2073 {strides = array<i32>} : memref<16x128xf32, #tpu.memory_space<vmem>>, vector<1x16xf32>,
      %get3A_2074 = arith.constant 6 : i32
      %get3A_2075 = arith.index_cast %get3A_2074 : i32 to index
      %get3A_2076 = arith.index_cast %squeeze3A_2023 : i32 to index
      %get3A_2077 = tpu.vector_load %arg18[%get3A_2075, %get3A_2076] {strides = array<i32>} : memref<16x128xf32, #tpu.memory_space<vmem>>, vector<1x16xf32>,
      %get3A_2078 = vector.shape_cast %get3A_2077 : vector<1x16xf32> to vector<16xf32>
      %swap3A_2079 = arith.constant 6 : i32
      %swap3A_2080 = arith.index_cast %swap3A_2079 : i32 to index
      %swap3A_2081 = arith.constant 64 : index
      %swap3A_2082 = tpu.vector_load %arg20[%swap3A_2080, %swap3A_2081] {strides = array<i32>} : memref<16x128xf32, #tpu.memory_space<vmem>>, vector<1x16xf32>,
      %swap3A_2083 = vector.shape_cast %swap3A_2082 : vector<1x16xf32> to vector<16xf32>
      %swap3A_2084 = vector.shape_cast %get3A_2078 : vector<16xf32> to vector<1x16xf32>
      tpu.vector_store %arg20[%swap3A_2080, %swap3A_2081], %swap3A_2084 {strides = array<i32>} : memref<16x128xf32, #tpu.memory_space<vmem>>, vector<1x16xf32>,
      %get3A_2085 = arith.constant 6 : i32
      %get3A_2086 = arith.index_cast %get3A_2085 : i32 to index
      %get3A_2087 = arith.index_cast %squeeze3A_2025 : i32 to index
      %get3A_2088 = tpu.vector_load %arg19[%get3A_2086, %get3A_2087] {strides = array<i32>} : memref<16x128xf32, #tpu.memory_space<vmem>>, vector<1x16xf32>,
      %get3A_2089 = vector.shape_cast %get3A_2088 : vector<1x16xf32> to vector<16xf32>
      %swap3A_2090 = arith.constant 6 : i32
      %swap3A_2091 = arith.index_cast %swap3A_2090 : i32 to index
      %swap3A_2092 = arith.constant 80 : index
      %swap3A_2093 = tpu.vector_load %arg20[%swap3A_2091, %swap3A_2092] {strides = array<i32>} : memref<16x128xf32, #tpu.memory_space<vmem>>, vector<1x16xf32>,
      %swap3A_2094 = vector.shape_cast %swap3A_2093 : vector<1x16xf32> to vector<16xf32>
      %swap3A_2095 = vector.shape_cast %get3A_2089 : vector<16xf32> to vector<1x16xf32>
      tpu.vector_store %arg20[%swap3A_2091, %swap3A_2092], %swap3A_2095 {strides = array<i32>} : memref<16x128xf32, #tpu.memory_space<vmem>>, vector<1x16xf32>,
      %slice3A_2096 = vector.extract_strided_slice %shift_left3A_1493 {offsets = [7], sizes = [1], strides = [1]} : vector<16xi32> to vector<1xi32>
      %squeeze3A_2097 = vector.extract %slice3A_2096[0] : i32 from vector<1xi32>
      %slice3A_2098 = vector.extract_strided_slice %shift_left3A_1502 {offsets = [7], sizes = [1], strides = [1]} : vector<16xi32> to vector<1xi32>
      %squeeze3A_2099 = vector.extract %slice3A_2098[0] : i32 from vector<1xi32>
      %slice3A_2100 = vector.extract_strided_slice %shift_left3A_1511 {offsets = [7], sizes = [1], strides = [1]} : vector<16xi32> to vector<1xi32>
      %squeeze3A_2101 = vector.extract %slice3A_2100[0] : i32 from vector<1xi32>
      %slice3A_2102 = vector.extract_strided_slice %shift_left3A_1520 {offsets = [7], sizes = [1], strides = [1]} : vector<16xi32> to vector<1xi32>
      %squeeze3A_2103 = vector.extract %slice3A_2102[0] : i32 from vector<1xi32>
      %get3A_2104 = arith.constant 7 : i32
      %get3A_2105 = arith.index_cast %get3A_2104 : i32 to index
      %get3A_2106 = arith.index_cast %squeeze3A_2097 : i32 to index
      %get3A_2107 = tpu.vector_load %arg16[%get3A_2105, %get3A_2106] {strides = array<i32>} : memref<16x128xf32, #tpu.memory_space<vmem>>, vector<1x16xf32>,
      %get3A_2108 = vector.shape_cast %get3A_2107 : vector<1x16xf32> to vector<16xf32>
      %swap3A_2109 = arith.constant 7 : i32
      %swap3A_2110 = arith.index_cast %swap3A_2109 : i32 to index
      %swap3A_2111 = arith.constant 0 : index
      %swap3A_2112 = tpu.vector_load %arg20[%swap3A_2110, %swap3A_2111] {strides = array<i32>} : memref<16x128xf32, #tpu.memory_space<vmem>>, vector<1x16xf32>,
      %swap3A_2113 = vector.shape_cast %swap3A_2112 : vector<1x16xf32> to vector<16xf32>
      %swap3A_2114 = vector.shape_cast %get3A_2108 : vector<16xf32> to vector<1x16xf32>
      tpu.vector_store %arg20[%swap3A_2110, %swap3A_2111], %swap3A_2114 {strides = array<i32>} : memref<16x128xf32, #tpu.memory_space<vmem>>, vector<1x16xf32>,
      %add3A_2115 = arith.constant 16 : i32
      %add3A_2116 = arith.addi %squeeze3A_2097, %add3A_2115 : i32
      %get3A_2117 = arith.constant 7 : i32
      %get3A_2118 = arith.index_cast %get3A_2117 : i32 to index
      %get3A_2119 = arith.index_cast %add3A_2116 : i32 to index
      %get3A_2120 = tpu.vector_load %arg16[%get3A_2118, %get3A_2119] {strides = array<i32>} : memref<16x128xf32, #tpu.memory_space<vmem>>, vector<1x16xf32>,
      %get3A_2121 = vector.shape_cast %get3A_2120 : vector<1x16xf32> to vector<16xf32>
      %swap3A_2122 = arith.constant 7 : i32
      %swap3A_2123 = arith.index_cast %swap3A_2122 : i32 to index
      %swap3A_2124 = arith.constant 16 : index
      %swap3A_2125 = tpu.vector_load %arg20[%swap3A_2123, %swap3A_2124] {strides = array<i32>} : memref<16x128xf32, #tpu.memory_space<vmem>>, vector<1x16xf32>,
      %swap3A_2126 = vector.shape_cast %swap3A_2125 : vector<1x16xf32> to vector<16xf32>
      %swap3A_2127 = vector.shape_cast %get3A_2121 : vector<16xf32> to vector<1x16xf32>
      tpu.vector_store %arg20[%swap3A_2123, %swap3A_2124], %swap3A_2127 {strides = array<i32>} : memref<16x128xf32, #tpu.memory_space<vmem>>, vector<1x16xf32>,
      %get3A_2128 = arith.constant 7 : i32
      %get3A_2129 = arith.index_cast %get3A_2128 : i32 to index
      %get3A_2130 = arith.index_cast %squeeze3A_2099 : i32 to index
      %get3A_2131 = tpu.vector_load %arg17[%get3A_2129, %get3A_2130] {strides = array<i32>} : memref<16x128xf32, #tpu.memory_space<vmem>>, vector<1x16xf32>,
      %get3A_2132 = vector.shape_cast %get3A_2131 : vector<1x16xf32> to vector<16xf32>
      %swap3A_2133 = arith.constant 7 : i32
      %swap3A_2134 = arith.index_cast %swap3A_2133 : i32 to index
      %swap3A_2135 = arith.constant 32 : index
      %swap3A_2136 = tpu.vector_load %arg20[%swap3A_2134, %swap3A_2135] {strides = array<i32>} : memref<16x128xf32, #tpu.memory_space<vmem>>, vector<1x16xf32>,
      %swap3A_2137 = vector.shape_cast %swap3A_2136 : vector<1x16xf32> to vector<16xf32>
      %swap3A_2138 = vector.shape_cast %get3A_2132 : vector<16xf32> to vector<1x16xf32>
      tpu.vector_store %arg20[%swap3A_2134, %swap3A_2135], %swap3A_2138 {strides = array<i32>} : memref<16x128xf32, #tpu.memory_space<vmem>>, vector<1x16xf32>,
      %add3A_2139 = arith.constant 16 : i32
      %add3A_2140 = arith.addi %squeeze3A_2099, %add3A_2139 : i32
      %get3A_2141 = arith.constant 7 : i32
      %get3A_2142 = arith.index_cast %get3A_2141 : i32 to index
      %get3A_2143 = arith.index_cast %add3A_2140 : i32 to index
      %get3A_2144 = tpu.vector_load %arg17[%get3A_2142, %get3A_2143] {strides = array<i32>} : memref<16x128xf32, #tpu.memory_space<vmem>>, vector<1x16xf32>,
      %get3A_2145 = vector.shape_cast %get3A_2144 : vector<1x16xf32> to vector<16xf32>
      %swap3A_2146 = arith.constant 7 : i32
      %swap3A_2147 = arith.index_cast %swap3A_2146 : i32 to index
      %swap3A_2148 = arith.constant 48 : index
      %swap3A_2149 = tpu.vector_load %arg20[%swap3A_2147, %swap3A_2148] {strides = array<i32>} : memref<16x128xf32, #tpu.memory_space<vmem>>, vector<1x16xf32>,
      %swap3A_2150 = vector.shape_cast %swap3A_2149 : vector<1x16xf32> to vector<16xf32>
      %swap3A_2151 = vector.shape_cast %get3A_2145 : vector<16xf32> to vector<1x16xf32>
      tpu.vector_store %arg20[%swap3A_2147, %swap3A_2148], %swap3A_2151 {strides = array<i32>} : memref<16x128xf32, #tpu.memory_space<vmem>>, vector<1x16xf32>,
      %get3A_2152 = arith.constant 7 : i32
      %get3A_2153 = arith.index_cast %get3A_2152 : i32 to index
      %get3A_2154 = arith.index_cast %squeeze3A_2101 : i32 to index
      %get3A_2155 = tpu.vector_load %arg18[%get3A_2153, %get3A_2154] {strides = array<i32>} : memref<16x128xf32, #tpu.memory_space<vmem>>, vector<1x16xf32>,
      %get3A_2156 = vector.shape_cast %get3A_2155 : vector<1x16xf32> to vector<16xf32>
      %swap3A_2157 = arith.constant 7 : i32
      %swap3A_2158 = arith.index_cast %swap3A_2157 : i32 to index
      %swap3A_2159 = arith.constant 64 : index
      %swap3A_2160 = tpu.vector_load %arg20[%swap3A_2158, %swap3A_2159] {strides = array<i32>} : memref<16x128xf32, #tpu.memory_space<vmem>>, vector<1x16xf32>,
      %swap3A_2161 = vector.shape_cast %swap3A_2160 : vector<1x16xf32> to vector<16xf32>
      %swap3A_2162 = vector.shape_cast %get3A_2156 : vector<16xf32> to vector<1x16xf32>
      tpu.vector_store %arg20[%swap3A_2158, %swap3A_2159], %swap3A_2162 {strides = array<i32>} : memref<16x128xf32, #tpu.memory_space<vmem>>, vector<1x16xf32>,
      %get3A_2163 = arith.constant 7 : i32
      %get3A_2164 = arith.index_cast %get3A_2163 : i32 to index
      %get3A_2165 = arith.index_cast %squeeze3A_2103 : i32 to index
      %get3A_2166 = tpu.vector_load %arg19[%get3A_2164, %get3A_2165] {strides = array<i32>} : memref<16x128xf32, #tpu.memory_space<vmem>>, vector<1x16xf32>,
      %get3A_2167 = vector.shape_cast %get3A_2166 : vector<1x16xf32> to vector<16xf32>
      %swap3A_2168 = arith.constant 7 : i32
      %swap3A_2169 = arith.index_cast %swap3A_2168 : i32 to index
      %swap3A_2170 = arith.constant 80 : index
      %swap3A_2171 = tpu.vector_load %arg20[%swap3A_2169, %swap3A_2170] {strides = array<i32>} : memref<16x128xf32, #tpu.memory_space<vmem>>, vector<1x16xf32>,
      %swap3A_2172 = vector.shape_cast %swap3A_2171 : vector<1x16xf32> to vector<16xf32>
      %swap3A_2173 = vector.shape_cast %get3A_2167 : vector<16xf32> to vector<1x16xf32>
      tpu.vector_store %arg20[%swap3A_2169, %swap3A_2170], %swap3A_2173 {strides = array<i32>} : memref<16x128xf32, #tpu.memory_space<vmem>>, vector<1x16xf32>,
      %slice3A_2174 = vector.extract_strided_slice %shift_left3A_1493 {offsets = [8], sizes = [1], strides = [1]} : vector<16xi32> to vector<1xi32>
      %squeeze3A_2175 = vector.extract %slice3A_2174[0] : i32 from vector<1xi32>
      %slice3A_2176 = vector.extract_strided_slice %shift_left3A_1502 {offsets = [8], sizes = [1], strides = [1]} : vector<16xi32> to vector<1xi32>
      %squeeze3A_2177 = vector.extract %slice3A_2176[0] : i32 from vector<1xi32>
      %slice3A_2178 = vector.extract_strided_slice %shift_left3A_1511 {offsets = [8], sizes = [1], strides = [1]} : vector<16xi32> to vector<1xi32>
      %squeeze3A_2179 = vector.extract %slice3A_2178[0] : i32 from vector<1xi32>
      %slice3A_2180 = vector.extract_strided_slice %shift_left3A_1520 {offsets = [8], sizes = [1], strides = [1]} : vector<16xi32> to vector<1xi32>
      %squeeze3A_2181 = vector.extract %slice3A_2180[0] : i32 from vector<1xi32>
      %get3A_2182 = arith.constant 8 : i32
      %get3A_2183 = arith.index_cast %get3A_2182 : i32 to index
      %get3A_2184 = arith.index_cast %squeeze3A_2175 : i32 to index
      %get3A_2185 = tpu.vector_load %arg16[%get3A_2183, %get3A_2184] {strides = array<i32>} : memref<16x128xf32, #tpu.memory_space<vmem>>, vector<1x16xf32>,
      %get3A_2186 = vector.shape_cast %get3A_2185 : vector<1x16xf32> to vector<16xf32>
      %swap3A_2187 = arith.constant 8 : i32
      %swap3A_2188 = arith.index_cast %swap3A_2187 : i32 to index
      %swap3A_2189 = arith.constant 0 : index
      %swap3A_2190 = tpu.vector_load %arg20[%swap3A_2188, %swap3A_2189] {strides = array<i32>} : memref<16x128xf32, #tpu.memory_space<vmem>>, vector<1x16xf32>,
      %swap3A_2191 = vector.shape_cast %swap3A_2190 : vector<1x16xf32> to vector<16xf32>
      %swap3A_2192 = vector.shape_cast %get3A_2186 : vector<16xf32> to vector<1x16xf32>
      tpu.vector_store %arg20[%swap3A_2188, %swap3A_2189], %swap3A_2192 {strides = array<i32>} : memref<16x128xf32, #tpu.memory_space<vmem>>, vector<1x16xf32>,
      %add3A_2193 = arith.constant 16 : i32
      %add3A_2194 = arith.addi %squeeze3A_2175, %add3A_2193 : i32
      %get3A_2195 = arith.constant 8 : i32
      %get3A_2196 = arith.index_cast %get3A_2195 : i32 to index
      %get3A_2197 = arith.index_cast %add3A_2194 : i32 to index
      %get3A_2198 = tpu.vector_load %arg16[%get3A_2196, %get3A_2197] {strides = array<i32>} : memref<16x128xf32, #tpu.memory_space<vmem>>, vector<1x16xf32>,
      %get3A_2199 = vector.shape_cast %get3A_2198 : vector<1x16xf32> to vector<16xf32>
      %swap3A_2200 = arith.constant 8 : i32
      %swap3A_2201 = arith.index_cast %swap3A_2200 : i32 to index
      %swap3A_2202 = arith.constant 16 : index
      %swap3A_2203 = tpu.vector_load %arg20[%swap3A_2201, %swap3A_2202] {strides = array<i32>} : memref<16x128xf32, #tpu.memory_space<vmem>>, vector<1x16xf32>,
      %swap3A_2204 = vector.shape_cast %swap3A_2203 : vector<1x16xf32> to vector<16xf32>
      %swap3A_2205 = vector.shape_cast %get3A_2199 : vector<16xf32> to vector<1x16xf32>
      tpu.vector_store %arg20[%swap3A_2201, %swap3A_2202], %swap3A_2205 {strides = array<i32>} : memref<16x128xf32, #tpu.memory_space<vmem>>, vector<1x16xf32>,
      %get3A_2206 = arith.constant 8 : i32
      %get3A_2207 = arith.index_cast %get3A_2206 : i32 to index
      %get3A_2208 = arith.index_cast %squeeze3A_2177 : i32 to index
      %get3A_2209 = tpu.vector_load %arg17[%get3A_2207, %get3A_2208] {strides = array<i32>} : memref<16x128xf32, #tpu.memory_space<vmem>>, vector<1x16xf32>,
      %get3A_2210 = vector.shape_cast %get3A_2209 : vector<1x16xf32> to vector<16xf32>
      %swap3A_2211 = arith.constant 8 : i32
      %swap3A_2212 = arith.index_cast %swap3A_2211 : i32 to index
      %swap3A_2213 = arith.constant 32 : index
      %swap3A_2214 = tpu.vector_load %arg20[%swap3A_2212, %swap3A_2213] {strides = array<i32>} : memref<16x128xf32, #tpu.memory_space<vmem>>, vector<1x16xf32>,
      %swap3A_2215 = vector.shape_cast %swap3A_2214 : vector<1x16xf32> to vector<16xf32>
      %swap3A_2216 = vector.shape_cast %get3A_2210 : vector<16xf32> to vector<1x16xf32>
      tpu.vector_store %arg20[%swap3A_2212, %swap3A_2213], %swap3A_2216 {strides = array<i32>} : memref<16x128xf32, #tpu.memory_space<vmem>>, vector<1x16xf32>,
      %add3A_2217 = arith.constant 16 : i32
      %add3A_2218 = arith.addi %squeeze3A_2177, %add3A_2217 : i32
      %get3A_2219 = arith.constant 8 : i32
      %get3A_2220 = arith.index_cast %get3A_2219 : i32 to index
      %get3A_2221 = arith.index_cast %add3A_2218 : i32 to index
      %get3A_2222 = tpu.vector_load %arg17[%get3A_2220, %get3A_2221] {strides = array<i32>} : memref<16x128xf32, #tpu.memory_space<vmem>>, vector<1x16xf32>,
      %get3A_2223 = vector.shape_cast %get3A_2222 : vector<1x16xf32> to vector<16xf32>
      %swap3A_2224 = arith.constant 8 : i32
      %swap3A_2225 = arith.index_cast %swap3A_2224 : i32 to index
      %swap3A_2226 = arith.constant 48 : index
      %swap3A_2227 = tpu.vector_load %arg20[%swap3A_2225, %swap3A_2226] {strides = array<i32>} : memref<16x128xf32, #tpu.memory_space<vmem>>, vector<1x16xf32>,
      %swap3A_2228 = vector.shape_cast %swap3A_2227 : vector<1x16xf32> to vector<16xf32>
      %swap3A_2229 = vector.shape_cast %get3A_2223 : vector<16xf32> to vector<1x16xf32>
      tpu.vector_store %arg20[%swap3A_2225, %swap3A_2226], %swap3A_2229 {strides = array<i32>} : memref<16x128xf32, #tpu.memory_space<vmem>>, vector<1x16xf32>,
      %get3A_2230 = arith.constant 8 : i32
      %get3A_2231 = arith.index_cast %get3A_2230 : i32 to index
      %get3A_2232 = arith.index_cast %squeeze3A_2179 : i32 to index
      %get3A_2233 = tpu.vector_load %arg18[%get3A_2231, %get3A_2232] {strides = array<i32>} : memref<16x128xf32, #tpu.memory_space<vmem>>, vector<1x16xf32>,
      %get3A_2234 = vector.shape_cast %get3A_2233 : vector<1x16xf32> to vector<16xf32>
      %swap3A_2235 = arith.constant 8 : i32
      %swap3A_2236 = arith.index_cast %swap3A_2235 : i32 to index
      %swap3A_2237 = arith.constant 64 : index
      %swap3A_2238 = tpu.vector_load %arg20[%swap3A_2236, %swap3A_2237] {strides = array<i32>} : memref<16x128xf32, #tpu.memory_space<vmem>>, vector<1x16xf32>,
      %swap3A_2239 = vector.shape_cast %swap3A_2238 : vector<1x16xf32> to vector<16xf32>
      %swap3A_2240 = vector.shape_cast %get3A_2234 : vector<16xf32> to vector<1x16xf32>
      tpu.vector_store %arg20[%swap3A_2236, %swap3A_2237], %swap3A_2240 {strides = array<i32>} : memref<16x128xf32, #tpu.memory_space<vmem>>, vector<1x16xf32>,
      %get3A_2241 = arith.constant 8 : i32
      %get3A_2242 = arith.index_cast %get3A_2241 : i32 to index
      %get3A_2243 = arith.index_cast %squeeze3A_2181 : i32 to index
      %get3A_2244 = tpu.vector_load %arg19[%get3A_2242, %get3A_2243] {strides = array<i32>} : memref<16x128xf32, #tpu.memory_space<vmem>>, vector<1x16xf32>,
      %get3A_2245 = vector.shape_cast %get3A_2244 : vector<1x16xf32> to vector<16xf32>
      %swap3A_2246 = arith.constant 8 : i32
      %swap3A_2247 = arith.index_cast %swap3A_2246 : i32 to index
      %swap3A_2248 = arith.constant 80 : index
      %swap3A_2249 = tpu.vector_load %arg20[%swap3A_2247, %swap3A_2248] {strides = array<i32>} : memref<16x128xf32, #tpu.memory_space<vmem>>, vector<1x16xf32>,
      %swap3A_2250 = vector.shape_cast %swap3A_2249 : vector<1x16xf32> to vector<16xf32>
      %swap3A_2251 = vector.shape_cast %get3A_2245 : vector<16xf32> to vector<1x16xf32>
      tpu.vector_store %arg20[%swap3A_2247, %swap3A_2248], %swap3A_2251 {strides = array<i32>} : memref<16x128xf32, #tpu.memory_space<vmem>>, vector<1x16xf32>,
      %slice3A_2252 = vector.extract_strided_slice %shift_left3A_1493 {offsets = [9], sizes = [1], strides = [1]} : vector<16xi32> to vector<1xi32>
      %squeeze3A_2253 = vector.extract %slice3A_2252[0] : i32 from vector<1xi32>
      %slice3A_2254 = vector.extract_strided_slice %shift_left3A_1502 {offsets = [9], sizes = [1], strides = [1]} : vector<16xi32> to vector<1xi32>
      %squeeze3A_2255 = vector.extract %slice3A_2254[0] : i32 from vector<1xi32>
      %slice3A_2256 = vector.extract_strided_slice %shift_left3A_1511 {offsets = [9], sizes = [1], strides = [1]} : vector<16xi32> to vector<1xi32>
      %squeeze3A_2257 = vector.extract %slice3A_2256[0] : i32 from vector<1xi32>
      %slice3A_2258 = vector.extract_strided_slice %shift_left3A_1520 {offsets = [9], sizes = [1], strides = [1]} : vector<16xi32> to vector<1xi32>
      %squeeze3A_2259 = vector.extract %slice3A_2258[0] : i32 from vector<1xi32>
      %get3A_2260 = arith.constant 9 : i32
      %get3A_2261 = arith.index_cast %get3A_2260 : i32 to index
      %get3A_2262 = arith.index_cast %squeeze3A_2253 : i32 to index
      %get3A_2263 = tpu.vector_load %arg16[%get3A_2261, %get3A_2262] {strides = array<i32>} : memref<16x128xf32, #tpu.memory_space<vmem>>, vector<1x16xf32>,
      %get3A_2264 = vector.shape_cast %get3A_2263 : vector<1x16xf32> to vector<16xf32>
      %swap3A_2265 = arith.constant 9 : i32
      %swap3A_2266 = arith.index_cast %swap3A_2265 : i32 to index
      %swap3A_2267 = arith.constant 0 : index
      %swap3A_2268 = tpu.vector_load %arg20[%swap3A_2266, %swap3A_2267] {strides = array<i32>} : memref<16x128xf32, #tpu.memory_space<vmem>>, vector<1x16xf32>,
      %swap3A_2269 = vector.shape_cast %swap3A_2268 : vector<1x16xf32> to vector<16xf32>
      %swap3A_2270 = vector.shape_cast %get3A_2264 : vector<16xf32> to vector<1x16xf32>
      tpu.vector_store %arg20[%swap3A_2266, %swap3A_2267], %swap3A_2270 {strides = array<i32>} : memref<16x128xf32, #tpu.memory_space<vmem>>, vector<1x16xf32>,
      %add3A_2271 = arith.constant 16 : i32
      %add3A_2272 = arith.addi %squeeze3A_2253, %add3A_2271 : i32
      %get3A_2273 = arith.constant 9 : i32
      %get3A_2274 = arith.index_cast %get3A_2273 : i32 to index
      %get3A_2275 = arith.index_cast %add3A_2272 : i32 to index
      %get3A_2276 = tpu.vector_load %arg16[%get3A_2274, %get3A_2275] {strides = array<i32>} : memref<16x128xf32, #tpu.memory_space<vmem>>, vector<1x16xf32>,
      %get3A_2277 = vector.shape_cast %get3A_2276 : vector<1x16xf32> to vector<16xf32>
      %swap3A_2278 = arith.constant 9 : i32
      %swap3A_2279 = arith.index_cast %swap3A_2278 : i32 to index
      %swap3A_2280 = arith.constant 16 : index
      %swap3A_2281 = tpu.vector_load %arg20[%swap3A_2279, %swap3A_2280] {strides = array<i32>} : memref<16x128xf32, #tpu.memory_space<vmem>>, vector<1x16xf32>,
      %swap3A_2282 = vector.shape_cast %swap3A_2281 : vector<1x16xf32> to vector<16xf32>
      %swap3A_2283 = vector.shape_cast %get3A_2277 : vector<16xf32> to vector<1x16xf32>
      tpu.vector_store %arg20[%swap3A_2279, %swap3A_2280], %swap3A_2283 {strides = array<i32>} : memref<16x128xf32, #tpu.memory_space<vmem>>, vector<1x16xf32>,
      %get3A_2284 = arith.constant 9 : i32
      %get3A_2285 = arith.index_cast %get3A_2284 : i32 to index
      %get3A_2286 = arith.index_cast %squeeze3A_2255 : i32 to index
      %get3A_2287 = tpu.vector_load %arg17[%get3A_2285, %get3A_2286] {strides = array<i32>} : memref<16x128xf32, #tpu.memory_space<vmem>>, vector<1x16xf32>,
      %get3A_2288 = vector.shape_cast %get3A_2287 : vector<1x16xf32> to vector<16xf32>
      %swap3A_2289 = arith.constant 9 : i32
      %swap3A_2290 = arith.index_cast %swap3A_2289 : i32 to index
      %swap3A_2291 = arith.constant 32 : index
      %swap3A_2292 = tpu.vector_load %arg20[%swap3A_2290, %swap3A_2291] {strides = array<i32>} : memref<16x128xf32, #tpu.memory_space<vmem>>, vector<1x16xf32>,
      %swap3A_2293 = vector.shape_cast %swap3A_2292 : vector<1x16xf32> to vector<16xf32>
      %swap3A_2294 = vector.shape_cast %get3A_2288 : vector<16xf32> to vector<1x16xf32>
      tpu.vector_store %arg20[%swap3A_2290, %swap3A_2291], %swap3A_2294 {strides = array<i32>} : memref<16x128xf32, #tpu.memory_space<vmem>>, vector<1x16xf32>,
      %add3A_2295 = arith.constant 16 : i32
      %add3A_2296 = arith.addi %squeeze3A_2255, %add3A_2295 : i32
      %get3A_2297 = arith.constant 9 : i32
      %get3A_2298 = arith.index_cast %get3A_2297 : i32 to index
      %get3A_2299 = arith.index_cast %add3A_2296 : i32 to index
      %get3A_2300 = tpu.vector_load %arg17[%get3A_2298, %get3A_2299] {strides = array<i32>} : memref<16x128xf32, #tpu.memory_space<vmem>>, vector<1x16xf32>,
      %get3A_2301 = vector.shape_cast %get3A_2300 : vector<1x16xf32> to vector<16xf32>
      %swap3A_2302 = arith.constant 9 : i32
      %swap3A_2303 = arith.index_cast %swap3A_2302 : i32 to index
      %swap3A_2304 = arith.constant 48 : index
      %swap3A_2305 = tpu.vector_load %arg20[%swap3A_2303, %swap3A_2304] {strides = array<i32>} : memref<16x128xf32, #tpu.memory_space<vmem>>, vector<1x16xf32>,
      %swap3A_2306 = vector.shape_cast %swap3A_2305 : vector<1x16xf32> to vector<16xf32>
      %swap3A_2307 = vector.shape_cast %get3A_2301 : vector<16xf32> to vector<1x16xf32>
      tpu.vector_store %arg20[%swap3A_2303, %swap3A_2304], %swap3A_2307 {strides = array<i32>} : memref<16x128xf32, #tpu.memory_space<vmem>>, vector<1x16xf32>,
      %get3A_2308 = arith.constant 9 : i32
      %get3A_2309 = arith.index_cast %get3A_2308 : i32 to index
      %get3A_2310 = arith.index_cast %squeeze3A_2257 : i32 to index
      %get3A_2311 = tpu.vector_load %arg18[%get3A_2309, %get3A_2310] {strides = array<i32>} : memref<16x128xf32, #tpu.memory_space<vmem>>, vector<1x16xf32>,
      %get3A_2312 = vector.shape_cast %get3A_2311 : vector<1x16xf32> to vector<16xf32>
      %swap3A_2313 = arith.constant 9 : i32
      %swap3A_2314 = arith.index_cast %swap3A_2313 : i32 to index
      %swap3A_2315 = arith.constant 64 : index
      %swap3A_2316 = tpu.vector_load %arg20[%swap3A_2314, %swap3A_2315] {strides = array<i32>} : memref<16x128xf32, #tpu.memory_space<vmem>>, vector<1x16xf32>,
      %swap3A_2317 = vector.shape_cast %swap3A_2316 : vector<1x16xf32> to vector<16xf32>
      %swap3A_2318 = vector.shape_cast %get3A_2312 : vector<16xf32> to vector<1x16xf32>
      tpu.vector_store %arg20[%swap3A_2314, %swap3A_2315], %swap3A_2318 {strides = array<i32>} : memref<16x128xf32, #tpu.memory_space<vmem>>, vector<1x16xf32>,
      %get3A_2319 = arith.constant 9 : i32
      %get3A_2320 = arith.index_cast %get3A_2319 : i32 to index
      %get3A_2321 = arith.index_cast %squeeze3A_2259 : i32 to index
      %get3A_2322 = tpu.vector_load %arg19[%get3A_2320, %get3A_2321] {strides = array<i32>} : memref<16x128xf32, #tpu.memory_space<vmem>>, vector<1x16xf32>,
      %get3A_2323 = vector.shape_cast %get3A_2322 : vector<1x16xf32> to vector<16xf32>
      %swap3A_2324 = arith.constant 9 : i32
      %swap3A_2325 = arith.index_cast %swap3A_2324 : i32 to index
      %swap3A_2326 = arith.constant 80 : index
      %swap3A_2327 = tpu.vector_load %arg20[%swap3A_2325, %swap3A_2326] {strides = array<i32>} : memref<16x128xf32, #tpu.memory_space<vmem>>, vector<1x16xf32>,
      %swap3A_2328 = vector.shape_cast %swap3A_2327 : vector<1x16xf32> to vector<16xf32>
      %swap3A_2329 = vector.shape_cast %get3A_2323 : vector<16xf32> to vector<1x16xf32>
      tpu.vector_store %arg20[%swap3A_2325, %swap3A_2326], %swap3A_2329 {strides = array<i32>} : memref<16x128xf32, #tpu.memory_space<vmem>>, vector<1x16xf32>,
      %slice3A_2330 = vector.extract_strided_slice %shift_left3A_1493 {offsets = [10], sizes = [1], strides = [1]} : vector<16xi32> to vector<1xi32>
      %squeeze3A_2331 = vector.extract %slice3A_2330[0] : i32 from vector<1xi32>
      %slice3A_2332 = vector.extract_strided_slice %shift_left3A_1502 {offsets = [10], sizes = [1], strides = [1]} : vector<16xi32> to vector<1xi32>
      %squeeze3A_2333 = vector.extract %slice3A_2332[0] : i32 from vector<1xi32>
      %slice3A_2334 = vector.extract_strided_slice %shift_left3A_1511 {offsets = [10], sizes = [1], strides = [1]} : vector<16xi32> to vector<1xi32>
      %squeeze3A_2335 = vector.extract %slice3A_2334[0] : i32 from vector<1xi32>
      %slice3A_2336 = vector.extract_strided_slice %shift_left3A_1520 {offsets = [10], sizes = [1], strides = [1]} : vector<16xi32> to vector<1xi32>
      %squeeze3A_2337 = vector.extract %slice3A_2336[0] : i32 from vector<1xi32>
      %get3A_2338 = arith.constant 10 : i32
      %get3A_2339 = arith.index_cast %get3A_2338 : i32 to index
      %get3A_2340 = arith.index_cast %squeeze3A_2331 : i32 to index
      %get3A_2341 = tpu.vector_load %arg16[%get3A_2339, %get3A_2340] {strides = array<i32>} : memref<16x128xf32, #tpu.memory_space<vmem>>, vector<1x16xf32>,
      %get3A_2342 = vector.shape_cast %get3A_2341 : vector<1x16xf32> to vector<16xf32>
      %swap3A_2343 = arith.constant 10 : i32
      %swap3A_2344 = arith.index_cast %swap3A_2343 : i32 to index
      %swap3A_2345 = arith.constant 0 : index
      %swap3A_2346 = tpu.vector_load %arg20[%swap3A_2344, %swap3A_2345] {strides = array<i32>} : memref<16x128xf32, #tpu.memory_space<vmem>>, vector<1x16xf32>,
      %swap3A_2347 = vector.shape_cast %swap3A_2346 : vector<1x16xf32> to vector<16xf32>
      %swap3A_2348 = vector.shape_cast %get3A_2342 : vector<16xf32> to vector<1x16xf32>
      tpu.vector_store %arg20[%swap3A_2344, %swap3A_2345], %swap3A_2348 {strides = array<i32>} : memref<16x128xf32, #tpu.memory_space<vmem>>, vector<1x16xf32>,
      %add3A_2349 = arith.constant 16 : i32
      %add3A_2350 = arith.addi %squeeze3A_2331, %add3A_2349 : i32
      %get3A_2351 = arith.constant 10 : i32
      %get3A_2352 = arith.index_cast %get3A_2351 : i32 to index
      %get3A_2353 = arith.index_cast %add3A_2350 : i32 to index
      %get3A_2354 = tpu.vector_load %arg16[%get3A_2352, %get3A_2353] {strides = array<i32>} : memref<16x128xf32, #tpu.memory_space<vmem>>, vector<1x16xf32>,
      %get3A_2355 = vector.shape_cast %get3A_2354 : vector<1x16xf32> to vector<16xf32>
      %swap3A_2356 = arith.constant 10 : i32
      %swap3A_2357 = arith.index_cast %swap3A_2356 : i32 to index
      %swap3A_2358 = arith.constant 16 : index
      %swap3A_2359 = tpu.vector_load %arg20[%swap3A_2357, %swap3A_2358] {strides = array<i32>} : memref<16x128xf32, #tpu.memory_space<vmem>>, vector<1x16xf32>,
      %swap3A_2360 = vector.shape_cast %swap3A_2359 : vector<1x16xf32> to vector<16xf32>
      %swap3A_2361 = vector.shape_cast %get3A_2355 : vector<16xf32> to vector<1x16xf32>
      tpu.vector_store %arg20[%swap3A_2357, %swap3A_2358], %swap3A_2361 {strides = array<i32>} : memref<16x128xf32, #tpu.memory_space<vmem>>, vector<1x16xf32>,
      %get3A_2362 = arith.constant 10 : i32
      %get3A_2363 = arith.index_cast %get3A_2362 : i32 to index
      %get3A_2364 = arith.index_cast %squeeze3A_2333 : i32 to index
      %get3A_2365 = tpu.vector_load %arg17[%get3A_2363, %get3A_2364] {strides = array<i32>} : memref<16x128xf32, #tpu.memory_space<vmem>>, vector<1x16xf32>,
      %get3A_2366 = vector.shape_cast %get3A_2365 : vector<1x16xf32> to vector<16xf32>
      %swap3A_2367 = arith.constant 10 : i32
      %swap3A_2368 = arith.index_cast %swap3A_2367 : i32 to index
      %swap3A_2369 = arith.constant 32 : index
      %swap3A_2370 = tpu.vector_load %arg20[%swap3A_2368, %swap3A_2369] {strides = array<i32>} : memref<16x128xf32, #tpu.memory_space<vmem>>, vector<1x16xf32>,
      %swap3A_2371 = vector.shape_cast %swap3A_2370 : vector<1x16xf32> to vector<16xf32>
      %swap3A_2372 = vector.shape_cast %get3A_2366 : vector<16xf32> to vector<1x16xf32>
      tpu.vector_store %arg20[%swap3A_2368, %swap3A_2369], %swap3A_2372 {strides = array<i32>} : memref<16x128xf32, #tpu.memory_space<vmem>>, vector<1x16xf32>,
      %add3A_2373 = arith.constant 16 : i32
      %add3A_2374 = arith.addi %squeeze3A_2333, %add3A_2373 : i32
      %get3A_2375 = arith.constant 10 : i32
      %get3A_2376 = arith.index_cast %get3A_2375 : i32 to index
      %get3A_2377 = arith.index_cast %add3A_2374 : i32 to index
      %get3A_2378 = tpu.vector_load %arg17[%get3A_2376, %get3A_2377] {strides = array<i32>} : memref<16x128xf32, #tpu.memory_space<vmem>>, vector<1x16xf32>,
      %get3A_2379 = vector.shape_cast %get3A_2378 : vector<1x16xf32> to vector<16xf32>
      %swap3A_2380 = arith.constant 10 : i32
      %swap3A_2381 = arith.index_cast %swap3A_2380 : i32 to index
      %swap3A_2382 = arith.constant 48 : index
      %swap3A_2383 = tpu.vector_load %arg20[%swap3A_2381, %swap3A_2382] {strides = array<i32>} : memref<16x128xf32, #tpu.memory_space<vmem>>, vector<1x16xf32>,
      %swap3A_2384 = vector.shape_cast %swap3A_2383 : vector<1x16xf32> to vector<16xf32>
      %swap3A_2385 = vector.shape_cast %get3A_2379 : vector<16xf32> to vector<1x16xf32>
      tpu.vector_store %arg20[%swap3A_2381, %swap3A_2382], %swap3A_2385 {strides = array<i32>} : memref<16x128xf32, #tpu.memory_space<vmem>>, vector<1x16xf32>,
      %get3A_2386 = arith.constant 10 : i32
      %get3A_2387 = arith.index_cast %get3A_2386 : i32 to index
      %get3A_2388 = arith.index_cast %squeeze3A_2335 : i32 to index
      %get3A_2389 = tpu.vector_load %arg18[%get3A_2387, %get3A_2388] {strides = array<i32>} : memref<16x128xf32, #tpu.memory_space<vmem>>, vector<1x16xf32>,
      %get3A_2390 = vector.shape_cast %get3A_2389 : vector<1x16xf32> to vector<16xf32>
      %swap3A_2391 = arith.constant 10 : i32
      %swap3A_2392 = arith.index_cast %swap3A_2391 : i32 to index
      %swap3A_2393 = arith.constant 64 : index
      %swap3A_2394 = tpu.vector_load %arg20[%swap3A_2392, %swap3A_2393] {strides = array<i32>} : memref<16x128xf32, #tpu.memory_space<vmem>>, vector<1x16xf32>,
      %swap3A_2395 = vector.shape_cast %swap3A_2394 : vector<1x16xf32> to vector<16xf32>
      %swap3A_2396 = vector.shape_cast %get3A_2390 : vector<16xf32> to vector<1x16xf32>
      tpu.vector_store %arg20[%swap3A_2392, %swap3A_2393], %swap3A_2396 {strides = array<i32>} : memref<16x128xf32, #tpu.memory_space<vmem>>, vector<1x16xf32>,
      %get3A_2397 = arith.constant 10 : i32
      %get3A_2398 = arith.index_cast %get3A_2397 : i32 to index
      %get3A_2399 = arith.index_cast %squeeze3A_2337 : i32 to index
      %get3A_2400 = tpu.vector_load %arg19[%get3A_2398, %get3A_2399] {strides = array<i32>} : memref<16x128xf32, #tpu.memory_space<vmem>>, vector<1x16xf32>,
      %get3A_2401 = vector.shape_cast %get3A_2400 : vector<1x16xf32> to vector<16xf32>
      %swap3A_2402 = arith.constant 10 : i32
      %swap3A_2403 = arith.index_cast %swap3A_2402 : i32 to index
      %swap3A_2404 = arith.constant 80 : index
      %swap3A_2405 = tpu.vector_load %arg20[%swap3A_2403, %swap3A_2404] {strides = array<i32>} : memref<16x128xf32, #tpu.memory_space<vmem>>, vector<1x16xf32>,
      %swap3A_2406 = vector.shape_cast %swap3A_2405 : vector<1x16xf32> to vector<16xf32>
      %swap3A_2407 = vector.shape_cast %get3A_2401 : vector<16xf32> to vector<1x16xf32>
      tpu.vector_store %arg20[%swap3A_2403, %swap3A_2404], %swap3A_2407 {strides = array<i32>} : memref<16x128xf32, #tpu.memory_space<vmem>>, vector<1x16xf32>,
      %slice3A_2408 = vector.extract_strided_slice %shift_left3A_1493 {offsets = [11], sizes = [1], strides = [1]} : vector<16xi32> to vector<1xi32>
      %squeeze3A_2409 = vector.extract %slice3A_2408[0] : i32 from vector<1xi32>
      %slice3A_2410 = vector.extract_strided_slice %shift_left3A_1502 {offsets = [11], sizes = [1], strides = [1]} : vector<16xi32> to vector<1xi32>
      %squeeze3A_2411 = vector.extract %slice3A_2410[0] : i32 from vector<1xi32>
      %slice3A_2412 = vector.extract_strided_slice %shift_left3A_1511 {offsets = [11], sizes = [1], strides = [1]} : vector<16xi32> to vector<1xi32>
      %squeeze3A_2413 = vector.extract %slice3A_2412[0] : i32 from vector<1xi32>
      %slice3A_2414 = vector.extract_strided_slice %shift_left3A_1520 {offsets = [11], sizes = [1], strides = [1]} : vector<16xi32> to vector<1xi32>
      %squeeze3A_2415 = vector.extract %slice3A_2414[0] : i32 from vector<1xi32>
      %get3A_2416 = arith.constant 11 : i32
      %get3A_2417 = arith.index_cast %get3A_2416 : i32 to index
      %get3A_2418 = arith.index_cast %squeeze3A_2409 : i32 to index
      %get3A_2419 = tpu.vector_load %arg16[%get3A_2417, %get3A_2418] {strides = array<i32>} : memref<16x128xf32, #tpu.memory_space<vmem>>, vector<1x16xf32>,
      %get3A_2420 = vector.shape_cast %get3A_2419 : vector<1x16xf32> to vector<16xf32>
      %swap3A_2421 = arith.constant 11 : i32
      %swap3A_2422 = arith.index_cast %swap3A_2421 : i32 to index
      %swap3A_2423 = arith.constant 0 : index
      %swap3A_2424 = tpu.vector_load %arg20[%swap3A_2422, %swap3A_2423] {strides = array<i32>} : memref<16x128xf32, #tpu.memory_space<vmem>>, vector<1x16xf32>,
      %swap3A_2425 = vector.shape_cast %swap3A_2424 : vector<1x16xf32> to vector<16xf32>
      %swap3A_2426 = vector.shape_cast %get3A_2420 : vector<16xf32> to vector<1x16xf32>
      tpu.vector_store %arg20[%swap3A_2422, %swap3A_2423], %swap3A_2426 {strides = array<i32>} : memref<16x128xf32, #tpu.memory_space<vmem>>, vector<1x16xf32>,
      %add3A_2427 = arith.constant 16 : i32
      %add3A_2428 = arith.addi %squeeze3A_2409, %add3A_2427 : i32
      %get3A_2429 = arith.constant 11 : i32
      %get3A_2430 = arith.index_cast %get3A_2429 : i32 to index
      %get3A_2431 = arith.index_cast %add3A_2428 : i32 to index
      %get3A_2432 = tpu.vector_load %arg16[%get3A_2430, %get3A_2431] {strides = array<i32>} : memref<16x128xf32, #tpu.memory_space<vmem>>, vector<1x16xf32>,
      %get3A_2433 = vector.shape_cast %get3A_2432 : vector<1x16xf32> to vector<16xf32>
      %swap3A_2434 = arith.constant 11 : i32
      %swap3A_2435 = arith.index_cast %swap3A_2434 : i32 to index
      %swap3A_2436 = arith.constant 16 : index
      %swap3A_2437 = tpu.vector_load %arg20[%swap3A_2435, %swap3A_2436] {strides = array<i32>} : memref<16x128xf32, #tpu.memory_space<vmem>>, vector<1x16xf32>,
      %swap3A_2438 = vector.shape_cast %swap3A_2437 : vector<1x16xf32> to vector<16xf32>
      %swap3A_2439 = vector.shape_cast %get3A_2433 : vector<16xf32> to vector<1x16xf32>
      tpu.vector_store %arg20[%swap3A_2435, %swap3A_2436], %swap3A_2439 {strides = array<i32>} : memref<16x128xf32, #tpu.memory_space<vmem>>, vector<1x16xf32>,
      %get3A_2440 = arith.constant 11 : i32
      %get3A_2441 = arith.index_cast %get3A_2440 : i32 to index
      %get3A_2442 = arith.index_cast %squeeze3A_2411 : i32 to index
      %get3A_2443 = tpu.vector_load %arg17[%get3A_2441, %get3A_2442] {strides = array<i32>} : memref<16x128xf32, #tpu.memory_space<vmem>>, vector<1x16xf32>,
      %get3A_2444 = vector.shape_cast %get3A_2443 : vector<1x16xf32> to vector<16xf32>
      %swap3A_2445 = arith.constant 11 : i32
      %swap3A_2446 = arith.index_cast %swap3A_2445 : i32 to index
      %swap3A_2447 = arith.constant 32 : index
      %swap3A_2448 = tpu.vector_load %arg20[%swap3A_2446, %swap3A_2447] {strides = array<i32>} : memref<16x128xf32, #tpu.memory_space<vmem>>, vector<1x16xf32>,
      %swap3A_2449 = vector.shape_cast %swap3A_2448 : vector<1x16xf32> to vector<16xf32>
      %swap3A_2450 = vector.shape_cast %get3A_2444 : vector<16xf32> to vector<1x16xf32>
      tpu.vector_store %arg20[%swap3A_2446, %swap3A_2447], %swap3A_2450 {strides = array<i32>} : memref<16x128xf32, #tpu.memory_space<vmem>>, vector<1x16xf32>,
      %add3A_2451 = arith.constant 16 : i32
      %add3A_2452 = arith.addi %squeeze3A_2411, %add3A_2451 : i32
      %get3A_2453 = arith.constant 11 : i32
      %get3A_2454 = arith.index_cast %get3A_2453 : i32 to index
      %get3A_2455 = arith.index_cast %add3A_2452 : i32 to index
      %get3A_2456 = tpu.vector_load %arg17[%get3A_2454, %get3A_2455] {strides = array<i32>} : memref<16x128xf32, #tpu.memory_space<vmem>>, vector<1x16xf32>,
      %get3A_2457 = vector.shape_cast %get3A_2456 : vector<1x16xf32> to vector<16xf32>
      %swap3A_2458 = arith.constant 11 : i32
      %swap3A_2459 = arith.index_cast %swap3A_2458 : i32 to index
      %swap3A_2460 = arith.constant 48 : index
      %swap3A_2461 = tpu.vector_load %arg20[%swap3A_2459, %swap3A_2460] {strides = array<i32>} : memref<16x128xf32, #tpu.memory_space<vmem>>, vector<1x16xf32>,
      %swap3A_2462 = vector.shape_cast %swap3A_2461 : vector<1x16xf32> to vector<16xf32>
      %swap3A_2463 = vector.shape_cast %get3A_2457 : vector<16xf32> to vector<1x16xf32>
      tpu.vector_store %arg20[%swap3A_2459, %swap3A_2460], %swap3A_2463 {strides = array<i32>} : memref<16x128xf32, #tpu.memory_space<vmem>>, vector<1x16xf32>,
      %get3A_2464 = arith.constant 11 : i32
      %get3A_2465 = arith.index_cast %get3A_2464 : i32 to index
      %get3A_2466 = arith.index_cast %squeeze3A_2413 : i32 to index
      %get3A_2467 = tpu.vector_load %arg18[%get3A_2465, %get3A_2466] {strides = array<i32>} : memref<16x128xf32, #tpu.memory_space<vmem>>, vector<1x16xf32>,
      %get3A_2468 = vector.shape_cast %get3A_2467 : vector<1x16xf32> to vector<16xf32>
      %swap3A_2469 = arith.constant 11 : i32
      %swap3A_2470 = arith.index_cast %swap3A_2469 : i32 to index
      %swap3A_2471 = arith.constant 64 : index
      %swap3A_2472 = tpu.vector_load %arg20[%swap3A_2470, %swap3A_2471] {strides = array<i32>} : memref<16x128xf32, #tpu.memory_space<vmem>>, vector<1x16xf32>,
      %swap3A_2473 = vector.shape_cast %swap3A_2472 : vector<1x16xf32> to vector<16xf32>
      %swap3A_2474 = vector.shape_cast %get3A_2468 : vector<16xf32> to vector<1x16xf32>
      tpu.vector_store %arg20[%swap3A_2470, %swap3A_2471], %swap3A_2474 {strides = array<i32>} : memref<16x128xf32, #tpu.memory_space<vmem>>, vector<1x16xf32>,
      %get3A_2475 = arith.constant 11 : i32
      %get3A_2476 = arith.index_cast %get3A_2475 : i32 to index
      %get3A_2477 = arith.index_cast %squeeze3A_2415 : i32 to index
      %get3A_2478 = tpu.vector_load %arg19[%get3A_2476, %get3A_2477] {strides = array<i32>} : memref<16x128xf32, #tpu.memory_space<vmem>>, vector<1x16xf32>,
      %get3A_2479 = vector.shape_cast %get3A_2478 : vector<1x16xf32> to vector<16xf32>
      %swap3A_2480 = arith.constant 11 : i32
      %swap3A_2481 = arith.index_cast %swap3A_2480 : i32 to index
      %swap3A_2482 = arith.constant 80 : index
      %swap3A_2483 = tpu.vector_load %arg20[%swap3A_2481, %swap3A_2482] {strides = array<i32>} : memref<16x128xf32, #tpu.memory_space<vmem>>, vector<1x16xf32>,
      %swap3A_2484 = vector.shape_cast %swap3A_2483 : vector<1x16xf32> to vector<16xf32>
      %swap3A_2485 = vector.shape_cast %get3A_2479 : vector<16xf32> to vector<1x16xf32>
      tpu.vector_store %arg20[%swap3A_2481, %swap3A_2482], %swap3A_2485 {strides = array<i32>} : memref<16x128xf32, #tpu.memory_space<vmem>>, vector<1x16xf32>,
      %slice3A_2486 = vector.extract_strided_slice %shift_left3A_1493 {offsets = [12], sizes = [1], strides = [1]} : vector<16xi32> to vector<1xi32>
      %squeeze3A_2487 = vector.extract %slice3A_2486[0] : i32 from vector<1xi32>
      %slice3A_2488 = vector.extract_strided_slice %shift_left3A_1502 {offsets = [12], sizes = [1], strides = [1]} : vector<16xi32> to vector<1xi32>
      %squeeze3A_2489 = vector.extract %slice3A_2488[0] : i32 from vector<1xi32>
      %slice3A_2490 = vector.extract_strided_slice %shift_left3A_1511 {offsets = [12], sizes = [1], strides = [1]} : vector<16xi32> to vector<1xi32>
      %squeeze3A_2491 = vector.extract %slice3A_2490[0] : i32 from vector<1xi32>
      %slice3A_2492 = vector.extract_strided_slice %shift_left3A_1520 {offsets = [12], sizes = [1], strides = [1]} : vector<16xi32> to vector<1xi32>
      %squeeze3A_2493 = vector.extract %slice3A_2492[0] : i32 from vector<1xi32>
      %get3A_2494 = arith.constant 12 : i32
      %get3A_2495 = arith.index_cast %get3A_2494 : i32 to index
      %get3A_2496 = arith.index_cast %squeeze3A_2487 : i32 to index
      %get3A_2497 = tpu.vector_load %arg16[%get3A_2495, %get3A_2496] {strides = array<i32>} : memref<16x128xf32, #tpu.memory_space<vmem>>, vector<1x16xf32>,
      %get3A_2498 = vector.shape_cast %get3A_2497 : vector<1x16xf32> to vector<16xf32>
      %swap3A_2499 = arith.constant 12 : i32
      %swap3A_2500 = arith.index_cast %swap3A_2499 : i32 to index
      %swap3A_2501 = arith.constant 0 : index
      %swap3A_2502 = tpu.vector_load %arg20[%swap3A_2500, %swap3A_2501] {strides = array<i32>} : memref<16x128xf32, #tpu.memory_space<vmem>>, vector<1x16xf32>,
      %swap3A_2503 = vector.shape_cast %swap3A_2502 : vector<1x16xf32> to vector<16xf32>
      %swap3A_2504 = vector.shape_cast %get3A_2498 : vector<16xf32> to vector<1x16xf32>
      tpu.vector_store %arg20[%swap3A_2500, %swap3A_2501], %swap3A_2504 {strides = array<i32>} : memref<16x128xf32, #tpu.memory_space<vmem>>, vector<1x16xf32>,
      %add3A_2505 = arith.constant 16 : i32
      %add3A_2506 = arith.addi %squeeze3A_2487, %add3A_2505 : i32
      %get3A_2507 = arith.constant 12 : i32
      %get3A_2508 = arith.index_cast %get3A_2507 : i32 to index
      %get3A_2509 = arith.index_cast %add3A_2506 : i32 to index
      %get3A_2510 = tpu.vector_load %arg16[%get3A_2508, %get3A_2509] {strides = array<i32>} : memref<16x128xf32, #tpu.memory_space<vmem>>, vector<1x16xf32>,
      %get3A_2511 = vector.shape_cast %get3A_2510 : vector<1x16xf32> to vector<16xf32>
      %swap3A_2512 = arith.constant 12 : i32
      %swap3A_2513 = arith.index_cast %swap3A_2512 : i32 to index
      %swap3A_2514 = arith.constant 16 : index
      %swap3A_2515 = tpu.vector_load %arg20[%swap3A_2513, %swap3A_2514] {strides = array<i32>} : memref<16x128xf32, #tpu.memory_space<vmem>>, vector<1x16xf32>,
      %swap3A_2516 = vector.shape_cast %swap3A_2515 : vector<1x16xf32> to vector<16xf32>
      %swap3A_2517 = vector.shape_cast %get3A_2511 : vector<16xf32> to vector<1x16xf32>
      tpu.vector_store %arg20[%swap3A_2513, %swap3A_2514], %swap3A_2517 {strides = array<i32>} : memref<16x128xf32, #tpu.memory_space<vmem>>, vector<1x16xf32>,
      %get3A_2518 = arith.constant 12 : i32
      %get3A_2519 = arith.index_cast %get3A_2518 : i32 to index
      %get3A_2520 = arith.index_cast %squeeze3A_2489 : i32 to index
      %get3A_2521 = tpu.vector_load %arg17[%get3A_2519, %get3A_2520] {strides = array<i32>} : memref<16x128xf32, #tpu.memory_space<vmem>>, vector<1x16xf32>,
      %get3A_2522 = vector.shape_cast %get3A_2521 : vector<1x16xf32> to vector<16xf32>
      %swap3A_2523 = arith.constant 12 : i32
      %swap3A_2524 = arith.index_cast %swap3A_2523 : i32 to index
      %swap3A_2525 = arith.constant 32 : index
      %swap3A_2526 = tpu.vector_load %arg20[%swap3A_2524, %swap3A_2525] {strides = array<i32>} : memref<16x128xf32, #tpu.memory_space<vmem>>, vector<1x16xf32>,
      %swap3A_2527 = vector.shape_cast %swap3A_2526 : vector<1x16xf32> to vector<16xf32>
      %swap3A_2528 = vector.shape_cast %get3A_2522 : vector<16xf32> to vector<1x16xf32>
      tpu.vector_store %arg20[%swap3A_2524, %swap3A_2525], %swap3A_2528 {strides = array<i32>} : memref<16x128xf32, #tpu.memory_space<vmem>>, vector<1x16xf32>,
      %add3A_2529 = arith.constant 16 : i32
      %add3A_2530 = arith.addi %squeeze3A_2489, %add3A_2529 : i32
      %get3A_2531 = arith.constant 12 : i32
      %get3A_2532 = arith.index_cast %get3A_2531 : i32 to index
      %get3A_2533 = arith.index_cast %add3A_2530 : i32 to index
      %get3A_2534 = tpu.vector_load %arg17[%get3A_2532, %get3A_2533] {strides = array<i32>} : memref<16x128xf32, #tpu.memory_space<vmem>>, vector<1x16xf32>,
      %get3A_2535 = vector.shape_cast %get3A_2534 : vector<1x16xf32> to vector<16xf32>
      %swap3A_2536 = arith.constant 12 : i32
      %swap3A_2537 = arith.index_cast %swap3A_2536 : i32 to index
      %swap3A_2538 = arith.constant 48 : index
      %swap3A_2539 = tpu.vector_load %arg20[%swap3A_2537, %swap3A_2538] {strides = array<i32>} : memref<16x128xf32, #tpu.memory_space<vmem>>, vector<1x16xf32>,
      %swap3A_2540 = vector.shape_cast %swap3A_2539 : vector<1x16xf32> to vector<16xf32>
      %swap3A_2541 = vector.shape_cast %get3A_2535 : vector<16xf32> to vector<1x16xf32>
      tpu.vector_store %arg20[%swap3A_2537, %swap3A_2538], %swap3A_2541 {strides = array<i32>} : memref<16x128xf32, #tpu.memory_space<vmem>>, vector<1x16xf32>,
      %get3A_2542 = arith.constant 12 : i32
      %get3A_2543 = arith.index_cast %get3A_2542 : i32 to index
      %get3A_2544 = arith.index_cast %squeeze3A_2491 : i32 to index
      %get3A_2545 = tpu.vector_load %arg18[%get3A_2543, %get3A_2544] {strides = array<i32>} : memref<16x128xf32, #tpu.memory_space<vmem>>, vector<1x16xf32>,
      %get3A_2546 = vector.shape_cast %get3A_2545 : vector<1x16xf32> to vector<16xf32>
      %swap3A_2547 = arith.constant 12 : i32
      %swap3A_2548 = arith.index_cast %swap3A_2547 : i32 to index
      %swap3A_2549 = arith.constant 64 : index
      %swap3A_2550 = tpu.vector_load %arg20[%swap3A_2548, %swap3A_2549] {strides = array<i32>} : memref<16x128xf32, #tpu.memory_space<vmem>>, vector<1x16xf32>,
      %swap3A_2551 = vector.shape_cast %swap3A_2550 : vector<1x16xf32> to vector<16xf32>
      %swap3A_2552 = vector.shape_cast %get3A_2546 : vector<16xf32> to vector<1x16xf32>
      tpu.vector_store %arg20[%swap3A_2548, %swap3A_2549], %swap3A_2552 {strides = array<i32>} : memref<16x128xf32, #tpu.memory_space<vmem>>, vector<1x16xf32>,
      %get3A_2553 = arith.constant 12 : i32
      %get3A_2554 = arith.index_cast %get3A_2553 : i32 to index
      %get3A_2555 = arith.index_cast %squeeze3A_2493 : i32 to index
      %get3A_2556 = tpu.vector_load %arg19[%get3A_2554, %get3A_2555] {strides = array<i32>} : memref<16x128xf32, #tpu.memory_space<vmem>>, vector<1x16xf32>,
      %get3A_2557 = vector.shape_cast %get3A_2556 : vector<1x16xf32> to vector<16xf32>
      %swap3A_2558 = arith.constant 12 : i32
      %swap3A_2559 = arith.index_cast %swap3A_2558 : i32 to index
      %swap3A_2560 = arith.constant 80 : index
      %swap3A_2561 = tpu.vector_load %arg20[%swap3A_2559, %swap3A_2560] {strides = array<i32>} : memref<16x128xf32, #tpu.memory_space<vmem>>, vector<1x16xf32>,
      %swap3A_2562 = vector.shape_cast %swap3A_2561 : vector<1x16xf32> to vector<16xf32>
      %swap3A_2563 = vector.shape_cast %get3A_2557 : vector<16xf32> to vector<1x16xf32>
      tpu.vector_store %arg20[%swap3A_2559, %swap3A_2560], %swap3A_2563 {strides = array<i32>} : memref<16x128xf32, #tpu.memory_space<vmem>>, vector<1x16xf32>,
      %slice3A_2564 = vector.extract_strided_slice %shift_left3A_1493 {offsets = [13], sizes = [1], strides = [1]} : vector<16xi32> to vector<1xi32>
      %squeeze3A_2565 = vector.extract %slice3A_2564[0] : i32 from vector<1xi32>
      %slice3A_2566 = vector.extract_strided_slice %shift_left3A_1502 {offsets = [13], sizes = [1], strides = [1]} : vector<16xi32> to vector<1xi32>
      %squeeze3A_2567 = vector.extract %slice3A_2566[0] : i32 from vector<1xi32>
      %slice3A_2568 = vector.extract_strided_slice %shift_left3A_1511 {offsets = [13], sizes = [1], strides = [1]} : vector<16xi32> to vector<1xi32>
      %squeeze3A_2569 = vector.extract %slice3A_2568[0] : i32 from vector<1xi32>
      %slice3A_2570 = vector.extract_strided_slice %shift_left3A_1520 {offsets = [13], sizes = [1], strides = [1]} : vector<16xi32> to vector<1xi32>
      %squeeze3A_2571 = vector.extract %slice3A_2570[0] : i32 from vector<1xi32>
      %get3A_2572 = arith.constant 13 : i32
      %get3A_2573 = arith.index_cast %get3A_2572 : i32 to index
      %get3A_2574 = arith.index_cast %squeeze3A_2565 : i32 to index
      %get3A_2575 = tpu.vector_load %arg16[%get3A_2573, %get3A_2574] {strides = array<i32>} : memref<16x128xf32, #tpu.memory_space<vmem>>, vector<1x16xf32>,
      %get3A_2576 = vector.shape_cast %get3A_2575 : vector<1x16xf32> to vector<16xf32>
      %swap3A_2577 = arith.constant 13 : i32
      %swap3A_2578 = arith.index_cast %swap3A_2577 : i32 to index
      %swap3A_2579 = arith.constant 0 : index
      %swap3A_2580 = tpu.vector_load %arg20[%swap3A_2578, %swap3A_2579] {strides = array<i32>} : memref<16x128xf32, #tpu.memory_space<vmem>>, vector<1x16xf32>,
      %swap3A_2581 = vector.shape_cast %swap3A_2580 : vector<1x16xf32> to vector<16xf32>
      %swap3A_2582 = vector.shape_cast %get3A_2576 : vector<16xf32> to vector<1x16xf32>
      tpu.vector_store %arg20[%swap3A_2578, %swap3A_2579], %swap3A_2582 {strides = array<i32>} : memref<16x128xf32, #tpu.memory_space<vmem>>, vector<1x16xf32>,
      %add3A_2583 = arith.constant 16 : i32
      %add3A_2584 = arith.addi %squeeze3A_2565, %add3A_2583 : i32
      %get3A_2585 = arith.constant 13 : i32
      %get3A_2586 = arith.index_cast %get3A_2585 : i32 to index
      %get3A_2587 = arith.index_cast %add3A_2584 : i32 to index
      %get3A_2588 = tpu.vector_load %arg16[%get3A_2586, %get3A_2587] {strides = array<i32>} : memref<16x128xf32, #tpu.memory_space<vmem>>, vector<1x16xf32>,
      %get3A_2589 = vector.shape_cast %get3A_2588 : vector<1x16xf32> to vector<16xf32>
      %swap3A_2590 = arith.constant 13 : i32
      %swap3A_2591 = arith.index_cast %swap3A_2590 : i32 to index
      %swap3A_2592 = arith.constant 16 : index
      %swap3A_2593 = tpu.vector_load %arg20[%swap3A_2591, %swap3A_2592] {strides = array<i32>} : memref<16x128xf32, #tpu.memory_space<vmem>>, vector<1x16xf32>,
      %swap3A_2594 = vector.shape_cast %swap3A_2593 : vector<1x16xf32> to vector<16xf32>
      %swap3A_2595 = vector.shape_cast %get3A_2589 : vector<16xf32> to vector<1x16xf32>
      tpu.vector_store %arg20[%swap3A_2591, %swap3A_2592], %swap3A_2595 {strides = array<i32>} : memref<16x128xf32, #tpu.memory_space<vmem>>, vector<1x16xf32>,
      %get3A_2596 = arith.constant 13 : i32
      %get3A_2597 = arith.index_cast %get3A_2596 : i32 to index
      %get3A_2598 = arith.index_cast %squeeze3A_2567 : i32 to index
      %get3A_2599 = tpu.vector_load %arg17[%get3A_2597, %get3A_2598] {strides = array<i32>} : memref<16x128xf32, #tpu.memory_space<vmem>>, vector<1x16xf32>,
      %get3A_2600 = vector.shape_cast %get3A_2599 : vector<1x16xf32> to vector<16xf32>
      %swap3A_2601 = arith.constant 13 : i32
      %swap3A_2602 = arith.index_cast %swap3A_2601 : i32 to index
      %swap3A_2603 = arith.constant 32 : index
      %swap3A_2604 = tpu.vector_load %arg20[%swap3A_2602, %swap3A_2603] {strides = array<i32>} : memref<16x128xf32, #tpu.memory_space<vmem>>, vector<1x16xf32>,
      %swap3A_2605 = vector.shape_cast %swap3A_2604 : vector<1x16xf32> to vector<16xf32>
      %swap3A_2606 = vector.shape_cast %get3A_2600 : vector<16xf32> to vector<1x16xf32>
      tpu.vector_store %arg20[%swap3A_2602, %swap3A_2603], %swap3A_2606 {strides = array<i32>} : memref<16x128xf32, #tpu.memory_space<vmem>>, vector<1x16xf32>,
      %add3A_2607 = arith.constant 16 : i32
      %add3A_2608 = arith.addi %squeeze3A_2567, %add3A_2607 : i32
      %get3A_2609 = arith.constant 13 : i32
      %get3A_2610 = arith.index_cast %get3A_2609 : i32 to index
      %get3A_2611 = arith.index_cast %add3A_2608 : i32 to index
      %get3A_2612 = tpu.vector_load %arg17[%get3A_2610, %get3A_2611] {strides = array<i32>} : memref<16x128xf32, #tpu.memory_space<vmem>>, vector<1x16xf32>,
      %get3A_2613 = vector.shape_cast %get3A_2612 : vector<1x16xf32> to vector<16xf32>
      %swap3A_2614 = arith.constant 13 : i32
      %swap3A_2615 = arith.index_cast %swap3A_2614 : i32 to index
      %swap3A_2616 = arith.constant 48 : index
      %swap3A_2617 = tpu.vector_load %arg20[%swap3A_2615, %swap3A_2616] {strides = array<i32>} : memref<16x128xf32, #tpu.memory_space<vmem>>, vector<1x16xf32>,
      %swap3A_2618 = vector.shape_cast %swap3A_2617 : vector<1x16xf32> to vector<16xf32>
      %swap3A_2619 = vector.shape_cast %get3A_2613 : vector<16xf32> to vector<1x16xf32>
      tpu.vector_store %arg20[%swap3A_2615, %swap3A_2616], %swap3A_2619 {strides = array<i32>} : memref<16x128xf32, #tpu.memory_space<vmem>>, vector<1x16xf32>,
      %get3A_2620 = arith.constant 13 : i32
      %get3A_2621 = arith.index_cast %get3A_2620 : i32 to index
      %get3A_2622 = arith.index_cast %squeeze3A_2569 : i32 to index
      %get3A_2623 = tpu.vector_load %arg18[%get3A_2621, %get3A_2622] {strides = array<i32>} : memref<16x128xf32, #tpu.memory_space<vmem>>, vector<1x16xf32>,
      %get3A_2624 = vector.shape_cast %get3A_2623 : vector<1x16xf32> to vector<16xf32>
      %swap3A_2625 = arith.constant 13 : i32
      %swap3A_2626 = arith.index_cast %swap3A_2625 : i32 to index
      %swap3A_2627 = arith.constant 64 : index
      %swap3A_2628 = tpu.vector_load %arg20[%swap3A_2626, %swap3A_2627] {strides = array<i32>} : memref<16x128xf32, #tpu.memory_space<vmem>>, vector<1x16xf32>,
      %swap3A_2629 = vector.shape_cast %swap3A_2628 : vector<1x16xf32> to vector<16xf32>
      %swap3A_2630 = vector.shape_cast %get3A_2624 : vector<16xf32> to vector<1x16xf32>
      tpu.vector_store %arg20[%swap3A_2626, %swap3A_2627], %swap3A_2630 {strides = array<i32>} : memref<16x128xf32, #tpu.memory_space<vmem>>, vector<1x16xf32>,
      %get3A_2631 = arith.constant 13 : i32
      %get3A_2632 = arith.index_cast %get3A_2631 : i32 to index
      %get3A_2633 = arith.index_cast %squeeze3A_2571 : i32 to index
      %get3A_2634 = tpu.vector_load %arg19[%get3A_2632, %get3A_2633] {strides = array<i32>} : memref<16x128xf32, #tpu.memory_space<vmem>>, vector<1x16xf32>,
      %get3A_2635 = vector.shape_cast %get3A_2634 : vector<1x16xf32> to vector<16xf32>
      %swap3A_2636 = arith.constant 13 : i32
      %swap3A_2637 = arith.index_cast %swap3A_2636 : i32 to index
      %swap3A_2638 = arith.constant 80 : index
      %swap3A_2639 = tpu.vector_load %arg20[%swap3A_2637, %swap3A_2638] {strides = array<i32>} : memref<16x128xf32, #tpu.memory_space<vmem>>, vector<1x16xf32>,
      %swap3A_2640 = vector.shape_cast %swap3A_2639 : vector<1x16xf32> to vector<16xf32>
      %swap3A_2641 = vector.shape_cast %get3A_2635 : vector<16xf32> to vector<1x16xf32>
      tpu.vector_store %arg20[%swap3A_2637, %swap3A_2638], %swap3A_2641 {strides = array<i32>} : memref<16x128xf32, #tpu.memory_space<vmem>>, vector<1x16xf32>,
      %slice3A_2642 = vector.extract_strided_slice %shift_left3A_1493 {offsets = [14], sizes = [1], strides = [1]} : vector<16xi32> to vector<1xi32>
      %squeeze3A_2643 = vector.extract %slice3A_2642[0] : i32 from vector<1xi32>
      %slice3A_2644 = vector.extract_strided_slice %shift_left3A_1502 {offsets = [14], sizes = [1], strides = [1]} : vector<16xi32> to vector<1xi32>
      %squeeze3A_2645 = vector.extract %slice3A_2644[0] : i32 from vector<1xi32>
      %slice3A_2646 = vector.extract_strided_slice %shift_left3A_1511 {offsets = [14], sizes = [1], strides = [1]} : vector<16xi32> to vector<1xi32>
      %squeeze3A_2647 = vector.extract %slice3A_2646[0] : i32 from vector<1xi32>
      %slice3A_2648 = vector.extract_strided_slice %shift_left3A_1520 {offsets = [14], sizes = [1], strides = [1]} : vector<16xi32> to vector<1xi32>
      %squeeze3A_2649 = vector.extract %slice3A_2648[0] : i32 from vector<1xi32>
      %get3A_2650 = arith.constant 14 : i32
      %get3A_2651 = arith.index_cast %get3A_2650 : i32 to index
      %get3A_2652 = arith.index_cast %squeeze3A_2643 : i32 to index
      %get3A_2653 = tpu.vector_load %arg16[%get3A_2651, %get3A_2652] {strides = array<i32>} : memref<16x128xf32, #tpu.memory_space<vmem>>, vector<1x16xf32>,
      %get3A_2654 = vector.shape_cast %get3A_2653 : vector<1x16xf32> to vector<16xf32>
      %swap3A_2655 = arith.constant 14 : i32
      %swap3A_2656 = arith.index_cast %swap3A_2655 : i32 to index
      %swap3A_2657 = arith.constant 0 : index
      %swap3A_2658 = tpu.vector_load %arg20[%swap3A_2656, %swap3A_2657] {strides = array<i32>} : memref<16x128xf32, #tpu.memory_space<vmem>>, vector<1x16xf32>,
      %swap3A_2659 = vector.shape_cast %swap3A_2658 : vector<1x16xf32> to vector<16xf32>
      %swap3A_2660 = vector.shape_cast %get3A_2654 : vector<16xf32> to vector<1x16xf32>
      tpu.vector_store %arg20[%swap3A_2656, %swap3A_2657], %swap3A_2660 {strides = array<i32>} : memref<16x128xf32, #tpu.memory_space<vmem>>, vector<1x16xf32>,
      %add3A_2661 = arith.constant 16 : i32
      %add3A_2662 = arith.addi %squeeze3A_2643, %add3A_2661 : i32
      %get3A_2663 = arith.constant 14 : i32
      %get3A_2664 = arith.index_cast %get3A_2663 : i32 to index
      %get3A_2665 = arith.index_cast %add3A_2662 : i32 to index
      %get3A_2666 = tpu.vector_load %arg16[%get3A_2664, %get3A_2665] {strides = array<i32>} : memref<16x128xf32, #tpu.memory_space<vmem>>, vector<1x16xf32>,
      %get3A_2667 = vector.shape_cast %get3A_2666 : vector<1x16xf32> to vector<16xf32>
      %swap3A_2668 = arith.constant 14 : i32
      %swap3A_2669 = arith.index_cast %swap3A_2668 : i32 to index
      %swap3A_2670 = arith.constant 16 : index
      %swap3A_2671 = tpu.vector_load %arg20[%swap3A_2669, %swap3A_2670] {strides = array<i32>} : memref<16x128xf32, #tpu.memory_space<vmem>>, vector<1x16xf32>,
      %swap3A_2672 = vector.shape_cast %swap3A_2671 : vector<1x16xf32> to vector<16xf32>
      %swap3A_2673 = vector.shape_cast %get3A_2667 : vector<16xf32> to vector<1x16xf32>
      tpu.vector_store %arg20[%swap3A_2669, %swap3A_2670], %swap3A_2673 {strides = array<i32>} : memref<16x128xf32, #tpu.memory_space<vmem>>, vector<1x16xf32>,
      %get3A_2674 = arith.constant 14 : i32
      %get3A_2675 = arith.index_cast %get3A_2674 : i32 to index
      %get3A_2676 = arith.index_cast %squeeze3A_2645 : i32 to index
      %get3A_2677 = tpu.vector_load %arg17[%get3A_2675, %get3A_2676] {strides = array<i32>} : memref<16x128xf32, #tpu.memory_space<vmem>>, vector<1x16xf32>,
      %get3A_2678 = vector.shape_cast %get3A_2677 : vector<1x16xf32> to vector<16xf32>
      %swap3A_2679 = arith.constant 14 : i32
      %swap3A_2680 = arith.index_cast %swap3A_2679 : i32 to index
      %swap3A_2681 = arith.constant 32 : index
      %swap3A_2682 = tpu.vector_load %arg20[%swap3A_2680, %swap3A_2681] {strides = array<i32>} : memref<16x128xf32, #tpu.memory_space<vmem>>, vector<1x16xf32>,
      %swap3A_2683 = vector.shape_cast %swap3A_2682 : vector<1x16xf32> to vector<16xf32>
      %swap3A_2684 = vector.shape_cast %get3A_2678 : vector<16xf32> to vector<1x16xf32>
      tpu.vector_store %arg20[%swap3A_2680, %swap3A_2681], %swap3A_2684 {strides = array<i32>} : memref<16x128xf32, #tpu.memory_space<vmem>>, vector<1x16xf32>,
      %add3A_2685 = arith.constant 16 : i32
      %add3A_2686 = arith.addi %squeeze3A_2645, %add3A_2685 : i32
      %get3A_2687 = arith.constant 14 : i32
      %get3A_2688 = arith.index_cast %get3A_2687 : i32 to index
      %get3A_2689 = arith.index_cast %add3A_2686 : i32 to index
      %get3A_2690 = tpu.vector_load %arg17[%get3A_2688, %get3A_2689] {strides = array<i32>} : memref<16x128xf32, #tpu.memory_space<vmem>>, vector<1x16xf32>,
      %get3A_2691 = vector.shape_cast %get3A_2690 : vector<1x16xf32> to vector<16xf32>
      %swap3A_2692 = arith.constant 14 : i32
      %swap3A_2693 = arith.index_cast %swap3A_2692 : i32 to index
      %swap3A_2694 = arith.constant 48 : index
      %swap3A_2695 = tpu.vector_load %arg20[%swap3A_2693, %swap3A_2694] {strides = array<i32>} : memref<16x128xf32, #tpu.memory_space<vmem>>, vector<1x16xf32>,
      %swap3A_2696 = vector.shape_cast %swap3A_2695 : vector<1x16xf32> to vector<16xf32>
      %swap3A_2697 = vector.shape_cast %get3A_2691 : vector<16xf32> to vector<1x16xf32>
      tpu.vector_store %arg20[%swap3A_2693, %swap3A_2694], %swap3A_2697 {strides = array<i32>} : memref<16x128xf32, #tpu.memory_space<vmem>>, vector<1x16xf32>,
      %get3A_2698 = arith.constant 14 : i32
      %get3A_2699 = arith.index_cast %get3A_2698 : i32 to index
      %get3A_2700 = arith.index_cast %squeeze3A_2647 : i32 to index
      %get3A_2701 = tpu.vector_load %arg18[%get3A_2699, %get3A_2700] {strides = array<i32>} : memref<16x128xf32, #tpu.memory_space<vmem>>, vector<1x16xf32>,
      %get3A_2702 = vector.shape_cast %get3A_2701 : vector<1x16xf32> to vector<16xf32>
      %swap3A_2703 = arith.constant 14 : i32
      %swap3A_2704 = arith.index_cast %swap3A_2703 : i32 to index
      %swap3A_2705 = arith.constant 64 : index
      %swap3A_2706 = tpu.vector_load %arg20[%swap3A_2704, %swap3A_2705] {strides = array<i32>} : memref<16x128xf32, #tpu.memory_space<vmem>>, vector<1x16xf32>,
      %swap3A_2707 = vector.shape_cast %swap3A_2706 : vector<1x16xf32> to vector<16xf32>
      %swap3A_2708 = vector.shape_cast %get3A_2702 : vector<16xf32> to vector<1x16xf32>
      tpu.vector_store %arg20[%swap3A_2704, %swap3A_2705], %swap3A_2708 {strides = array<i32>} : memref<16x128xf32, #tpu.memory_space<vmem>>, vector<1x16xf32>,
      %get3A_2709 = arith.constant 14 : i32
      %get3A_2710 = arith.index_cast %get3A_2709 : i32 to index
      %get3A_2711 = arith.index_cast %squeeze3A_2649 : i32 to index
      %get3A_2712 = tpu.vector_load %arg19[%get3A_2710, %get3A_2711] {strides = array<i32>} : memref<16x128xf32, #tpu.memory_space<vmem>>, vector<1x16xf32>,
      %get3A_2713 = vector.shape_cast %get3A_2712 : vector<1x16xf32> to vector<16xf32>
      %swap3A_2714 = arith.constant 14 : i32
      %swap3A_2715 = arith.index_cast %swap3A_2714 : i32 to index
      %swap3A_2716 = arith.constant 80 : index
      %swap3A_2717 = tpu.vector_load %arg20[%swap3A_2715, %swap3A_2716] {strides = array<i32>} : memref<16x128xf32, #tpu.memory_space<vmem>>, vector<1x16xf32>,
      %swap3A_2718 = vector.shape_cast %swap3A_2717 : vector<1x16xf32> to vector<16xf32>
      %swap3A_2719 = vector.shape_cast %get3A_2713 : vector<16xf32> to vector<1x16xf32>
      tpu.vector_store %arg20[%swap3A_2715, %swap3A_2716], %swap3A_2719 {strides = array<i32>} : memref<16x128xf32, #tpu.memory_space<vmem>>, vector<1x16xf32>,
      %slice3A_2720 = vector.extract_strided_slice %shift_left3A_1493 {offsets = [15], sizes = [1], strides = [1]} : vector<16xi32> to vector<1xi32>
      %squeeze3A_2721 = vector.extract %slice3A_2720[0] : i32 from vector<1xi32>
      %slice3A_2722 = vector.extract_strided_slice %shift_left3A_1502 {offsets = [15], sizes = [1], strides = [1]} : vector<16xi32> to vector<1xi32>
      %squeeze3A_2723 = vector.extract %slice3A_2722[0] : i32 from vector<1xi32>
      %slice3A_2724 = vector.extract_strided_slice %shift_left3A_1511 {offsets = [15], sizes = [1], strides = [1]} : vector<16xi32> to vector<1xi32>
      %squeeze3A_2725 = vector.extract %slice3A_2724[0] : i32 from vector<1xi32>
      %slice3A_2726 = vector.extract_strided_slice %shift_left3A_1520 {offsets = [15], sizes = [1], strides = [1]} : vector<16xi32> to vector<1xi32>
      %squeeze3A_2727 = vector.extract %slice3A_2726[0] : i32 from vector<1xi32>
      %get3A_2728 = arith.constant 15 : i32
      %get3A_2729 = arith.index_cast %get3A_2728 : i32 to index
      %get3A_2730 = arith.index_cast %squeeze3A_2721 : i32 to index
      %get3A_2731 = tpu.vector_load %arg16[%get3A_2729, %get3A_2730] {strides = array<i32>} : memref<16x128xf32, #tpu.memory_space<vmem>>, vector<1x16xf32>,
      %get3A_2732 = vector.shape_cast %get3A_2731 : vector<1x16xf32> to vector<16xf32>
      %swap3A_2733 = arith.constant 15 : i32
      %swap3A_2734 = arith.index_cast %swap3A_2733 : i32 to index
      %swap3A_2735 = arith.constant 0 : index
      %swap3A_2736 = tpu.vector_load %arg20[%swap3A_2734, %swap3A_2735] {strides = array<i32>} : memref<16x128xf32, #tpu.memory_space<vmem>>, vector<1x16xf32>,
      %swap3A_2737 = vector.shape_cast %swap3A_2736 : vector<1x16xf32> to vector<16xf32>
      %swap3A_2738 = vector.shape_cast %get3A_2732 : vector<16xf32> to vector<1x16xf32>
      tpu.vector_store %arg20[%swap3A_2734, %swap3A_2735], %swap3A_2738 {strides = array<i32>} : memref<16x128xf32, #tpu.memory_space<vmem>>, vector<1x16xf32>,
      %add3A_2739 = arith.constant 16 : i32
      %add3A_2740 = arith.addi %squeeze3A_2721, %add3A_2739 : i32
      %get3A_2741 = arith.constant 15 : i32
      %get3A_2742 = arith.index_cast %get3A_2741 : i32 to index
      %get3A_2743 = arith.index_cast %add3A_2740 : i32 to index
      %get3A_2744 = tpu.vector_load %arg16[%get3A_2742, %get3A_2743] {strides = array<i32>} : memref<16x128xf32, #tpu.memory_space<vmem>>, vector<1x16xf32>,
      %get3A_2745 = vector.shape_cast %get3A_2744 : vector<1x16xf32> to vector<16xf32>
      %swap3A_2746 = arith.constant 15 : i32
      %swap3A_2747 = arith.index_cast %swap3A_2746 : i32 to index
      %swap3A_2748 = arith.constant 16 : index
      %swap3A_2749 = tpu.vector_load %arg20[%swap3A_2747, %swap3A_2748] {strides = array<i32>} : memref<16x128xf32, #tpu.memory_space<vmem>>, vector<1x16xf32>,
      %swap3A_2750 = vector.shape_cast %swap3A_2749 : vector<1x16xf32> to vector<16xf32>
      %swap3A_2751 = vector.shape_cast %get3A_2745 : vector<16xf32> to vector<1x16xf32>
      tpu.vector_store %arg20[%swap3A_2747, %swap3A_2748], %swap3A_2751 {strides = array<i32>} : memref<16x128xf32, #tpu.memory_space<vmem>>, vector<1x16xf32>,
      %get3A_2752 = arith.constant 15 : i32
      %get3A_2753 = arith.index_cast %get3A_2752 : i32 to index
      %get3A_2754 = arith.index_cast %squeeze3A_2723 : i32 to index
      %get3A_2755 = tpu.vector_load %arg17[%get3A_2753, %get3A_2754] {strides = array<i32>} : memref<16x128xf32, #tpu.memory_space<vmem>>, vector<1x16xf32>,
      %get3A_2756 = vector.shape_cast %get3A_2755 : vector<1x16xf32> to vector<16xf32>
      %swap3A_2757 = arith.constant 15 : i32
      %swap3A_2758 = arith.index_cast %swap3A_2757 : i32 to index
      %swap3A_2759 = arith.constant 32 : index
      %swap3A_2760 = tpu.vector_load %arg20[%swap3A_2758, %swap3A_2759] {strides = array<i32>} : memref<16x128xf32, #tpu.memory_space<vmem>>, vector<1x16xf32>,
      %swap3A_2761 = vector.shape_cast %swap3A_2760 : vector<1x16xf32> to vector<16xf32>
      %swap3A_2762 = vector.shape_cast %get3A_2756 : vector<16xf32> to vector<1x16xf32>
      tpu.vector_store %arg20[%swap3A_2758, %swap3A_2759], %swap3A_2762 {strides = array<i32>} : memref<16x128xf32, #tpu.memory_space<vmem>>, vector<1x16xf32>,
      %add3A_2763 = arith.constant 16 : i32
      %add3A_2764 = arith.addi %squeeze3A_2723, %add3A_2763 : i32
      %get3A_2765 = arith.constant 15 : i32
      %get3A_2766 = arith.index_cast %get3A_2765 : i32 to index
      %get3A_2767 = arith.index_cast %add3A_2764 : i32 to index
      %get3A_2768 = tpu.vector_load %arg17[%get3A_2766, %get3A_2767] {strides = array<i32>} : memref<16x128xf32, #tpu.memory_space<vmem>>, vector<1x16xf32>,
      %get3A_2769 = vector.shape_cast %get3A_2768 : vector<1x16xf32> to vector<16xf32>
      %swap3A_2770 = arith.constant 15 : i32
      %swap3A_2771 = arith.index_cast %swap3A_2770 : i32 to index
      %swap3A_2772 = arith.constant 48 : index
      %swap3A_2773 = tpu.vector_load %arg20[%swap3A_2771, %swap3A_2772] {strides = array<i32>} : memref<16x128xf32, #tpu.memory_space<vmem>>, vector<1x16xf32>,
      %swap3A_2774 = vector.shape_cast %swap3A_2773 : vector<1x16xf32> to vector<16xf32>
      %swap3A_2775 = vector.shape_cast %get3A_2769 : vector<16xf32> to vector<1x16xf32>
      tpu.vector_store %arg20[%swap3A_2771, %swap3A_2772], %swap3A_2775 {strides = array<i32>} : memref<16x128xf32, #tpu.memory_space<vmem>>, vector<1x16xf32>,
      %get3A_2776 = arith.constant 15 : i32
      %get3A_2777 = arith.index_cast %get3A_2776 : i32 to index
      %get3A_2778 = arith.index_cast %squeeze3A_2725 : i32 to index
      %get3A_2779 = tpu.vector_load %arg18[%get3A_2777, %get3A_2778] {strides = array<i32>} : memref<16x128xf32, #tpu.memory_space<vmem>>, vector<1x16xf32>,
      %get3A_2780 = vector.shape_cast %get3A_2779 : vector<1x16xf32> to vector<16xf32>
      %swap3A_2781 = arith.constant 15 : i32
      %swap3A_2782 = arith.index_cast %swap3A_2781 : i32 to index
      %swap3A_2783 = arith.constant 64 : index
      %swap3A_2784 = tpu.vector_load %arg20[%swap3A_2782, %swap3A_2783] {strides = array<i32>} : memref<16x128xf32, #tpu.memory_space<vmem>>, vector<1x16xf32>,
      %swap3A_2785 = vector.shape_cast %swap3A_2784 : vector<1x16xf32> to vector<16xf32>
      %swap3A_2786 = vector.shape_cast %get3A_2780 : vector<16xf32> to vector<1x16xf32>
      tpu.vector_store %arg20[%swap3A_2782, %swap3A_2783], %swap3A_2786 {strides = array<i32>} : memref<16x128xf32, #tpu.memory_space<vmem>>, vector<1x16xf32>,
      %get3A_2787 = arith.constant 15 : i32
      %get3A_2788 = arith.index_cast %get3A_2787 : i32 to index
      %get3A_2789 = arith.index_cast %squeeze3A_2727 : i32 to index
      %get3A_2790 = tpu.vector_load %arg19[%get3A_2788, %get3A_2789] {strides = array<i32>} : memref<16x128xf32, #tpu.memory_space<vmem>>, vector<1x16xf32>,
      %get3A_2791 = vector.shape_cast %get3A_2790 : vector<1x16xf32> to vector<16xf32>
      %swap3A_2792 = arith.constant 15 : i32
      %swap3A_2793 = arith.index_cast %swap3A_2792 : i32 to index
      %swap3A_2794 = arith.constant 80 : index
      %swap3A_2795 = tpu.vector_load %arg20[%swap3A_2793, %swap3A_2794] {strides = array<i32>} : memref<16x128xf32, #tpu.memory_space<vmem>>, vector<1x16xf32>,
      %swap3A_2796 = vector.shape_cast %swap3A_2795 : vector<1x16xf32> to vector<16xf32>
      %swap3A_2797 = vector.shape_cast %get3A_2791 : vector<16xf32> to vector<1x16xf32>
      tpu.vector_store %arg20[%swap3A_2793, %swap3A_2794], %swap3A_2797 {strides = array<i32>} : memref<16x128xf32, #tpu.memory_space<vmem>>, vector<1x16xf32>,
      %mul3A_2798 = arith.constant 16 : i32
      %mul3A_2799 = arith.muli %add3A_1474, %mul3A_2798 : i32
      %add3A_2800 = arith.addi %mul3A_2, %mul3A_2799 : i32
      %multiple_of3A_2801 = tpu.assume_multiple %add3A_2800, 8 : i32
      %dma_start3A_2802 = arith.constant 0 : i32
      %dma_start3A_2803 = tpu.memref_slice %arg8[%multiple_of3A_2801, %dma_start3A_2802] : memref<16384x128xf32, #tpu.memory_space<hbm>> -> memref<16x128xf32, #tpu.memory_space<hbm>>
      %dma_start3A_2804 = arith.constant 0 : i32
      %dma_start3A_2805 = tpu.memref_slice %arg8[%multiple_of3A_2801, %dma_start3A_2804] : memref<16384x128xf32, #tpu.memory_space<hbm>> -> memref<16x128xf32, #tpu.memory_space<hbm>>
      tpu.enqueue_dma source(%arg20 : memref<16x128xf32, #tpu.memory_space<vmem>>) target(%dma_start3A_2805 : memref<16x128xf32, #tpu.memory_space<hbm>>) target_semaphore(%arg24 : memref<!tpu.dma_semaphore, #tpu.memory_space<semaphore_mem>>)
      %scan3A_2806 = arith.constant 0 : i32
      scf.yield %scan3A_2806 : i32
    }
    %scan3A_8 = arith.constant 16 : i32
    %multiple_of3A = tpu.assume_multiple %mul3A_2, 8 : i32
    %dma_wait3A = arith.constant 0 : i32
    %dma_wait3A_9 = tpu.memref_slice %arg8[%multiple_of3A, %dma_wait3A] : memref<16384x128xf32, #tpu.memory_space<hbm>> -> memref<16x128xf32, #tpu.memory_space<hbm>>
    %dma_wait3A_10 = arith.constant 0 : i32
    %dma_wait3A_11 = tpu.memref_slice %arg8[%multiple_of3A, %dma_wait3A_10] : memref<16384x128xf32, #tpu.memory_space<hbm>> -> memref<16x128xf32, #tpu.memory_space<hbm>>
    tpu.wait_dma2 semaphore(%arg23 : memref<!tpu.dma_semaphore, #tpu.memory_space<semaphore_mem>>) src(%arg15 : memref<16x128xf32, #tpu.memory_space<vmem>>) dst(%dma_wait3A_11 : memref<16x128xf32, #tpu.memory_space<hbm>>)
    %multiple_of3A_12 = tpu.assume_multiple %mul3A_2, 8 : i32
    %dma_wait3A_13 = arith.constant 0 : i32
    %dma_wait3A_14 = tpu.memref_slice %arg8[%multiple_of3A_12, %dma_wait3A_13] : memref<16384x128xf32, #tpu.memory_space<hbm>> -> memref<16x128xf32, #tpu.memory_space<hbm>>
    %dma_wait3A_15 = arith.constant 0 : i32
    %dma_wait3A_16 = tpu.memref_slice %arg8[%multiple_of3A_12, %dma_wait3A_15] : memref<16384x128xf32, #tpu.memory_space<hbm>> -> memref<16x128xf32, #tpu.memory_space<hbm>>
    tpu.wait_dma2 semaphore(%arg24 : memref<!tpu.dma_semaphore, #tpu.memory_space<semaphore_mem>>) src(%arg20 : memref<16x128xf32, #tpu.memory_space<vmem>>) dst(%dma_wait3A_16 : memref<16x128xf32, #tpu.memory_space<hbm>>)
    return
  }
}

module attributes {stable_mosaic.version = 14 : i64} {
  func.func @_pack_body(%arg0: i32, %arg1: memref<32x32768xf32, #tpu.memory_space<vmem>>, %arg2: memref<16x32768xf32, #tpu.memory_space<vmem>>, %arg3: memref<8192x128xf32, #tpu.memory_space<vmem>>, %arg4: memref<4096x128xf32, #tpu.memory_space<vmem>>) attributes {dimension_semantics = [#tpu.dimension_semantics<arbitrary>], iteration_bounds = array<i64: 31>, scalar_prefetch = 0 : i64, scratch_operands = 0 : i64, tpu.core_type = #tpu.core_type<tc>, window_params = [{transform_indices = @transform_0, window_bounds = array<i64: 32, 32768>}, {transform_indices = @transform_1, window_bounds = array<i64: 16, 32768>}, {transform_indices = @transform_2, window_bounds = array<i64: 8192, 128>}, {transform_indices = @transform_3, window_bounds = array<i64: 4096, 128>}]} {
    %get3A = arith.constant 0 : index
    %get3A_0 = arith.constant 0 : index
    %get3A_1 = vector.load %arg1[%get3A, %get3A_0] : memref<32x32768xf32, #tpu.memory_space<vmem>>, vector<32x32768xf32>
    %slice3A = vector.extract_strided_slice %get3A_1 {offsets = [0, 0], sizes = [32, 8192], strides = [1, 1]} : vector<32x32768xf32> to vector<32x8192xf32>
    %slice3A_2 = vector.extract_strided_slice %get3A_1 {offsets = [0, 8192], sizes = [32, 8192], strides = [1, 1]} : vector<32x32768xf32> to vector<32x8192xf32>
    %slice3A_3 = vector.extract_strided_slice %get3A_1 {offsets = [0, 16384], sizes = [32, 8192], strides = [1, 1]} : vector<32x32768xf32> to vector<32x8192xf32>
    %slice3A_4 = vector.extract_strided_slice %get3A_1 {offsets = [0, 24576], sizes = [32, 8192], strides = [1, 1]} : vector<32x32768xf32> to vector<32x8192xf32>
    %concatenate3A = tpu.concatenate %slice3A, %slice3A_2, %slice3A_3, %slice3A_4 in 0 : vector<32x8192xf32>, vector<32x8192xf32>, vector<32x8192xf32>, vector<32x8192xf32> -> vector<128x8192xf32>
    %transpose3A = tpu.transpose %concatenate3A, [1, 0] : vector<128x8192xf32> -> vector<8192x128xf32>
    %swap3A = arith.constant 0 : index
    %swap3A_5 = arith.constant 0 : index
    %swap3A_6 = vector.load %arg3[%swap3A, %swap3A_5] : memref<8192x128xf32, #tpu.memory_space<vmem>>, vector<8192x128xf32>
    tpu.vector_store %arg3[%swap3A, %swap3A_5], %transpose3A {strides = array<i32>} : memref<8192x128xf32, #tpu.memory_space<vmem>>, vector<8192x128xf32>,
    %get3A_7 = arith.constant 0 : index
    %get3A_8 = arith.constant 0 : index
    %get3A_9 = vector.load %arg2[%get3A_7, %get3A_8] : memref<16x32768xf32, #tpu.memory_space<vmem>>, vector<16x32768xf32>
    %slice3A_10 = vector.extract_strided_slice %get3A_9 {offsets = [0, 0], sizes = [16, 4096], strides = [1, 1]} : vector<16x32768xf32> to vector<16x4096xf32>
    %slice3A_11 = vector.extract_strided_slice %get3A_9 {offsets = [0, 4096], sizes = [16, 4096], strides = [1, 1]} : vector<16x32768xf32> to vector<16x4096xf32>
    %slice3A_12 = vector.extract_strided_slice %get3A_9 {offsets = [0, 8192], sizes = [16, 4096], strides = [1, 1]} : vector<16x32768xf32> to vector<16x4096xf32>
    %slice3A_13 = vector.extract_strided_slice %get3A_9 {offsets = [0, 12288], sizes = [16, 4096], strides = [1, 1]} : vector<16x32768xf32> to vector<16x4096xf32>
    %slice3A_14 = vector.extract_strided_slice %get3A_9 {offsets = [0, 16384], sizes = [16, 4096], strides = [1, 1]} : vector<16x32768xf32> to vector<16x4096xf32>
    %slice3A_15 = vector.extract_strided_slice %get3A_9 {offsets = [0, 20480], sizes = [16, 4096], strides = [1, 1]} : vector<16x32768xf32> to vector<16x4096xf32>
    %slice3A_16 = vector.extract_strided_slice %get3A_9 {offsets = [0, 24576], sizes = [16, 4096], strides = [1, 1]} : vector<16x32768xf32> to vector<16x4096xf32>
    %slice3A_17 = vector.extract_strided_slice %get3A_9 {offsets = [0, 28672], sizes = [16, 4096], strides = [1, 1]} : vector<16x32768xf32> to vector<16x4096xf32>
    %concatenate3A_18 = tpu.concatenate %slice3A_10, %slice3A_11, %slice3A_12, %slice3A_13, %slice3A_14, %slice3A_15, %slice3A_16, %slice3A_17 in 0 : vector<16x4096xf32>, vector<16x4096xf32>, vector<16x4096xf32>, vector<16x4096xf32>, vector<16x4096xf32>, vector<16x4096xf32>, vector<16x4096xf32>, vector<16x4096xf32> -> vector<128x4096xf32>
    %transpose3A_19 = tpu.transpose %concatenate3A_18, [1, 0] : vector<128x4096xf32> -> vector<4096x128xf32>
    %swap3A_20 = arith.constant 0 : index
    %swap3A_21 = arith.constant 0 : index
    %swap3A_22 = vector.load %arg4[%swap3A_20, %swap3A_21] : memref<4096x128xf32, #tpu.memory_space<vmem>>, vector<4096x128xf32>
    tpu.vector_store %arg4[%swap3A_20, %swap3A_21], %transpose3A_19 {strides = array<i32>} : memref<4096x128xf32, #tpu.memory_space<vmem>>, vector<4096x128xf32>,
    return
  }
  func.func @transform_0(%arg0: i32) -> (i32, i32) {
    %c0_i32 = arith.constant 0 : i32
    %c0_i32_0 = arith.constant 0 : i32
    return %c0_i32, %arg0 : i32, i32
  }
  func.func @transform_1(%arg0: i32) -> (i32, i32) {
    %c0_i32 = arith.constant 0 : i32
    %c0_i32_0 = arith.constant 0 : i32
    return %c0_i32, %arg0 : i32, i32
  }
  func.func @transform_2(%arg0: i32) -> (i32, i32) {
    %c0_i32 = arith.constant 0 : i32
    %c0_i32_0 = arith.constant 0 : i32
    return %arg0, %c0_i32 : i32, i32
  }
  func.func @transform_3(%arg0: i32) -> (i32, i32) {
    %c0_i32 = arith.constant 0 : i32
    %c0_i32_0 = arith.constant 0 : i32
    return %arg0, %c0_i32 : i32, i32
  }
}

module attributes {stable_mosaic.version = 14 : i64} {
  func.func @_pack_body(%arg0: i32, %arg1: memref<32x32768xf32, #tpu.memory_space<vmem>>, %arg2: memref<16x32768xf32, #tpu.memory_space<vmem>>, %arg3: memref<8192x128xf32, #tpu.memory_space<vmem>>, %arg4: memref<4096x128xf32, #tpu.memory_space<vmem>>) attributes {dimension_semantics = [#tpu.dimension_semantics<arbitrary>], iteration_bounds = array<i64: 4>, scalar_prefetch = 0 : i64, scratch_operands = 0 : i64, tpu.core_type = #tpu.core_type<tc>, window_params = [{transform_indices = @transform_0, window_bounds = array<i64: 32, 32768>}, {transform_indices = @transform_1, window_bounds = array<i64: 16, 32768>}, {transform_indices = @transform_2, window_bounds = array<i64: 8192, 128>}, {transform_indices = @transform_3, window_bounds = array<i64: 4096, 128>}]} {
    %get3A = arith.constant 0 : index
    %get3A_0 = arith.constant 0 : index
    %get3A_1 = vector.load %arg1[%get3A, %get3A_0] : memref<32x32768xf32, #tpu.memory_space<vmem>>, vector<32x32768xf32>
    %slice3A = vector.extract_strided_slice %get3A_1 {offsets = [0, 0], sizes = [32, 8192], strides = [1, 1]} : vector<32x32768xf32> to vector<32x8192xf32>
    %slice3A_2 = vector.extract_strided_slice %get3A_1 {offsets = [0, 8192], sizes = [32, 8192], strides = [1, 1]} : vector<32x32768xf32> to vector<32x8192xf32>
    %slice3A_3 = vector.extract_strided_slice %get3A_1 {offsets = [0, 16384], sizes = [32, 8192], strides = [1, 1]} : vector<32x32768xf32> to vector<32x8192xf32>
    %slice3A_4 = vector.extract_strided_slice %get3A_1 {offsets = [0, 24576], sizes = [32, 8192], strides = [1, 1]} : vector<32x32768xf32> to vector<32x8192xf32>
    %concatenate3A = tpu.concatenate %slice3A, %slice3A_2, %slice3A_3, %slice3A_4 in 0 : vector<32x8192xf32>, vector<32x8192xf32>, vector<32x8192xf32>, vector<32x8192xf32> -> vector<128x8192xf32>
    %transpose3A = tpu.transpose %concatenate3A, [1, 0] : vector<128x8192xf32> -> vector<8192x128xf32>
    %swap3A = arith.constant 0 : index
    %swap3A_5 = arith.constant 0 : index
    %swap3A_6 = vector.load %arg3[%swap3A, %swap3A_5] : memref<8192x128xf32, #tpu.memory_space<vmem>>, vector<8192x128xf32>
    tpu.vector_store %arg3[%swap3A, %swap3A_5], %transpose3A {strides = array<i32>} : memref<8192x128xf32, #tpu.memory_space<vmem>>, vector<8192x128xf32>,
    %get3A_7 = arith.constant 0 : index
    %get3A_8 = arith.constant 0 : index
    %get3A_9 = vector.load %arg2[%get3A_7, %get3A_8] : memref<16x32768xf32, #tpu.memory_space<vmem>>, vector<16x32768xf32>
    %slice3A_10 = vector.extract_strided_slice %get3A_9 {offsets = [0, 0], sizes = [16, 4096], strides = [1, 1]} : vector<16x32768xf32> to vector<16x4096xf32>
    %slice3A_11 = vector.extract_strided_slice %get3A_9 {offsets = [0, 4096], sizes = [16, 4096], strides = [1, 1]} : vector<16x32768xf32> to vector<16x4096xf32>
    %slice3A_12 = vector.extract_strided_slice %get3A_9 {offsets = [0, 8192], sizes = [16, 4096], strides = [1, 1]} : vector<16x32768xf32> to vector<16x4096xf32>
    %slice3A_13 = vector.extract_strided_slice %get3A_9 {offsets = [0, 12288], sizes = [16, 4096], strides = [1, 1]} : vector<16x32768xf32> to vector<16x4096xf32>
    %slice3A_14 = vector.extract_strided_slice %get3A_9 {offsets = [0, 16384], sizes = [16, 4096], strides = [1, 1]} : vector<16x32768xf32> to vector<16x4096xf32>
    %slice3A_15 = vector.extract_strided_slice %get3A_9 {offsets = [0, 20480], sizes = [16, 4096], strides = [1, 1]} : vector<16x32768xf32> to vector<16x4096xf32>
    %slice3A_16 = vector.extract_strided_slice %get3A_9 {offsets = [0, 24576], sizes = [16, 4096], strides = [1, 1]} : vector<16x32768xf32> to vector<16x4096xf32>
    %slice3A_17 = vector.extract_strided_slice %get3A_9 {offsets = [0, 28672], sizes = [16, 4096], strides = [1, 1]} : vector<16x32768xf32> to vector<16x4096xf32>
    %concatenate3A_18 = tpu.concatenate %slice3A_10, %slice3A_11, %slice3A_12, %slice3A_13, %slice3A_14, %slice3A_15, %slice3A_16, %slice3A_17 in 0 : vector<16x4096xf32>, vector<16x4096xf32>, vector<16x4096xf32>, vector<16x4096xf32>, vector<16x4096xf32>, vector<16x4096xf32>, vector<16x4096xf32>, vector<16x4096xf32> -> vector<128x4096xf32>
    %transpose3A_19 = tpu.transpose %concatenate3A_18, [1, 0] : vector<128x4096xf32> -> vector<4096x128xf32>
    %swap3A_20 = arith.constant 0 : index
    %swap3A_21 = arith.constant 0 : index
    %swap3A_22 = vector.load %arg4[%swap3A_20, %swap3A_21] : memref<4096x128xf32, #tpu.memory_space<vmem>>, vector<4096x128xf32>
    tpu.vector_store %arg4[%swap3A_20, %swap3A_21], %transpose3A_19 {strides = array<i32>} : memref<4096x128xf32, #tpu.memory_space<vmem>>, vector<4096x128xf32>,
    return
  }
  func.func @transform_0(%arg0: i32) -> (i32, i32) {
    %c0_i32 = arith.constant 0 : i32
    %c0_i32_0 = arith.constant 0 : i32
    return %c0_i32, %arg0 : i32, i32
  }
  func.func @transform_1(%arg0: i32) -> (i32, i32) {
    %c0_i32 = arith.constant 0 : i32
    %c0_i32_0 = arith.constant 0 : i32
    return %c0_i32, %arg0 : i32, i32
  }
  func.func @transform_2(%arg0: i32) -> (i32, i32) {
    %c0_i32 = arith.constant 0 : i32
    %c0_i32_0 = arith.constant 0 : i32
    return %arg0, %c0_i32 : i32, i32
  }
  func.func @transform_3(%arg0: i32) -> (i32, i32) {
    %c0_i32 = arith.constant 0 : i32
    %c0_i32_0 = arith.constant 0 : i32
    return %arg0, %c0_i32 : i32, i32
  }
}

module attributes {stable_mosaic.version = 14 : i64} {
  func.func @_mlp_body(%arg0: i32, %arg1: memref<2048x128xf32, #tpu.memory_space<vmem>>, %arg2: memref<64x32xf32, #tpu.memory_space<vmem>>, %arg3: memref<1x32xf32, #tpu.memory_space<vmem>>, %arg4: memref<32x16xf32, #tpu.memory_space<vmem>>, %arg5: memref<1x16xf32, #tpu.memory_space<vmem>>, %arg6: memref<16x8xf32, #tpu.memory_space<vmem>>, %arg7: memref<1x8xf32, #tpu.memory_space<vmem>>, %arg8: memref<8x1xf32, #tpu.memory_space<vmem>>, %arg9: memref<16x1xf32, #tpu.memory_space<vmem>>, %arg10: memref<1x1xf32, #tpu.memory_space<vmem>>, %arg11: memref<2048x1xf32, #tpu.memory_space<vmem>>) attributes {dimension_semantics = [#tpu.dimension_semantics<arbitrary>], iteration_bounds = array<i64: 8>, scalar_prefetch = 0 : i64, scratch_operands = 0 : i64, tpu.core_type = #tpu.core_type<tc>, window_params = [{transform_indices = @transform_0, window_bounds = array<i64: 2048, 128>}, {pipeline_mode = #tpu.pipeline_mode<synchronous>, transform_indices = @transform_1, window_bounds = array<i64: 64, 32>}, {pipeline_mode = #tpu.pipeline_mode<synchronous>, transform_indices = @transform_2, window_bounds = array<i64: 1, 32>}, {pipeline_mode = #tpu.pipeline_mode<synchronous>, transform_indices = @transform_3, window_bounds = array<i64: 32, 16>}, {pipeline_mode = #tpu.pipeline_mode<synchronous>, transform_indices = @transform_4, window_bounds = array<i64: 1, 16>}, {pipeline_mode = #tpu.pipeline_mode<synchronous>, transform_indices = @transform_5, window_bounds = array<i64: 16, 8>}, {pipeline_mode = #tpu.pipeline_mode<synchronous>, transform_indices = @transform_6, window_bounds = array<i64: 1, 8>}, {pipeline_mode = #tpu.pipeline_mode<synchronous>, transform_indices = @transform_7, window_bounds = array<i64: 8, 1>}, {pipeline_mode = #tpu.pipeline_mode<synchronous>, transform_indices = @transform_8, window_bounds = array<i64: 16, 1>}, {pipeline_mode = #tpu.pipeline_mode<synchronous>, transform_indices = @transform_9, window_bounds = array<i64: 1, 1>}, {transform_indices = @transform_10, window_bounds = array<i64: 2048, 1>}]} {
    %get3A = arith.constant 0 : index
    %get3A_0 = arith.constant 0 : index
    %get3A_1 = vector.load %arg1[%get3A, %get3A_0] : memref<2048x128xf32, #tpu.memory_space<vmem>>, vector<2048x128xf32>
    %slice3A = vector.extract_strided_slice %get3A_1 {offsets = [0, 0], sizes = [2048, 64], strides = [1, 1]} : vector<2048x128xf32> to vector<2048x64xf32>
    %get3A_2 = arith.constant 0 : index
    %get3A_3 = arith.constant 0 : index
    %get3A_4 = vector.load %arg2[%get3A_2, %get3A_3] : memref<64x32xf32, #tpu.memory_space<vmem>>, vector<64x32xf32>
    %dot_general3A = arith.constant dense<0.000000e+00> : vector<2048x32xf32>
    %dot_general3A_5 = tpu.matmul %slice3A, %get3A_4, %dot_general3A {dimension_numbers = #tpu.dot_dimension_numbers<[1], [0], [0], [1], [0, 0, 1, 1], [], []>, transpose_lhs_hint = false} : vector<2048x64xf32>, vector<64x32xf32>, vector<2048x32xf32> -> vector<2048x32xf32>
    %get3A_6 = arith.constant 0 : index
    %get3A_7 = arith.constant 0 : index
    %get3A_8 = vector.load %arg3[%get3A_6, %get3A_7] : memref<1x32xf32, #tpu.memory_space<vmem>>, vector<1x32xf32>
    %add3A = vector.broadcast %get3A_8 : vector<1x32xf32> to vector<2048x32xf32>
    %add3A_9 = arith.addf %dot_general3A_5, %add3A : vector<2048x32xf32>
    %max3A = arith.constant 0.000000e+00 : f32
    %max3A_10 = vector.broadcast %max3A : f32 to vector<2048x32xf32>
    %max3A_11 = arith.maximumf %add3A_9, %max3A_10 : vector<2048x32xf32>
    %get3A_12 = arith.constant 0 : index
    %get3A_13 = arith.constant 0 : index
    %get3A_14 = vector.load %arg4[%get3A_12, %get3A_13] : memref<32x16xf32, #tpu.memory_space<vmem>>, vector<32x16xf32>
    %dot_general3A_15 = arith.constant dense<0.000000e+00> : vector<2048x16xf32>
    %dot_general3A_16 = tpu.matmul %max3A_11, %get3A_14, %dot_general3A_15 {dimension_numbers = #tpu.dot_dimension_numbers<[1], [0], [0], [1], [0, 0, 1, 1], [], []>, transpose_lhs_hint = false} : vector<2048x32xf32>, vector<32x16xf32>, vector<2048x16xf32> -> vector<2048x16xf32>
    %get3A_17 = arith.constant 0 : index
    %get3A_18 = arith.constant 0 : index
    %get3A_19 = vector.load %arg5[%get3A_17, %get3A_18] : memref<1x16xf32, #tpu.memory_space<vmem>>, vector<1x16xf32>
    %add3A_20 = vector.broadcast %get3A_19 : vector<1x16xf32> to vector<2048x16xf32>
    %add3A_21 = arith.addf %dot_general3A_16, %add3A_20 : vector<2048x16xf32>
    %max3A_22 = arith.constant 0.000000e+00 : f32
    %max3A_23 = vector.broadcast %max3A_22 : f32 to vector<2048x16xf32>
    %max3A_24 = arith.maximumf %add3A_21, %max3A_23 : vector<2048x16xf32>
    %get3A_25 = arith.constant 0 : index
    %get3A_26 = arith.constant 0 : index
    %get3A_27 = vector.load %arg6[%get3A_25, %get3A_26] : memref<16x8xf32, #tpu.memory_space<vmem>>, vector<16x8xf32>
    %dot_general3A_28 = arith.constant dense<0.000000e+00> : vector<2048x8xf32>
    %dot_general3A_29 = tpu.matmul %max3A_24, %get3A_27, %dot_general3A_28 {dimension_numbers = #tpu.dot_dimension_numbers<[1], [0], [0], [1], [0, 0, 1, 1], [], []>, transpose_lhs_hint = false} : vector<2048x16xf32>, vector<16x8xf32>, vector<2048x8xf32> -> vector<2048x8xf32>
    %get3A_30 = arith.constant 0 : index
    %get3A_31 = arith.constant 0 : index
    %get3A_32 = vector.load %arg7[%get3A_30, %get3A_31] : memref<1x8xf32, #tpu.memory_space<vmem>>, vector<1x8xf32>
    %add3A_33 = vector.broadcast %get3A_32 : vector<1x8xf32> to vector<2048x8xf32>
    %add3A_34 = arith.addf %dot_general3A_29, %add3A_33 : vector<2048x8xf32>
    %max3A_35 = arith.constant 0.000000e+00 : f32
    %max3A_36 = vector.broadcast %max3A_35 : f32 to vector<2048x8xf32>
    %max3A_37 = arith.maximumf %add3A_34, %max3A_36 : vector<2048x8xf32>
    %get3A_38 = arith.constant 0 : index
    %get3A_39 = arith.constant 0 : index
    %get3A_40 = vector.load %arg8[%get3A_38, %get3A_39] : memref<8x1xf32, #tpu.memory_space<vmem>>, vector<8x1xf32>
    %dot_general3A_41 = arith.constant dense<0.000000e+00> : vector<2048x1xf32>
    %dot_general3A_42 = tpu.matmul %max3A_37, %get3A_40, %dot_general3A_41 {dimension_numbers = #tpu.dot_dimension_numbers<[1], [0], [0], [1], [0, 0, 1, 1], [], []>, transpose_lhs_hint = false} : vector<2048x8xf32>, vector<8x1xf32>, vector<2048x1xf32> -> vector<2048x1xf32>
    %slice3A_43 = vector.extract_strided_slice %get3A_1 {offsets = [0, 64], sizes = [2048, 16], strides = [1, 1]} : vector<2048x128xf32> to vector<2048x16xf32>
    %slice3A_44 = vector.extract_strided_slice %get3A_1 {offsets = [0, 80], sizes = [2048, 16], strides = [1, 1]} : vector<2048x128xf32> to vector<2048x16xf32>
    %mul3A = arith.mulf %slice3A_43, %slice3A_44 : vector<2048x16xf32>
    %get3A_45 = arith.constant 0 : index
    %get3A_46 = arith.constant 0 : index
    %get3A_47 = vector.load %arg9[%get3A_45, %get3A_46] : memref<16x1xf32, #tpu.memory_space<vmem>>, vector<16x1xf32>
    %dot_general3A_48 = arith.constant dense<0.000000e+00> : vector<2048x1xf32>
    %dot_general3A_49 = tpu.matmul %mul3A, %get3A_47, %dot_general3A_48 {dimension_numbers = #tpu.dot_dimension_numbers<[1], [0], [0], [1], [0, 0, 1, 1], [], []>, transpose_lhs_hint = false} : vector<2048x16xf32>, vector<16x1xf32>, vector<2048x1xf32> -> vector<2048x1xf32>
    %add3A_50 = arith.addf %dot_general3A_42, %dot_general3A_49 : vector<2048x1xf32>
    %get3A_51 = arith.constant 0 : index
    %get3A_52 = arith.constant 0 : index
    %get3A_53 = vector.load %arg10[%get3A_51, %get3A_52] : memref<1x1xf32, #tpu.memory_space<vmem>>, vector<1x1xf32>
    %add3A_54 = vector.broadcast %get3A_53 : vector<1x1xf32> to vector<2048x1xf32>
    %add3A_55 = arith.addf %add3A_50, %add3A_54 : vector<2048x1xf32>
    %logistic3A = arith.negf %add3A_55 : vector<2048x1xf32>
    %logistic3A_56 = math.exp %logistic3A : vector<2048x1xf32>
    %logistic3A_57 = arith.constant 1.000000e+00 : f32
    %logistic3A_58 = vector.broadcast %logistic3A_57 : f32 to vector<2048x1xf32>
    %logistic3A_59 = arith.addf %logistic3A_58, %logistic3A_56 : vector<2048x1xf32>
    %logistic3A_60 = arith.divf %logistic3A_58, %logistic3A_59 : vector<2048x1xf32>
    %swap3A = arith.constant 0 : index
    %swap3A_61 = arith.constant 0 : index
    %swap3A_62 = vector.load %arg11[%swap3A, %swap3A_61] : memref<2048x1xf32, #tpu.memory_space<vmem>>, vector<2048x1xf32>
    tpu.vector_store %arg11[%swap3A, %swap3A_61], %logistic3A_60 {strides = array<i32>} : memref<2048x1xf32, #tpu.memory_space<vmem>>, vector<2048x1xf32>,
    return
  }
  func.func @transform_0(%arg0: i32) -> (i32, i32) {
    %c0_i32 = arith.constant 0 : i32
    %c0_i32_0 = arith.constant 0 : i32
    return %arg0, %c0_i32 : i32, i32
  }
  func.func @transform_1(%arg0: i32) -> (i32, i32) {
    %c0_i32 = arith.constant 0 : i32
    %c0_i32_0 = arith.constant 0 : i32
    %c0_i32_1 = arith.constant 0 : i32
    return %c0_i32, %c0_i32_0 : i32, i32
  }
  func.func @transform_2(%arg0: i32) -> (i32, i32) {
    %c0_i32 = arith.constant 0 : i32
    %c0_i32_0 = arith.constant 0 : i32
    %c0_i32_1 = arith.constant 0 : i32
    return %c0_i32, %c0_i32_0 : i32, i32
  }
  func.func @transform_3(%arg0: i32) -> (i32, i32) {
    %c0_i32 = arith.constant 0 : i32
    %c0_i32_0 = arith.constant 0 : i32
    %c0_i32_1 = arith.constant 0 : i32
    return %c0_i32, %c0_i32_0 : i32, i32
  }
  func.func @transform_4(%arg0: i32) -> (i32, i32) {
    %c0_i32 = arith.constant 0 : i32
    %c0_i32_0 = arith.constant 0 : i32
    %c0_i32_1 = arith.constant 0 : i32
    return %c0_i32, %c0_i32_0 : i32, i32
  }
  func.func @transform_5(%arg0: i32) -> (i32, i32) {
    %c0_i32 = arith.constant 0 : i32
    %c0_i32_0 = arith.constant 0 : i32
    %c0_i32_1 = arith.constant 0 : i32
    return %c0_i32, %c0_i32_0 : i32, i32
  }
  func.func @transform_6(%arg0: i32) -> (i32, i32) {
    %c0_i32 = arith.constant 0 : i32
    %c0_i32_0 = arith.constant 0 : i32
    %c0_i32_1 = arith.constant 0 : i32
    return %c0_i32, %c0_i32_0 : i32, i32
  }
  func.func @transform_7(%arg0: i32) -> (i32, i32) {
    %c0_i32 = arith.constant 0 : i32
    %c0_i32_0 = arith.constant 0 : i32
    %c0_i32_1 = arith.constant 0 : i32
    return %c0_i32, %c0_i32_0 : i32, i32
  }
  func.func @transform_8(%arg0: i32) -> (i32, i32) {
    %c0_i32 = arith.constant 0 : i32
    %c0_i32_0 = arith.constant 0 : i32
    %c0_i32_1 = arith.constant 0 : i32
    return %c0_i32, %c0_i32_0 : i32, i32
  }
  func.func @transform_9(%arg0: i32) -> (i32, i32) {
    %c0_i32 = arith.constant 0 : i32
    %c0_i32_0 = arith.constant 0 : i32
    %c0_i32_1 = arith.constant 0 : i32
    return %c0_i32, %c0_i32_0 : i32, i32
  }
  func.func @transform_10(%arg0: i32) -> (i32, i32) {
    %c0_i32 = arith.constant 0 : i32
    %c0_i32_0 = arith.constant 0 : i32
    return %arg0, %c0_i32 : i32, i32
  }
}

</mosaic_0001>

<sc_bundles>
// kernel: kernel.6.cloned.1.call-start
scs
__scs_entry_jumppad:
0x0: {  	(pc) =	sbr.rel $0x88, $3  }
0x1: {  	(tag) =	ssettag $0x0;
	lr =	simm.s32 $0x1  }
0x2: {  	[smem:$0x3F93] =	sst lr;
	_ =	strace $0xD0000000  }
0x3: {  	_ = 	snop  }
0x4: {  	_ = 	snop  }
0x5: {  	_ = 	snop  }
0x6: {  	_ = 	snop  }
0x7: {  	_ = 	snop  }
__scs_overlays_trampoline_lowered:
0x8: {  	[smem:$0x3FA2] =	sst s0  }
0x9: {  	[smem:$0x3FA3] =	sst s1  }
0xa: {  	[smem:$0x3FA4] =	sst s2  }
0xb: {  	[smem:$0x3FA5] =	sst s3  }
0xc: {  	[smem:$0x3FA6] =	sst s4  }
0xd: {  	[smem:$0x3FA7] =	sst s5  }
0xe: {  	[smem:$0x3FA8] =	sst s6  }
0xf: {  	[smem:$0x3FA9] =	sst s7  }
0x10: {  	[smem:$0x3FAA] =	sst s8  }
0x11: {  	[smem:$0x3FAB] =	sst s9;
	s0 =	simm.s32 @!p0 $0x0  }
0x12: {  	s1 =	sld [smem:$0x3F91];
	s0 =	simm.s32 @p0 $0x1  }
0x13: {  	[smem:$0x3FAC] =	sst s0;
	s0 =	simm.s32 @!p1 $0x0  }
0x14: {  	s2 =	sld [smem:$0x3F90];
	s0 =	simm.s32 @p1 $0x1  }
0x15: {  	[smem:$0x3FAD] =	sst s0;
	s0 =	simm.s32 @!p2 $0x0  }
0x16: {  	s3 =	sld [smem:$0x3FDB];
	s0 =	simm.s32 @p2 $0x1  }
0x17: {  	s4 =	simm.s32 $0x1BF5;
	[smem:$0x3FAF] =	sst s0  }
0x18: {  	s0 =	sld [smem:$0x3F92];
	_ =	swait.ge [sflag:s4], $0x0  }
0x19: {  	s7 =	sld [smem:$0x3F93]  }
0x1a: {  	s8 =	sadd.s32 $0xFFFFE003, lr  }
0x1b: {  	s9 =	sadd.s32 $0xFFFFFEF7, lr;
	s5 =	simm.s32 $0xFFFFFFFF;
	p2 =	slt.u32 s8, $0xFFFFF086  }
0x1c: {  	p1 =	slt.u32 s9, $0xF7A;
	s5 =	simm.s32 @!p2 $0x0  }
0x1d: {  	s5 =	simm.s32 @p1 $0x1;
	p0 =	seq.s32 s7, s2  }
0x1e: {  	s7 =	smul.u32 @!p0 $0xF7A, s2;
	p2 =	seq.s32 @!p0 s5, $0x0  }
0x1f: {  	s9 =	smul.u32 $0xF7A, s1;
	s8 =	simm.s32 @!p0 $0x1BF5;
	p2 =	por !p2, p0  }
0x20: {  	[sflag:s8] =	ssyncset.s32 @!p0 $0xFFFFF086;
	s6 =	sadd.s32 @!p0 s3, s7;
	s7 =	simm.s32 @!p0 $0x108  }
0x21: {  	s3 =	sadd.s32 s3, s9;
	s6 =	sadd.s32 @!p0 $0x88, s6;
	s7 =	simm.s32 @p2 $0x1082  }
0x22: {  	[simem:s7], [sflag:s8] =	dma.local @!p0 [hbm:s6], $0xF7A  }
0x23: {  	s9 =	sor.u32 $0xD0000000, s2;
	s6 =	simm.s32 $0x108;
	_ =	swait.ge @!p0 [sflag:s8], $0x0  }
0x24: {  	s3 =	sadd.s32 $0x88, s3;
	s6 =	simm.s32 @!p1 $0x1082;
	[sflag:s4] =	ssyncset.s32 $0xFFFFF086  }
0x25: {  	[simem:s6], [sflag:s4] =	dma.local [hbm:s3], $0xF7A  }
0x26: {  	[smem:$0x3F93] =	sst s1;
	(tag) =	ssettag s2;
	_ =	strace s9  }
0x27: {  	s1 =	sld [smem:$0x3FA3]  }
0x28: {  	s2 =	sld [smem:$0x3FA4]  }
0x29: {  	s4 =	sld [smem:$0x3FA6]  }
0x2a: {  	p0 =	seq.s32 s5, $0x0;
	s5 =	sld [smem:$0x3FA7]  }
0x2b: {  	s6 =	sld [smem:$0x3FA8]  }
0x2c: {  	s7 =	sld [smem:$0x3FA9]  }
0x2d: {  	s3 =	simm.s32 $0x108;
	s8 =	sld [smem:$0x3FAA]  }
0x2e: {  	s3 =	simm.s32 @!p0 $0x1082;
	s9 =	sld [smem:$0x3FAB]  }
0x2f: {  	lr =	sadd.s32 s0, s3;
	s0 =	sld [smem:$0x3FA2]  }
0x30: {  	s3 =	sld [smem:$0x3FA5]  }
0x31: {  	[smem:$0x3FAE] =	sst s10  }
0x32: {  	s10 =	sld [smem:$0x3FAC];
	_ =	sdelay $0x3  }
0x33: {  	p0 =	seq.s32 s10, $0x1;
	s10 =	sld [smem:$0x3FAE];
	_ =	sdelay $0x3  }
0x34: {  	[smem:$0x3FAE] =	sst s10  }
0x35: {  	s10 =	sld [smem:$0x3FAD];
	_ =	sdelay $0x3  }
0x36: {  	p1 =	seq.s32 s10, $0x1;
	s10 =	sld [smem:$0x3FAE];
	_ =	sdelay $0x3  }
0x37: {  	[smem:$0x3FAE] =	sst s10  }
0x38: {  	s10 =	sld [smem:$0x3FAF]  }
0x39: {  	_ = 	snop;
	(pc) =	sbr.ind lr, $3  }
0x3a: {  	_ = 	snop  }
0x3b: {  	_ = 	snop  }
0x3c: {  	p2 =	seq.s32 s10, $0x1;
	s10 =	sld [smem:$0x3FAE]  }
0x3d: {  	_ =	shalt  }
0x3e: {  	_ =	shalt  }
0x3f: {  	_ =	shalt  }
0x40: {  	_ =	shalt  }
0x41: {  	_ =	shalt  }
0x42: {  	_ =	shalt  }
0x43: {  	_ =	shalt  }
0x44: {  	_ =	shalt  }
0x45: {  	_ =	shalt  }
0x46: {  	_ =	shalt  }
0x47: {  	_ =	shalt  }
0x48: {  	_ =	shalt  }
0x49: {  	_ =	shalt  }
0x4a: {  	_ =	shalt  }
0x4b: {  	_ =	shalt  }
0x4c: {  	_ =	shalt  }
0x4d: {  	_ =	shalt  }
0x4e: {  	_ =	shalt  }
0x4f: {  	_ =	shalt  }
0x50: {  	_ =	shalt  }
0x51: {  	_ =	shalt  }
0x52: {  	_ =	shalt  }
0x53: {  	_ =	shalt  }
0x54: {  	_ =	shalt  }
0x55: {  	_ =	shalt  }
0x56: {  	_ =	shalt  }
0x57: {  	_ =	shalt  }
0x58: {  	_ =	shalt  }
0x59: {  	_ =	shalt  }
0x5a: {  	_ =	shalt  }
0x5b: {  	_ =	shalt  }
0x5c: {  	_ =	shalt  }
0x5d: {  	_ =	shalt  }
0x5e: {  	_ =	shalt  }
0x5f: {  	_ =	shalt  }
0x60: {  	_ =	shalt  }
0x61: {  	_ =	shalt  }
0x62: {  	_ =	shalt  }
0x63: {  	_ =	shalt  }
0x64: {  	_ =	shalt  }
0x65: {  	_ =	shalt  }
0x66: {  	_ =	shalt  }
0x67: {  	_ =	shalt  }
0x68: {  	_ =	shalt  }
0x69: {  	_ =	shalt  }
0x6a: {  	_ =	shalt  }
0x6b: {  	_ =	shalt  }
0x6c: {  	_ =	shalt  }
0x6d: {  	_ =	shalt  }
0x6e: {  	_ =	shalt  }
0x6f: {  	_ =	shalt  }
0x70: {  	_ =	shalt  }
0x71: {  	_ =	shalt  }
0x72: {  	_ =	shalt  }
0x73: {  	_ =	shalt  }
0x74: {  	_ =	shalt  }
0x75: {  	_ =	shalt  }
0x76: {  	_ =	shalt  }
0x77: {  	_ =	shalt  }
0x78: {  	_ =	shalt  }
0x79: {  	_ =	shalt  }
0x7a: {  	_ =	shalt  }
0x7b: {  	_ =	shalt  }
0x7c: {  	_ =	shalt  }
0x7d: {  	_ =	shalt  }
0x7e: {  	_ =	shalt  }
0x7f: {  	_ =	shalt  }
0x80: {  	_ =	shalt  }
0x81: {  	_ =	shalt  }
0x82: {  	_ =	shalt  }
0x83: {  	_ =	shalt  }
0x84: {  	_ =	shalt  }
0x85: {  	_ =	shalt  }
0x86: {  	_ =	shalt  }
0x87: {  	_ =	shalt  }
.Lfunc_end0:
.L_simem_size_0:
called_computation_lowered:
.L_overlay_start_0:
0x88: {  	s2 =	sld [smem:$0x3FD9]  }
0x89: {  	s3 =	sld [smem:$0x3FFE];
	_ =	sdelay $0x1  }
0x8a: {  	s1 =	srdreg.scid  }
0x8b: {  	s0 =	sand.u32 $0x1, s1  }
0x8c: {  	s17 =	sshll.u32 s0, $0xA;
	s2 =	sadd.s32 s3, s2  }
0x8d: {  	s2 =	sadd.s32 s2, s17  }
0x8e: {  	[smem:$0x3FBA] =	sst s2  }
0x8f: {  	_ = 	snop  }
0x90: {  	s2 =	sld [smem:$0x3FC9]  }
0x91: {  	s18 =	sld [smem:$0x3FC8];
	(tm) =	ssettm $0x1  }
0x92: {  	s4 =	sld [smem:$0x3FFB];
	_ =	sdelay $0x3  }
0x93: {  	_ =	strace s4  }
0x94: {  	s4 =	sld [smem:$0x3FFC];
	_ =	sdelay $0x3  }
0x95: {  	_ =	strace s4  }
0x96: {  	s4 =	sld [smem:$0x3FFD];
	_ =	sdelay $0x3  }
0x97: {  	_ =	strace s4  }
0x98: {  	_ =	strace $0x8FFFFFFF  }
0x99: {  	s19 =	sld [smem:$0x3FDB];
	_ =	sdelay $0x1  }
0x9a: {  	s5 =	simm.s32 $_scs_section_size  }
0x9b: {  	s6 =	simm.s32 $_size__tile_overlayer_lowered;
	s7 =	simm.s32 $_tile_overlayer_lowered  }
0x9c: {  	s22 =	simm.s32 $0x1BFF;
	s21 =	sshll.u32 s7, $0x1;
	s4 =	sadd.s32 s5, s19  }
0x9d: {  	s8 =	simm.s32 $0x0;
	s20 =	sshll.u32 s6, $0x1;
	s6 =	sadd.s32 s21, s4  }
0x9e: {  	[timem:s8], [sflag:s22] =	dma.local [hbm:s6], s20  }
0x9f: {  	_ =	swait.ge [sflag:s22], s20  }
0xa0: {  	s5 =	ssub.s32 $0x0, s20;
	[sflag:s22] =	ssyncset.done $0x0  }
0xa1: {  	[sflag:s22] =	ssyncadd.s32 s5;
	_ =	sdelay $0x1  }
0xa2: {  	s23 =	simm.s32 $0x1B8B  }
0xa3: {  	_ =	swait.ge [sflag:s23], $0x1  }
0xa4: {  	[sflag:s23] =	ssyncset.done $0x0  }
0xa5: {  	s25 =	simm.s32 $0x1B8E;
	s24 =	sld [smem:$0x3FFE];
	[sflag:s23] =	ssyncadd.s32 $0xFFFFFFFF  }
0xa6: {  	s26 =	simm.s32 $execute0_lowered;
	[smem:$0x3FD2] =	sst s25  }
0xa7: {  	s6 =	sshll.u32 s26, $0x1;
	_ =	strace $0x80000046;
	[dreg:$0x1] =	wrdreg $0xFFFFFFFF  }
0xa8: {  	s28 =	simm.s32 $_size_execute0_lowered;
	s4 =	sadd.s32 s4, s6;
	[dreg:$0x0] =	wrdreg $0x0  }
0xa9: {  	s6 =	sshll.u32 s28, $0x1;
	[dreg:$0x2] =	wrdreg s4  }
0xaa: {  	[dreg:$0x3] =	wrdreg s6  }
0xab: {  	[dreg:$0x4] =	wrdreg $0xC0  }
0xac: {  	_ =	task [dreg:s8], $0x5FFFF  }
0xad: {  	[dreg:$0x1] =	wrdreg $0xFFFFFFFF  }
0xae: {  	[dreg:$0x0] =	wrdreg $0x60  }
0xaf: {  	[dreg:$0x2] =	wrdreg s2  }
0xb0: {  	[dreg:$0x3] =	wrdreg s18  }
0xb1: {  	[dreg:$0x4] =	wrdreg s24  }
0xb2: {  	[dreg:$0x5] =	wrdreg $0x9  }
0xb3: {  	_ =	task.clear_ibuf [dreg:s8], $0x6FFFF;
	_ =	strace $0x90000046  }
0xb4: {  	s29 =	simm.s32 $0x9;
	_ =	strace $0x80000048  }
0xb5: {  	_ =	swait.ge [sflag:s29], $0x1  }
0xb6: {  	[sflag:s29] =	ssyncadd.s32 $0xFFFFFFFF  }
0xb7: {  	_ =	strace $0x90000048  }
0xb8: {  	_ =	sfence  }
0xb9: {  	s30 =	sld [smem:$0x0];
	_ =	sdelay $0x2  }
0xba: {  	s31 =	sshll.u32 s1, $0xD;
	s1 =	sshrl.u32 s1, $0x2  }
0xbb: {  	s3 =	sand.u32 $0x4000, s31;
	s1 =	sadd.s32 s1, s30  }
0xbc: {  	s0 =	sor.u32 s3, s0;
	s1 =	sshll.u32 s1, $0x11  }
0xbd: {  	s0 =	sor.u32 s1, s0  }
0xbe: {  	s0 =	sadd.s32 $0x8F2B, s0  }
0xbf: {  	[sflag:s0] =	ssyncadd.remote.s32 $0x1  }
0xc0: {  	_ =	sfence.sel $0xFFFF  }
0xc1: {  	[dreg:$0x0] =	wrdreg $0xFFFFFFFF;
	(pc) =	sbr.abs _section_cstart, $3  }
0xc2: {  	[dreg:$0x1] =	wrdreg $0xFFFFFFFF  }
0xc3: {  	_ =	task.clear_ibuf [dreg:s8], $0x2FFFF;
	_ =	strace $0x9FFFFFFF  }
0xc4: {  	(tm) =	ssettm $0x7FFFFFFF  }
0xc5: {  	_ =	shalt  }
tec
execute0_lowered:
.L_overlay_start_1:
0x0: {  	(tag) =	ssettag $0x1  }
0x1: {  	s7 =	rddreg [dreg:$0x0]  }
0x2: {  	s8 =	rddreg [dreg:$0x1]  }
0x3: {  	s6 =	rddreg [dreg:$0x2]  }
0x4: {  	s0 =	rddreg [dreg:$0x3];
	s2 =	simm.s32 $0x0;
	s1 =	stileid.u32  }
0x5: {  	s4 =	srdreg.scid;
	s21 =	simm.s32 $0x400;
	s23 =	simm.s32 $0xC00  }
0x6: {  	s24 =	simm.s32 $0x1400;
	s25 =	simm.s32 $0x1C00;
	s26 =	simm.s32 $0x2C00  }
0x7: {  	s28 =	simm.s32 $0x3400;
	s29 =	simm.s32 $0x3C00;
	[smem:$0x7FF] =	sst s2  }
0x8: {  	s30 =	simm.s32 $0x4400;
	_ =	strace $0x80000047;
	[dreg:$0x5] =	wrdreg s21  }
0x9: {  	s31 =	simm.s32 $0x2400;
	s14 =	simm.s32 $0x4C00;
	[dreg:$0x6] =	wrdreg s23  }
0xa: {  	s13 =	simm.s32 $0x2;
	s15 =	simm.s32 $0x4;
	[dreg:$0x7] =	wrdreg s24  }
0xb: {  	s16 =	simm.s32 $0x0;
	s3 =	sadd.s32 $0x5D1C00, s6;
	[dreg:$0x8] =	wrdreg s25  }
0xc: {  	s5 =	sshll.u32 s1, $0xE;
	s9 =	sand.u32 $0x1, s4;
	[dreg:$0x9] =	wrdreg s26  }
0xd: {  	s4 =	sadd.s32 $0x1C00, s6;
	s22 =	sshll.u32 s1, $0xA;
	[dreg:$0xa] =	wrdreg s28  }
0xe: {  	s10 =	sadd.s32 s5, s6;
	s11 =	sshll.u32 s9, $0xD;
	[dreg:$0xb] =	wrdreg s29  }
0xf: {  	s5 =	sadd.s32 $0x651C00, s6;
	s12 =	ssub.s32 $0x2, s9;
	[dreg:$0xc] =	wrdreg s30  }
0x10: {  	s6 =	sadd.s32 $0x3E1C00, s6;
	s9 =	sshll.u32 s9, $0x9;
	[dreg:$0xd] =	wrdreg s31  }
0x11: {  	[dreg:$0xe] =	wrdreg s14;
	s14 =	simm.s32 $0x3;
	s10 =	sadd.s32 s11, s10  }
0x12: {  	s20 =	sshrl.u32 s12, $0x1;
	s9 =	sor.u32 s9, s22;
	s10 =	sadd.s32 $0x691C00, s10  }
0x13: {  	s11 =	ssub.s32 s12, s20;
	s9 =	sshrl.u32 s9, $0x3;
	s12 =	simm.s32 $0x1  }
0x14: {  	[dreg:$0x4] =	wrdreg s10;
	s7 =	sadd.s32 s7, s9;
	s8 =	sadd.s32 s8, s9  }
0x15: {  	vm0 =	vmmov $0xffff;
	s9 =	smax.u32 s11, $0x1;
	s10 =	simm.s32 $0x5;
	s11 =	simm.s32 $0x200  }
.LBB2_1:
0x16: {  	[tilespmem:s2], [sflag:$0x5] =	stream.linear.gather [hbm4b:s7+s2], $0x200, $0x38;
	[tilespmem:$0x5400] =	vst v63  }
0x17: {  	_ =	swait.ge [sflag:s10], $0x200  }
0x18: {  	[sflag:s10] =	ssyncset.done $0x0  }
0x19: {  	[sflag:s10] =	ssyncadd.s32 $0xFFFFFE00  }
0x1a: {  	[tilespmem:s11], [sflag:$0x5] =	stream.linear.gather [hbm4b:s8+s2], $0x200, $0x38;
	[tilespmem:$0x5400] =	vst v63  }
0x1b: {  	_ =	swait.ge [sflag:s10], $0x200  }
0x1c: {  	s17 =	simm.s32 $0x10;
	[sflag:s10] =	ssyncset.done $0x0  }
0x1d: {  	s18 =	simm.s32 $0x210;
	s19 =	simm.s32 $0x0;
	[sflag:s10] =	ssyncadd.s32 $0xFFFFFE00  }
.LBB2_2:
0x1e: {  	v0 =	vld [tilespmem:s17+$0xFFFFFFF0];
	_ =	sdelay $0x1  }
0x1f: {  	v1 =	vld [tilespmem:s18+$0xFFFFFFF0];
	_ =	sdelay $0x2  }
0x20: {  	v2 =	vshrl.u32 v0, $0xF  }
0x21: {  	v4 =	vand.u32 $0x1FFF, v0;
	v3 =	vshll.u32 v2, $0xD  }
0x22: {  	v32 =	vshrl.u32 v1, $0xF;
	v3 =	vor.u32 v4, v3  }
0x23: {  	v6 =	vand.u32 $0x1FFF, v1;
	v5 =	vshll.u32 v32, $0xD  }
0x24: {  	v5 =	vor.u32 v6, v5  }
0x25: {  	v0 =	vand.u32 $0xFFF, v0;
	v2 =	vshll.u32 v2, $0xC  }
0x26: {  	s20 =	rddreg [dreg:$0x5];
	v0 =	vor.u32 v0, v2  }
0x27: {  	v1 =	vand.u32 $0xFFF, v1;
	v33 =	vshll.u32 v32, $0xC;
	[tilespmem:s20], [sflag:$0x1] =	stream.indirect_vreg.gather [hbm4b:s3+s2], $0x80, v3, vm0, $0xb8;
	[tilespmem:$0x5400] =	vst v63  }
0x28: {  	s21 =	rddreg [dreg:$0x6];
	v1 =	vor.u32 v1, v33  }
0x29: {  	[tilespmem:s21], [sflag:$0x1] =	stream.indirect_vreg.gather [hbm4b:s4+s2], $0x80, v5, vm0, $0xb8;
	[tilespmem:$0x5400] =	vst v63  }
0x2a: {  	s26 =	rddreg [dreg:$0x7]  }
0x2b: {  	[tilespmem:s26], [sflag:$0x1] =	stream.indirect_vreg.gather [hbm4b:s5+s2], $0x80, v0, vm0, $0xb8;
	[tilespmem:$0x5400] =	vst v63  }
0x2c: {  	s28 =	rddreg [dreg:$0x8]  }
0x2d: {  	[tilespmem:s28], [sflag:$0x1] =	stream.indirect_vreg.gather [hbm4b:s6+s2], $0x80, v1, vm0, $0xb8;
	[tilespmem:$0x5400] =	vst v63  }
0x2e: {  	v0 =	vld [tilespmem:s17+$0x0];
	_ =	sdelay $0x1  }
0x2f: {  	v1 =	vld [tilespmem:s18+$0x0];
	_ =	sdelay $0x2  }
0x30: {  	v34 =	vshrl.u32 v0, $0xF  }
0x31: {  	v36 =	vand.u32 $0x1FFF, v0;
	v35 =	vshll.u32 v34, $0xD  }
0x32: {  	v37 =	vshrl.u32 v1, $0xF;
	v3 =	vor.u32 v36, v35  }
0x33: {  	v39 =	vand.u32 $0x1FFF, v1;
	v38 =	vshll.u32 v37, $0xD  }
0x34: {  	v5 =	vor.u32 v39, v38  }
0x35: {  	v0 =	vand.u32 $0xFFF, v0;
	v2 =	vshll.u32 v34, $0xC  }
0x36: {  	s29 =	rddreg [dreg:$0x9];
	v0 =	vor.u32 v0, v2  }
0x37: {  	v1 =	vand.u32 $0xFFF, v1;
	v40 =	vshll.u32 v37, $0xC;
	[tilespmem:s29], [sflag:$0x2] =	stream.indirect_vreg.gather [hbm4b:s3+s2], $0x80, v3, vm0, $0xb8;
	[tilespmem:$0x5400] =	vst v63  }
0x38: {  	s30 =	rddreg [dreg:$0xa];
	v1 =	vor.u32 v1, v40  }
0x39: {  	[tilespmem:s30], [sflag:$0x2] =	stream.indirect_vreg.gather [hbm4b:s4+s2], $0x80, v5, vm0, $0xb8;
	[tilespmem:$0x5400] =	vst v63  }
0x3a: {  	s31 =	rddreg [dreg:$0xb]  }
0x3b: {  	[tilespmem:s31], [sflag:$0x2] =	stream.indirect_vreg.gather [hbm4b:s5+s2], $0x80, v0, vm0, $0xb8;
	[tilespmem:$0x5400] =	vst v63  }
0x3c: {  	s22 =	rddreg [dreg:$0xc]  }
0x3d: {  	[tilespmem:s22], [sflag:$0x2] =	stream.indirect_vreg.gather [hbm4b:s6+s2], $0x80, v1, vm0, $0xb8;
	[tilespmem:$0x5400] =	vst v63  }
0x3e: {  	v0 =	vld [tilespmem:s17+$0xFFFFFFF0]  }
0x3f: {  	v1 =	vld [tilespmem:s18+$0xFFFFFFF0];
	_ =	swait.ge [sflag:s12], $0x800  }
0x40: {  	[sflag:s12] =	ssyncset.done $0x0  }
0x41: {  	[sflag:s12] =	ssyncadd.s32 $0xFFFFF800  }
0x42: {  	_ =	swait.ge [sflag:s12], $0x800  }
0x43: {  	[sflag:s12] =	ssyncset.done $0x0  }
0x44: {  	[sflag:s12] =	ssyncadd.s32 $0xFFFFF800  }
0x45: {  	_ =	swait.ge [sflag:s12], $0x800  }
0x46: {  	[sflag:s12] =	ssyncset.done $0x0  }
0x47: {  	[sflag:s12] =	ssyncadd.s32 $0xFFFFF800  }
0x48: {  	_ =	swait.ge [sflag:s12], $0x800  }
0x49: {  	p0 =	seq.s32 s19, $0x0;
	[sflag:s12] =	ssyncset.done $0x0  }
0x4a: {  	s20 =	simm.s32 @!p0 $0x3;
	v41 =	vshrl.u32 v0, $0x8;
	[sflag:s12] =	ssyncadd.s32 $0xFFFFF800  }
0x4b: {  	v42 =	vand.u32 $0x60, v41;
	_ =	swait.ge @!p0 [sflag:s20], $0x800  }
0x4c: {  	(v2sf) =	vpush v42, $0x0;
	_ =	sdelay $0x9  }
0x4d: {  	v43 =	vshrl.u32 v1, $0x8  }
0x4e: {  	v44 =	vand.u32 $0x60, v43  }
0x4f: {  	(v2sf) =	vpush v44, $0x0;
	_ =	sdelay $0x1  }
0x50: {  	[sflag:s20] =	ssyncset.done @!p0 $0x0  }
0x51: {  	[sflag:s20] =	ssyncadd.s32 @!p0 $0xFFFFF800;
	s23 =	spop (v2sf)  }
0x52: {  	v45 =	vld [tilespmem:s23+$0x400];
	_ =	sdelay $0x4  }
0x53: {  	[tilespmem:$0x2400] =	vst v45  }
0x54: {  	v46 =	vld [tilespmem:s23+$0x410]  }
0x55: {  	v47 =	vand.u32 $0x70, v41  }
0x56: {  	(v2sf) =	vpush v47, $0x0;
	_ =	sdelay $0x2  }
0x57: {  	s24 =	spop (v2sf);
	[tilespmem:$0x2410] =	vst v46  }
0x58: {  	v5 =	vld [tilespmem:s24+$0xC00]  }
0x59: {  	v48 =	vand.u32 $0x70, v43  }
0x5a: {  	(v2sf) =	vpush v48, $0x0;
	_ =	sdelay $0x2  }
0x5b: {  	[tilespmem:$0x2420] =	vst v5  }
0x5c: {  	v49 =	vld [tilespmem:s24+$0xC10];
	_ =	sdelay $0x1  }
0x5d: {  	(v2sf) =	vpush v42, $0x1;
	_ =	sdelay $0x2  }
0x5e: {  	s25 =	spop (v2sf);
	[tilespmem:$0x2430] =	vst v49  }
0x5f: {  	v4 =	vld [tilespmem:s25+$0x1400];
	_ =	sdelay $0x4  }
0x60: {  	s26 =	spop (v2sf);
	[tilespmem:$0x2440] =	vst v4  }
0x61: {  	v4 =	vld [tilespmem:s26+$0x1C00];
	_ =	sdelay $0x1  }
0x62: {  	(v2sf) =	vpush v44, $0x1;
	_ =	sdelay $0x2  }
0x63: {  	s28 =	spop (v2sf);
	[tilespmem:$0x2450] =	vst v4  }
0x64: {  	v4 =	vld [tilespmem:s28+$0x480];
	_ =	sdelay $0x4  }
0x65: {  	[tilespmem:$0x2480] =	vst v4  }
0x66: {  	v4 =	vld [tilespmem:s28+$0x490];
	_ =	sdelay $0x1  }
0x67: {  	(v2sf) =	vpush v47, $0x1;
	_ =	sdelay $0x2  }
0x68: {  	s29 =	spop (v2sf);
	[tilespmem:$0x2490] =	vst v4  }
0x69: {  	v4 =	vld [tilespmem:s29+$0xC80];
	_ =	sdelay $0x1  }
0x6a: {  	(v2sf) =	vpush v48, $0x1;
	_ =	sdelay $0x2  }
0x6b: {  	[tilespmem:$0x24A0] =	vst v4  }
0x6c: {  	v4 =	vld [tilespmem:s29+$0xC90];
	_ =	sdelay $0x1  }
0x6d: {  	(v2sf) =	vpush v42, $0x2;
	_ =	sdelay $0x2  }
0x6e: {  	s30 =	spop (v2sf);
	[tilespmem:$0x24B0] =	vst v4  }
0x6f: {  	v4 =	vld [tilespmem:s30+$0x1480];
	_ =	sdelay $0x4  }
0x70: {  	s31 =	spop (v2sf);
	[tilespmem:$0x24C0] =	vst v4  }
0x71: {  	v4 =	vld [tilespmem:s31+$0x1C80];
	_ =	sdelay $0x1  }
0x72: {  	(v2sf) =	vpush v44, $0x2;
	_ =	sdelay $0x2  }
0x73: {  	s21 =	spop (v2sf);
	[tilespmem:$0x24D0] =	vst v4  }
0x74: {  	v4 =	vld [tilespmem:s21+$0x500];
	_ =	sdelay $0x4  }
0x75: {  	[tilespmem:$0x2500] =	vst v4  }
0x76: {  	v4 =	vld [tilespmem:s21+$0x510];
	_ =	sdelay $0x1  }
0x77: {  	(v2sf) =	vpush v47, $0x2;
	_ =	sdelay $0x2  }
0x78: {  	s22 =	spop (v2sf);
	[tilespmem:$0x2510] =	vst v4  }
0x79: {  	v4 =	vld [tilespmem:s22+$0xD00];
	_ =	sdelay $0x1  }
0x7a: {  	(v2sf) =	vpush v48, $0x2;
	_ =	sdelay $0x2  }
0x7b: {  	[tilespmem:$0x2520] =	vst v4  }
0x7c: {  	v4 =	vld [tilespmem:s22+$0xD10];
	_ =	sdelay $0x1  }
0x7d: {  	(v2sf) =	vpush v42, $0x3;
	_ =	sdelay $0x2  }
0x7e: {  	s23 =	spop (v2sf);
	[tilespmem:$0x2530] =	vst v4  }
0x7f: {  	v4 =	vld [tilespmem:s23+$0x1500];
	_ =	sdelay $0x4  }
0x80: {  	s24 =	spop (v2sf);
	[tilespmem:$0x2540] =	vst v4  }
0x81: {  	v4 =	vld [tilespmem:s24+$0x1D00];
	_ =	sdelay $0x1  }
0x82: {  	(v2sf) =	vpush v44, $0x3;
	_ =	sdelay $0x2  }
0x83: {  	s25 =	spop (v2sf);
	[tilespmem:$0x2550] =	vst v4  }
0x84: {  	v4 =	vld [tilespmem:s25+$0x580];
	_ =	sdelay $0x4  }
0x85: {  	[tilespmem:$0x2580] =	vst v4  }
0x86: {  	v4 =	vld [tilespmem:s25+$0x590];
	_ =	sdelay $0x1  }
0x87: {  	(v2sf) =	vpush v47, $0x3;
	_ =	sdelay $0x2  }
0x88: {  	s26 =	spop (v2sf);
	[tilespmem:$0x2590] =	vst v4  }
0x89: {  	v4 =	vld [tilespmem:s26+$0xD80];
	_ =	sdelay $0x1  }
0x8a: {  	(v2sf) =	vpush v48, $0x3;
	_ =	sdelay $0x2  }
0x8b: {  	[tilespmem:$0x25A0] =	vst v4  }
0x8c: {  	v4 =	vld [tilespmem:s26+$0xD90];
	_ =	sdelay $0x1  }
0x8d: {  	(v2sf) =	vpush v42, $0x4;
	_ =	sdelay $0x2  }
0x8e: {  	s28 =	spop (v2sf);
	[tilespmem:$0x25B0] =	vst v4  }
0x8f: {  	v4 =	vld [tilespmem:s28+$0x1580];
	_ =	sdelay $0x4  }
0x90: {  	s29 =	spop (v2sf);
	[tilespmem:$0x25C0] =	vst v4  }
0x91: {  	v4 =	vld [tilespmem:s29+$0x1D80];
	_ =	sdelay $0x1  }
0x92: {  	(v2sf) =	vpush v44, $0x4;
	_ =	sdelay $0x2  }
0x93: {  	s30 =	spop (v2sf);
	[tilespmem:$0x25D0] =	vst v4  }
0x94: {  	v4 =	vld [tilespmem:s30+$0x600];
	_ =	sdelay $0x4  }
0x95: {  	[tilespmem:$0x2600] =	vst v4  }
0x96: {  	v4 =	vld [tilespmem:s30+$0x610];
	_ =	sdelay $0x1  }
0x97: {  	(v2sf) =	vpush v47, $0x4;
	_ =	sdelay $0x2  }
0x98: {  	s31 =	spop (v2sf);
	[tilespmem:$0x2610] =	vst v4  }
0x99: {  	v4 =	vld [tilespmem:s31+$0xE00];
	_ =	sdelay $0x1  }
0x9a: {  	(v2sf) =	vpush v48, $0x4;
	_ =	sdelay $0x2  }
0x9b: {  	[tilespmem:$0x2620] =	vst v4  }
0x9c: {  	v4 =	vld [tilespmem:s31+$0xE10];
	_ =	sdelay $0x1  }
0x9d: {  	(v2sf) =	vpush v42, $0x5;
	_ =	sdelay $0x2  }
0x9e: {  	s21 =	spop (v2sf);
	[tilespmem:$0x2630] =	vst v4  }
0x9f: {  	v4 =	vld [tilespmem:s21+$0x1600];
	_ =	sdelay $0x4  }
0xa0: {  	s22 =	spop (v2sf);
	[tilespmem:$0x2640] =	vst v4  }
0xa1: {  	v4 =	vld [tilespmem:s22+$0x1E00];
	_ =	sdelay $0x1  }
0xa2: {  	(v2sf) =	vpush v44, $0x5;
	_ =	sdelay $0x2  }
0xa3: {  	s23 =	spop (v2sf);
	[tilespmem:$0x2650] =	vst v4  }
0xa4: {  	v4 =	vld [tilespmem:s23+$0x680];
	_ =	sdelay $0x4  }
0xa5: {  	[tilespmem:$0x2680] =	vst v4  }
0xa6: {  	v4 =	vld [tilespmem:s23+$0x690];
	_ =	sdelay $0x1  }
0xa7: {  	(v2sf) =	vpush v47, $0x5;
	_ =	sdelay $0x2  }
0xa8: {  	s24 =	spop (v2sf);
	[tilespmem:$0x2690] =	vst v4  }
0xa9: {  	v4 =	vld [tilespmem:s24+$0xE80];
	_ =	sdelay $0x1  }
0xaa: {  	(v2sf) =	vpush v48, $0x5;
	_ =	sdelay $0x2  }
0xab: {  	[tilespmem:$0x26A0] =	vst v4  }
0xac: {  	v4 =	vld [tilespmem:s24+$0xE90];
	_ =	sdelay $0x1  }
0xad: {  	(v2sf) =	vpush v42, $0x6;
	_ =	sdelay $0x2  }
0xae: {  	s25 =	spop (v2sf);
	[tilespmem:$0x26B0] =	vst v4  }
0xaf: {  	v4 =	vld [tilespmem:s25+$0x1680];
	_ =	sdelay $0x4  }
0xb0: {  	s26 =	spop (v2sf);
	[tilespmem:$0x26C0] =	vst v4  }
0xb1: {  	v4 =	vld [tilespmem:s26+$0x1E80];
	_ =	sdelay $0x1  }
0xb2: {  	(v2sf) =	vpush v44, $0x6;
	_ =	sdelay $0x2  }
0xb3: {  	s28 =	spop (v2sf);
	[tilespmem:$0x26D0] =	vst v4  }
0xb4: {  	v4 =	vld [tilespmem:s28+$0x700];
	_ =	sdelay $0x4  }
0xb5: {  	[tilespmem:$0x2700] =	vst v4  }
0xb6: {  	v4 =	vld [tilespmem:s28+$0x710];
	_ =	sdelay $0x1  }
0xb7: {  	(v2sf) =	vpush v47, $0x6;
	_ =	sdelay $0x2  }
0xb8: {  	s29 =	spop (v2sf);
	[tilespmem:$0x2710] =	vst v4  }
0xb9: {  	v4 =	vld [tilespmem:s29+$0xF00];
	_ =	sdelay $0x1  }
0xba: {  	(v2sf) =	vpush v48, $0x6;
	_ =	sdelay $0x2  }
0xbb: {  	[tilespmem:$0x2720] =	vst v4  }
0xbc: {  	v4 =	vld [tilespmem:s29+$0xF10];
	_ =	sdelay $0x1  }
0xbd: {  	(v2sf) =	vpush v42, $0x7;
	_ =	sdelay $0x2  }
0xbe: {  	s30 =	spop (v2sf);
	[tilespmem:$0x2730] =	vst v4  }
0xbf: {  	v4 =	vld [tilespmem:s30+$0x1700];
	_ =	sdelay $0x4  }
0xc0: {  	s31 =	spop (v2sf);
	[tilespmem:$0x2740] =	vst v4  }
0xc1: {  	v4 =	vld [tilespmem:s31+$0x1F00];
	_ =	sdelay $0x1  }
0xc2: {  	(v2sf) =	vpush v44, $0x7;
	_ =	sdelay $0x2  }
0xc3: {  	s21 =	spop (v2sf);
	[tilespmem:$0x2750] =	vst v4  }
0xc4: {  	v4 =	vld [tilespmem:s21+$0x780];
	_ =	sdelay $0x4  }
0xc5: {  	[tilespmem:$0x2780] =	vst v4  }
0xc6: {  	v4 =	vld [tilespmem:s21+$0x790];
	_ =	sdelay $0x1  }
0xc7: {  	(v2sf) =	vpush v47, $0x7;
	_ =	sdelay $0x2  }
0xc8: {  	s22 =	spop (v2sf);
	[tilespmem:$0x2790] =	vst v4  }
0xc9: {  	v4 =	vld [tilespmem:s22+$0xF80];
	_ =	sdelay $0x1  }
0xca: {  	(v2sf) =	vpush v48, $0x7;
	_ =	sdelay $0x2  }
0xcb: {  	[tilespmem:$0x27A0] =	vst v4  }
0xcc: {  	v4 =	vld [tilespmem:s22+$0xF90];
	_ =	sdelay $0x4  }
0xcd: {  	s23 =	spop (v2sf);
	[tilespmem:$0x27B0] =	vst v4  }
0xce: {  	v4 =	vld [tilespmem:s23+$0x1780];
	_ =	sdelay $0x4  }
0xcf: {  	s24 =	spop (v2sf);
	[tilespmem:$0x27C0] =	vst v4  }
0xd0: {  	(v2sf) =	vpush v42, $0x8;
	_ =	sdelay $0x9  }
0xd1: {  	v4 =	vld [tilespmem:s24+$0x1F80];
	_ =	sdelay $0x1  }
0xd2: {  	(v2sf) =	vpush v44, $0x8;
	_ =	sdelay $0x2  }
0xd3: {  	[tilespmem:$0x27D0] =	vst v4;
	s25 =	spop (v2sf)  }
0xd4: {  	v4 =	vld [tilespmem:s25+$0x800];
	_ =	sdelay $0x4  }
0xd5: {  	[tilespmem:$0x2800] =	vst v4  }
0xd6: {  	v4 =	vld [tilespmem:s25+$0x810];
	_ =	sdelay $0x1  }
0xd7: {  	(v2sf) =	vpush v47, $0x8;
	_ =	sdelay $0x2  }
0xd8: {  	s26 =	spop (v2sf);
	[tilespmem:$0x2810] =	vst v4  }
0xd9: {  	v4 =	vld [tilespmem:s26+$0x1000];
	_ =	sdelay $0x1  }
0xda: {  	(v2sf) =	vpush v48, $0x8;
	_ =	sdelay $0x2  }
0xdb: {  	[tilespmem:$0x2820] =	vst v4  }
0xdc: {  	v4 =	vld [tilespmem:s26+$0x1010];
	_ =	sdelay $0x1  }
0xdd: {  	(v2sf) =	vpush v42, $0x9;
	_ =	sdelay $0x2  }
0xde: {  	s28 =	spop (v2sf);
	[tilespmem:$0x2830] =	vst v4  }
0xdf: {  	v4 =	vld [tilespmem:s28+$0x1800];
	_ =	sdelay $0x4  }
0xe0: {  	s29 =	spop (v2sf);
	[tilespmem:$0x2840] =	vst v4  }
0xe1: {  	v4 =	vld [tilespmem:s29+$0x2000];
	_ =	sdelay $0x1  }
0xe2: {  	(v2sf) =	vpush v44, $0x9;
	_ =	sdelay $0x2  }
0xe3: {  	s30 =	spop (v2sf);
	[tilespmem:$0x2850] =	vst v4  }
0xe4: {  	v4 =	vld [tilespmem:s30+$0x880];
	_ =	sdelay $0x4  }
0xe5: {  	[tilespmem:$0x2880] =	vst v4  }
0xe6: {  	v4 =	vld [tilespmem:s30+$0x890];
	_ =	sdelay $0x1  }
0xe7: {  	(v2sf) =	vpush v47, $0x9;
	_ =	sdelay $0x2  }
0xe8: {  	s31 =	spop (v2sf);
	[tilespmem:$0x2890] =	vst v4  }
0xe9: {  	v4 =	vld [tilespmem:s31+$0x1080];
	_ =	sdelay $0x1  }
0xea: {  	(v2sf) =	vpush v48, $0x9;
	_ =	sdelay $0x2  }
0xeb: {  	[tilespmem:$0x28A0] =	vst v4  }
0xec: {  	v4 =	vld [tilespmem:s31+$0x1090];
	_ =	sdelay $0x1  }
0xed: {  	(v2sf) =	vpush v42, $0xA;
	_ =	sdelay $0x2  }
0xee: {  	s21 =	spop (v2sf);
	[tilespmem:$0x28B0] =	vst v4  }
0xef: {  	v4 =	vld [tilespmem:s21+$0x1880];
	_ =	sdelay $0x4  }
0xf0: {  	s22 =	spop (v2sf);
	[tilespmem:$0x28C0] =	vst v4  }
0xf1: {  	v4 =	vld [tilespmem:s22+$0x2080];
	_ =	sdelay $0x1  }
0xf2: {  	(v2sf) =	vpush v44, $0xA;
	_ =	sdelay $0x2  }
0xf3: {  	s23 =	spop (v2sf);
	[tilespmem:$0x28D0] =	vst v4  }
0xf4: {  	v4 =	vld [tilespmem:s23+$0x900];
	_ =	sdelay $0x4  }
0xf5: {  	[tilespmem:$0x2900] =	vst v4  }
0xf6: {  	v4 =	vld [tilespmem:s23+$0x910];
	_ =	sdelay $0x1  }
0xf7: {  	(v2sf) =	vpush v47, $0xA;
	_ =	sdelay $0x2  }
0xf8: {  	s24 =	spop (v2sf);
	[tilespmem:$0x2910] =	vst v4  }
0xf9: {  	v4 =	vld [tilespmem:s24+$0x1100];
	_ =	sdelay $0x1  }
0xfa: {  	(v2sf) =	vpush v48, $0xA;
	_ =	sdelay $0x2  }
0xfb: {  	[tilespmem:$0x2920] =	vst v4  }
0xfc: {  	v4 =	vld [tilespmem:s24+$0x1110];
	_ =	sdelay $0x1  }
0xfd: {  	(v2sf) =	vpush v42, $0xB;
	_ =	sdelay $0x2  }
0xfe: {  	s25 =	spop (v2sf);
	[tilespmem:$0x2930] =	vst v4  }
0xff: {  	v4 =	vld [tilespmem:s25+$0x1900];
	_ =	sdelay $0x4  }
0x100: {  	s26 =	spop (v2sf);
	[tilespmem:$0x2940] =	vst v4  }
0x101: {  	v4 =	vld [tilespmem:s26+$0x2100];
	_ =	sdelay $0x1  }
0x102: {  	(v2sf) =	vpush v44, $0xB;
	_ =	sdelay $0x2  }
0x103: {  	s28 =	spop (v2sf);
	[tilespmem:$0x2950] =	vst v4  }
0x104: {  	v4 =	vld [tilespmem:s28+$0x980];
	_ =	sdelay $0x4  }
0x105: {  	[tilespmem:$0x2980] =	vst v4  }
0x106: {  	v4 =	vld [tilespmem:s28+$0x990];
	_ =	sdelay $0x1  }
0x107: {  	(v2sf) =	vpush v47, $0xB;
	_ =	sdelay $0x2  }
0x108: {  	s29 =	spop (v2sf);
	[tilespmem:$0x2990] =	vst v4  }
0x109: {  	v4 =	vld [tilespmem:s29+$0x1180];
	_ =	sdelay $0x1  }
0x10a: {  	(v2sf) =	vpush v48, $0xB;
	_ =	sdelay $0x2  }
0x10b: {  	[tilespmem:$0x29A0] =	vst v4  }
0x10c: {  	v4 =	vld [tilespmem:s29+$0x1190];
	_ =	sdelay $0x1  }
0x10d: {  	(v2sf) =	vpush v42, $0xC;
	_ =	sdelay $0x2  }
0x10e: {  	s30 =	spop (v2sf);
	[tilespmem:$0x29B0] =	vst v4  }
0x10f: {  	v4 =	vld [tilespmem:s30+$0x1980];
	_ =	sdelay $0x4  }
0x110: {  	s31 =	spop (v2sf);
	[tilespmem:$0x29C0] =	vst v4  }
0x111: {  	v4 =	vld [tilespmem:s31+$0x2180];
	_ =	sdelay $0x1  }
0x112: {  	(v2sf) =	vpush v44, $0xC;
	_ =	sdelay $0x2  }
0x113: {  	s21 =	spop (v2sf);
	[tilespmem:$0x29D0] =	vst v4  }
0x114: {  	v4 =	vld [tilespmem:s21+$0xA00];
	_ =	sdelay $0x4  }
0x115: {  	[tilespmem:$0x2A00] =	vst v4  }
0x116: {  	v4 =	vld [tilespmem:s21+$0xA10];
	_ =	sdelay $0x1  }
0x117: {  	(v2sf) =	vpush v47, $0xC;
	_ =	sdelay $0x2  }
0x118: {  	s22 =	spop (v2sf);
	[tilespmem:$0x2A10] =	vst v4  }
0x119: {  	v4 =	vld [tilespmem:s22+$0x1200];
	_ =	sdelay $0x1  }
0x11a: {  	(v2sf) =	vpush v48, $0xC;
	_ =	sdelay $0x2  }
0x11b: {  	[tilespmem:$0x2A20] =	vst v4  }
0x11c: {  	v4 =	vld [tilespmem:s22+$0x1210];
	_ =	sdelay $0x1  }
0x11d: {  	(v2sf) =	vpush v42, $0xD;
	_ =	sdelay $0x2  }
0x11e: {  	s23 =	spop (v2sf);
	[tilespmem:$0x2A30] =	vst v4  }
0x11f: {  	v4 =	vld [tilespmem:s23+$0x1A00];
	_ =	sdelay $0x4  }
0x120: {  	s24 =	spop (v2sf);
	[tilespmem:$0x2A40] =	vst v4  }
0x121: {  	v4 =	vld [tilespmem:s24+$0x2200];
	_ =	sdelay $0x1  }
0x122: {  	(v2sf) =	vpush v44, $0xD;
	_ =	sdelay $0x2  }
0x123: {  	s25 =	spop (v2sf);
	[tilespmem:$0x2A50] =	vst v4  }
0x124: {  	v4 =	vld [tilespmem:s25+$0xA80];
	_ =	sdelay $0x4  }
0x125: {  	[tilespmem:$0x2A80] =	vst v4  }
0x126: {  	v4 =	vld [tilespmem:s25+$0xA90];
	_ =	sdelay $0x1  }
0x127: {  	(v2sf) =	vpush v47, $0xD;
	_ =	sdelay $0x2  }
0x128: {  	s26 =	spop (v2sf);
	[tilespmem:$0x2A90] =	vst v4  }
0x129: {  	v4 =	vld [tilespmem:s26+$0x1280];
	_ =	sdelay $0x1  }
0x12a: {  	(v2sf) =	vpush v48, $0xD;
	_ =	sdelay $0x2  }
0x12b: {  	[tilespmem:$0x2AA0] =	vst v4  }
0x12c: {  	v4 =	vld [tilespmem:s26+$0x1290];
	_ =	sdelay $0x1  }
0x12d: {  	(v2sf) =	vpush v42, $0xE;
	_ =	sdelay $0x2  }
0x12e: {  	s28 =	spop (v2sf);
	[tilespmem:$0x2AB0] =	vst v4  }
0x12f: {  	v4 =	vld [tilespmem:s28+$0x1A80];
	_ =	sdelay $0x4  }
0x130: {  	s29 =	spop (v2sf);
	[tilespmem:$0x2AC0] =	vst v4  }
0x131: {  	v4 =	vld [tilespmem:s29+$0x2280];
	_ =	sdelay $0x1  }
0x132: {  	(v2sf) =	vpush v44, $0xE;
	_ =	sdelay $0x2  }
0x133: {  	s30 =	spop (v2sf);
	[tilespmem:$0x2AD0] =	vst v4  }
0x134: {  	v4 =	vld [tilespmem:s30+$0xB00];
	_ =	sdelay $0x4  }
0x135: {  	[tilespmem:$0x2B00] =	vst v4  }
0x136: {  	v4 =	vld [tilespmem:s30+$0xB10];
	_ =	sdelay $0x1  }
0x137: {  	(v2sf) =	vpush v47, $0xE;
	_ =	sdelay $0x2  }
0x138: {  	s31 =	spop (v2sf);
	[tilespmem:$0x2B10] =	vst v4  }
0x139: {  	v4 =	vld [tilespmem:s31+$0x1300];
	_ =	sdelay $0x1  }
0x13a: {  	(v2sf) =	vpush v48, $0xE;
	_ =	sdelay $0x2  }
0x13b: {  	[tilespmem:$0x2B20] =	vst v4  }
0x13c: {  	v4 =	vld [tilespmem:s31+$0x1310];
	_ =	sdelay $0x1  }
0x13d: {  	(v2sf) =	vpush v42, $0xF;
	_ =	sdelay $0x2  }
0x13e: {  	s21 =	spop (v2sf);
	[tilespmem:$0x2B30] =	vst v4  }
0x13f: {  	v50 =	vld [tilespmem:s21+$0x1B00];
	_ =	sdelay $0x4  }
0x140: {  	s22 =	spop (v2sf);
	[tilespmem:$0x2B40] =	vst v50  }
0x141: {  	v2 =	vld [tilespmem:s22+$0x2300];
	_ =	sdelay $0x1  }
0x142: {  	(v2sf) =	vpush v44, $0xF;
	_ =	sdelay $0x2  }
0x143: {  	s23 =	spop (v2sf);
	[tilespmem:$0x2B50] =	vst v2  }
0x144: {  	v51 =	vld [tilespmem:s23+$0xB80];
	_ =	sdelay $0x4  }
0x145: {  	[tilespmem:$0x2B80] =	vst v51  }
0x146: {  	v0 =	vld [tilespmem:s23+$0xB90];
	_ =	sdelay $0x1  }
0x147: {  	(v2sf) =	vpush v47, $0xF;
	_ =	sdelay $0x2  }
0x148: {  	s24 =	spop (v2sf);
	[tilespmem:$0x2B90] =	vst v0  }
0x149: {  	v0 =	vld [tilespmem:s24+$0x1380];
	_ =	sdelay $0x1  }
0x14a: {  	(v2sf) =	vpush v48, $0xF;
	_ =	sdelay $0x2  }
0x14b: {  	[tilespmem:$0x2BA0] =	vst v0  }
0x14c: {  	v0 =	vld [tilespmem:s24+$0x1390];
	_ =	sdelay $0x4  }
0x14d: {  	s25 =	spop (v2sf);
	[tilespmem:$0x2BB0] =	vst v0  }
0x14e: {  	v0 =	vld [tilespmem:s25+$0x1B80];
	_ =	sdelay $0x4  }
0x14f: {  	s26 =	spop (v2sf);
	[tilespmem:$0x2BC0] =	vst v0  }
0x150: {  	v0 =	vld [tilespmem:s26+$0x2380];
	_ =	sdelay $0x3  }
0x151: {  	s28 =	rddreg [dreg:$0x4]  }
0x152: {  	s20 =	sadd.s32 s19, s28;
	s29 =	rddreg [dreg:$0xd];
	[tilespmem:$0x2BD0] =	vst v0  }
0x153: {  	[hbm4b:s20+s2] =	stream.linear.scatter [tilespmem:s29], [sflag:$0x3], $0x800, $0x38;
	[tilespmem:$0x5400] =	vst v63  }
0x154: {  	v0 =	vld [tilespmem:s17+$0x0]  }
0x155: {  	v52 =	vld [tilespmem:s18+$0x0];
	_ =	swait.ge [sflag:s13], $0x800  }
0x156: {  	[sflag:s13] =	ssyncset.done $0x0  }
0x157: {  	[sflag:s13] =	ssyncadd.s32 $0xFFFFF800  }
0x158: {  	_ =	swait.ge [sflag:s13], $0x800  }
0x159: {  	[sflag:s13] =	ssyncset.done $0x0  }
0x15a: {  	[sflag:s13] =	ssyncadd.s32 $0xFFFFF800  }
0x15b: {  	_ =	swait.ge [sflag:s13], $0x800  }
0x15c: {  	[sflag:s13] =	ssyncset.done $0x0  }
0x15d: {  	[sflag:s13] =	ssyncadd.s32 $0xFFFFF800  }
0x15e: {  	_ =	swait.ge [sflag:s13], $0x800  }
0x15f: {  	[sflag:s13] =	ssyncset.done $0x0  }
0x160: {  	s21 =	simm.s32 @!p0 $0x4;
	v53 =	vshrl.u32 v0, $0x8;
	[sflag:s13] =	ssyncadd.s32 $0xFFFFF800  }
0x161: {  	v54 =	vand.u32 $0x60, v53;
	_ =	swait.ge @!p0 [sflag:s21], $0x800  }
0x162: {  	(v2sf) =	vpush v54, $0x0;
	_ =	sdelay $0x9  }
0x163: {  	v55 =	vshrl.u32 v52, $0x8  }
0x164: {  	v56 =	vand.u32 $0x60, v55  }
0x165: {  	(v2sf) =	vpush v56, $0x0;
	_ =	sdelay $0x1  }
0x166: {  	[sflag:s21] =	ssyncset.done @!p0 $0x0  }
0x167: {  	[sflag:s21] =	ssyncadd.s32 @!p0 $0xFFFFF800;
	s30 =	spop (v2sf)  }
0x168: {  	v57 =	vld [tilespmem:s30+$0x2C00];
	_ =	sdelay $0x4  }
0x169: {  	[tilespmem:$0x4C00] =	vst v57  }
0x16a: {  	v58 =	vld [tilespmem:s30+$0x2C10]  }
0x16b: {  	v59 =	vand.u32 $0x70, v53  }
0x16c: {  	(v2sf) =	vpush v59, $0x0;
	_ =	sdelay $0x2  }
0x16d: {  	s31 =	spop (v2sf);
	[tilespmem:$0x4C10] =	vst v58  }
0x16e: {  	v5 =	vld [tilespmem:s31+$0x3400]  }
0x16f: {  	v60 =	vand.u32 $0x70, v55  }
0x170: {  	(v2sf) =	vpush v60, $0x0;
	_ =	sdelay $0x2  }
0x171: {  	[tilespmem:$0x4C20] =	vst v5  }
0x172: {  	v61 =	vld [tilespmem:s31+$0x3410];
	_ =	sdelay $0x1  }
0x173: {  	(v2sf) =	vpush v54, $0x1;
	_ =	sdelay $0x2  }
0x174: {  	s22 =	spop (v2sf);
	[tilespmem:$0x4C30] =	vst v61  }
0x175: {  	v4 =	vld [tilespmem:s22+$0x3C00];
	_ =	sdelay $0x4  }
0x176: {  	s23 =	spop (v2sf);
	[tilespmem:$0x4C40] =	vst v4  }
0x177: {  	v4 =	vld [tilespmem:s23+$0x4400];
	_ =	sdelay $0x1  }
0x178: {  	(v2sf) =	vpush v56, $0x1;
	_ =	sdelay $0x2  }
0x179: {  	s24 =	spop (v2sf);
	[tilespmem:$0x4C50] =	vst v4  }
0x17a: {  	v4 =	vld [tilespmem:s24+$0x2C80];
	_ =	sdelay $0x4  }
0x17b: {  	[tilespmem:$0x4C80] =	vst v4  }
0x17c: {  	v4 =	vld [tilespmem:s24+$0x2C90];
	_ =	sdelay $0x1  }
0x17d: {  	(v2sf) =	vpush v59, $0x1;
	_ =	sdelay $0x2  }
0x17e: {  	s25 =	spop (v2sf);
	[tilespmem:$0x4C90] =	vst v4  }
0x17f: {  	v4 =	vld [tilespmem:s25+$0x3480];
	_ =	sdelay $0x1  }
0x180: {  	(v2sf) =	vpush v60, $0x1;
	_ =	sdelay $0x2  }
0x181: {  	[tilespmem:$0x4CA0] =	vst v4  }
0x182: {  	v4 =	vld [tilespmem:s25+$0x3490];
	_ =	sdelay $0x1  }
0x183: {  	(v2sf) =	vpush v54, $0x2;
	_ =	sdelay $0x2  }
0x184: {  	s26 =	spop (v2sf);
	[tilespmem:$0x4CB0] =	vst v4  }
0x185: {  	v4 =	vld [tilespmem:s26+$0x3C80];
	_ =	sdelay $0x4  }
0x186: {  	s28 =	spop (v2sf);
	[tilespmem:$0x4CC0] =	vst v4  }
0x187: {  	v4 =	vld [tilespmem:s28+$0x4480];
	_ =	sdelay $0x1  }
0x188: {  	(v2sf) =	vpush v56, $0x2;
	_ =	sdelay $0x2  }
0x189: {  	s29 =	spop (v2sf);
	[tilespmem:$0x4CD0] =	vst v4  }
0x18a: {  	v4 =	vld [tilespmem:s29+$0x2D00];
	_ =	sdelay $0x4  }
0x18b: {  	[tilespmem:$0x4D00] =	vst v4  }
0x18c: {  	v4 =	vld [tilespmem:s29+$0x2D10];
	_ =	sdelay $0x1  }
0x18d: {  	(v2sf) =	vpush v59, $0x2;
	_ =	sdelay $0x2  }
0x18e: {  	s30 =	spop (v2sf);
	[tilespmem:$0x4D10] =	vst v4  }
0x18f: {  	v4 =	vld [tilespmem:s30+$0x3500];
	_ =	sdelay $0x1  }
0x190: {  	(v2sf) =	vpush v60, $0x2;
	_ =	sdelay $0x2  }
0x191: {  	[tilespmem:$0x4D20] =	vst v4  }
0x192: {  	v4 =	vld [tilespmem:s30+$0x3510];
	_ =	sdelay $0x1  }
0x193: {  	(v2sf) =	vpush v54, $0x3;
	_ =	sdelay $0x2  }
0x194: {  	s31 =	spop (v2sf);
	[tilespmem:$0x4D30] =	vst v4  }
0x195: {  	v4 =	vld [tilespmem:s31+$0x3D00];
	_ =	sdelay $0x4  }
0x196: {  	s22 =	spop (v2sf);
	[tilespmem:$0x4D40] =	vst v4  }
0x197: {  	v4 =	vld [tilespmem:s22+$0x4500];
	_ =	sdelay $0x1  }
0x198: {  	(v2sf) =	vpush v56, $0x3;
	_ =	sdelay $0x2  }
0x199: {  	s23 =	spop (v2sf);
	[tilespmem:$0x4D50] =	vst v4  }
0x19a: {  	v4 =	vld [tilespmem:s23+$0x2D80];
	_ =	sdelay $0x4  }
0x19b: {  	[tilespmem:$0x4D80] =	vst v4  }
0x19c: {  	v4 =	vld [tilespmem:s23+$0x2D90];
	_ =	sdelay $0x1  }
0x19d: {  	(v2sf) =	vpush v59, $0x3;
	_ =	sdelay $0x2  }
0x19e: {  	s24 =	spop (v2sf);
	[tilespmem:$0x4D90] =	vst v4  }
0x19f: {  	v4 =	vld [tilespmem:s24+$0x3580];
	_ =	sdelay $0x1  }
0x1a0: {  	(v2sf) =	vpush v60, $0x3;
	_ =	sdelay $0x2  }
0x1a1: {  	[tilespmem:$0x4DA0] =	vst v4  }
0x1a2: {  	v4 =	vld [tilespmem:s24+$0x3590];
	_ =	sdelay $0x1  }
0x1a3: {  	(v2sf) =	vpush v54, $0x4;
	_ =	sdelay $0x2  }
0x1a4: {  	s25 =	spop (v2sf);
	[tilespmem:$0x4DB0] =	vst v4  }
0x1a5: {  	v4 =	vld [tilespmem:s25+$0x3D80];
	_ =	sdelay $0x4  }
0x1a6: {  	s26 =	spop (v2sf);
	[tilespmem:$0x4DC0] =	vst v4  }
0x1a7: {  	v4 =	vld [tilespmem:s26+$0x4580];
	_ =	sdelay $0x1  }
0x1a8: {  	(v2sf) =	vpush v56, $0x4;
	_ =	sdelay $0x2  }
0x1a9: {  	s28 =	spop (v2sf);
	[tilespmem:$0x4DD0] =	vst v4  }
0x1aa: {  	v4 =	vld [tilespmem:s28+$0x2E00];
	_ =	sdelay $0x4  }
0x1ab: {  	[tilespmem:$0x4E00] =	vst v4  }
0x1ac: {  	v4 =	vld [tilespmem:s28+$0x2E10];
	_ =	sdelay $0x1  }
0x1ad: {  	(v2sf) =	vpush v59, $0x4;
	_ =	sdelay $0x2  }
0x1ae: {  	s29 =	spop (v2sf);
	[tilespmem:$0x4E10] =	vst v4  }
0x1af: {  	v4 =	vld [tilespmem:s29+$0x3600];
	_ =	sdelay $0x1  }
0x1b0: {  	(v2sf) =	vpush v60, $0x4;
	_ =	sdelay $0x2  }
0x1b1: {  	[tilespmem:$0x4E20] =	vst v4  }
0x1b2: {  	v4 =	vld [tilespmem:s29+$0x3610];
	_ =	sdelay $0x1  }
0x1b3: {  	(v2sf) =	vpush v54, $0x5;
	_ =	sdelay $0x2  }
0x1b4: {  	s30 =	spop (v2sf);
	[tilespmem:$0x4E30] =	vst v4  }
0x1b5: {  	v4 =	vld [tilespmem:s30+$0x3E00];
	_ =	sdelay $0x4  }
0x1b6: {  	s31 =	spop (v2sf);
	[tilespmem:$0x4E40] =	vst v4  }
0x1b7: {  	v4 =	vld [tilespmem:s31+$0x4600];
	_ =	sdelay $0x1  }
0x1b8: {  	(v2sf) =	vpush v56, $0x5;
	_ =	sdelay $0x2  }
0x1b9: {  	s22 =	spop (v2sf);
	[tilespmem:$0x4E50] =	vst v4  }
0x1ba: {  	v4 =	vld [tilespmem:s22+$0x2E80];
	_ =	sdelay $0x4  }
0x1bb: {  	[tilespmem:$0x4E80] =	vst v4  }
0x1bc: {  	v4 =	vld [tilespmem:s22+$0x2E90];
	_ =	sdelay $0x1  }
0x1bd: {  	(v2sf) =	vpush v59, $0x5;
	_ =	sdelay $0x2  }
0x1be: {  	s23 =	spop (v2sf);
	[tilespmem:$0x4E90] =	vst v4  }
0x1bf: {  	v4 =	vld [tilespmem:s23+$0x3680];
	_ =	sdelay $0x1  }
0x1c0: {  	(v2sf) =	vpush v60, $0x5;
	_ =	sdelay $0x2  }
0x1c1: {  	[tilespmem:$0x4EA0] =	vst v4  }
0x1c2: {  	v4 =	vld [tilespmem:s23+$0x3690];
	_ =	sdelay $0x1  }
0x1c3: {  	(v2sf) =	vpush v54, $0x6;
	_ =	sdelay $0x2  }
0x1c4: {  	s24 =	spop (v2sf);
	[tilespmem:$0x4EB0] =	vst v4  }
0x1c5: {  	v4 =	vld [tilespmem:s24+$0x3E80];
	_ =	sdelay $0x4  }
0x1c6: {  	s25 =	spop (v2sf);
	[tilespmem:$0x4EC0] =	vst v4  }
0x1c7: {  	v4 =	vld [tilespmem:s25+$0x4680];
	_ =	sdelay $0x1  }
0x1c8: {  	(v2sf) =	vpush v56, $0x6;
	_ =	sdelay $0x2  }
0x1c9: {  	s26 =	spop (v2sf);
	[tilespmem:$0x4ED0] =	vst v4  }
0x1ca: {  	v4 =	vld [tilespmem:s26+$0x2F00];
	_ =	sdelay $0x4  }
0x1cb: {  	[tilespmem:$0x4F00] =	vst v4  }
0x1cc: {  	v4 =	vld [tilespmem:s26+$0x2F10];
	_ =	sdelay $0x1  }
0x1cd: {  	(v2sf) =	vpush v59, $0x6;
	_ =	sdelay $0x2  }
0x1ce: {  	s28 =	spop (v2sf);
	[tilespmem:$0x4F10] =	vst v4  }
0x1cf: {  	v4 =	vld [tilespmem:s28+$0x3700];
	_ =	sdelay $0x1  }
0x1d0: {  	(v2sf) =	vpush v60, $0x6;
	_ =	sdelay $0x2  }
0x1d1: {  	[tilespmem:$0x4F20] =	vst v4  }
0x1d2: {  	v4 =	vld [tilespmem:s28+$0x3710];
	_ =	sdelay $0x1  }
0x1d3: {  	(v2sf) =	vpush v54, $0x7;
	_ =	sdelay $0x2  }
0x1d4: {  	s29 =	spop (v2sf);
	[tilespmem:$0x4F30] =	vst v4  }
0x1d5: {  	v4 =	vld [tilespmem:s29+$0x3F00];
	_ =	sdelay $0x4  }
0x1d6: {  	s30 =	spop (v2sf);
	[tilespmem:$0x4F40] =	vst v4  }
0x1d7: {  	v4 =	vld [tilespmem:s30+$0x4700];
	_ =	sdelay $0x1  }
0x1d8: {  	(v2sf) =	vpush v56, $0x7;
	_ =	sdelay $0x2  }
0x1d9: {  	s31 =	spop (v2sf);
	[tilespmem:$0x4F50] =	vst v4  }
0x1da: {  	v4 =	vld [tilespmem:s31+$0x2F80];
	_ =	sdelay $0x4  }
0x1db: {  	[tilespmem:$0x4F80] =	vst v4  }
0x1dc: {  	v4 =	vld [tilespmem:s31+$0x2F90];
	_ =	sdelay $0x1  }
0x1dd: {  	(v2sf) =	vpush v59, $0x7;
	_ =	sdelay $0x2  }
0x1de: {  	s22 =	spop (v2sf);
	[tilespmem:$0x4F90] =	vst v4  }
0x1df: {  	v4 =	vld [tilespmem:s22+$0x3780];
	_ =	sdelay $0x1  }
0x1e0: {  	(v2sf) =	vpush v60, $0x7;
	_ =	sdelay $0x2  }
0x1e1: {  	[tilespmem:$0x4FA0] =	vst v4  }
0x1e2: {  	v4 =	vld [tilespmem:s22+$0x3790];
	_ =	sdelay $0x1  }
0x1e3: {  	(v2sf) =	vpush v54, $0x8;
	_ =	sdelay $0x2  }
0x1e4: {  	s23 =	spop (v2sf);
	[tilespmem:$0x4FB0] =	vst v4  }
0x1e5: {  	v4 =	vld [tilespmem:s23+$0x3F80];
	_ =	sdelay $0x4  }
0x1e6: {  	s24 =	spop (v2sf);
	[tilespmem:$0x4FC0] =	vst v4  }
0x1e7: {  	v4 =	vld [tilespmem:s24+$0x4780];
	_ =	sdelay $0x1  }
0x1e8: {  	(v2sf) =	vpush v56, $0x8;
	_ =	sdelay $0x2  }
0x1e9: {  	s25 =	spop (v2sf);
	[tilespmem:$0x4FD0] =	vst v4  }
0x1ea: {  	v4 =	vld [tilespmem:s25+$0x3000];
	_ =	sdelay $0x4  }
0x1eb: {  	[tilespmem:$0x5000] =	vst v4  }
0x1ec: {  	v4 =	vld [tilespmem:s25+$0x3010];
	_ =	sdelay $0x1  }
0x1ed: {  	(v2sf) =	vpush v59, $0x8;
	_ =	sdelay $0x2  }
0x1ee: {  	s26 =	spop (v2sf);
	[tilespmem:$0x5010] =	vst v4  }
0x1ef: {  	v4 =	vld [tilespmem:s26+$0x3800];
	_ =	sdelay $0x1  }
0x1f0: {  	(v2sf) =	vpush v60, $0x8;
	_ =	sdelay $0x2  }
0x1f1: {  	[tilespmem:$0x5020] =	vst v4  }
0x1f2: {  	v4 =	vld [tilespmem:s26+$0x3810];
	_ =	sdelay $0x1  }
0x1f3: {  	(v2sf) =	vpush v54, $0x9;
	_ =	sdelay $0x2  }
0x1f4: {  	s28 =	spop (v2sf);
	[tilespmem:$0x5030] =	vst v4  }
0x1f5: {  	v4 =	vld [tilespmem:s28+$0x4000];
	_ =	sdelay $0x4  }
0x1f6: {  	s29 =	spop (v2sf);
	[tilespmem:$0x5040] =	vst v4  }
0x1f7: {  	v4 =	vld [tilespmem:s29+$0x4800];
	_ =	sdelay $0x1  }
0x1f8: {  	(v2sf) =	vpush v56, $0x9;
	_ =	sdelay $0x2  }
0x1f9: {  	s30 =	spop (v2sf);
	[tilespmem:$0x5050] =	vst v4  }
0x1fa: {  	v4 =	vld [tilespmem:s30+$0x3080];
	_ =	sdelay $0x4  }
0x1fb: {  	[tilespmem:$0x5080] =	vst v4  }
0x1fc: {  	v4 =	vld [tilespmem:s30+$0x3090];
	_ =	sdelay $0x1  }
0x1fd: {  	(v2sf) =	vpush v59, $0x9;
	_ =	sdelay $0x2  }
0x1fe: {  	s31 =	spop (v2sf);
	[tilespmem:$0x5090] =	vst v4  }
0x1ff: {  	v4 =	vld [tilespmem:s31+$0x3880];
	_ =	sdelay $0x1  }
0x200: {  	(v2sf) =	vpush v60, $0x9;
	_ =	sdelay $0x2  }
0x201: {  	[tilespmem:$0x50A0] =	vst v4  }
0x202: {  	v4 =	vld [tilespmem:s31+$0x3890];
	_ =	sdelay $0x1  }
0x203: {  	(v2sf) =	vpush v54, $0xA;
	_ =	sdelay $0x2  }
0x204: {  	s22 =	spop (v2sf);
	[tilespmem:$0x50B0] =	vst v4  }
0x205: {  	v4 =	vld [tilespmem:s22+$0x4080];
	_ =	sdelay $0x4  }
0x206: {  	s23 =	spop (v2sf);
	[tilespmem:$0x50C0] =	vst v4  }
0x207: {  	v4 =	vld [tilespmem:s23+$0x4880];
	_ =	sdelay $0x1  }
0x208: {  	(v2sf) =	vpush v56, $0xA;
	_ =	sdelay $0x2  }
0x209: {  	s24 =	spop (v2sf);
	[tilespmem:$0x50D0] =	vst v4  }
0x20a: {  	v4 =	vld [tilespmem:s24+$0x3100];
	_ =	sdelay $0x4  }
0x20b: {  	[tilespmem:$0x5100] =	vst v4  }
0x20c: {  	v4 =	vld [tilespmem:s24+$0x3110];
	_ =	sdelay $0x1  }
0x20d: {  	(v2sf) =	vpush v59, $0xA;
	_ =	sdelay $0x2  }
0x20e: {  	s25 =	spop (v2sf);
	[tilespmem:$0x5110] =	vst v4  }
0x20f: {  	v4 =	vld [tilespmem:s25+$0x3900];
	_ =	sdelay $0x1  }
0x210: {  	(v2sf) =	vpush v60, $0xA;
	_ =	sdelay $0x2  }
0x211: {  	[tilespmem:$0x5120] =	vst v4  }
0x212: {  	v4 =	vld [tilespmem:s25+$0x3910];
	_ =	sdelay $0x1  }
0x213: {  	(v2sf) =	vpush v54, $0xB;
	_ =	sdelay $0x2  }
0x214: {  	s26 =	spop (v2sf);
	[tilespmem:$0x5130] =	vst v4  }
0x215: {  	v4 =	vld [tilespmem:s26+$0x4100];
	_ =	sdelay $0x4  }
0x216: {  	s28 =	spop (v2sf);
	[tilespmem:$0x5140] =	vst v4  }
0x217: {  	v4 =	vld [tilespmem:s28+$0x4900];
	_ =	sdelay $0x1  }
0x218: {  	(v2sf) =	vpush v56, $0xB;
	_ =	sdelay $0x2  }
0x219: {  	s29 =	spop (v2sf);
	[tilespmem:$0x5150] =	vst v4  }
0x21a: {  	v4 =	vld [tilespmem:s29+$0x3180];
	_ =	sdelay $0x4  }
0x21b: {  	[tilespmem:$0x5180] =	vst v4  }
0x21c: {  	v4 =	vld [tilespmem:s29+$0x3190];
	_ =	sdelay $0x1  }
0x21d: {  	(v2sf) =	vpush v59, $0xB;
	_ =	sdelay $0x2  }
0x21e: {  	s30 =	spop (v2sf);
	[tilespmem:$0x5190] =	vst v4  }
0x21f: {  	v4 =	vld [tilespmem:s30+$0x3980];
	_ =	sdelay $0x1  }
0x220: {  	(v2sf) =	vpush v60, $0xB;
	_ =	sdelay $0x2  }
0x221: {  	[tilespmem:$0x51A0] =	vst v4  }
0x222: {  	v4 =	vld [tilespmem:s30+$0x3990];
	_ =	sdelay $0x1  }
0x223: {  	(v2sf) =	vpush v54, $0xC;
	_ =	sdelay $0x2  }
0x224: {  	s31 =	spop (v2sf);
	[tilespmem:$0x51B0] =	vst v4  }
0x225: {  	v4 =	vld [tilespmem:s31+$0x4180];
	_ =	sdelay $0x4  }
0x226: {  	s22 =	spop (v2sf);
	[tilespmem:$0x51C0] =	vst v4  }
0x227: {  	v4 =	vld [tilespmem:s22+$0x4980];
	_ =	sdelay $0x1  }
0x228: {  	(v2sf) =	vpush v56, $0xC;
	_ =	sdelay $0x2  }
0x229: {  	s23 =	spop (v2sf);
	[tilespmem:$0x51D0] =	vst v4  }
0x22a: {  	v4 =	vld [tilespmem:s23+$0x3200];
	_ =	sdelay $0x4  }
0x22b: {  	[tilespmem:$0x5200] =	vst v4  }
0x22c: {  	v4 =	vld [tilespmem:s23+$0x3210];
	_ =	sdelay $0x1  }
0x22d: {  	(v2sf) =	vpush v59, $0xC;
	_ =	sdelay $0x2  }
0x22e: {  	s24 =	spop (v2sf);
	[tilespmem:$0x5210] =	vst v4  }
0x22f: {  	v4 =	vld [tilespmem:s24+$0x3A00];
	_ =	sdelay $0x1  }
0x230: {  	(v2sf) =	vpush v60, $0xC;
	_ =	sdelay $0x2  }
0x231: {  	[tilespmem:$0x5220] =	vst v4  }
0x232: {  	v4 =	vld [tilespmem:s24+$0x3A10];
	_ =	sdelay $0x1  }
0x233: {  	(v2sf) =	vpush v54, $0xD;
	_ =	sdelay $0x2  }
0x234: {  	s25 =	spop (v2sf);
	[tilespmem:$0x5230] =	vst v4  }
0x235: {  	v4 =	vld [tilespmem:s25+$0x4200];
	_ =	sdelay $0x4  }
0x236: {  	s26 =	spop (v2sf);
	[tilespmem:$0x5240] =	vst v4  }
0x237: {  	v4 =	vld [tilespmem:s26+$0x4A00];
	_ =	sdelay $0x1  }
0x238: {  	(v2sf) =	vpush v56, $0xD;
	_ =	sdelay $0x2  }
0x239: {  	s28 =	spop (v2sf);
	[tilespmem:$0x5250] =	vst v4  }
0x23a: {  	v4 =	vld [tilespmem:s28+$0x3280];
	_ =	sdelay $0x4  }
0x23b: {  	[tilespmem:$0x5280] =	vst v4  }
0x23c: {  	v4 =	vld [tilespmem:s28+$0x3290];
	_ =	sdelay $0x1  }
0x23d: {  	(v2sf) =	vpush v59, $0xD;
	_ =	sdelay $0x2  }
0x23e: {  	s29 =	spop (v2sf);
	[tilespmem:$0x5290] =	vst v4  }
0x23f: {  	v4 =	vld [tilespmem:s29+$0x3A80];
	_ =	sdelay $0x1  }
0x240: {  	(v2sf) =	vpush v60, $0xD;
	_ =	sdelay $0x2  }
0x241: {  	[tilespmem:$0x52A0] =	vst v4  }
0x242: {  	v4 =	vld [tilespmem:s29+$0x3A90];
	_ =	sdelay $0x1  }
0x243: {  	(v2sf) =	vpush v54, $0xE;
	_ =	sdelay $0x2  }
0x244: {  	s30 =	spop (v2sf);
	[tilespmem:$0x52B0] =	vst v4  }
0x245: {  	v4 =	vld [tilespmem:s30+$0x4280];
	_ =	sdelay $0x4  }
0x246: {  	s31 =	spop (v2sf);
	[tilespmem:$0x52C0] =	vst v4  }
0x247: {  	v4 =	vld [tilespmem:s31+$0x4A80];
	_ =	sdelay $0x1  }
0x248: {  	(v2sf) =	vpush v56, $0xE;
	_ =	sdelay $0x2  }
0x249: {  	s22 =	spop (v2sf);
	[tilespmem:$0x52D0] =	vst v4  }
0x24a: {  	v4 =	vld [tilespmem:s22+$0x3300];
	_ =	sdelay $0x4  }
0x24b: {  	[tilespmem:$0x5300] =	vst v4  }
0x24c: {  	v4 =	vld [tilespmem:s22+$0x3310];
	_ =	sdelay $0x1  }
0x24d: {  	(v2sf) =	vpush v59, $0xE;
	_ =	sdelay $0x2  }
0x24e: {  	s23 =	spop (v2sf);
	[tilespmem:$0x5310] =	vst v4  }
0x24f: {  	v4 =	vld [tilespmem:s23+$0x3B00];
	_ =	sdelay $0x1  }
0x250: {  	(v2sf) =	vpush v60, $0xE;
	_ =	sdelay $0x2  }
0x251: {  	[tilespmem:$0x5320] =	vst v4  }
0x252: {  	v4 =	vld [tilespmem:s23+$0x3B10];
	_ =	sdelay $0x1  }
0x253: {  	(v2sf) =	vpush v54, $0xF;
	_ =	sdelay $0x2  }
0x254: {  	s24 =	spop (v2sf);
	[tilespmem:$0x5330] =	vst v4  }
0x255: {  	v62 =	vld [tilespmem:s24+$0x4300];
	_ =	sdelay $0x4  }
0x256: {  	s25 =	spop (v2sf);
	[tilespmem:$0x5340] =	vst v62  }
0x257: {  	v2 =	vld [tilespmem:s25+$0x4B00];
	_ =	sdelay $0x1  }
0x258: {  	(v2sf) =	vpush v56, $0xF;
	_ =	sdelay $0x2  }
0x259: {  	s26 =	spop (v2sf);
	[tilespmem:$0x5350] =	vst v2  }
0x25a: {  	v63 =	vld [tilespmem:s26+$0x3380];
	_ =	sdelay $0x4  }
0x25b: {  	[tilespmem:$0x5380] =	vst v63  }
0x25c: {  	v0 =	vld [tilespmem:s26+$0x3390];
	_ =	sdelay $0x1  }
0x25d: {  	(v2sf) =	vpush v59, $0xF;
	_ =	sdelay $0x2  }
0x25e: {  	s28 =	spop (v2sf);
	[tilespmem:$0x5390] =	vst v0  }
0x25f: {  	v0 =	vld [tilespmem:s28+$0x3B80];
	_ =	sdelay $0x1  }
0x260: {  	(v2sf) =	vpush v60, $0xF;
	_ =	sdelay $0x2  }
0x261: {  	[tilespmem:$0x53A0] =	vst v0  }
0x262: {  	v0 =	vld [tilespmem:s28+$0x3B90];
	_ =	sdelay $0x4  }
0x263: {  	s29 =	spop (v2sf);
	[tilespmem:$0x53B0] =	vst v0  }
0x264: {  	v0 =	vld [tilespmem:s29+$0x4380];
	_ =	sdelay $0x4  }
0x265: {  	s30 =	spop (v2sf);
	[tilespmem:$0x53C0] =	vst v0  }
0x266: {  	s19 =	sadd.s32 $0x200, s19;
	v0 =	vld [tilespmem:s30+$0x4B80]  }
0x267: {  	p0 =	sne.s32 s19, $0x2000  }
.Ltmp0:
0x268: {  	_ = 	snop;
	(pc) =	sbr.rel @p0 .LBB2_2-.Ltmp0, $4  }
0x269: {  	_ = 	snop  }
0x26a: {  	s20 =	sadd.s32 $0x100, s20  }
0x26b: {  	s17 =	sadd.s32 $0x20, s17;
	s18 =	sadd.s32 $0x20, s18;
	s31 =	rddreg [dreg:$0xe];
	[tilespmem:$0x53D0] =	vst v0  }
0x26c: {  	[hbm4b:s20+s2] =	stream.linear.scatter [tilespmem:s31], [sflag:$0x4], $0x800, $0x38;
	[tilespmem:$0x5400] =	vst v63  }
0x26d: {  	s16 =	sadd.s32 $0x1, s16  }
0x26e: {  	_ =	swait.ge [sflag:s14], $0x800;
	p0 =	sne.s32 s16, s9  }
.Ltmp1:
0x26f: {  	[sflag:s14] =	ssyncset.done $0x0;
	(pc) =	sbr.rel @p0 .LBB2_1-.Ltmp1, $4  }
0x270: {  	[sflag:s14] =	ssyncadd.s32 $0xFFFFF800  }
0x271: {  	_ =	swait.ge [sflag:s15], $0x800  }
0x272: {  	[sflag:s15] =	ssyncset.done $0x0  }
0x273: {  	[sflag:s15] =	ssyncadd.s32 $0xFFFFF800  }
0x274: {  	_ =	sfence.sel $0x180000  }
0x275: {  	[bflag:$0x0] =	sbarrier.arrive $0xFFFF  }
0x276: {  	p0 =	sne.s32 s1, $0x0;
	_ =	strace $0x90000047  }
0x277: {  	s0 =	sadd.s32 @!p0 $0x100000, s0;
	[bflag:$0x2] =	sbarrier.arrive $0xFFFF  }
0x278: {  	[sflag:s0] =	ssyncadd.tile.s32 @!p0 $0x1;
	_ =	shalt  }
.Lfunc_end2:
_tile_overlayer_lowered:
.L_overlay_start_2:
0x279: {  	(tag) =	ssettag $0x2  }
0x27a: {  	s0 =	rddreg [dreg:$0x0];
	s2 =	stileid.u32  }
0x27b: {  	s1 =	rddreg [dreg:$0x1];
	p0 =	sne.s32 s2, $0x0  }
0x27c: {  	s3 =	rddreg [dreg:$0x2];
	[bflag:$0x3] =	sbarrier.arrive $0xFFFF;
	s2 =	simm.s32 @!p0 $0x1C05  }
0x27d: {  	[timem:s3], [sflag:s2] =	dma.local @!p0 [hbm:s0], s1  }
0x27e: {  	s0 =	simm.s32 @!p0 $0x5  }
0x27f: {  	_ =	swait.ge @!p0 [sflag:s0], s1  }
0x280: {  	s1 =	ssub.s32 @!p0 $0x0, s1;
	[sflag:s0] =	ssyncset.done @!p0 $0x0  }
0x281: {  	[sflag:s0] =	ssyncadd.s32 @!p0 s1  }
0x282: {  	[bflag:$0x3] =	sbarrier.arrive $0xFFFF  }
0x283: {  	_ =	shalt  }

</sc_bundles>
